<compile_context>
chip_gen: v7x
topology: tpu7x:2x2x1
jax: 0.10.2.dev20260603
libtpu: 0.0.44.dev20260713+nightly
codegen_flags: <defaults>
</compile_context>

<pallas_src>
import functools

import numpy as np
import jax
import jax.numpy as jnp
from jax import lax
from jax.experimental import pallas as pl
from jax.experimental.pallas import tpu as pltpu
from jax.experimental.pallas import tpu_sc as plsc

B = 16384
EMBED_DIM = 32
PACK_D = 128
NUM_BOUND = 1000
OUT_D = 7 * EMBED_DIM + 4
PAD_D = 232

NC, NS, L = 2, 16, 16
NW = NC * NS
BPW = B // NW
C = 128
NCHUNK = BPW // C
NBUF = 3

COL_U, COL_G, COL_S, COL_RE = 0, 32, 64, 96
COL_RN = 128
COL_HE, COL_HN = 161 - EMBED_DIM, 161
COL_VE, COL_VN = 194 - EMBED_DIM, 194
COL_FE, COL_FN = 227 - EMBED_DIM, 227

_NORM_DIV = float(np.sqrt(np.float32(1.0 / 12.0 + 1e-7)))

_mesh = plsc.VectorSubcoreMesh(core_axis_name="c", subcore_axis_name="s")


@functools.partial(
    pl.kernel,
    out_type=jax.ShapeDtypeStruct((B, PAD_D), jnp.float32),
    mesh=_mesh,
    compiler_params=pltpu.CompilerParams(use_tc_tiling_on_sc=False,
                                         needs_layout_passes=False),
    scratch_types=[
        pltpu.VMEM((BPW,), jnp.int32),
        pltpu.VMEM((BPW,), jnp.int32),
        pltpu.VMEM((BPW,), jnp.int32),
        pltpu.VMEM((BPW,), jnp.float32),
        pltpu.VMEM((BPW,), jnp.float32),
        pltpu.VMEM((BPW,), jnp.float32),
        pltpu.VMEM((BPW,), jnp.float32),
        pltpu.VMEM((NUM_BOUND,), jnp.float32),
        pltpu.VMEM((BPW,), jnp.int32),
        pltpu.VMEM((BPW,), jnp.int32),
        pltpu.VMEM((BPW,), jnp.int32),
        pltpu.VMEM((BPW,), jnp.int32),
        pltpu.VMEM((C, PAD_D), jnp.float32),
        pltpu.VMEM((C, PACK_D), jnp.float32),
        pltpu.VMEM((C, PACK_D), jnp.float32),
        pltpu.VMEM((C, PACK_D), jnp.float32),
        pltpu.VMEM((C, EMBED_DIM), jnp.float32),
        pltpu.VMEM((C, EMBED_DIM), jnp.float32),
        pltpu.VMEM((C, EMBED_DIM), jnp.float32),
        pltpu.VMEM((C, EMBED_DIM), jnp.float32),
        pltpu.VMEM((3, EMBED_DIM), jnp.float32),
        pltpu.VMEM((8, EMBED_DIM), jnp.float32),
        pltpu.VMEM_SHARED((NUM_BOUND + 1, EMBED_DIM), jnp.float32),
        pltpu.VMEM_SHARED((NUM_BOUND + 1, EMBED_DIM), jnp.float32),
        pltpu.VMEM_SHARED((NUM_BOUND + 1, EMBED_DIM), jnp.float32),
        pltpu.VMEM_SHARED((NUM_BOUND + 1, EMBED_DIM), jnp.float32),
        pltpu.SemaphoreType.DMA,
        pltpu.SemaphoreType.DMA,
        pltpu.SemaphoreType.DMA,
        pltpu.SemaphoreType.DMA,
    ],
)
def _sc_kernel(uid_hbm, gid_hbm, sid_hbm, f0_hbm, f1_hbm, f2_hbm, f3_hbm,
               ut_hbm, gt_hbm, st_hbm, rt_hbm, ht_hbm, vt_hbm, ft_hbm,
               bnd_hbm, out_hbm,
               up_v, gid_v, sid_v, f0_v, f1_v, f2_v, f3_v, bnd_v,
               b0_v, b1_v, b2_v, b3_v, stage_v,
               ue0_v, ue1_v, ue2_v, re_v, he_v, ve_v, fe_v, gt_l, st_l,
               rt_sp, ht_sp, vt_sp, ft_sp, sem, sem_u0, sem_u1, sem_u2):
    sid_ax = lax.axis_index("s")
    wid = sid_ax * NC + lax.axis_index("c")
    base = wid * BPW

    @pl.when(sid_ax == 0)
    def _():
        pltpu.sync_copy(rt_hbm, rt_sp)
        pltpu.sync_copy(ht_hbm, ht_sp)
        pltpu.sync_copy(vt_hbm, vt_sp)
        pltpu.sync_copy(ft_hbm, ft_sp)

    with jax.named_scope("init_copies"):
        init = [
            pltpu.async_copy(uid_hbm.at[pl.ds(base, BPW)], up_v, sem),
            pltpu.async_copy(gid_hbm.at[pl.ds(base, BPW)], gid_v, sem),
            pltpu.async_copy(sid_hbm.at[pl.ds(base, BPW)], sid_v, sem),
            pltpu.async_copy(f0_hbm.at[pl.ds(base, BPW)], f0_v, sem),
            pltpu.async_copy(f1_hbm.at[pl.ds(base, BPW)], f1_v, sem),
            pltpu.async_copy(f2_hbm.at[pl.ds(base, BPW)], f2_v, sem),
            pltpu.async_copy(f3_hbm.at[pl.ds(base, BPW)], f3_v, sem),
            pltpu.async_copy(bnd_hbm, bnd_v, sem),
            pltpu.async_copy(gt_hbm, gt_l, sem),
            pltpu.async_copy(st_hbm, st_l, sem),
        ]
        for cp in init:
            cp.wait()

    ue_bufs = (ue0_v, ue1_v, ue2_v)
    user_sems = (sem_u0, sem_u1, sem_u2)

    def fire_user(ch):
        return pltpu.async_copy(
            ut_hbm.at[up_v.at[pl.ds(ch * C, C)]],
            ue_bufs[ch % NBUF], user_sems[ch % NBUF])

    user_copies = [fire_user(ch) for ch in range(min(NBUF - 1, NCHUNK))]
    user_copies += [None] * (NCHUNK - len(user_copies))

    feats = ((f0_v, b0_v), (f1_v, b1_v), (f2_v, b2_v), (f3_v, b3_v))

    def bidx_body(i, carry):
        sl = pl.ds(i * L, L)
        for fref, bref in feats:
            x = fref[sl]
            c = jnp.clip((x * 999.0).astype(jnp.int32), 0, NUM_BOUND - 1)
            cm1 = jnp.maximum(c - 1, 0)
            cp1 = jnp.minimum(c + 1, NUM_BOUND - 1)
            t0 = (plsc.load_gather(bnd_v, [cm1]) < x).astype(jnp.int32)
            t1 = (plsc.load_gather(bnd_v, [c]) < x).astype(jnp.int32)
            t2 = (plsc.load_gather(bnd_v, [cp1]) < x).astype(jnp.int32)
            bref[sl] = jnp.maximum(c - 1 + t0 + t1 + t2, 0)
        return carry

    with jax.named_scope("bidx"):
        lax.fori_loop(0, BPW // L, bidx_body, 0)

    plsc.subcore_barrier()

    lanes = jnp.arange(L, dtype=jnp.int32)
    src_lo = lanes
    src_hi = lanes + L

    bsrcs = ((rt_sp, b0_v, re_v), (ht_sp, b1_v, he_v),
             (vt_sp, b2_v, ve_v), (ft_sp, b3_v, fe_v))
    fields = ((re_v, COL_RE), (he_v, COL_HE), (ve_v, COL_VE), (fe_v, COL_FE))
    dst_cols = [(col0 + lanes, col0 + lanes + L) for _, col0 in fields]
    u_cols = (COL_U + lanes, COL_U + lanes + L)
    g_cols = (COL_G + lanes, COL_G + lanes + L)
    s_cols = (COL_S + lanes, COL_S + lanes + L)

    for ch in range(NCHUNK):
        rbase = ch * C
        csl = pl.ds(rbase, C)
        bcopies = [pltpu.async_copy(tab.at[idx.at[csl]], dst, sem)
                   for tab, idx, dst in bsrcs]

        def norm_body(i, carry):
            rows = lanes + i * L
            for fref, col in ((f0_v, COL_RN), (f1_v, COL_HN),
                              (f2_v, COL_VN), (f3_v, COL_FN)):
                x = fref[pl.ds(rbase + i * L, L)]
                n = (x - 0.5) / _NORM_DIV
                plsc.store_scatter(
                    stage_v, [rows, jnp.full((L,), col, jnp.int32)], n)
            return carry

        with jax.named_scope("norm"):
            plsc.parallel_loop(0, C // L, 1, unroll=2)(
                lambda i: norm_body(i, 0))

        with jax.named_scope("gather_wait"):
            for cp in bcopies:
                cp.wait()
            user_copies[ch].wait()
        if ch + NBUF - 1 < NCHUNK:
            user_copies[ch + NBUF - 1] = fire_user(ch + NBUF - 1)

        ue_v = ue_bufs[ch % NBUF]

        def asm_row(r, carry):
            rv = jnp.full((L,), r, jnp.int32)
            rgv = rv + rbase
            x = plsc.load_gather(ue_v, [rv, src_lo])
            plsc.store_scatter(stage_v, [rv, u_cols[0]], x)
            y = plsc.load_gather(ue_v, [rv, src_hi])
            plsc.store_scatter(stage_v, [rv, u_cols[1]], y)
            gv = plsc.load_gather(gid_v, [rgv])
            x = plsc.load_gather(gt_l, [gv, src_lo])
            plsc.store_scatter(stage_v, [rv, g_cols[0]], x)
            y = plsc.load_gather(gt_l, [gv, src_hi])
            plsc.store_scatter(stage_v, [rv, g_cols[1]], y)
            sv = plsc.load_gather(sid_v, [rgv])
            x = plsc.load_gather(st_l, [sv, src_lo])
            plsc.store_scatter(stage_v, [rv, s_cols[0]], x)
            y = plsc.load_gather(st_l, [sv, src_hi])
            plsc.store_scatter(stage_v, [rv, s_cols[1]], y)
            for (src_ref, _), (clo, chi) in zip(fields, dst_cols):
                x = plsc.load_gather(src_ref, [rv, src_lo])
                plsc.store_scatter(stage_v, [rv, clo], x)
                y = plsc.load_gather(src_ref, [rv, src_hi])
                plsc.store_scatter(stage_v, [rv, chi], y)
            return carry

        with jax.named_scope("asm"):
            plsc.parallel_loop(0, C, 1, unroll=8)(
                lambda r: asm_row(r, 0))
        with jax.named_scope("out_write"):
            pltpu.sync_copy(stage_v, out_hbm.at[pl.ds(base + rbase, C), :])


def kernel(user_id, gender, status, regis_date, history, voting, favourite,
           user_table, gender_table, status_table,
           rgst_table, hsty_table, vote_table, favr_table):
    bounds = jnp.linspace(0.0, 1.0, NUM_BOUND)
    packed = jnp.pad(user_table, ((0, 0), (0, PACK_D - EMBED_DIM)))
    padded = _sc_kernel(
        user_id.astype(jnp.int32), gender.astype(jnp.int32),
        status.astype(jnp.int32), regis_date, history, voting, favourite,
        packed, gender_table, status_table,
        rgst_table, hsty_table, vote_table, favr_table,
        bounds.astype(jnp.float32))
    return padded[:, :OUT_D]

# --- scband reference (transcript-rebuilt; emitter-appended) ---
"""Pipeline reference for scband-user-model-25374666785310 (READ-ONLY COPY).

The authoritative reference and input builder live on the scoring server;
editing this copy changes nothing except your own understanding.
"""

import jax, jax.numpy as jnp
import numpy as np

B = 16384
NUM_USERS = 1000000
NUM_GENDERS = 3
NUM_STATUS = 8
NUM_BUCKETS = 1000
EMBED_DIM = 32


def setup_inputs(seed: int = 0) -> dict:
    key = jax.random.key(seed)
    ks = jax.random.split(key, 16)
    inp = {}
    inp["user_id"] = jax.random.randint(ks[0], (B,), 0, NUM_USERS, dtype=jnp.int64 if jax.config.jax_enable_x64 else jnp.int32)
    inp["gender"] = jax.random.randint(ks[1], (B,), 0, NUM_GENDERS)
    inp["status"] = jax.random.randint(ks[2], (B,), 0, NUM_STATUS)
    inp["regis_date"] = jax.random.uniform(ks[3], (B,), dtype=jnp.float32)
    inp["history"] = jax.random.uniform(ks[4], (B,), dtype=jnp.float32)
    inp["voting"] = jax.random.uniform(ks[5], (B,), dtype=jnp.float32)
    inp["favourite"] = jax.random.uniform(ks[6], (B,), dtype=jnp.float32)
    # learned parameters: embedding tables (StringLookup/IntegerLookup -> Embedding,
    # Discretization -> Embedding over buckets)
    inp["user_table"] = jax.random.normal(ks[7], (NUM_USERS, EMBED_DIM), dtype=jnp.float32) * 0.02
    inp["gender_table"] = jax.random.normal(ks[8], (NUM_GENDERS, EMBED_DIM), dtype=jnp.float32) * 0.02
    inp["status_table"] = jax.random.normal(ks[9], (NUM_STATUS, EMBED_DIM), dtype=jnp.float32) * 0.02
    inp["rgst_table"] = jax.random.normal(ks[10], (NUM_BUCKETS + 1, EMBED_DIM), dtype=jnp.float32) * 0.02
    inp["hsty_table"] = jax.random.normal(ks[11], (NUM_BUCKETS + 1, EMBED_DIM), dtype=jnp.float32) * 0.02
    inp["vote_table"] = jax.random.normal(ks[12], (NUM_BUCKETS + 1, EMBED_DIM), dtype=jnp.float32) * 0.02
    inp["favr_table"] = jax.random.normal(ks[13], (NUM_BUCKETS + 1, EMBED_DIM), dtype=jnp.float32) * 0.02
    return inp


_BOUNDARIES = jnp.linspace(0.0, 1.0, NUM_BUCKETS)
# dataset-adapted Normalization stats (features are uniform[0,1))
_MEAN = 0.5
_VAR = 1.0 / 12.0


def _normalize(x):
    return (x - _MEAN) / jnp.sqrt(_VAR + 1e-7)


def _bucket_embed(x, table):
    idx = jnp.searchsorted(_BOUNDARIES, jax.lax.stop_gradient(x))
    return jnp.take(table, idx, axis=0)


def reference(user_id, gender, status, regis_date, history, voting, favourite,
              user_table, gender_table, status_table,
              rgst_table, hsty_table, vote_table, favr_table):
    reshape_shape = (-1, 1)
    u = jnp.take(user_table, user_id, axis=0)
    g = jnp.take(gender_table, gender, axis=0)
    s = jnp.take(status_table, status, axis=0)
    re_ = _bucket_embed(regis_date, rgst_table)
    rn = jnp.reshape(_normalize(regis_date), reshape_shape)
    he = _bucket_embed(history, hsty_table)
    hn = jnp.reshape(_normalize(history), reshape_shape)
    ve = _bucket_embed(voting, vote_table)
    vn = jnp.reshape(_normalize(voting), reshape_shape)
    fe = _bucket_embed(favourite, favr_table)
    fn = jnp.reshape(_normalize(favourite), reshape_shape)
    return jnp.concatenate([u, g, s, re_, rn, he, hn, ve, vn, fe, fn], axis=1)

if __name__ == "__main__":
    import jax
    _d = setup_inputs()
    print(jax.jit(kernel)(*tuple(_d.values())))

</pallas_src>

<mosaic_0001>
#map = affine_map<(d0, d1) -> (0)>
#map1 = affine_map<(d0, d1) -> (0, 0)>
module attributes {stable_mosaic.version = 14 : i64} {
  func.func @_sc_kernel(%arg0: i32, %arg1: i32, %arg2: memref<16384xi32, #tpu.memory_space<hbm>>, %arg3: memref<16384xi32, #tpu.memory_space<hbm>>, %arg4: memref<16384xi32, #tpu.memory_space<hbm>>, %arg5: memref<16384xf32, #tpu.memory_space<hbm>>, %arg6: memref<16384xf32, #tpu.memory_space<hbm>>, %arg7: memref<16384xf32, #tpu.memory_space<hbm>>, %arg8: memref<16384xf32, #tpu.memory_space<hbm>>, %arg9: memref<1000000x128xf32, #tpu.memory_space<hbm>>, %arg10: memref<3x32xf32, #tpu.memory_space<hbm>>, %arg11: memref<8x32xf32, #tpu.memory_space<hbm>>, %arg12: memref<1001x32xf32, #tpu.memory_space<hbm>>, %arg13: memref<1001x32xf32, #tpu.memory_space<hbm>>, %arg14: memref<1001x32xf32, #tpu.memory_space<hbm>>, %arg15: memref<1001x32xf32, #tpu.memory_space<hbm>>, %arg16: memref<1000xf32, #tpu.memory_space<hbm>>, %arg17: memref<16384x232xf32, #tpu.memory_space<hbm>>, %arg18: memref<512xi32, #tpu.memory_space<vmem>>, %arg19: memref<512xi32, #tpu.memory_space<vmem>>, %arg20: memref<512xi32, #tpu.memory_space<vmem>>, %arg21: memref<512xf32, #tpu.memory_space<vmem>>, %arg22: memref<512xf32, #tpu.memory_space<vmem>>, %arg23: memref<512xf32, #tpu.memory_space<vmem>>, %arg24: memref<512xf32, #tpu.memory_space<vmem>>, %arg25: memref<1000xf32, #tpu.memory_space<vmem>>, %arg26: memref<512xi32, #tpu.memory_space<vmem>>, %arg27: memref<512xi32, #tpu.memory_space<vmem>>, %arg28: memref<512xi32, #tpu.memory_space<vmem>>, %arg29: memref<512xi32, #tpu.memory_space<vmem>>, %arg30: memref<128x232xf32, #tpu.memory_space<vmem>>, %arg31: memref<128x128xf32, #tpu.memory_space<vmem>>, %arg32: memref<128x128xf32, #tpu.memory_space<vmem>>, %arg33: memref<128x128xf32, #tpu.memory_space<vmem>>, %arg34: memref<128x32xf32, #tpu.memory_space<vmem>>, %arg35: memref<128x32xf32, #tpu.memory_space<vmem>>, %arg36: memref<128x32xf32, #tpu.memory_space<vmem>>, %arg37: memref<128x32xf32, #tpu.memory_space<vmem>>, %arg38: memref<3x32xf32, #tpu.memory_space<vmem>>, %arg39: memref<8x32xf32, #tpu.memory_space<vmem>>, %arg40: memref<1001x32xf32, #tpu.memory_space<vmem_shared>>, %arg41: memref<1001x32xf32, #tpu.memory_space<vmem_shared>>, %arg42: memref<1001x32xf32, #tpu.memory_space<vmem_shared>>, %arg43: memref<1001x32xf32, #tpu.memory_space<vmem_shared>>, %arg44: memref<!tpu.dma_semaphore, #tpu.memory_space<semaphore_mem>>, %arg45: memref<!tpu.dma_semaphore, #tpu.memory_space<semaphore_mem>>, %arg46: memref<!tpu.dma_semaphore, #tpu.memory_space<semaphore_mem>>, %arg47: memref<!tpu.dma_semaphore, #tpu.memory_space<semaphore_mem>>) attributes {dimension_semantics = [#tpu.dimension_semantics<core_parallel>, #tpu.dimension_semantics<subcore_parallel>], iteration_bounds = array<i64: 2, 16>, scalar_prefetch = 0 : i64, scratch_operands = 30 : i64, tpu.core_type = #tpu.core_type<sc_vector_subcore>, window_params = [{transform_indices = #map}, {transform_indices = #map}, {transform_indices = #map}, {transform_indices = #map}, {transform_indices = #map}, {transform_indices = #map}, {transform_indices = #map}, {transform_indices = #map1}, {transform_indices = #map1}, {transform_indices = #map1}, {transform_indices = #map1}, {transform_indices = #map1}, {transform_indices = #map1}, {transform_indices = #map1}, {transform_indices = #map}, {transform_indices = #map1}]} {
    %mul3A = arith.constant 2 : i32
    %mul3A_0 = arith.muli %arg1, %mul3A : i32
    %add3A = arith.addi %mul3A_0, %arg0 : i32
    %mul3A_1 = arith.constant 512 : i32
    %mul3A_2 = arith.muli %add3A, %mul3A_1 : i32
    %eq3A = arith.constant 0 : i32
    %eq3A_3 = arith.cmpi eq, %arg1, %eq3A : i32
    %convert_element_type3A = arith.extui %eq3A_3 : i1 to i32
    %cond3A = arith.constant 0 : i32
    %cond3A_4 = arith.cmpi ne, %convert_element_type3A, %cond3A : i32
    scf.if %cond3A_4 {
      "tpu.region"() ({
        %run_scoped3A = tpu.sem_alloc : memref<!tpu.dma_semaphore, #tpu.memory_space<semaphore_mem>>
        tpu.enqueue_dma source(%arg12 : memref<1001x32xf32, #tpu.memory_space<hbm>>) target(%arg40 : memref<1001x32xf32, #tpu.memory_space<vmem_shared>>) target_semaphore(%run_scoped3A : memref<!tpu.dma_semaphore, #tpu.memory_space<semaphore_mem>>)
        tpu.wait_dma2 semaphore(%run_scoped3A : memref<!tpu.dma_semaphore, #tpu.memory_space<semaphore_mem>>) src(%arg12 : memref<1001x32xf32, #tpu.memory_space<hbm>>) dst(%arg40 : memref<1001x32xf32, #tpu.memory_space<vmem_shared>>)
        tpu.yield
      }) : () -> ()
      "tpu.region"() ({
        %run_scoped3A = tpu.sem_alloc : memref<!tpu.dma_semaphore, #tpu.memory_space<semaphore_mem>>
        tpu.enqueue_dma source(%arg13 : memref<1001x32xf32, #tpu.memory_space<hbm>>) target(%arg41 : memref<1001x32xf32, #tpu.memory_space<vmem_shared>>) target_semaphore(%run_scoped3A : memref<!tpu.dma_semaphore, #tpu.memory_space<semaphore_mem>>)
        tpu.wait_dma2 semaphore(%run_scoped3A : memref<!tpu.dma_semaphore, #tpu.memory_space<semaphore_mem>>) src(%arg13 : memref<1001x32xf32, #tpu.memory_space<hbm>>) dst(%arg41 : memref<1001x32xf32, #tpu.memory_space<vmem_shared>>)
        tpu.yield
      }) : () -> ()
      "tpu.region"() ({
        %run_scoped3A = tpu.sem_alloc : memref<!tpu.dma_semaphore, #tpu.memory_space<semaphore_mem>>
        tpu.enqueue_dma source(%arg14 : memref<1001x32xf32, #tpu.memory_space<hbm>>) target(%arg42 : memref<1001x32xf32, #tpu.memory_space<vmem_shared>>) target_semaphore(%run_scoped3A : memref<!tpu.dma_semaphore, #tpu.memory_space<semaphore_mem>>)
        tpu.wait_dma2 semaphore(%run_scoped3A : memref<!tpu.dma_semaphore, #tpu.memory_space<semaphore_mem>>) src(%arg14 : memref<1001x32xf32, #tpu.memory_space<hbm>>) dst(%arg42 : memref<1001x32xf32, #tpu.memory_space<vmem_shared>>)
        tpu.yield
      }) : () -> ()
      "tpu.region"() ({
        %run_scoped3A = tpu.sem_alloc : memref<!tpu.dma_semaphore, #tpu.memory_space<semaphore_mem>>
        tpu.enqueue_dma source(%arg15 : memref<1001x32xf32, #tpu.memory_space<hbm>>) target(%arg43 : memref<1001x32xf32, #tpu.memory_space<vmem_shared>>) target_semaphore(%run_scoped3A : memref<!tpu.dma_semaphore, #tpu.memory_space<semaphore_mem>>)
        tpu.wait_dma2 semaphore(%run_scoped3A : memref<!tpu.dma_semaphore, #tpu.memory_space<semaphore_mem>>) src(%arg15 : memref<1001x32xf32, #tpu.memory_space<hbm>>) dst(%arg43 : memref<1001x32xf32, #tpu.memory_space<vmem_shared>>)
        tpu.yield
      }) : () -> ()
    } else {
    }
    "tpu.trace_start"() <{level = 10 : i32, message = "init_copies"}> : () -> ()
    %dma_start3A = tpu.memref_slice %arg2[%mul3A_2] : memref<16384xi32, #tpu.memory_space<hbm>> -> memref<512xi32, #tpu.memory_space<hbm>>
    %dma_start3A_5 = tpu.memref_slice %arg2[%mul3A_2] : memref<16384xi32, #tpu.memory_space<hbm>> -> memref<512xi32, #tpu.memory_space<hbm>>
    tpu.enqueue_dma source(%dma_start3A_5 : memref<512xi32, #tpu.memory_space<hbm>>) target(%arg18 : memref<512xi32, #tpu.memory_space<vmem>>) target_semaphore(%arg44 : memref<!tpu.dma_semaphore, #tpu.memory_space<semaphore_mem>>)
    %dma_start3A_6 = tpu.memref_slice %arg3[%mul3A_2] : memref<16384xi32, #tpu.memory_space<hbm>> -> memref<512xi32, #tpu.memory_space<hbm>>
    %dma_start3A_7 = tpu.memref_slice %arg3[%mul3A_2] : memref<16384xi32, #tpu.memory_space<hbm>> -> memref<512xi32, #tpu.memory_space<hbm>>
    tpu.enqueue_dma source(%dma_start3A_7 : memref<512xi32, #tpu.memory_space<hbm>>) target(%arg19 : memref<512xi32, #tpu.memory_space<vmem>>) target_semaphore(%arg44 : memref<!tpu.dma_semaphore, #tpu.memory_space<semaphore_mem>>)
    %dma_start3A_8 = tpu.memref_slice %arg4[%mul3A_2] : memref<16384xi32, #tpu.memory_space<hbm>> -> memref<512xi32, #tpu.memory_space<hbm>>
    %dma_start3A_9 = tpu.memref_slice %arg4[%mul3A_2] : memref<16384xi32, #tpu.memory_space<hbm>> -> memref<512xi32, #tpu.memory_space<hbm>>
    tpu.enqueue_dma source(%dma_start3A_9 : memref<512xi32, #tpu.memory_space<hbm>>) target(%arg20 : memref<512xi32, #tpu.memory_space<vmem>>) target_semaphore(%arg44 : memref<!tpu.dma_semaphore, #tpu.memory_space<semaphore_mem>>)
    %dma_start3A_10 = tpu.memref_slice %arg5[%mul3A_2] : memref<16384xf32, #tpu.memory_space<hbm>> -> memref<512xf32, #tpu.memory_space<hbm>>
    %dma_start3A_11 = tpu.memref_slice %arg5[%mul3A_2] : memref<16384xf32, #tpu.memory_space<hbm>> -> memref<512xf32, #tpu.memory_space<hbm>>
    tpu.enqueue_dma source(%dma_start3A_11 : memref<512xf32, #tpu.memory_space<hbm>>) target(%arg21 : memref<512xf32, #tpu.memory_space<vmem>>) target_semaphore(%arg44 : memref<!tpu.dma_semaphore, #tpu.memory_space<semaphore_mem>>)
    %dma_start3A_12 = tpu.memref_slice %arg6[%mul3A_2] : memref<16384xf32, #tpu.memory_space<hbm>> -> memref<512xf32, #tpu.memory_space<hbm>>
    %dma_start3A_13 = tpu.memref_slice %arg6[%mul3A_2] : memref<16384xf32, #tpu.memory_space<hbm>> -> memref<512xf32, #tpu.memory_space<hbm>>
    tpu.enqueue_dma source(%dma_start3A_13 : memref<512xf32, #tpu.memory_space<hbm>>) target(%arg22 : memref<512xf32, #tpu.memory_space<vmem>>) target_semaphore(%arg44 : memref<!tpu.dma_semaphore, #tpu.memory_space<semaphore_mem>>)
    %dma_start3A_14 = tpu.memref_slice %arg7[%mul3A_2] : memref<16384xf32, #tpu.memory_space<hbm>> -> memref<512xf32, #tpu.memory_space<hbm>>
    %dma_start3A_15 = tpu.memref_slice %arg7[%mul3A_2] : memref<16384xf32, #tpu.memory_space<hbm>> -> memref<512xf32, #tpu.memory_space<hbm>>
    tpu.enqueue_dma source(%dma_start3A_15 : memref<512xf32, #tpu.memory_space<hbm>>) target(%arg23 : memref<512xf32, #tpu.memory_space<vmem>>) target_semaphore(%arg44 : memref<!tpu.dma_semaphore, #tpu.memory_space<semaphore_mem>>)
    %dma_start3A_16 = tpu.memref_slice %arg8[%mul3A_2] : memref<16384xf32, #tpu.memory_space<hbm>> -> memref<512xf32, #tpu.memory_space<hbm>>
    %dma_start3A_17 = tpu.memref_slice %arg8[%mul3A_2] : memref<16384xf32, #tpu.memory_space<hbm>> -> memref<512xf32, #tpu.memory_space<hbm>>
    tpu.enqueue_dma source(%dma_start3A_17 : memref<512xf32, #tpu.memory_space<hbm>>) target(%arg24 : memref<512xf32, #tpu.memory_space<vmem>>) target_semaphore(%arg44 : memref<!tpu.dma_semaphore, #tpu.memory_space<semaphore_mem>>)
    tpu.enqueue_dma source(%arg16 : memref<1000xf32, #tpu.memory_space<hbm>>) target(%arg25 : memref<1000xf32, #tpu.memory_space<vmem>>) target_semaphore(%arg44 : memref<!tpu.dma_semaphore, #tpu.memory_space<semaphore_mem>>)
    tpu.enqueue_dma source(%arg10 : memref<3x32xf32, #tpu.memory_space<hbm>>) target(%arg38 : memref<3x32xf32, #tpu.memory_space<vmem>>) target_semaphore(%arg44 : memref<!tpu.dma_semaphore, #tpu.memory_space<semaphore_mem>>)
    tpu.enqueue_dma source(%arg11 : memref<8x32xf32, #tpu.memory_space<hbm>>) target(%arg39 : memref<8x32xf32, #tpu.memory_space<vmem>>) target_semaphore(%arg44 : memref<!tpu.dma_semaphore, #tpu.memory_space<semaphore_mem>>)
    %dma_wait3A = tpu.memref_slice %arg2[%mul3A_2] : memref<16384xi32, #tpu.memory_space<hbm>> -> memref<512xi32, #tpu.memory_space<hbm>>
    %dma_wait3A_18 = tpu.memref_slice %arg2[%mul3A_2] : memref<16384xi32, #tpu.memory_space<hbm>> -> memref<512xi32, #tpu.memory_space<hbm>>
    tpu.wait_dma2 semaphore(%arg44 : memref<!tpu.dma_semaphore, #tpu.memory_space<semaphore_mem>>) src(%dma_wait3A_18 : memref<512xi32, #tpu.memory_space<hbm>>) dst(%arg18 : memref<512xi32, #tpu.memory_space<vmem>>)
    %dma_wait3A_19 = tpu.memref_slice %arg3[%mul3A_2] : memref<16384xi32, #tpu.memory_space<hbm>> -> memref<512xi32, #tpu.memory_space<hbm>>
    %dma_wait3A_20 = tpu.memref_slice %arg3[%mul3A_2] : memref<16384xi32, #tpu.memory_space<hbm>> -> memref<512xi32, #tpu.memory_space<hbm>>
    tpu.wait_dma2 semaphore(%arg44 : memref<!tpu.dma_semaphore, #tpu.memory_space<semaphore_mem>>) src(%dma_wait3A_20 : memref<512xi32, #tpu.memory_space<hbm>>) dst(%arg19 : memref<512xi32, #tpu.memory_space<vmem>>)
    %dma_wait3A_21 = tpu.memref_slice %arg4[%mul3A_2] : memref<16384xi32, #tpu.memory_space<hbm>> -> memref<512xi32, #tpu.memory_space<hbm>>
    %dma_wait3A_22 = tpu.memref_slice %arg4[%mul3A_2] : memref<16384xi32, #tpu.memory_space<hbm>> -> memref<512xi32, #tpu.memory_space<hbm>>
    tpu.wait_dma2 semaphore(%arg44 : memref<!tpu.dma_semaphore, #tpu.memory_space<semaphore_mem>>) src(%dma_wait3A_22 : memref<512xi32, #tpu.memory_space<hbm>>) dst(%arg20 : memref<512xi32, #tpu.memory_space<vmem>>)
    %dma_wait3A_23 = tpu.memref_slice %arg5[%mul3A_2] : memref<16384xf32, #tpu.memory_space<hbm>> -> memref<512xf32, #tpu.memory_space<hbm>>
    %dma_wait3A_24 = tpu.memref_slice %arg5[%mul3A_2] : memref<16384xf32, #tpu.memory_space<hbm>> -> memref<512xf32, #tpu.memory_space<hbm>>
    tpu.wait_dma2 semaphore(%arg44 : memref<!tpu.dma_semaphore, #tpu.memory_space<semaphore_mem>>) src(%dma_wait3A_24 : memref<512xf32, #tpu.memory_space<hbm>>) dst(%arg21 : memref<512xf32, #tpu.memory_space<vmem>>)
    %dma_wait3A_25 = tpu.memref_slice %arg6[%mul3A_2] : memref<16384xf32, #tpu.memory_space<hbm>> -> memref<512xf32, #tpu.memory_space<hbm>>
    %dma_wait3A_26 = tpu.memref_slice %arg6[%mul3A_2] : memref<16384xf32, #tpu.memory_space<hbm>> -> memref<512xf32, #tpu.memory_space<hbm>>
    tpu.wait_dma2 semaphore(%arg44 : memref<!tpu.dma_semaphore, #tpu.memory_space<semaphore_mem>>) src(%dma_wait3A_26 : memref<512xf32, #tpu.memory_space<hbm>>) dst(%arg22 : memref<512xf32, #tpu.memory_space<vmem>>)
    %dma_wait3A_27 = tpu.memref_slice %arg7[%mul3A_2] : memref<16384xf32, #tpu.memory_space<hbm>> -> memref<512xf32, #tpu.memory_space<hbm>>
    %dma_wait3A_28 = tpu.memref_slice %arg7[%mul3A_2] : memref<16384xf32, #tpu.memory_space<hbm>> -> memref<512xf32, #tpu.memory_space<hbm>>
    tpu.wait_dma2 semaphore(%arg44 : memref<!tpu.dma_semaphore, #tpu.memory_space<semaphore_mem>>) src(%dma_wait3A_28 : memref<512xf32, #tpu.memory_space<hbm>>) dst(%arg23 : memref<512xf32, #tpu.memory_space<vmem>>)
    %dma_wait3A_29 = tpu.memref_slice %arg8[%mul3A_2] : memref<16384xf32, #tpu.memory_space<hbm>> -> memref<512xf32, #tpu.memory_space<hbm>>
    %dma_wait3A_30 = tpu.memref_slice %arg8[%mul3A_2] : memref<16384xf32, #tpu.memory_space<hbm>> -> memref<512xf32, #tpu.memory_space<hbm>>
    tpu.wait_dma2 semaphore(%arg44 : memref<!tpu.dma_semaphore, #tpu.memory_space<semaphore_mem>>) src(%dma_wait3A_30 : memref<512xf32, #tpu.memory_space<hbm>>) dst(%arg24 : memref<512xf32, #tpu.memory_space<vmem>>)
    tpu.wait_dma2 semaphore(%arg44 : memref<!tpu.dma_semaphore, #tpu.memory_space<semaphore_mem>>) src(%arg16 : memref<1000xf32, #tpu.memory_space<hbm>>) dst(%arg25 : memref<1000xf32, #tpu.memory_space<vmem>>)
    tpu.wait_dma2 semaphore(%arg44 : memref<!tpu.dma_semaphore, #tpu.memory_space<semaphore_mem>>) src(%arg10 : memref<3x32xf32, #tpu.memory_space<hbm>>) dst(%arg38 : memref<3x32xf32, #tpu.memory_space<vmem>>)
    tpu.wait_dma2 semaphore(%arg44 : memref<!tpu.dma_semaphore, #tpu.memory_space<semaphore_mem>>) src(%arg11 : memref<8x32xf32, #tpu.memory_space<hbm>>) dst(%arg39 : memref<8x32xf32, #tpu.memory_space<vmem>>)
    "tpu.trace_stop"() : () -> ()
    %dma_start3A_31 = arith.constant 0 : i32
    %dma_start3A_32 = tpu.memref_slice %arg18[%dma_start3A_31] : memref<512xi32, #tpu.memory_space<vmem>> -> memref<128xi32, #tpu.memory_space<vmem>>
    %dma_start3A_33 = arith.constant 0 : i32
    %dma_start3A_34 = arith.constant 0 : i32
    %dma_start3A_35 = tpu.memref_slice %arg9[%dma_start3A_33, %dma_start3A_34] : memref<1000000x128xf32, #tpu.memory_space<hbm>> -> memref<1000000x128xf32, #tpu.memory_space<hbm>>
    tpu.enqueue_indirect_dma source(%dma_start3A_35 : memref<1000000x128xf32, #tpu.memory_space<hbm>>) target(%arg31 : memref<128x128xf32, #tpu.memory_space<vmem>>) offsets(%dma_start3A_32 : memref<128xi32, #tpu.memory_space<vmem>>) semaphore(%arg45 : memref<!tpu.dma_semaphore, #tpu.memory_space<semaphore_mem>>)
    %dma_start3A_36 = arith.constant 128 : i32
    %dma_start3A_37 = tpu.memref_slice %arg18[%dma_start3A_36] : memref<512xi32, #tpu.memory_space<vmem>> -> memref<128xi32, #tpu.memory_space<vmem>>
    %dma_start3A_38 = arith.constant 0 : i32
    %dma_start3A_39 = arith.constant 0 : i32
    %dma_start3A_40 = tpu.memref_slice %arg9[%dma_start3A_38, %dma_start3A_39] : memref<1000000x128xf32, #tpu.memory_space<hbm>> -> memref<1000000x128xf32, #tpu.memory_space<hbm>>
    tpu.enqueue_indirect_dma source(%dma_start3A_40 : memref<1000000x128xf32, #tpu.memory_space<hbm>>) target(%arg32 : memref<128x128xf32, #tpu.memory_space<vmem>>) offsets(%dma_start3A_37 : memref<128xi32, #tpu.memory_space<vmem>>) semaphore(%arg46 : memref<!tpu.dma_semaphore, #tpu.memory_space<semaphore_mem>>)
    "tpu.trace_start"() <{level = 10 : i32, message = "bidx"}> : () -> ()
    %scan3A = arith.constant 0 : i32
    %scan3A_41 = arith.constant 0 : i32
    %scan3A_42 = arith.constant 32 : i32
    %scan3A_43 = arith.addi %scan3A_41, %scan3A_42 : i32
    %scan3A_44 = arith.constant 1 : i32
    scf.for %scan3A_333 = %scan3A_41 to %scan3A_43 step %scan3A_44  : i32 {
      %mul3A_334 = arith.constant 16 : i32
      %mul3A_335 = arith.muli %scan3A_333, %mul3A_334 : i32
      %get3A = arith.index_cast %mul3A_335 : i32 to index
      %get3A_336 = tpu.vector_load %arg21[%get3A] {strides = array<i32>} : memref<512xf32, #tpu.memory_space<vmem>>, vector<16xf32>,
      %mul3A_337 = arith.constant 9.990000e+02 : f32
      %mul3A_338 = vector.broadcast %mul3A_337 : f32 to vector<16xf32>
      %mul3A_339 = arith.mulf %get3A_336, %mul3A_338 : vector<16xf32>
      %convert_element_type3A_340 = arith.fptosi %mul3A_339 : vector<16xf32> to vector<16xi32>
      %jit3A = arith.constant 0 : i32
      %jit3A_341 = arith.constant 999 : i32
      %max3A = vector.broadcast %jit3A : i32 to vector<16xi32>
      %max3A_342 = arith.maxsi %max3A, %convert_element_type3A_340 : vector<16xi32>
      %min3A = vector.broadcast %jit3A_341 : i32 to vector<16xi32>
      %min3A_343 = arith.minsi %min3A, %max3A_342 : vector<16xi32>
      %sub3A = arith.constant 1 : i32
      %sub3A_344 = vector.broadcast %sub3A : i32 to vector<16xi32>
      %sub3A_345 = arith.subi %min3A_343, %sub3A_344 : vector<16xi32>
      %max3A_346 = arith.constant 0 : i32
      %max3A_347 = vector.broadcast %max3A_346 : i32 to vector<16xi32>
      %max3A_348 = arith.maxsi %sub3A_345, %max3A_347 : vector<16xi32>
      %add3A_349 = arith.constant 1 : i32
      %add3A_350 = vector.broadcast %add3A_349 : i32 to vector<16xi32>
      %add3A_351 = arith.addi %min3A_343, %add3A_350 : vector<16xi32>
      %min3A_352 = arith.constant 999 : i32
      %min3A_353 = vector.broadcast %min3A_352 : i32 to vector<16xi32>
      %min3A_354 = arith.minsi %add3A_351, %min3A_353 : vector<16xi32>
      %gather3A = tpu.vector_load_idx %arg25[%max3A_348] : memref<1000xf32, #tpu.memory_space<vmem>>[vector<16xi32>], vector<16xf32>,
      %lt3A = arith.cmpf olt, %gather3A, %get3A_336 : vector<16xf32>
      %convert_element_type3A_355 = arith.extui %lt3A : vector<16xi1> to vector<16xi32>
      %gather3A_356 = tpu.vector_load_idx %arg25[%min3A_343] : memref<1000xf32, #tpu.memory_space<vmem>>[vector<16xi32>], vector<16xf32>,
      %lt3A_357 = arith.cmpf olt, %gather3A_356, %get3A_336 : vector<16xf32>
      %convert_element_type3A_358 = arith.extui %lt3A_357 : vector<16xi1> to vector<16xi32>
      %gather3A_359 = tpu.vector_load_idx %arg25[%min3A_354] : memref<1000xf32, #tpu.memory_space<vmem>>[vector<16xi32>], vector<16xf32>,
      %lt3A_360 = arith.cmpf olt, %gather3A_359, %get3A_336 : vector<16xf32>
      %convert_element_type3A_361 = arith.extui %lt3A_360 : vector<16xi1> to vector<16xi32>
      %sub3A_362 = arith.constant 1 : i32
      %sub3A_363 = vector.broadcast %sub3A_362 : i32 to vector<16xi32>
      %sub3A_364 = arith.subi %min3A_343, %sub3A_363 : vector<16xi32>
      %add3A_365 = arith.addi %sub3A_364, %convert_element_type3A_355 : vector<16xi32>
      %add3A_366 = arith.addi %add3A_365, %convert_element_type3A_358 : vector<16xi32>
      %add3A_367 = arith.addi %add3A_366, %convert_element_type3A_361 : vector<16xi32>
      %max3A_368 = arith.constant 0 : i32
      %max3A_369 = vector.broadcast %max3A_368 : i32 to vector<16xi32>
      %max3A_370 = arith.maxsi %add3A_367, %max3A_369 : vector<16xi32>
      %swap3A = arith.index_cast %mul3A_335 : i32 to index
      %swap3A_371 = tpu.vector_load %arg26[%swap3A] {strides = array<i32>} : memref<512xi32, #tpu.memory_space<vmem>>, vector<16xi32>,
      tpu.vector_store %arg26[%swap3A], %max3A_370 {strides = array<i32>} : memref<512xi32, #tpu.memory_space<vmem>>, vector<16xi32>,
      %get3A_372 = arith.index_cast %mul3A_335 : i32 to index
      %get3A_373 = tpu.vector_load %arg22[%get3A_372] {strides = array<i32>} : memref<512xf32, #tpu.memory_space<vmem>>, vector<16xf32>,
      %mul3A_374 = arith.constant 9.990000e+02 : f32
      %mul3A_375 = vector.broadcast %mul3A_374 : f32 to vector<16xf32>
      %mul3A_376 = arith.mulf %get3A_373, %mul3A_375 : vector<16xf32>
      %convert_element_type3A_377 = arith.fptosi %mul3A_376 : vector<16xf32> to vector<16xi32>
      %jit3A_378 = arith.constant 0 : i32
      %jit3A_379 = arith.constant 999 : i32
      %max3A_380 = vector.broadcast %jit3A_378 : i32 to vector<16xi32>
      %max3A_381 = arith.maxsi %max3A_380, %convert_element_type3A_377 : vector<16xi32>
      %min3A_382 = vector.broadcast %jit3A_379 : i32 to vector<16xi32>
      %min3A_383 = arith.minsi %min3A_382, %max3A_381 : vector<16xi32>
      %sub3A_384 = arith.constant 1 : i32
      %sub3A_385 = vector.broadcast %sub3A_384 : i32 to vector<16xi32>
      %sub3A_386 = arith.subi %min3A_383, %sub3A_385 : vector<16xi32>
      %max3A_387 = arith.constant 0 : i32
      %max3A_388 = vector.broadcast %max3A_387 : i32 to vector<16xi32>
      %max3A_389 = arith.maxsi %sub3A_386, %max3A_388 : vector<16xi32>
      %add3A_390 = arith.constant 1 : i32
      %add3A_391 = vector.broadcast %add3A_390 : i32 to vector<16xi32>
      %add3A_392 = arith.addi %min3A_383, %add3A_391 : vector<16xi32>
      %min3A_393 = arith.constant 999 : i32
      %min3A_394 = vector.broadcast %min3A_393 : i32 to vector<16xi32>
      %min3A_395 = arith.minsi %add3A_392, %min3A_394 : vector<16xi32>
      %gather3A_396 = tpu.vector_load_idx %arg25[%max3A_389] : memref<1000xf32, #tpu.memory_space<vmem>>[vector<16xi32>], vector<16xf32>,
      %lt3A_397 = arith.cmpf olt, %gather3A_396, %get3A_373 : vector<16xf32>
      %convert_element_type3A_398 = arith.extui %lt3A_397 : vector<16xi1> to vector<16xi32>
      %gather3A_399 = tpu.vector_load_idx %arg25[%min3A_383] : memref<1000xf32, #tpu.memory_space<vmem>>[vector<16xi32>], vector<16xf32>,
      %lt3A_400 = arith.cmpf olt, %gather3A_399, %get3A_373 : vector<16xf32>
      %convert_element_type3A_401 = arith.extui %lt3A_400 : vector<16xi1> to vector<16xi32>
      %gather3A_402 = tpu.vector_load_idx %arg25[%min3A_395] : memref<1000xf32, #tpu.memory_space<vmem>>[vector<16xi32>], vector<16xf32>,
      %lt3A_403 = arith.cmpf olt, %gather3A_402, %get3A_373 : vector<16xf32>
      %convert_element_type3A_404 = arith.extui %lt3A_403 : vector<16xi1> to vector<16xi32>
      %sub3A_405 = arith.constant 1 : i32
      %sub3A_406 = vector.broadcast %sub3A_405 : i32 to vector<16xi32>
      %sub3A_407 = arith.subi %min3A_383, %sub3A_406 : vector<16xi32>
      %add3A_408 = arith.addi %sub3A_407, %convert_element_type3A_398 : vector<16xi32>
      %add3A_409 = arith.addi %add3A_408, %convert_element_type3A_401 : vector<16xi32>
      %add3A_410 = arith.addi %add3A_409, %convert_element_type3A_404 : vector<16xi32>
      %max3A_411 = arith.constant 0 : i32
      %max3A_412 = vector.broadcast %max3A_411 : i32 to vector<16xi32>
      %max3A_413 = arith.maxsi %add3A_410, %max3A_412 : vector<16xi32>
      %swap3A_414 = arith.index_cast %mul3A_335 : i32 to index
      %swap3A_415 = tpu.vector_load %arg27[%swap3A_414] {strides = array<i32>} : memref<512xi32, #tpu.memory_space<vmem>>, vector<16xi32>,
      tpu.vector_store %arg27[%swap3A_414], %max3A_413 {strides = array<i32>} : memref<512xi32, #tpu.memory_space<vmem>>, vector<16xi32>,
      %get3A_416 = arith.index_cast %mul3A_335 : i32 to index
      %get3A_417 = tpu.vector_load %arg23[%get3A_416] {strides = array<i32>} : memref<512xf32, #tpu.memory_space<vmem>>, vector<16xf32>,
      %mul3A_418 = arith.constant 9.990000e+02 : f32
      %mul3A_419 = vector.broadcast %mul3A_418 : f32 to vector<16xf32>
      %mul3A_420 = arith.mulf %get3A_417, %mul3A_419 : vector<16xf32>
      %convert_element_type3A_421 = arith.fptosi %mul3A_420 : vector<16xf32> to vector<16xi32>
      %jit3A_422 = arith.constant 0 : i32
      %jit3A_423 = arith.constant 999 : i32
      %max3A_424 = vector.broadcast %jit3A_422 : i32 to vector<16xi32>
      %max3A_425 = arith.maxsi %max3A_424, %convert_element_type3A_421 : vector<16xi32>
      %min3A_426 = vector.broadcast %jit3A_423 : i32 to vector<16xi32>
      %min3A_427 = arith.minsi %min3A_426, %max3A_425 : vector<16xi32>
      %sub3A_428 = arith.constant 1 : i32
      %sub3A_429 = vector.broadcast %sub3A_428 : i32 to vector<16xi32>
      %sub3A_430 = arith.subi %min3A_427, %sub3A_429 : vector<16xi32>
      %max3A_431 = arith.constant 0 : i32
      %max3A_432 = vector.broadcast %max3A_431 : i32 to vector<16xi32>
      %max3A_433 = arith.maxsi %sub3A_430, %max3A_432 : vector<16xi32>
      %add3A_434 = arith.constant 1 : i32
      %add3A_435 = vector.broadcast %add3A_434 : i32 to vector<16xi32>
      %add3A_436 = arith.addi %min3A_427, %add3A_435 : vector<16xi32>
      %min3A_437 = arith.constant 999 : i32
      %min3A_438 = vector.broadcast %min3A_437 : i32 to vector<16xi32>
      %min3A_439 = arith.minsi %add3A_436, %min3A_438 : vector<16xi32>
      %gather3A_440 = tpu.vector_load_idx %arg25[%max3A_433] : memref<1000xf32, #tpu.memory_space<vmem>>[vector<16xi32>], vector<16xf32>,
      %lt3A_441 = arith.cmpf olt, %gather3A_440, %get3A_417 : vector<16xf32>
      %convert_element_type3A_442 = arith.extui %lt3A_441 : vector<16xi1> to vector<16xi32>
      %gather3A_443 = tpu.vector_load_idx %arg25[%min3A_427] : memref<1000xf32, #tpu.memory_space<vmem>>[vector<16xi32>], vector<16xf32>,
      %lt3A_444 = arith.cmpf olt, %gather3A_443, %get3A_417 : vector<16xf32>
      %convert_element_type3A_445 = arith.extui %lt3A_444 : vector<16xi1> to vector<16xi32>
      %gather3A_446 = tpu.vector_load_idx %arg25[%min3A_439] : memref<1000xf32, #tpu.memory_space<vmem>>[vector<16xi32>], vector<16xf32>,
      %lt3A_447 = arith.cmpf olt, %gather3A_446, %get3A_417 : vector<16xf32>
      %convert_element_type3A_448 = arith.extui %lt3A_447 : vector<16xi1> to vector<16xi32>
      %sub3A_449 = arith.constant 1 : i32
      %sub3A_450 = vector.broadcast %sub3A_449 : i32 to vector<16xi32>
      %sub3A_451 = arith.subi %min3A_427, %sub3A_450 : vector<16xi32>
      %add3A_452 = arith.addi %sub3A_451, %convert_element_type3A_442 : vector<16xi32>
      %add3A_453 = arith.addi %add3A_452, %convert_element_type3A_445 : vector<16xi32>
      %add3A_454 = arith.addi %add3A_453, %convert_element_type3A_448 : vector<16xi32>
      %max3A_455 = arith.constant 0 : i32
      %max3A_456 = vector.broadcast %max3A_455 : i32 to vector<16xi32>
      %max3A_457 = arith.maxsi %add3A_454, %max3A_456 : vector<16xi32>
      %swap3A_458 = arith.index_cast %mul3A_335 : i32 to index
      %swap3A_459 = tpu.vector_load %arg28[%swap3A_458] {strides = array<i32>} : memref<512xi32, #tpu.memory_space<vmem>>, vector<16xi32>,
      tpu.vector_store %arg28[%swap3A_458], %max3A_457 {strides = array<i32>} : memref<512xi32, #tpu.memory_space<vmem>>, vector<16xi32>,
      %get3A_460 = arith.index_cast %mul3A_335 : i32 to index
      %get3A_461 = tpu.vector_load %arg24[%get3A_460] {strides = array<i32>} : memref<512xf32, #tpu.memory_space<vmem>>, vector<16xf32>,
      %mul3A_462 = arith.constant 9.990000e+02 : f32
      %mul3A_463 = vector.broadcast %mul3A_462 : f32 to vector<16xf32>
      %mul3A_464 = arith.mulf %get3A_461, %mul3A_463 : vector<16xf32>
      %convert_element_type3A_465 = arith.fptosi %mul3A_464 : vector<16xf32> to vector<16xi32>
      %jit3A_466 = arith.constant 0 : i32
      %jit3A_467 = arith.constant 999 : i32
      %max3A_468 = vector.broadcast %jit3A_466 : i32 to vector<16xi32>
      %max3A_469 = arith.maxsi %max3A_468, %convert_element_type3A_465 : vector<16xi32>
      %min3A_470 = vector.broadcast %jit3A_467 : i32 to vector<16xi32>
      %min3A_471 = arith.minsi %min3A_470, %max3A_469 : vector<16xi32>
      %sub3A_472 = arith.constant 1 : i32
      %sub3A_473 = vector.broadcast %sub3A_472 : i32 to vector<16xi32>
      %sub3A_474 = arith.subi %min3A_471, %sub3A_473 : vector<16xi32>
      %max3A_475 = arith.constant 0 : i32
      %max3A_476 = vector.broadcast %max3A_475 : i32 to vector<16xi32>
      %max3A_477 = arith.maxsi %sub3A_474, %max3A_476 : vector<16xi32>
      %add3A_478 = arith.constant 1 : i32
      %add3A_479 = vector.broadcast %add3A_478 : i32 to vector<16xi32>
      %add3A_480 = arith.addi %min3A_471, %add3A_479 : vector<16xi32>
      %min3A_481 = arith.constant 999 : i32
      %min3A_482 = vector.broadcast %min3A_481 : i32 to vector<16xi32>
      %min3A_483 = arith.minsi %add3A_480, %min3A_482 : vector<16xi32>
      %gather3A_484 = tpu.vector_load_idx %arg25[%max3A_477] : memref<1000xf32, #tpu.memory_space<vmem>>[vector<16xi32>], vector<16xf32>,
      %lt3A_485 = arith.cmpf olt, %gather3A_484, %get3A_461 : vector<16xf32>
      %convert_element_type3A_486 = arith.extui %lt3A_485 : vector<16xi1> to vector<16xi32>
      %gather3A_487 = tpu.vector_load_idx %arg25[%min3A_471] : memref<1000xf32, #tpu.memory_space<vmem>>[vector<16xi32>], vector<16xf32>,
      %lt3A_488 = arith.cmpf olt, %gather3A_487, %get3A_461 : vector<16xf32>
      %convert_element_type3A_489 = arith.extui %lt3A_488 : vector<16xi1> to vector<16xi32>
      %gather3A_490 = tpu.vector_load_idx %arg25[%min3A_483] : memref<1000xf32, #tpu.memory_space<vmem>>[vector<16xi32>], vector<16xf32>,
      %lt3A_491 = arith.cmpf olt, %gather3A_490, %get3A_461 : vector<16xf32>
      %convert_element_type3A_492 = arith.extui %lt3A_491 : vector<16xi1> to vector<16xi32>
      %sub3A_493 = arith.constant 1 : i32
      %sub3A_494 = vector.broadcast %sub3A_493 : i32 to vector<16xi32>
      %sub3A_495 = arith.subi %min3A_471, %sub3A_494 : vector<16xi32>
      %add3A_496 = arith.addi %sub3A_495, %convert_element_type3A_486 : vector<16xi32>
      %add3A_497 = arith.addi %add3A_496, %convert_element_type3A_489 : vector<16xi32>
      %add3A_498 = arith.addi %add3A_497, %convert_element_type3A_492 : vector<16xi32>
      %max3A_499 = arith.constant 0 : i32
      %max3A_500 = vector.broadcast %max3A_499 : i32 to vector<16xi32>
      %max3A_501 = arith.maxsi %add3A_498, %max3A_500 : vector<16xi32>
      %swap3A_502 = arith.index_cast %mul3A_335 : i32 to index
      %swap3A_503 = tpu.vector_load %arg29[%swap3A_502] {strides = array<i32>} : memref<512xi32, #tpu.memory_space<vmem>>, vector<16xi32>,
      tpu.vector_store %arg29[%swap3A_502], %max3A_501 {strides = array<i32>} : memref<512xi32, #tpu.memory_space<vmem>>, vector<16xi32>,
    }
    %scan3A_45 = arith.constant 32 : i32
    "tpu.trace_stop"() : () -> ()
    %barrier3A = arith.constant 0 : index
    tpu.barrier barrier_id(%barrier3A)
    %iota3A = tpu.iota {dimensions = array<i32: 0>} : vector<16xi32>
    %add3A_46 = arith.constant 16 : i32
    %add3A_47 = vector.broadcast %add3A_46 : i32 to vector<16xi32>
    %add3A_48 = arith.addi %iota3A, %add3A_47 : vector<16xi32>
    %add3A_49 = arith.constant 96 : i32
    %add3A_50 = vector.broadcast %add3A_49 : i32 to vector<16xi32>
    %add3A_51 = arith.addi %add3A_50, %iota3A : vector<16xi32>
    %add3A_52 = arith.constant 96 : i32
    %add3A_53 = vector.broadcast %add3A_52 : i32 to vector<16xi32>
    %add3A_54 = arith.addi %add3A_53, %iota3A : vector<16xi32>
    %add3A_55 = arith.constant 16 : i32
    %add3A_56 = vector.broadcast %add3A_55 : i32 to vector<16xi32>
    %add3A_57 = arith.addi %add3A_54, %add3A_56 : vector<16xi32>
    %add3A_58 = arith.constant 129 : i32
    %add3A_59 = vector.broadcast %add3A_58 : i32 to vector<16xi32>
    %add3A_60 = arith.addi %add3A_59, %iota3A : vector<16xi32>
    %add3A_61 = arith.constant 129 : i32
    %add3A_62 = vector.broadcast %add3A_61 : i32 to vector<16xi32>
    %add3A_63 = arith.addi %add3A_62, %iota3A : vector<16xi32>
    %add3A_64 = arith.constant 16 : i32
    %add3A_65 = vector.broadcast %add3A_64 : i32 to vector<16xi32>
    %add3A_66 = arith.addi %add3A_63, %add3A_65 : vector<16xi32>
    %add3A_67 = arith.constant 162 : i32
    %add3A_68 = vector.broadcast %add3A_67 : i32 to vector<16xi32>
    %add3A_69 = arith.addi %add3A_68, %iota3A : vector<16xi32>
    %add3A_70 = arith.constant 162 : i32
    %add3A_71 = vector.broadcast %add3A_70 : i32 to vector<16xi32>
    %add3A_72 = arith.addi %add3A_71, %iota3A : vector<16xi32>
    %add3A_73 = arith.constant 16 : i32
    %add3A_74 = vector.broadcast %add3A_73 : i32 to vector<16xi32>
    %add3A_75 = arith.addi %add3A_72, %add3A_74 : vector<16xi32>
    %add3A_76 = arith.constant 195 : i32
    %add3A_77 = vector.broadcast %add3A_76 : i32 to vector<16xi32>
    %add3A_78 = arith.addi %add3A_77, %iota3A : vector<16xi32>
    %add3A_79 = arith.constant 195 : i32
    %add3A_80 = vector.broadcast %add3A_79 : i32 to vector<16xi32>
    %add3A_81 = arith.addi %add3A_80, %iota3A : vector<16xi32>
    %add3A_82 = arith.constant 16 : i32
    %add3A_83 = vector.broadcast %add3A_82 : i32 to vector<16xi32>
    %add3A_84 = arith.addi %add3A_81, %add3A_83 : vector<16xi32>
    %add3A_85 = arith.constant 0 : i32
    %add3A_86 = vector.broadcast %add3A_85 : i32 to vector<16xi32>
    %add3A_87 = arith.addi %add3A_86, %iota3A : vector<16xi32>
    %add3A_88 = arith.constant 0 : i32
    %add3A_89 = vector.broadcast %add3A_88 : i32 to vector<16xi32>
    %add3A_90 = arith.addi %add3A_89, %iota3A : vector<16xi32>
    %add3A_91 = arith.constant 16 : i32
    %add3A_92 = vector.broadcast %add3A_91 : i32 to vector<16xi32>
    %add3A_93 = arith.addi %add3A_90, %add3A_92 : vector<16xi32>
    %add3A_94 = arith.constant 32 : i32
    %add3A_95 = vector.broadcast %add3A_94 : i32 to vector<16xi32>
    %add3A_96 = arith.addi %add3A_95, %iota3A : vector<16xi32>
    %add3A_97 = arith.constant 32 : i32
    %add3A_98 = vector.broadcast %add3A_97 : i32 to vector<16xi32>
    %add3A_99 = arith.addi %add3A_98, %iota3A : vector<16xi32>
    %add3A_100 = arith.constant 16 : i32
    %add3A_101 = vector.broadcast %add3A_100 : i32 to vector<16xi32>
    %add3A_102 = arith.addi %add3A_99, %add3A_101 : vector<16xi32>
    %add3A_103 = arith.constant 64 : i32
    %add3A_104 = vector.broadcast %add3A_103 : i32 to vector<16xi32>
    %add3A_105 = arith.addi %add3A_104, %iota3A : vector<16xi32>
    %add3A_106 = arith.constant 64 : i32
    %add3A_107 = vector.broadcast %add3A_106 : i32 to vector<16xi32>
    %add3A_108 = arith.addi %add3A_107, %iota3A : vector<16xi32>
    %add3A_109 = arith.constant 16 : i32
    %add3A_110 = vector.broadcast %add3A_109 : i32 to vector<16xi32>
    %add3A_111 = arith.addi %add3A_108, %add3A_110 : vector<16xi32>
    %dma_start3A_112 = arith.constant 0 : i32
    %dma_start3A_113 = tpu.memref_slice %arg26[%dma_start3A_112] : memref<512xi32, #tpu.memory_space<vmem>> -> memref<128xi32, #tpu.memory_space<vmem>>
    %dma_start3A_114 = arith.constant 0 : i32
    %dma_start3A_115 = arith.constant 0 : i32
    %dma_start3A_116 = tpu.memref_slice %arg40[%dma_start3A_114, %dma_start3A_115] : memref<1001x32xf32, #tpu.memory_space<vmem_shared>> -> memref<1001x32xf32, #tpu.memory_space<vmem_shared>>
    tpu.enqueue_indirect_dma source(%dma_start3A_116 : memref<1001x32xf32, #tpu.memory_space<vmem_shared>>) target(%arg34 : memref<128x32xf32, #tpu.memory_space<vmem>>) offsets(%dma_start3A_113 : memref<128xi32, #tpu.memory_space<vmem>>) semaphore(%arg44 : memref<!tpu.dma_semaphore, #tpu.memory_space<semaphore_mem>>)
    %dma_start3A_117 = arith.constant 0 : i32
    %dma_start3A_118 = tpu.memref_slice %arg27[%dma_start3A_117] : memref<512xi32, #tpu.memory_space<vmem>> -> memref<128xi32, #tpu.memory_space<vmem>>
    %dma_start3A_119 = arith.constant 0 : i32
    %dma_start3A_120 = arith.constant 0 : i32
    %dma_start3A_121 = tpu.memref_slice %arg41[%dma_start3A_119, %dma_start3A_120] : memref<1001x32xf32, #tpu.memory_space<vmem_shared>> -> memref<1001x32xf32, #tpu.memory_space<vmem_shared>>
    tpu.enqueue_indirect_dma source(%dma_start3A_121 : memref<1001x32xf32, #tpu.memory_space<vmem_shared>>) target(%arg35 : memref<128x32xf32, #tpu.memory_space<vmem>>) offsets(%dma_start3A_118 : memref<128xi32, #tpu.memory_space<vmem>>) semaphore(%arg44 : memref<!tpu.dma_semaphore, #tpu.memory_space<semaphore_mem>>)
    %dma_start3A_122 = arith.constant 0 : i32
    %dma_start3A_123 = tpu.memref_slice %arg28[%dma_start3A_122] : memref<512xi32, #tpu.memory_space<vmem>> -> memref<128xi32, #tpu.memory_space<vmem>>
    %dma_start3A_124 = arith.constant 0 : i32
    %dma_start3A_125 = arith.constant 0 : i32
    %dma_start3A_126 = tpu.memref_slice %arg42[%dma_start3A_124, %dma_start3A_125] : memref<1001x32xf32, #tpu.memory_space<vmem_shared>> -> memref<1001x32xf32, #tpu.memory_space<vmem_shared>>
    tpu.enqueue_indirect_dma source(%dma_start3A_126 : memref<1001x32xf32, #tpu.memory_space<vmem_shared>>) target(%arg36 : memref<128x32xf32, #tpu.memory_space<vmem>>) offsets(%dma_start3A_123 : memref<128xi32, #tpu.memory_space<vmem>>) semaphore(%arg44 : memref<!tpu.dma_semaphore, #tpu.memory_space<semaphore_mem>>)
    %dma_start3A_127 = arith.constant 0 : i32
    %dma_start3A_128 = tpu.memref_slice %arg29[%dma_start3A_127] : memref<512xi32, #tpu.memory_space<vmem>> -> memref<128xi32, #tpu.memory_space<vmem>>
    %dma_start3A_129 = arith.constant 0 : i32
    %dma_start3A_130 = arith.constant 0 : i32
    %dma_start3A_131 = tpu.memref_slice %arg43[%dma_start3A_129, %dma_start3A_130] : memref<1001x32xf32, #tpu.memory_space<vmem_shared>> -> memref<1001x32xf32, #tpu.memory_space<vmem_shared>>
    tpu.enqueue_indirect_dma source(%dma_start3A_131 : memref<1001x32xf32, #tpu.memory_space<vmem_shared>>) target(%arg37 : memref<128x32xf32, #tpu.memory_space<vmem>>) offsets(%dma_start3A_128 : memref<128xi32, #tpu.memory_space<vmem>>) semaphore(%arg44 : memref<!tpu.dma_semaphore, #tpu.memory_space<semaphore_mem>>)
    %parallel_loop3A = arith.constant 0 : i32
    %parallel_loop3A_132 = arith.constant 8 : i32
    %parallel_loop3A_133 = arith.constant 1 : i32
    "tpu.trace_start"() <{level = 10 : i32, message = "norm"}> : () -> ()
    scf.for %parallel_loop3A_333 = %parallel_loop3A to %parallel_loop3A_132 step %parallel_loop3A_133  : i32 {
      %parallel_loop3A_334 = arith.constant 16 : i32
      %parallel_loop3A_335 = arith.muli %parallel_loop3A_333, %parallel_loop3A_334 : i32
      %parallel_loop3A_336 = vector.broadcast %parallel_loop3A_335 : i32 to vector<16xi32>
      %parallel_loop3A_337 = arith.addi %iota3A, %parallel_loop3A_336 : vector<16xi32>
      %parallel_loop3A_338 = arith.constant 16 : i32
      %parallel_loop3A_339 = arith.muli %parallel_loop3A_333, %parallel_loop3A_338 : i32
      %parallel_loop3A_340 = arith.constant 0 : i32
      %parallel_loop3A_341 = arith.addi %parallel_loop3A_340, %parallel_loop3A_339 : i32
      %parallel_loop3A_342 = arith.index_cast %parallel_loop3A_341 : i32 to index
      %parallel_loop3A_343 = tpu.vector_load %arg21[%parallel_loop3A_342] {strides = array<i32>} : memref<512xf32, #tpu.memory_space<vmem>>, vector<16xf32>,
      %parallel_loop3A_344 = arith.constant 5.000000e-01 : f32
      %parallel_loop3A_345 = vector.broadcast %parallel_loop3A_344 : f32 to vector<16xf32>
      %parallel_loop3A_346 = arith.subf %parallel_loop3A_343, %parallel_loop3A_345 : vector<16xf32>
      %parallel_loop3A_347 = arith.constant 0.288675308 : f32
      %parallel_loop3A_348 = vector.broadcast %parallel_loop3A_347 : f32 to vector<16xf32>
      %parallel_loop3A_349 = arith.divf %parallel_loop3A_346, %parallel_loop3A_348 : vector<16xf32>
      %parallel_loop3A_350 = arith.constant 128 : i32
      %parallel_loop3A_351 = vector.broadcast %parallel_loop3A_350 : i32 to vector<16xi32>
      tpu.vector_store_idx %arg30[%parallel_loop3A_337, %parallel_loop3A_351], %parallel_loop3A_349 : memref<128x232xf32, #tpu.memory_space<vmem>>[vector<16xi32>, vector<16xi32>], vector<16xf32>,
      %parallel_loop3A_352 = arith.constant 16 : i32
      %parallel_loop3A_353 = arith.muli %parallel_loop3A_333, %parallel_loop3A_352 : i32
      %parallel_loop3A_354 = arith.constant 0 : i32
      %parallel_loop3A_355 = arith.addi %parallel_loop3A_354, %parallel_loop3A_353 : i32
      %parallel_loop3A_356 = arith.index_cast %parallel_loop3A_355 : i32 to index
      %parallel_loop3A_357 = tpu.vector_load %arg22[%parallel_loop3A_356] {strides = array<i32>} : memref<512xf32, #tpu.memory_space<vmem>>, vector<16xf32>,
      %parallel_loop3A_358 = arith.constant 5.000000e-01 : f32
      %parallel_loop3A_359 = vector.broadcast %parallel_loop3A_358 : f32 to vector<16xf32>
      %parallel_loop3A_360 = arith.subf %parallel_loop3A_357, %parallel_loop3A_359 : vector<16xf32>
      %parallel_loop3A_361 = arith.constant 0.288675308 : f32
      %parallel_loop3A_362 = vector.broadcast %parallel_loop3A_361 : f32 to vector<16xf32>
      %parallel_loop3A_363 = arith.divf %parallel_loop3A_360, %parallel_loop3A_362 : vector<16xf32>
      %parallel_loop3A_364 = arith.constant 161 : i32
      %parallel_loop3A_365 = vector.broadcast %parallel_loop3A_364 : i32 to vector<16xi32>
      tpu.vector_store_idx %arg30[%parallel_loop3A_337, %parallel_loop3A_365], %parallel_loop3A_363 : memref<128x232xf32, #tpu.memory_space<vmem>>[vector<16xi32>, vector<16xi32>], vector<16xf32>,
      %parallel_loop3A_366 = arith.constant 16 : i32
      %parallel_loop3A_367 = arith.muli %parallel_loop3A_333, %parallel_loop3A_366 : i32
      %parallel_loop3A_368 = arith.constant 0 : i32
      %parallel_loop3A_369 = arith.addi %parallel_loop3A_368, %parallel_loop3A_367 : i32
      %parallel_loop3A_370 = arith.index_cast %parallel_loop3A_369 : i32 to index
      %parallel_loop3A_371 = tpu.vector_load %arg23[%parallel_loop3A_370] {strides = array<i32>} : memref<512xf32, #tpu.memory_space<vmem>>, vector<16xf32>,
      %parallel_loop3A_372 = arith.constant 5.000000e-01 : f32
      %parallel_loop3A_373 = vector.broadcast %parallel_loop3A_372 : f32 to vector<16xf32>
      %parallel_loop3A_374 = arith.subf %parallel_loop3A_371, %parallel_loop3A_373 : vector<16xf32>
      %parallel_loop3A_375 = arith.constant 0.288675308 : f32
      %parallel_loop3A_376 = vector.broadcast %parallel_loop3A_375 : f32 to vector<16xf32>
      %parallel_loop3A_377 = arith.divf %parallel_loop3A_374, %parallel_loop3A_376 : vector<16xf32>
      %parallel_loop3A_378 = arith.constant 194 : i32
      %parallel_loop3A_379 = vector.broadcast %parallel_loop3A_378 : i32 to vector<16xi32>
      tpu.vector_store_idx %arg30[%parallel_loop3A_337, %parallel_loop3A_379], %parallel_loop3A_377 : memref<128x232xf32, #tpu.memory_space<vmem>>[vector<16xi32>, vector<16xi32>], vector<16xf32>,
      %parallel_loop3A_380 = arith.constant 16 : i32
      %parallel_loop3A_381 = arith.muli %parallel_loop3A_333, %parallel_loop3A_380 : i32
      %parallel_loop3A_382 = arith.constant 0 : i32
      %parallel_loop3A_383 = arith.addi %parallel_loop3A_382, %parallel_loop3A_381 : i32
      %parallel_loop3A_384 = arith.index_cast %parallel_loop3A_383 : i32 to index
      %parallel_loop3A_385 = tpu.vector_load %arg24[%parallel_loop3A_384] {strides = array<i32>} : memref<512xf32, #tpu.memory_space<vmem>>, vector<16xf32>,
      %parallel_loop3A_386 = arith.constant 5.000000e-01 : f32
      %parallel_loop3A_387 = vector.broadcast %parallel_loop3A_386 : f32 to vector<16xf32>
      %parallel_loop3A_388 = arith.subf %parallel_loop3A_385, %parallel_loop3A_387 : vector<16xf32>
      %parallel_loop3A_389 = arith.constant 0.288675308 : f32
      %parallel_loop3A_390 = vector.broadcast %parallel_loop3A_389 : f32 to vector<16xf32>
      %parallel_loop3A_391 = arith.divf %parallel_loop3A_388, %parallel_loop3A_390 : vector<16xf32>
      %parallel_loop3A_392 = arith.constant 227 : i32
      %parallel_loop3A_393 = vector.broadcast %parallel_loop3A_392 : i32 to vector<16xi32>
      tpu.vector_store_idx %arg30[%parallel_loop3A_337, %parallel_loop3A_393], %parallel_loop3A_391 : memref<128x232xf32, #tpu.memory_space<vmem>>[vector<16xi32>, vector<16xi32>], vector<16xf32>,
    } {sc.loop_unroll_factor = 2 : i64, sc.parallel_access}
    "tpu.trace_stop"() : () -> ()
    "tpu.trace_start"() <{level = 10 : i32, message = "gather_wait"}> : () -> ()
    %dma_wait3A_134 = arith.constant 0 : i32
    %dma_wait3A_135 = tpu.memref_slice %arg26[%dma_wait3A_134] : memref<512xi32, #tpu.memory_space<vmem>> -> memref<128xi32, #tpu.memory_space<vmem>>
    %dma_wait3A_136 = arith.constant 0 : i32
    %dma_wait3A_137 = arith.constant 0 : i32
    %dma_wait3A_138 = tpu.memref_slice %arg40[%dma_wait3A_136, %dma_wait3A_137] : memref<1001x32xf32, #tpu.memory_space<vmem_shared>> -> memref<1001x32xf32, #tpu.memory_space<vmem_shared>>
    tpu.wait_indirect_dma semaphore(%arg44 : memref<!tpu.dma_semaphore, #tpu.memory_space<semaphore_mem>>) src(%dma_wait3A_138 : memref<1001x32xf32, #tpu.memory_space<vmem_shared>>) dst(%arg34 : memref<128x32xf32, #tpu.memory_space<vmem>>)
    %dma_wait3A_139 = arith.constant 0 : i32
    %dma_wait3A_140 = tpu.memref_slice %arg27[%dma_wait3A_139] : memref<512xi32, #tpu.memory_space<vmem>> -> memref<128xi32, #tpu.memory_space<vmem>>
    %dma_wait3A_141 = arith.constant 0 : i32
    %dma_wait3A_142 = arith.constant 0 : i32
    %dma_wait3A_143 = tpu.memref_slice %arg41[%dma_wait3A_141, %dma_wait3A_142] : memref<1001x32xf32, #tpu.memory_space<vmem_shared>> -> memref<1001x32xf32, #tpu.memory_space<vmem_shared>>
    tpu.wait_indirect_dma semaphore(%arg44 : memref<!tpu.dma_semaphore, #tpu.memory_space<semaphore_mem>>) src(%dma_wait3A_143 : memref<1001x32xf32, #tpu.memory_space<vmem_shared>>) dst(%arg35 : memref<128x32xf32, #tpu.memory_space<vmem>>)
    %dma_wait3A_144 = arith.constant 0 : i32
    %dma_wait3A_145 = tpu.memref_slice %arg28[%dma_wait3A_144] : memref<512xi32, #tpu.memory_space<vmem>> -> memref<128xi32, #tpu.memory_space<vmem>>
    %dma_wait3A_146 = arith.constant 0 : i32
    %dma_wait3A_147 = arith.constant 0 : i32
    %dma_wait3A_148 = tpu.memref_slice %arg42[%dma_wait3A_146, %dma_wait3A_147] : memref<1001x32xf32, #tpu.memory_space<vmem_shared>> -> memref<1001x32xf32, #tpu.memory_space<vmem_shared>>
    tpu.wait_indirect_dma semaphore(%arg44 : memref<!tpu.dma_semaphore, #tpu.memory_space<semaphore_mem>>) src(%dma_wait3A_148 : memref<1001x32xf32, #tpu.memory_space<vmem_shared>>) dst(%arg36 : memref<128x32xf32, #tpu.memory_space<vmem>>)
    %dma_wait3A_149 = arith.constant 0 : i32
    %dma_wait3A_150 = tpu.memref_slice %arg29[%dma_wait3A_149] : memref<512xi32, #tpu.memory_space<vmem>> -> memref<128xi32, #tpu.memory_space<vmem>>
    %dma_wait3A_151 = arith.constant 0 : i32
    %dma_wait3A_152 = arith.constant 0 : i32
    %dma_wait3A_153 = tpu.memref_slice %arg43[%dma_wait3A_151, %dma_wait3A_152] : memref<1001x32xf32, #tpu.memory_space<vmem_shared>> -> memref<1001x32xf32, #tpu.memory_space<vmem_shared>>
    tpu.wait_indirect_dma semaphore(%arg44 : memref<!tpu.dma_semaphore, #tpu.memory_space<semaphore_mem>>) src(%dma_wait3A_153 : memref<1001x32xf32, #tpu.memory_space<vmem_shared>>) dst(%arg37 : memref<128x32xf32, #tpu.memory_space<vmem>>)
    %dma_wait3A_154 = arith.constant 0 : i32
    %dma_wait3A_155 = tpu.memref_slice %arg18[%dma_wait3A_154] : memref<512xi32, #tpu.memory_space<vmem>> -> memref<128xi32, #tpu.memory_space<vmem>>
    %dma_wait3A_156 = arith.constant 0 : i32
    %dma_wait3A_157 = arith.constant 0 : i32
    %dma_wait3A_158 = tpu.memref_slice %arg9[%dma_wait3A_156, %dma_wait3A_157] : memref<1000000x128xf32, #tpu.memory_space<hbm>> -> memref<1000000x128xf32, #tpu.memory_space<hbm>>
    tpu.wait_indirect_dma semaphore(%arg45 : memref<!tpu.dma_semaphore, #tpu.memory_space<semaphore_mem>>) src(%dma_wait3A_158 : memref<1000000x128xf32, #tpu.memory_space<hbm>>) dst(%arg31 : memref<128x128xf32, #tpu.memory_space<vmem>>)
    "tpu.trace_stop"() : () -> ()
    %dma_start3A_159 = arith.constant 256 : i32
    %dma_start3A_160 = tpu.memref_slice %arg18[%dma_start3A_159] : memref<512xi32, #tpu.memory_space<vmem>> -> memref<128xi32, #tpu.memory_space<vmem>>
    %dma_start3A_161 = arith.constant 0 : i32
    %dma_start3A_162 = arith.constant 0 : i32
    %dma_start3A_163 = tpu.memref_slice %arg9[%dma_start3A_161, %dma_start3A_162] : memref<1000000x128xf32, #tpu.memory_space<hbm>> -> memref<1000000x128xf32, #tpu.memory_space<hbm>>
    tpu.enqueue_indirect_dma source(%dma_start3A_163 : memref<1000000x128xf32, #tpu.memory_space<hbm>>) target(%arg33 : memref<128x128xf32, #tpu.memory_space<vmem>>) offsets(%dma_start3A_160 : memref<128xi32, #tpu.memory_space<vmem>>) semaphore(%arg47 : memref<!tpu.dma_semaphore, #tpu.memory_space<semaphore_mem>>)
    %parallel_loop3A_164 = arith.constant 0 : i32
    %parallel_loop3A_165 = arith.constant 128 : i32
    %parallel_loop3A_166 = arith.constant 1 : i32
    "tpu.trace_start"() <{level = 10 : i32, message = "asm"}> : () -> ()
    scf.for %parallel_loop3A_333 = %parallel_loop3A_164 to %parallel_loop3A_165 step %parallel_loop3A_166  : i32 {
      %parallel_loop3A_334 = vector.broadcast %parallel_loop3A_333 : i32 to vector<16xi32>
      %parallel_loop3A_335 = arith.constant 0 : i32
      %parallel_loop3A_336 = vector.broadcast %parallel_loop3A_335 : i32 to vector<16xi32>
      %parallel_loop3A_337 = arith.addi %parallel_loop3A_334, %parallel_loop3A_336 : vector<16xi32>
      %parallel_loop3A_338 = tpu.vector_load_idx %arg31[%parallel_loop3A_334, %iota3A] : memref<128x128xf32, #tpu.memory_space<vmem>>[vector<16xi32>, vector<16xi32>], vector<16xf32>,
      tpu.vector_store_idx %arg30[%parallel_loop3A_334, %add3A_87], %parallel_loop3A_338 : memref<128x232xf32, #tpu.memory_space<vmem>>[vector<16xi32>, vector<16xi32>], vector<16xf32>,
      %parallel_loop3A_339 = tpu.vector_load_idx %arg31[%parallel_loop3A_334, %add3A_48] : memref<128x128xf32, #tpu.memory_space<vmem>>[vector<16xi32>, vector<16xi32>], vector<16xf32>,
      tpu.vector_store_idx %arg30[%parallel_loop3A_334, %add3A_93], %parallel_loop3A_339 : memref<128x232xf32, #tpu.memory_space<vmem>>[vector<16xi32>, vector<16xi32>], vector<16xf32>,
      %parallel_loop3A_340 = tpu.vector_load_idx %arg19[%parallel_loop3A_337] : memref<512xi32, #tpu.memory_space<vmem>>[vector<16xi32>], vector<16xi32>,
      %parallel_loop3A_341 = tpu.vector_load_idx %arg38[%parallel_loop3A_340, %iota3A] : memref<3x32xf32, #tpu.memory_space<vmem>>[vector<16xi32>, vector<16xi32>], vector<16xf32>,
      tpu.vector_store_idx %arg30[%parallel_loop3A_334, %add3A_96], %parallel_loop3A_341 : memref<128x232xf32, #tpu.memory_space<vmem>>[vector<16xi32>, vector<16xi32>], vector<16xf32>,
      %parallel_loop3A_342 = tpu.vector_load_idx %arg38[%parallel_loop3A_340, %add3A_48] : memref<3x32xf32, #tpu.memory_space<vmem>>[vector<16xi32>, vector<16xi32>], vector<16xf32>,
      tpu.vector_store_idx %arg30[%parallel_loop3A_334, %add3A_102], %parallel_loop3A_342 : memref<128x232xf32, #tpu.memory_space<vmem>>[vector<16xi32>, vector<16xi32>], vector<16xf32>,
      %parallel_loop3A_343 = tpu.vector_load_idx %arg20[%parallel_loop3A_337] : memref<512xi32, #tpu.memory_space<vmem>>[vector<16xi32>], vector<16xi32>,
      %parallel_loop3A_344 = tpu.vector_load_idx %arg39[%parallel_loop3A_343, %iota3A] : memref<8x32xf32, #tpu.memory_space<vmem>>[vector<16xi32>, vector<16xi32>], vector<16xf32>,
      tpu.vector_store_idx %arg30[%parallel_loop3A_334, %add3A_105], %parallel_loop3A_344 : memref<128x232xf32, #tpu.memory_space<vmem>>[vector<16xi32>, vector<16xi32>], vector<16xf32>,
      %parallel_loop3A_345 = tpu.vector_load_idx %arg39[%parallel_loop3A_343, %add3A_48] : memref<8x32xf32, #tpu.memory_space<vmem>>[vector<16xi32>, vector<16xi32>], vector<16xf32>,
      tpu.vector_store_idx %arg30[%parallel_loop3A_334, %add3A_111], %parallel_loop3A_345 : memref<128x232xf32, #tpu.memory_space<vmem>>[vector<16xi32>, vector<16xi32>], vector<16xf32>,
      %parallel_loop3A_346 = tpu.vector_load_idx %arg34[%parallel_loop3A_334, %iota3A] : memref<128x32xf32, #tpu.memory_space<vmem>>[vector<16xi32>, vector<16xi32>], vector<16xf32>,
      tpu.vector_store_idx %arg30[%parallel_loop3A_334, %add3A_51], %parallel_loop3A_346 : memref<128x232xf32, #tpu.memory_space<vmem>>[vector<16xi32>, vector<16xi32>], vector<16xf32>,
      %parallel_loop3A_347 = tpu.vector_load_idx %arg34[%parallel_loop3A_334, %add3A_48] : memref<128x32xf32, #tpu.memory_space<vmem>>[vector<16xi32>, vector<16xi32>], vector<16xf32>,
      tpu.vector_store_idx %arg30[%parallel_loop3A_334, %add3A_57], %parallel_loop3A_347 : memref<128x232xf32, #tpu.memory_space<vmem>>[vector<16xi32>, vector<16xi32>], vector<16xf32>,
      %parallel_loop3A_348 = tpu.vector_load_idx %arg35[%parallel_loop3A_334, %iota3A] : memref<128x32xf32, #tpu.memory_space<vmem>>[vector<16xi32>, vector<16xi32>], vector<16xf32>,
      tpu.vector_store_idx %arg30[%parallel_loop3A_334, %add3A_60], %parallel_loop3A_348 : memref<128x232xf32, #tpu.memory_space<vmem>>[vector<16xi32>, vector<16xi32>], vector<16xf32>,
      %parallel_loop3A_349 = tpu.vector_load_idx %arg35[%parallel_loop3A_334, %add3A_48] : memref<128x32xf32, #tpu.memory_space<vmem>>[vector<16xi32>, vector<16xi32>], vector<16xf32>,
      tpu.vector_store_idx %arg30[%parallel_loop3A_334, %add3A_66], %parallel_loop3A_349 : memref<128x232xf32, #tpu.memory_space<vmem>>[vector<16xi32>, vector<16xi32>], vector<16xf32>,
      %parallel_loop3A_350 = tpu.vector_load_idx %arg36[%parallel_loop3A_334, %iota3A] : memref<128x32xf32, #tpu.memory_space<vmem>>[vector<16xi32>, vector<16xi32>], vector<16xf32>,
      tpu.vector_store_idx %arg30[%parallel_loop3A_334, %add3A_69], %parallel_loop3A_350 : memref<128x232xf32, #tpu.memory_space<vmem>>[vector<16xi32>, vector<16xi32>], vector<16xf32>,
      %parallel_loop3A_351 = tpu.vector_load_idx %arg36[%parallel_loop3A_334, %add3A_48] : memref<128x32xf32, #tpu.memory_space<vmem>>[vector<16xi32>, vector<16xi32>], vector<16xf32>,
      tpu.vector_store_idx %arg30[%parallel_loop3A_334, %add3A_75], %parallel_loop3A_351 : memref<128x232xf32, #tpu.memory_space<vmem>>[vector<16xi32>, vector<16xi32>], vector<16xf32>,
      %parallel_loop3A_352 = tpu.vector_load_idx %arg37[%parallel_loop3A_334, %iota3A] : memref<128x32xf32, #tpu.memory_space<vmem>>[vector<16xi32>, vector<16xi32>], vector<16xf32>,
      tpu.vector_store_idx %arg30[%parallel_loop3A_334, %add3A_78], %parallel_loop3A_352 : memref<128x232xf32, #tpu.memory_space<vmem>>[vector<16xi32>, vector<16xi32>], vector<16xf32>,
      %parallel_loop3A_353 = tpu.vector_load_idx %arg37[%parallel_loop3A_334, %add3A_48] : memref<128x32xf32, #tpu.memory_space<vmem>>[vector<16xi32>, vector<16xi32>], vector<16xf32>,
      tpu.vector_store_idx %arg30[%parallel_loop3A_334, %add3A_84], %parallel_loop3A_353 : memref<128x232xf32, #tpu.memory_space<vmem>>[vector<16xi32>, vector<16xi32>], vector<16xf32>,
    } {sc.loop_unroll_factor = 8 : i64, sc.parallel_access}
    "tpu.trace_stop"() : () -> ()
    "tpu.trace_start"() <{level = 10 : i32, message = "out_write"}> : () -> ()
    %add3A_167 = arith.constant 0 : i32
    %add3A_168 = arith.addi %mul3A_2, %add3A_167 : i32
    "tpu.region"() ({
      %run_scoped3A = tpu.sem_alloc : memref<!tpu.dma_semaphore, #tpu.memory_space<semaphore_mem>>
      %dma_start3A_333 = arith.constant 0 : i32
      %dma_start3A_334 = tpu.memref_slice %arg17[%add3A_168, %dma_start3A_333] : memref<16384x232xf32, #tpu.memory_space<hbm>> -> memref<128x232xf32, #tpu.memory_space<hbm>>
      %dma_start3A_335 = arith.constant 0 : i32
      %dma_start3A_336 = tpu.memref_slice %arg17[%add3A_168, %dma_start3A_335] : memref<16384x232xf32, #tpu.memory_space<hbm>> -> memref<128x232xf32, #tpu.memory_space<hbm>>
      tpu.enqueue_dma source(%arg30 : memref<128x232xf32, #tpu.memory_space<vmem>>) target(%dma_start3A_336 : memref<128x232xf32, #tpu.memory_space<hbm>>) target_semaphore(%run_scoped3A : memref<!tpu.dma_semaphore, #tpu.memory_space<semaphore_mem>>)
      %dma_wait3A_337 = arith.constant 0 : i32
      %dma_wait3A_338 = tpu.memref_slice %arg17[%add3A_168, %dma_wait3A_337] : memref<16384x232xf32, #tpu.memory_space<hbm>> -> memref<128x232xf32, #tpu.memory_space<hbm>>
      %dma_wait3A_339 = arith.constant 0 : i32
      %dma_wait3A_340 = tpu.memref_slice %arg17[%add3A_168, %dma_wait3A_339] : memref<16384x232xf32, #tpu.memory_space<hbm>> -> memref<128x232xf32, #tpu.memory_space<hbm>>
      tpu.wait_dma2 semaphore(%run_scoped3A : memref<!tpu.dma_semaphore, #tpu.memory_space<semaphore_mem>>) src(%arg30 : memref<128x232xf32, #tpu.memory_space<vmem>>) dst(%dma_wait3A_340 : memref<128x232xf32, #tpu.memory_space<hbm>>)
      tpu.yield
    }) : () -> ()
    "tpu.trace_stop"() : () -> ()
    %dma_start3A_169 = arith.constant 128 : i32
    %dma_start3A_170 = tpu.memref_slice %arg26[%dma_start3A_169] : memref<512xi32, #tpu.memory_space<vmem>> -> memref<128xi32, #tpu.memory_space<vmem>>
    %dma_start3A_171 = arith.constant 0 : i32
    %dma_start3A_172 = arith.constant 0 : i32
    %dma_start3A_173 = tpu.memref_slice %arg40[%dma_start3A_171, %dma_start3A_172] : memref<1001x32xf32, #tpu.memory_space<vmem_shared>> -> memref<1001x32xf32, #tpu.memory_space<vmem_shared>>
    tpu.enqueue_indirect_dma source(%dma_start3A_173 : memref<1001x32xf32, #tpu.memory_space<vmem_shared>>) target(%arg34 : memref<128x32xf32, #tpu.memory_space<vmem>>) offsets(%dma_start3A_170 : memref<128xi32, #tpu.memory_space<vmem>>) semaphore(%arg44 : memref<!tpu.dma_semaphore, #tpu.memory_space<semaphore_mem>>)
    %dma_start3A_174 = arith.constant 128 : i32
    %dma_start3A_175 = tpu.memref_slice %arg27[%dma_start3A_174] : memref<512xi32, #tpu.memory_space<vmem>> -> memref<128xi32, #tpu.memory_space<vmem>>
    %dma_start3A_176 = arith.constant 0 : i32
    %dma_start3A_177 = arith.constant 0 : i32
    %dma_start3A_178 = tpu.memref_slice %arg41[%dma_start3A_176, %dma_start3A_177] : memref<1001x32xf32, #tpu.memory_space<vmem_shared>> -> memref<1001x32xf32, #tpu.memory_space<vmem_shared>>
    tpu.enqueue_indirect_dma source(%dma_start3A_178 : memref<1001x32xf32, #tpu.memory_space<vmem_shared>>) target(%arg35 : memref<128x32xf32, #tpu.memory_space<vmem>>) offsets(%dma_start3A_175 : memref<128xi32, #tpu.memory_space<vmem>>) semaphore(%arg44 : memref<!tpu.dma_semaphore, #tpu.memory_space<semaphore_mem>>)
    %dma_start3A_179 = arith.constant 128 : i32
    %dma_start3A_180 = tpu.memref_slice %arg28[%dma_start3A_179] : memref<512xi32, #tpu.memory_space<vmem>> -> memref<128xi32, #tpu.memory_space<vmem>>
    %dma_start3A_181 = arith.constant 0 : i32
    %dma_start3A_182 = arith.constant 0 : i32
    %dma_start3A_183 = tpu.memref_slice %arg42[%dma_start3A_181, %dma_start3A_182] : memref<1001x32xf32, #tpu.memory_space<vmem_shared>> -> memref<1001x32xf32, #tpu.memory_space<vmem_shared>>
    tpu.enqueue_indirect_dma source(%dma_start3A_183 : memref<1001x32xf32, #tpu.memory_space<vmem_shared>>) target(%arg36 : memref<128x32xf32, #tpu.memory_space<vmem>>) offsets(%dma_start3A_180 : memref<128xi32, #tpu.memory_space<vmem>>) semaphore(%arg44 : memref<!tpu.dma_semaphore, #tpu.memory_space<semaphore_mem>>)
    %dma_start3A_184 = arith.constant 128 : i32
    %dma_start3A_185 = tpu.memref_slice %arg29[%dma_start3A_184] : memref<512xi32, #tpu.memory_space<vmem>> -> memref<128xi32, #tpu.memory_space<vmem>>
    %dma_start3A_186 = arith.constant 0 : i32
    %dma_start3A_187 = arith.constant 0 : i32
    %dma_start3A_188 = tpu.memref_slice %arg43[%dma_start3A_186, %dma_start3A_187] : memref<1001x32xf32, #tpu.memory_space<vmem_shared>> -> memref<1001x32xf32, #tpu.memory_space<vmem_shared>>
    tpu.enqueue_indirect_dma source(%dma_start3A_188 : memref<1001x32xf32, #tpu.memory_space<vmem_shared>>) target(%arg37 : memref<128x32xf32, #tpu.memory_space<vmem>>) offsets(%dma_start3A_185 : memref<128xi32, #tpu.memory_space<vmem>>) semaphore(%arg44 : memref<!tpu.dma_semaphore, #tpu.memory_space<semaphore_mem>>)
    %parallel_loop3A_189 = arith.constant 0 : i32
    %parallel_loop3A_190 = arith.constant 8 : i32
    %parallel_loop3A_191 = arith.constant 1 : i32
    "tpu.trace_start"() <{level = 10 : i32, message = "norm"}> : () -> ()
    scf.for %parallel_loop3A_333 = %parallel_loop3A_189 to %parallel_loop3A_190 step %parallel_loop3A_191  : i32 {
      %parallel_loop3A_334 = arith.constant 16 : i32
      %parallel_loop3A_335 = arith.muli %parallel_loop3A_333, %parallel_loop3A_334 : i32
      %parallel_loop3A_336 = vector.broadcast %parallel_loop3A_335 : i32 to vector<16xi32>
      %parallel_loop3A_337 = arith.addi %iota3A, %parallel_loop3A_336 : vector<16xi32>
      %parallel_loop3A_338 = arith.constant 16 : i32
      %parallel_loop3A_339 = arith.muli %parallel_loop3A_333, %parallel_loop3A_338 : i32
      %parallel_loop3A_340 = arith.constant 128 : i32
      %parallel_loop3A_341 = arith.addi %parallel_loop3A_340, %parallel_loop3A_339 : i32
      %parallel_loop3A_342 = arith.index_cast %parallel_loop3A_341 : i32 to index
      %parallel_loop3A_343 = tpu.vector_load %arg21[%parallel_loop3A_342] {strides = array<i32>} : memref<512xf32, #tpu.memory_space<vmem>>, vector<16xf32>,
      %parallel_loop3A_344 = arith.constant 5.000000e-01 : f32
      %parallel_loop3A_345 = vector.broadcast %parallel_loop3A_344 : f32 to vector<16xf32>
      %parallel_loop3A_346 = arith.subf %parallel_loop3A_343, %parallel_loop3A_345 : vector<16xf32>
      %parallel_loop3A_347 = arith.constant 0.288675308 : f32
      %parallel_loop3A_348 = vector.broadcast %parallel_loop3A_347 : f32 to vector<16xf32>
      %parallel_loop3A_349 = arith.divf %parallel_loop3A_346, %parallel_loop3A_348 : vector<16xf32>
      %parallel_loop3A_350 = arith.constant 128 : i32
      %parallel_loop3A_351 = vector.broadcast %parallel_loop3A_350 : i32 to vector<16xi32>
      tpu.vector_store_idx %arg30[%parallel_loop3A_337, %parallel_loop3A_351], %parallel_loop3A_349 : memref<128x232xf32, #tpu.memory_space<vmem>>[vector<16xi32>, vector<16xi32>], vector<16xf32>,
      %parallel_loop3A_352 = arith.constant 16 : i32
      %parallel_loop3A_353 = arith.muli %parallel_loop3A_333, %parallel_loop3A_352 : i32
      %parallel_loop3A_354 = arith.constant 128 : i32
      %parallel_loop3A_355 = arith.addi %parallel_loop3A_354, %parallel_loop3A_353 : i32
      %parallel_loop3A_356 = arith.index_cast %parallel_loop3A_355 : i32 to index
      %parallel_loop3A_357 = tpu.vector_load %arg22[%parallel_loop3A_356] {strides = array<i32>} : memref<512xf32, #tpu.memory_space<vmem>>, vector<16xf32>,
      %parallel_loop3A_358 = arith.constant 5.000000e-01 : f32
      %parallel_loop3A_359 = vector.broadcast %parallel_loop3A_358 : f32 to vector<16xf32>
      %parallel_loop3A_360 = arith.subf %parallel_loop3A_357, %parallel_loop3A_359 : vector<16xf32>
      %parallel_loop3A_361 = arith.constant 0.288675308 : f32
      %parallel_loop3A_362 = vector.broadcast %parallel_loop3A_361 : f32 to vector<16xf32>
      %parallel_loop3A_363 = arith.divf %parallel_loop3A_360, %parallel_loop3A_362 : vector<16xf32>
      %parallel_loop3A_364 = arith.constant 161 : i32
      %parallel_loop3A_365 = vector.broadcast %parallel_loop3A_364 : i32 to vector<16xi32>
      tpu.vector_store_idx %arg30[%parallel_loop3A_337, %parallel_loop3A_365], %parallel_loop3A_363 : memref<128x232xf32, #tpu.memory_space<vmem>>[vector<16xi32>, vector<16xi32>], vector<16xf32>,
      %parallel_loop3A_366 = arith.constant 16 : i32
      %parallel_loop3A_367 = arith.muli %parallel_loop3A_333, %parallel_loop3A_366 : i32
      %parallel_loop3A_368 = arith.constant 128 : i32
      %parallel_loop3A_369 = arith.addi %parallel_loop3A_368, %parallel_loop3A_367 : i32
      %parallel_loop3A_370 = arith.index_cast %parallel_loop3A_369 : i32 to index
      %parallel_loop3A_371 = tpu.vector_load %arg23[%parallel_loop3A_370] {strides = array<i32>} : memref<512xf32, #tpu.memory_space<vmem>>, vector<16xf32>,
      %parallel_loop3A_372 = arith.constant 5.000000e-01 : f32
      %parallel_loop3A_373 = vector.broadcast %parallel_loop3A_372 : f32 to vector<16xf32>
      %parallel_loop3A_374 = arith.subf %parallel_loop3A_371, %parallel_loop3A_373 : vector<16xf32>
      %parallel_loop3A_375 = arith.constant 0.288675308 : f32
      %parallel_loop3A_376 = vector.broadcast %parallel_loop3A_375 : f32 to vector<16xf32>
      %parallel_loop3A_377 = arith.divf %parallel_loop3A_374, %parallel_loop3A_376 : vector<16xf32>
      %parallel_loop3A_378 = arith.constant 194 : i32
      %parallel_loop3A_379 = vector.broadcast %parallel_loop3A_378 : i32 to vector<16xi32>
      tpu.vector_store_idx %arg30[%parallel_loop3A_337, %parallel_loop3A_379], %parallel_loop3A_377 : memref<128x232xf32, #tpu.memory_space<vmem>>[vector<16xi32>, vector<16xi32>], vector<16xf32>,
      %parallel_loop3A_380 = arith.constant 16 : i32
      %parallel_loop3A_381 = arith.muli %parallel_loop3A_333, %parallel_loop3A_380 : i32
      %parallel_loop3A_382 = arith.constant 128 : i32
      %parallel_loop3A_383 = arith.addi %parallel_loop3A_382, %parallel_loop3A_381 : i32
      %parallel_loop3A_384 = arith.index_cast %parallel_loop3A_383 : i32 to index
      %parallel_loop3A_385 = tpu.vector_load %arg24[%parallel_loop3A_384] {strides = array<i32>} : memref<512xf32, #tpu.memory_space<vmem>>, vector<16xf32>,
      %parallel_loop3A_386 = arith.constant 5.000000e-01 : f32
      %parallel_loop3A_387 = vector.broadcast %parallel_loop3A_386 : f32 to vector<16xf32>
      %parallel_loop3A_388 = arith.subf %parallel_loop3A_385, %parallel_loop3A_387 : vector<16xf32>
      %parallel_loop3A_389 = arith.constant 0.288675308 : f32
      %parallel_loop3A_390 = vector.broadcast %parallel_loop3A_389 : f32 to vector<16xf32>
      %parallel_loop3A_391 = arith.divf %parallel_loop3A_388, %parallel_loop3A_390 : vector<16xf32>
      %parallel_loop3A_392 = arith.constant 227 : i32
      %parallel_loop3A_393 = vector.broadcast %parallel_loop3A_392 : i32 to vector<16xi32>
      tpu.vector_store_idx %arg30[%parallel_loop3A_337, %parallel_loop3A_393], %parallel_loop3A_391 : memref<128x232xf32, #tpu.memory_space<vmem>>[vector<16xi32>, vector<16xi32>], vector<16xf32>,
    } {sc.loop_unroll_factor = 2 : i64, sc.parallel_access}
    "tpu.trace_stop"() : () -> ()
    "tpu.trace_start"() <{level = 10 : i32, message = "gather_wait"}> : () -> ()
    %dma_wait3A_192 = arith.constant 128 : i32
    %dma_wait3A_193 = tpu.memref_slice %arg26[%dma_wait3A_192] : memref<512xi32, #tpu.memory_space<vmem>> -> memref<128xi32, #tpu.memory_space<vmem>>
    %dma_wait3A_194 = arith.constant 0 : i32
    %dma_wait3A_195 = arith.constant 0 : i32
    %dma_wait3A_196 = tpu.memref_slice %arg40[%dma_wait3A_194, %dma_wait3A_195] : memref<1001x32xf32, #tpu.memory_space<vmem_shared>> -> memref<1001x32xf32, #tpu.memory_space<vmem_shared>>
    tpu.wait_indirect_dma semaphore(%arg44 : memref<!tpu.dma_semaphore, #tpu.memory_space<semaphore_mem>>) src(%dma_wait3A_196 : memref<1001x32xf32, #tpu.memory_space<vmem_shared>>) dst(%arg34 : memref<128x32xf32, #tpu.memory_space<vmem>>)
    %dma_wait3A_197 = arith.constant 128 : i32
    %dma_wait3A_198 = tpu.memref_slice %arg27[%dma_wait3A_197] : memref<512xi32, #tpu.memory_space<vmem>> -> memref<128xi32, #tpu.memory_space<vmem>>
    %dma_wait3A_199 = arith.constant 0 : i32
    %dma_wait3A_200 = arith.constant 0 : i32
    %dma_wait3A_201 = tpu.memref_slice %arg41[%dma_wait3A_199, %dma_wait3A_200] : memref<1001x32xf32, #tpu.memory_space<vmem_shared>> -> memref<1001x32xf32, #tpu.memory_space<vmem_shared>>
    tpu.wait_indirect_dma semaphore(%arg44 : memref<!tpu.dma_semaphore, #tpu.memory_space<semaphore_mem>>) src(%dma_wait3A_201 : memref<1001x32xf32, #tpu.memory_space<vmem_shared>>) dst(%arg35 : memref<128x32xf32, #tpu.memory_space<vmem>>)
    %dma_wait3A_202 = arith.constant 128 : i32
    %dma_wait3A_203 = tpu.memref_slice %arg28[%dma_wait3A_202] : memref<512xi32, #tpu.memory_space<vmem>> -> memref<128xi32, #tpu.memory_space<vmem>>
    %dma_wait3A_204 = arith.constant 0 : i32
    %dma_wait3A_205 = arith.constant 0 : i32
    %dma_wait3A_206 = tpu.memref_slice %arg42[%dma_wait3A_204, %dma_wait3A_205] : memref<1001x32xf32, #tpu.memory_space<vmem_shared>> -> memref<1001x32xf32, #tpu.memory_space<vmem_shared>>
    tpu.wait_indirect_dma semaphore(%arg44 : memref<!tpu.dma_semaphore, #tpu.memory_space<semaphore_mem>>) src(%dma_wait3A_206 : memref<1001x32xf32, #tpu.memory_space<vmem_shared>>) dst(%arg36 : memref<128x32xf32, #tpu.memory_space<vmem>>)
    %dma_wait3A_207 = arith.constant 128 : i32
    %dma_wait3A_208 = tpu.memref_slice %arg29[%dma_wait3A_207] : memref<512xi32, #tpu.memory_space<vmem>> -> memref<128xi32, #tpu.memory_space<vmem>>
    %dma_wait3A_209 = arith.constant 0 : i32
    %dma_wait3A_210 = arith.constant 0 : i32
    %dma_wait3A_211 = tpu.memref_slice %arg43[%dma_wait3A_209, %dma_wait3A_210] : memref<1001x32xf32, #tpu.memory_space<vmem_shared>> -> memref<1001x32xf32, #tpu.memory_space<vmem_shared>>
    tpu.wait_indirect_dma semaphore(%arg44 : memref<!tpu.dma_semaphore, #tpu.memory_space<semaphore_mem>>) src(%dma_wait3A_211 : memref<1001x32xf32, #tpu.memory_space<vmem_shared>>) dst(%arg37 : memref<128x32xf32, #tpu.memory_space<vmem>>)
    %dma_wait3A_212 = arith.constant 128 : i32
    %dma_wait3A_213 = tpu.memref_slice %arg18[%dma_wait3A_212] : memref<512xi32, #tpu.memory_space<vmem>> -> memref<128xi32, #tpu.memory_space<vmem>>
    %dma_wait3A_214 = arith.constant 0 : i32
    %dma_wait3A_215 = arith.constant 0 : i32
    %dma_wait3A_216 = tpu.memref_slice %arg9[%dma_wait3A_214, %dma_wait3A_215] : memref<1000000x128xf32, #tpu.memory_space<hbm>> -> memref<1000000x128xf32, #tpu.memory_space<hbm>>
    tpu.wait_indirect_dma semaphore(%arg46 : memref<!tpu.dma_semaphore, #tpu.memory_space<semaphore_mem>>) src(%dma_wait3A_216 : memref<1000000x128xf32, #tpu.memory_space<hbm>>) dst(%arg32 : memref<128x128xf32, #tpu.memory_space<vmem>>)
    "tpu.trace_stop"() : () -> ()
    %dma_start3A_217 = arith.constant 384 : i32
    %dma_start3A_218 = tpu.memref_slice %arg18[%dma_start3A_217] : memref<512xi32, #tpu.memory_space<vmem>> -> memref<128xi32, #tpu.memory_space<vmem>>
    %dma_start3A_219 = arith.constant 0 : i32
    %dma_start3A_220 = arith.constant 0 : i32
    %dma_start3A_221 = tpu.memref_slice %arg9[%dma_start3A_219, %dma_start3A_220] : memref<1000000x128xf32, #tpu.memory_space<hbm>> -> memref<1000000x128xf32, #tpu.memory_space<hbm>>
    tpu.enqueue_indirect_dma source(%dma_start3A_221 : memref<1000000x128xf32, #tpu.memory_space<hbm>>) target(%arg31 : memref<128x128xf32, #tpu.memory_space<vmem>>) offsets(%dma_start3A_218 : memref<128xi32, #tpu.memory_space<vmem>>) semaphore(%arg45 : memref<!tpu.dma_semaphore, #tpu.memory_space<semaphore_mem>>)
    %parallel_loop3A_222 = arith.constant 0 : i32
    %parallel_loop3A_223 = arith.constant 128 : i32
    %parallel_loop3A_224 = arith.constant 1 : i32
    "tpu.trace_start"() <{level = 10 : i32, message = "asm"}> : () -> ()
    scf.for %parallel_loop3A_333 = %parallel_loop3A_222 to %parallel_loop3A_223 step %parallel_loop3A_224  : i32 {
      %parallel_loop3A_334 = vector.broadcast %parallel_loop3A_333 : i32 to vector<16xi32>
      %parallel_loop3A_335 = arith.constant 128 : i32
      %parallel_loop3A_336 = vector.broadcast %parallel_loop3A_335 : i32 to vector<16xi32>
      %parallel_loop3A_337 = arith.addi %parallel_loop3A_334, %parallel_loop3A_336 : vector<16xi32>
      %parallel_loop3A_338 = tpu.vector_load_idx %arg32[%parallel_loop3A_334, %iota3A] : memref<128x128xf32, #tpu.memory_space<vmem>>[vector<16xi32>, vector<16xi32>], vector<16xf32>,
      tpu.vector_store_idx %arg30[%parallel_loop3A_334, %add3A_87], %parallel_loop3A_338 : memref<128x232xf32, #tpu.memory_space<vmem>>[vector<16xi32>, vector<16xi32>], vector<16xf32>,
      %parallel_loop3A_339 = tpu.vector_load_idx %arg32[%parallel_loop3A_334, %add3A_48] : memref<128x128xf32, #tpu.memory_space<vmem>>[vector<16xi32>, vector<16xi32>], vector<16xf32>,
      tpu.vector_store_idx %arg30[%parallel_loop3A_334, %add3A_93], %parallel_loop3A_339 : memref<128x232xf32, #tpu.memory_space<vmem>>[vector<16xi32>, vector<16xi32>], vector<16xf32>,
      %parallel_loop3A_340 = tpu.vector_load_idx %arg19[%parallel_loop3A_337] : memref<512xi32, #tpu.memory_space<vmem>>[vector<16xi32>], vector<16xi32>,
      %parallel_loop3A_341 = tpu.vector_load_idx %arg38[%parallel_loop3A_340, %iota3A] : memref<3x32xf32, #tpu.memory_space<vmem>>[vector<16xi32>, vector<16xi32>], vector<16xf32>,
      tpu.vector_store_idx %arg30[%parallel_loop3A_334, %add3A_96], %parallel_loop3A_341 : memref<128x232xf32, #tpu.memory_space<vmem>>[vector<16xi32>, vector<16xi32>], vector<16xf32>,
      %parallel_loop3A_342 = tpu.vector_load_idx %arg38[%parallel_loop3A_340, %add3A_48] : memref<3x32xf32, #tpu.memory_space<vmem>>[vector<16xi32>, vector<16xi32>], vector<16xf32>,
      tpu.vector_store_idx %arg30[%parallel_loop3A_334, %add3A_102], %parallel_loop3A_342 : memref<128x232xf32, #tpu.memory_space<vmem>>[vector<16xi32>, vector<16xi32>], vector<16xf32>,
      %parallel_loop3A_343 = tpu.vector_load_idx %arg20[%parallel_loop3A_337] : memref<512xi32, #tpu.memory_space<vmem>>[vector<16xi32>], vector<16xi32>,
      %parallel_loop3A_344 = tpu.vector_load_idx %arg39[%parallel_loop3A_343, %iota3A] : memref<8x32xf32, #tpu.memory_space<vmem>>[vector<16xi32>, vector<16xi32>], vector<16xf32>,
      tpu.vector_store_idx %arg30[%parallel_loop3A_334, %add3A_105], %parallel_loop3A_344 : memref<128x232xf32, #tpu.memory_space<vmem>>[vector<16xi32>, vector<16xi32>], vector<16xf32>,
      %parallel_loop3A_345 = tpu.vector_load_idx %arg39[%parallel_loop3A_343, %add3A_48] : memref<8x32xf32, #tpu.memory_space<vmem>>[vector<16xi32>, vector<16xi32>], vector<16xf32>,
      tpu.vector_store_idx %arg30[%parallel_loop3A_334, %add3A_111], %parallel_loop3A_345 : memref<128x232xf32, #tpu.memory_space<vmem>>[vector<16xi32>, vector<16xi32>], vector<16xf32>,
      %parallel_loop3A_346 = tpu.vector_load_idx %arg34[%parallel_loop3A_334, %iota3A] : memref<128x32xf32, #tpu.memory_space<vmem>>[vector<16xi32>, vector<16xi32>], vector<16xf32>,
      tpu.vector_store_idx %arg30[%parallel_loop3A_334, %add3A_51], %parallel_loop3A_346 : memref<128x232xf32, #tpu.memory_space<vmem>>[vector<16xi32>, vector<16xi32>], vector<16xf32>,
      %parallel_loop3A_347 = tpu.vector_load_idx %arg34[%parallel_loop3A_334, %add3A_48] : memref<128x32xf32, #tpu.memory_space<vmem>>[vector<16xi32>, vector<16xi32>], vector<16xf32>,
      tpu.vector_store_idx %arg30[%parallel_loop3A_334, %add3A_57], %parallel_loop3A_347 : memref<128x232xf32, #tpu.memory_space<vmem>>[vector<16xi32>, vector<16xi32>], vector<16xf32>,
      %parallel_loop3A_348 = tpu.vector_load_idx %arg35[%parallel_loop3A_334, %iota3A] : memref<128x32xf32, #tpu.memory_space<vmem>>[vector<16xi32>, vector<16xi32>], vector<16xf32>,
      tpu.vector_store_idx %arg30[%parallel_loop3A_334, %add3A_60], %parallel_loop3A_348 : memref<128x232xf32, #tpu.memory_space<vmem>>[vector<16xi32>, vector<16xi32>], vector<16xf32>,
      %parallel_loop3A_349 = tpu.vector_load_idx %arg35[%parallel_loop3A_334, %add3A_48] : memref<128x32xf32, #tpu.memory_space<vmem>>[vector<16xi32>, vector<16xi32>], vector<16xf32>,
      tpu.vector_store_idx %arg30[%parallel_loop3A_334, %add3A_66], %parallel_loop3A_349 : memref<128x232xf32, #tpu.memory_space<vmem>>[vector<16xi32>, vector<16xi32>], vector<16xf32>,
      %parallel_loop3A_350 = tpu.vector_load_idx %arg36[%parallel_loop3A_334, %iota3A] : memref<128x32xf32, #tpu.memory_space<vmem>>[vector<16xi32>, vector<16xi32>], vector<16xf32>,
      tpu.vector_store_idx %arg30[%parallel_loop3A_334, %add3A_69], %parallel_loop3A_350 : memref<128x232xf32, #tpu.memory_space<vmem>>[vector<16xi32>, vector<16xi32>], vector<16xf32>,
      %parallel_loop3A_351 = tpu.vector_load_idx %arg36[%parallel_loop3A_334, %add3A_48] : memref<128x32xf32, #tpu.memory_space<vmem>>[vector<16xi32>, vector<16xi32>], vector<16xf32>,
      tpu.vector_store_idx %arg30[%parallel_loop3A_334, %add3A_75], %parallel_loop3A_351 : memref<128x232xf32, #tpu.memory_space<vmem>>[vector<16xi32>, vector<16xi32>], vector<16xf32>,
      %parallel_loop3A_352 = tpu.vector_load_idx %arg37[%parallel_loop3A_334, %iota3A] : memref<128x32xf32, #tpu.memory_space<vmem>>[vector<16xi32>, vector<16xi32>], vector<16xf32>,
      tpu.vector_store_idx %arg30[%parallel_loop3A_334, %add3A_78], %parallel_loop3A_352 : memref<128x232xf32, #tpu.memory_space<vmem>>[vector<16xi32>, vector<16xi32>], vector<16xf32>,
      %parallel_loop3A_353 = tpu.vector_load_idx %arg37[%parallel_loop3A_334, %add3A_48] : memref<128x32xf32, #tpu.memory_space<vmem>>[vector<16xi32>, vector<16xi32>], vector<16xf32>,
      tpu.vector_store_idx %arg30[%parallel_loop3A_334, %add3A_84], %parallel_loop3A_353 : memref<128x232xf32, #tpu.memory_space<vmem>>[vector<16xi32>, vector<16xi32>], vector<16xf32>,
    } {sc.loop_unroll_factor = 8 : i64, sc.parallel_access}
    "tpu.trace_stop"() : () -> ()
    "tpu.trace_start"() <{level = 10 : i32, message = "out_write"}> : () -> ()
    %add3A_225 = arith.constant 128 : i32
    %add3A_226 = arith.addi %mul3A_2, %add3A_225 : i32
    "tpu.region"() ({
      %run_scoped3A = tpu.sem_alloc : memref<!tpu.dma_semaphore, #tpu.memory_space<semaphore_mem>>
      %dma_start3A_333 = arith.constant 0 : i32
      %dma_start3A_334 = tpu.memref_slice %arg17[%add3A_226, %dma_start3A_333] : memref<16384x232xf32, #tpu.memory_space<hbm>> -> memref<128x232xf32, #tpu.memory_space<hbm>>
      %dma_start3A_335 = arith.constant 0 : i32
      %dma_start3A_336 = tpu.memref_slice %arg17[%add3A_226, %dma_start3A_335] : memref<16384x232xf32, #tpu.memory_space<hbm>> -> memref<128x232xf32, #tpu.memory_space<hbm>>
      tpu.enqueue_dma source(%arg30 : memref<128x232xf32, #tpu.memory_space<vmem>>) target(%dma_start3A_336 : memref<128x232xf32, #tpu.memory_space<hbm>>) target_semaphore(%run_scoped3A : memref<!tpu.dma_semaphore, #tpu.memory_space<semaphore_mem>>)
      %dma_wait3A_337 = arith.constant 0 : i32
      %dma_wait3A_338 = tpu.memref_slice %arg17[%add3A_226, %dma_wait3A_337] : memref<16384x232xf32, #tpu.memory_space<hbm>> -> memref<128x232xf32, #tpu.memory_space<hbm>>
      %dma_wait3A_339 = arith.constant 0 : i32
      %dma_wait3A_340 = tpu.memref_slice %arg17[%add3A_226, %dma_wait3A_339] : memref<16384x232xf32, #tpu.memory_space<hbm>> -> memref<128x232xf32, #tpu.memory_space<hbm>>
      tpu.wait_dma2 semaphore(%run_scoped3A : memref<!tpu.dma_semaphore, #tpu.memory_space<semaphore_mem>>) src(%arg30 : memref<128x232xf32, #tpu.memory_space<vmem>>) dst(%dma_wait3A_340 : memref<128x232xf32, #tpu.memory_space<hbm>>)
      tpu.yield
    }) : () -> ()
    "tpu.trace_stop"() : () -> ()
    %dma_start3A_227 = arith.constant 256 : i32
    %dma_start3A_228 = tpu.memref_slice %arg26[%dma_start3A_227] : memref<512xi32, #tpu.memory_space<vmem>> -> memref<128xi32, #tpu.memory_space<vmem>>
    %dma_start3A_229 = arith.constant 0 : i32
    %dma_start3A_230 = arith.constant 0 : i32
    %dma_start3A_231 = tpu.memref_slice %arg40[%dma_start3A_229, %dma_start3A_230] : memref<1001x32xf32, #tpu.memory_space<vmem_shared>> -> memref<1001x32xf32, #tpu.memory_space<vmem_shared>>
    tpu.enqueue_indirect_dma source(%dma_start3A_231 : memref<1001x32xf32, #tpu.memory_space<vmem_shared>>) target(%arg34 : memref<128x32xf32, #tpu.memory_space<vmem>>) offsets(%dma_start3A_228 : memref<128xi32, #tpu.memory_space<vmem>>) semaphore(%arg44 : memref<!tpu.dma_semaphore, #tpu.memory_space<semaphore_mem>>)
    %dma_start3A_232 = arith.constant 256 : i32
    %dma_start3A_233 = tpu.memref_slice %arg27[%dma_start3A_232] : memref<512xi32, #tpu.memory_space<vmem>> -> memref<128xi32, #tpu.memory_space<vmem>>
    %dma_start3A_234 = arith.constant 0 : i32
    %dma_start3A_235 = arith.constant 0 : i32
    %dma_start3A_236 = tpu.memref_slice %arg41[%dma_start3A_234, %dma_start3A_235] : memref<1001x32xf32, #tpu.memory_space<vmem_shared>> -> memref<1001x32xf32, #tpu.memory_space<vmem_shared>>
    tpu.enqueue_indirect_dma source(%dma_start3A_236 : memref<1001x32xf32, #tpu.memory_space<vmem_shared>>) target(%arg35 : memref<128x32xf32, #tpu.memory_space<vmem>>) offsets(%dma_start3A_233 : memref<128xi32, #tpu.memory_space<vmem>>) semaphore(%arg44 : memref<!tpu.dma_semaphore, #tpu.memory_space<semaphore_mem>>)
    %dma_start3A_237 = arith.constant 256 : i32
    %dma_start3A_238 = tpu.memref_slice %arg28[%dma_start3A_237] : memref<512xi32, #tpu.memory_space<vmem>> -> memref<128xi32, #tpu.memory_space<vmem>>
    %dma_start3A_239 = arith.constant 0 : i32
    %dma_start3A_240 = arith.constant 0 : i32
    %dma_start3A_241 = tpu.memref_slice %arg42[%dma_start3A_239, %dma_start3A_240] : memref<1001x32xf32, #tpu.memory_space<vmem_shared>> -> memref<1001x32xf32, #tpu.memory_space<vmem_shared>>
    tpu.enqueue_indirect_dma source(%dma_start3A_241 : memref<1001x32xf32, #tpu.memory_space<vmem_shared>>) target(%arg36 : memref<128x32xf32, #tpu.memory_space<vmem>>) offsets(%dma_start3A_238 : memref<128xi32, #tpu.memory_space<vmem>>) semaphore(%arg44 : memref<!tpu.dma_semaphore, #tpu.memory_space<semaphore_mem>>)
    %dma_start3A_242 = arith.constant 256 : i32
    %dma_start3A_243 = tpu.memref_slice %arg29[%dma_start3A_242] : memref<512xi32, #tpu.memory_space<vmem>> -> memref<128xi32, #tpu.memory_space<vmem>>
    %dma_start3A_244 = arith.constant 0 : i32
    %dma_start3A_245 = arith.constant 0 : i32
    %dma_start3A_246 = tpu.memref_slice %arg43[%dma_start3A_244, %dma_start3A_245] : memref<1001x32xf32, #tpu.memory_space<vmem_shared>> -> memref<1001x32xf32, #tpu.memory_space<vmem_shared>>
    tpu.enqueue_indirect_dma source(%dma_start3A_246 : memref<1001x32xf32, #tpu.memory_space<vmem_shared>>) target(%arg37 : memref<128x32xf32, #tpu.memory_space<vmem>>) offsets(%dma_start3A_243 : memref<128xi32, #tpu.memory_space<vmem>>) semaphore(%arg44 : memref<!tpu.dma_semaphore, #tpu.memory_space<semaphore_mem>>)
    %parallel_loop3A_247 = arith.constant 0 : i32
    %parallel_loop3A_248 = arith.constant 8 : i32
    %parallel_loop3A_249 = arith.constant 1 : i32
    "tpu.trace_start"() <{level = 10 : i32, message = "norm"}> : () -> ()
    scf.for %parallel_loop3A_333 = %parallel_loop3A_247 to %parallel_loop3A_248 step %parallel_loop3A_249  : i32 {
      %parallel_loop3A_334 = arith.constant 16 : i32
      %parallel_loop3A_335 = arith.muli %parallel_loop3A_333, %parallel_loop3A_334 : i32
      %parallel_loop3A_336 = vector.broadcast %parallel_loop3A_335 : i32 to vector<16xi32>
      %parallel_loop3A_337 = arith.addi %iota3A, %parallel_loop3A_336 : vector<16xi32>
      %parallel_loop3A_338 = arith.constant 16 : i32
      %parallel_loop3A_339 = arith.muli %parallel_loop3A_333, %parallel_loop3A_338 : i32
      %parallel_loop3A_340 = arith.constant 256 : i32
      %parallel_loop3A_341 = arith.addi %parallel_loop3A_340, %parallel_loop3A_339 : i32
      %parallel_loop3A_342 = arith.index_cast %parallel_loop3A_341 : i32 to index
      %parallel_loop3A_343 = tpu.vector_load %arg21[%parallel_loop3A_342] {strides = array<i32>} : memref<512xf32, #tpu.memory_space<vmem>>, vector<16xf32>,
      %parallel_loop3A_344 = arith.constant 5.000000e-01 : f32
      %parallel_loop3A_345 = vector.broadcast %parallel_loop3A_344 : f32 to vector<16xf32>
      %parallel_loop3A_346 = arith.subf %parallel_loop3A_343, %parallel_loop3A_345 : vector<16xf32>
      %parallel_loop3A_347 = arith.constant 0.288675308 : f32
      %parallel_loop3A_348 = vector.broadcast %parallel_loop3A_347 : f32 to vector<16xf32>
      %parallel_loop3A_349 = arith.divf %parallel_loop3A_346, %parallel_loop3A_348 : vector<16xf32>
      %parallel_loop3A_350 = arith.constant 128 : i32
      %parallel_loop3A_351 = vector.broadcast %parallel_loop3A_350 : i32 to vector<16xi32>
      tpu.vector_store_idx %arg30[%parallel_loop3A_337, %parallel_loop3A_351], %parallel_loop3A_349 : memref<128x232xf32, #tpu.memory_space<vmem>>[vector<16xi32>, vector<16xi32>], vector<16xf32>,
      %parallel_loop3A_352 = arith.constant 16 : i32
      %parallel_loop3A_353 = arith.muli %parallel_loop3A_333, %parallel_loop3A_352 : i32
      %parallel_loop3A_354 = arith.constant 256 : i32
      %parallel_loop3A_355 = arith.addi %parallel_loop3A_354, %parallel_loop3A_353 : i32
      %parallel_loop3A_356 = arith.index_cast %parallel_loop3A_355 : i32 to index
      %parallel_loop3A_357 = tpu.vector_load %arg22[%parallel_loop3A_356] {strides = array<i32>} : memref<512xf32, #tpu.memory_space<vmem>>, vector<16xf32>,
      %parallel_loop3A_358 = arith.constant 5.000000e-01 : f32
      %parallel_loop3A_359 = vector.broadcast %parallel_loop3A_358 : f32 to vector<16xf32>
      %parallel_loop3A_360 = arith.subf %parallel_loop3A_357, %parallel_loop3A_359 : vector<16xf32>
      %parallel_loop3A_361 = arith.constant 0.288675308 : f32
      %parallel_loop3A_362 = vector.broadcast %parallel_loop3A_361 : f32 to vector<16xf32>
      %parallel_loop3A_363 = arith.divf %parallel_loop3A_360, %parallel_loop3A_362 : vector<16xf32>
      %parallel_loop3A_364 = arith.constant 161 : i32
      %parallel_loop3A_365 = vector.broadcast %parallel_loop3A_364 : i32 to vector<16xi32>
      tpu.vector_store_idx %arg30[%parallel_loop3A_337, %parallel_loop3A_365], %parallel_loop3A_363 : memref<128x232xf32, #tpu.memory_space<vmem>>[vector<16xi32>, vector<16xi32>], vector<16xf32>,
      %parallel_loop3A_366 = arith.constant 16 : i32
      %parallel_loop3A_367 = arith.muli %parallel_loop3A_333, %parallel_loop3A_366 : i32
      %parallel_loop3A_368 = arith.constant 256 : i32
      %parallel_loop3A_369 = arith.addi %parallel_loop3A_368, %parallel_loop3A_367 : i32
      %parallel_loop3A_370 = arith.index_cast %parallel_loop3A_369 : i32 to index
      %parallel_loop3A_371 = tpu.vector_load %arg23[%parallel_loop3A_370] {strides = array<i32>} : memref<512xf32, #tpu.memory_space<vmem>>, vector<16xf32>,
      %parallel_loop3A_372 = arith.constant 5.000000e-01 : f32
      %parallel_loop3A_373 = vector.broadcast %parallel_loop3A_372 : f32 to vector<16xf32>
      %parallel_loop3A_374 = arith.subf %parallel_loop3A_371, %parallel_loop3A_373 : vector<16xf32>
      %parallel_loop3A_375 = arith.constant 0.288675308 : f32
      %parallel_loop3A_376 = vector.broadcast %parallel_loop3A_375 : f32 to vector<16xf32>
      %parallel_loop3A_377 = arith.divf %parallel_loop3A_374, %parallel_loop3A_376 : vector<16xf32>
      %parallel_loop3A_378 = arith.constant 194 : i32
      %parallel_loop3A_379 = vector.broadcast %parallel_loop3A_378 : i32 to vector<16xi32>
      tpu.vector_store_idx %arg30[%parallel_loop3A_337, %parallel_loop3A_379], %parallel_loop3A_377 : memref<128x232xf32, #tpu.memory_space<vmem>>[vector<16xi32>, vector<16xi32>], vector<16xf32>,
      %parallel_loop3A_380 = arith.constant 16 : i32
      %parallel_loop3A_381 = arith.muli %parallel_loop3A_333, %parallel_loop3A_380 : i32
      %parallel_loop3A_382 = arith.constant 256 : i32
      %parallel_loop3A_383 = arith.addi %parallel_loop3A_382, %parallel_loop3A_381 : i32
      %parallel_loop3A_384 = arith.index_cast %parallel_loop3A_383 : i32 to index
      %parallel_loop3A_385 = tpu.vector_load %arg24[%parallel_loop3A_384] {strides = array<i32>} : memref<512xf32, #tpu.memory_space<vmem>>, vector<16xf32>,
      %parallel_loop3A_386 = arith.constant 5.000000e-01 : f32
      %parallel_loop3A_387 = vector.broadcast %parallel_loop3A_386 : f32 to vector<16xf32>
      %parallel_loop3A_388 = arith.subf %parallel_loop3A_385, %parallel_loop3A_387 : vector<16xf32>
      %parallel_loop3A_389 = arith.constant 0.288675308 : f32
      %parallel_loop3A_390 = vector.broadcast %parallel_loop3A_389 : f32 to vector<16xf32>
      %parallel_loop3A_391 = arith.divf %parallel_loop3A_388, %parallel_loop3A_390 : vector<16xf32>
      %parallel_loop3A_392 = arith.constant 227 : i32
      %parallel_loop3A_393 = vector.broadcast %parallel_loop3A_392 : i32 to vector<16xi32>
      tpu.vector_store_idx %arg30[%parallel_loop3A_337, %parallel_loop3A_393], %parallel_loop3A_391 : memref<128x232xf32, #tpu.memory_space<vmem>>[vector<16xi32>, vector<16xi32>], vector<16xf32>,
    } {sc.loop_unroll_factor = 2 : i64, sc.parallel_access}
    "tpu.trace_stop"() : () -> ()
    "tpu.trace_start"() <{level = 10 : i32, message = "gather_wait"}> : () -> ()
    %dma_wait3A_250 = arith.constant 256 : i32
    %dma_wait3A_251 = tpu.memref_slice %arg26[%dma_wait3A_250] : memref<512xi32, #tpu.memory_space<vmem>> -> memref<128xi32, #tpu.memory_space<vmem>>
    %dma_wait3A_252 = arith.constant 0 : i32
    %dma_wait3A_253 = arith.constant 0 : i32
    %dma_wait3A_254 = tpu.memref_slice %arg40[%dma_wait3A_252, %dma_wait3A_253] : memref<1001x32xf32, #tpu.memory_space<vmem_shared>> -> memref<1001x32xf32, #tpu.memory_space<vmem_shared>>
    tpu.wait_indirect_dma semaphore(%arg44 : memref<!tpu.dma_semaphore, #tpu.memory_space<semaphore_mem>>) src(%dma_wait3A_254 : memref<1001x32xf32, #tpu.memory_space<vmem_shared>>) dst(%arg34 : memref<128x32xf32, #tpu.memory_space<vmem>>)
    %dma_wait3A_255 = arith.constant 256 : i32
    %dma_wait3A_256 = tpu.memref_slice %arg27[%dma_wait3A_255] : memref<512xi32, #tpu.memory_space<vmem>> -> memref<128xi32, #tpu.memory_space<vmem>>
    %dma_wait3A_257 = arith.constant 0 : i32
    %dma_wait3A_258 = arith.constant 0 : i32
    %dma_wait3A_259 = tpu.memref_slice %arg41[%dma_wait3A_257, %dma_wait3A_258] : memref<1001x32xf32, #tpu.memory_space<vmem_shared>> -> memref<1001x32xf32, #tpu.memory_space<vmem_shared>>
    tpu.wait_indirect_dma semaphore(%arg44 : memref<!tpu.dma_semaphore, #tpu.memory_space<semaphore_mem>>) src(%dma_wait3A_259 : memref<1001x32xf32, #tpu.memory_space<vmem_shared>>) dst(%arg35 : memref<128x32xf32, #tpu.memory_space<vmem>>)
    %dma_wait3A_260 = arith.constant 256 : i32
    %dma_wait3A_261 = tpu.memref_slice %arg28[%dma_wait3A_260] : memref<512xi32, #tpu.memory_space<vmem>> -> memref<128xi32, #tpu.memory_space<vmem>>
    %dma_wait3A_262 = arith.constant 0 : i32
    %dma_wait3A_263 = arith.constant 0 : i32
    %dma_wait3A_264 = tpu.memref_slice %arg42[%dma_wait3A_262, %dma_wait3A_263] : memref<1001x32xf32, #tpu.memory_space<vmem_shared>> -> memref<1001x32xf32, #tpu.memory_space<vmem_shared>>
    tpu.wait_indirect_dma semaphore(%arg44 : memref<!tpu.dma_semaphore, #tpu.memory_space<semaphore_mem>>) src(%dma_wait3A_264 : memref<1001x32xf32, #tpu.memory_space<vmem_shared>>) dst(%arg36 : memref<128x32xf32, #tpu.memory_space<vmem>>)
    %dma_wait3A_265 = arith.constant 256 : i32
    %dma_wait3A_266 = tpu.memref_slice %arg29[%dma_wait3A_265] : memref<512xi32, #tpu.memory_space<vmem>> -> memref<128xi32, #tpu.memory_space<vmem>>
    %dma_wait3A_267 = arith.constant 0 : i32
    %dma_wait3A_268 = arith.constant 0 : i32
    %dma_wait3A_269 = tpu.memref_slice %arg43[%dma_wait3A_267, %dma_wait3A_268] : memref<1001x32xf32, #tpu.memory_space<vmem_shared>> -> memref<1001x32xf32, #tpu.memory_space<vmem_shared>>
    tpu.wait_indirect_dma semaphore(%arg44 : memref<!tpu.dma_semaphore, #tpu.memory_space<semaphore_mem>>) src(%dma_wait3A_269 : memref<1001x32xf32, #tpu.memory_space<vmem_shared>>) dst(%arg37 : memref<128x32xf32, #tpu.memory_space<vmem>>)
    %dma_wait3A_270 = arith.constant 256 : i32
    %dma_wait3A_271 = tpu.memref_slice %arg18[%dma_wait3A_270] : memref<512xi32, #tpu.memory_space<vmem>> -> memref<128xi32, #tpu.memory_space<vmem>>
    %dma_wait3A_272 = arith.constant 0 : i32
    %dma_wait3A_273 = arith.constant 0 : i32
    %dma_wait3A_274 = tpu.memref_slice %arg9[%dma_wait3A_272, %dma_wait3A_273] : memref<1000000x128xf32, #tpu.memory_space<hbm>> -> memref<1000000x128xf32, #tpu.memory_space<hbm>>
    tpu.wait_indirect_dma semaphore(%arg47 : memref<!tpu.dma_semaphore, #tpu.memory_space<semaphore_mem>>) src(%dma_wait3A_274 : memref<1000000x128xf32, #tpu.memory_space<hbm>>) dst(%arg33 : memref<128x128xf32, #tpu.memory_space<vmem>>)
    %parallel_loop3A_275 = arith.constant 0 : i32
    %parallel_loop3A_276 = arith.constant 128 : i32
    %parallel_loop3A_277 = arith.constant 1 : i32
    "tpu.trace_stop"() : () -> ()
    "tpu.trace_start"() <{level = 10 : i32, message = "asm"}> : () -> ()
    scf.for %parallel_loop3A_333 = %parallel_loop3A_275 to %parallel_loop3A_276 step %parallel_loop3A_277  : i32 {
      %parallel_loop3A_334 = vector.broadcast %parallel_loop3A_333 : i32 to vector<16xi32>
      %parallel_loop3A_335 = arith.constant 256 : i32
      %parallel_loop3A_336 = vector.broadcast %parallel_loop3A_335 : i32 to vector<16xi32>
      %parallel_loop3A_337 = arith.addi %parallel_loop3A_334, %parallel_loop3A_336 : vector<16xi32>
      %parallel_loop3A_338 = tpu.vector_load_idx %arg33[%parallel_loop3A_334, %iota3A] : memref<128x128xf32, #tpu.memory_space<vmem>>[vector<16xi32>, vector<16xi32>], vector<16xf32>,
      tpu.vector_store_idx %arg30[%parallel_loop3A_334, %add3A_87], %parallel_loop3A_338 : memref<128x232xf32, #tpu.memory_space<vmem>>[vector<16xi32>, vector<16xi32>], vector<16xf32>,
      %parallel_loop3A_339 = tpu.vector_load_idx %arg33[%parallel_loop3A_334, %add3A_48] : memref<128x128xf32, #tpu.memory_space<vmem>>[vector<16xi32>, vector<16xi32>], vector<16xf32>,
      tpu.vector_store_idx %arg30[%parallel_loop3A_334, %add3A_93], %parallel_loop3A_339 : memref<128x232xf32, #tpu.memory_space<vmem>>[vector<16xi32>, vector<16xi32>], vector<16xf32>,
      %parallel_loop3A_340 = tpu.vector_load_idx %arg19[%parallel_loop3A_337] : memref<512xi32, #tpu.memory_space<vmem>>[vector<16xi32>], vector<16xi32>,
      %parallel_loop3A_341 = tpu.vector_load_idx %arg38[%parallel_loop3A_340, %iota3A] : memref<3x32xf32, #tpu.memory_space<vmem>>[vector<16xi32>, vector<16xi32>], vector<16xf32>,
      tpu.vector_store_idx %arg30[%parallel_loop3A_334, %add3A_96], %parallel_loop3A_341 : memref<128x232xf32, #tpu.memory_space<vmem>>[vector<16xi32>, vector<16xi32>], vector<16xf32>,
      %parallel_loop3A_342 = tpu.vector_load_idx %arg38[%parallel_loop3A_340, %add3A_48] : memref<3x32xf32, #tpu.memory_space<vmem>>[vector<16xi32>, vector<16xi32>], vector<16xf32>,
      tpu.vector_store_idx %arg30[%parallel_loop3A_334, %add3A_102], %parallel_loop3A_342 : memref<128x232xf32, #tpu.memory_space<vmem>>[vector<16xi32>, vector<16xi32>], vector<16xf32>,
      %parallel_loop3A_343 = tpu.vector_load_idx %arg20[%parallel_loop3A_337] : memref<512xi32, #tpu.memory_space<vmem>>[vector<16xi32>], vector<16xi32>,
      %parallel_loop3A_344 = tpu.vector_load_idx %arg39[%parallel_loop3A_343, %iota3A] : memref<8x32xf32, #tpu.memory_space<vmem>>[vector<16xi32>, vector<16xi32>], vector<16xf32>,
      tpu.vector_store_idx %arg30[%parallel_loop3A_334, %add3A_105], %parallel_loop3A_344 : memref<128x232xf32, #tpu.memory_space<vmem>>[vector<16xi32>, vector<16xi32>], vector<16xf32>,
      %parallel_loop3A_345 = tpu.vector_load_idx %arg39[%parallel_loop3A_343, %add3A_48] : memref<8x32xf32, #tpu.memory_space<vmem>>[vector<16xi32>, vector<16xi32>], vector<16xf32>,
      tpu.vector_store_idx %arg30[%parallel_loop3A_334, %add3A_111], %parallel_loop3A_345 : memref<128x232xf32, #tpu.memory_space<vmem>>[vector<16xi32>, vector<16xi32>], vector<16xf32>,
      %parallel_loop3A_346 = tpu.vector_load_idx %arg34[%parallel_loop3A_334, %iota3A] : memref<128x32xf32, #tpu.memory_space<vmem>>[vector<16xi32>, vector<16xi32>], vector<16xf32>,
      tpu.vector_store_idx %arg30[%parallel_loop3A_334, %add3A_51], %parallel_loop3A_346 : memref<128x232xf32, #tpu.memory_space<vmem>>[vector<16xi32>, vector<16xi32>], vector<16xf32>,
      %parallel_loop3A_347 = tpu.vector_load_idx %arg34[%parallel_loop3A_334, %add3A_48] : memref<128x32xf32, #tpu.memory_space<vmem>>[vector<16xi32>, vector<16xi32>], vector<16xf32>,
      tpu.vector_store_idx %arg30[%parallel_loop3A_334, %add3A_57], %parallel_loop3A_347 : memref<128x232xf32, #tpu.memory_space<vmem>>[vector<16xi32>, vector<16xi32>], vector<16xf32>,
      %parallel_loop3A_348 = tpu.vector_load_idx %arg35[%parallel_loop3A_334, %iota3A] : memref<128x32xf32, #tpu.memory_space<vmem>>[vector<16xi32>, vector<16xi32>], vector<16xf32>,
      tpu.vector_store_idx %arg30[%parallel_loop3A_334, %add3A_60], %parallel_loop3A_348 : memref<128x232xf32, #tpu.memory_space<vmem>>[vector<16xi32>, vector<16xi32>], vector<16xf32>,
      %parallel_loop3A_349 = tpu.vector_load_idx %arg35[%parallel_loop3A_334, %add3A_48] : memref<128x32xf32, #tpu.memory_space<vmem>>[vector<16xi32>, vector<16xi32>], vector<16xf32>,
      tpu.vector_store_idx %arg30[%parallel_loop3A_334, %add3A_66], %parallel_loop3A_349 : memref<128x232xf32, #tpu.memory_space<vmem>>[vector<16xi32>, vector<16xi32>], vector<16xf32>,
      %parallel_loop3A_350 = tpu.vector_load_idx %arg36[%parallel_loop3A_334, %iota3A] : memref<128x32xf32, #tpu.memory_space<vmem>>[vector<16xi32>, vector<16xi32>], vector<16xf32>,
      tpu.vector_store_idx %arg30[%parallel_loop3A_334, %add3A_69], %parallel_loop3A_350 : memref<128x232xf32, #tpu.memory_space<vmem>>[vector<16xi32>, vector<16xi32>], vector<16xf32>,
      %parallel_loop3A_351 = tpu.vector_load_idx %arg36[%parallel_loop3A_334, %add3A_48] : memref<128x32xf32, #tpu.memory_space<vmem>>[vector<16xi32>, vector<16xi32>], vector<16xf32>,
      tpu.vector_store_idx %arg30[%parallel_loop3A_334, %add3A_75], %parallel_loop3A_351 : memref<128x232xf32, #tpu.memory_space<vmem>>[vector<16xi32>, vector<16xi32>], vector<16xf32>,
      %parallel_loop3A_352 = tpu.vector_load_idx %arg37[%parallel_loop3A_334, %iota3A] : memref<128x32xf32, #tpu.memory_space<vmem>>[vector<16xi32>, vector<16xi32>], vector<16xf32>,
      tpu.vector_store_idx %arg30[%parallel_loop3A_334, %add3A_78], %parallel_loop3A_352 : memref<128x232xf32, #tpu.memory_space<vmem>>[vector<16xi32>, vector<16xi32>], vector<16xf32>,
      %parallel_loop3A_353 = tpu.vector_load_idx %arg37[%parallel_loop3A_334, %add3A_48] : memref<128x32xf32, #tpu.memory_space<vmem>>[vector<16xi32>, vector<16xi32>], vector<16xf32>,
      tpu.vector_store_idx %arg30[%parallel_loop3A_334, %add3A_84], %parallel_loop3A_353 : memref<128x232xf32, #tpu.memory_space<vmem>>[vector<16xi32>, vector<16xi32>], vector<16xf32>,
    } {sc.loop_unroll_factor = 8 : i64, sc.parallel_access}
    "tpu.trace_stop"() : () -> ()
    "tpu.trace_start"() <{level = 10 : i32, message = "out_write"}> : () -> ()
    %add3A_278 = arith.constant 256 : i32
    %add3A_279 = arith.addi %mul3A_2, %add3A_278 : i32
    "tpu.region"() ({
      %run_scoped3A = tpu.sem_alloc : memref<!tpu.dma_semaphore, #tpu.memory_space<semaphore_mem>>
      %dma_start3A_333 = arith.constant 0 : i32
      %dma_start3A_334 = tpu.memref_slice %arg17[%add3A_279, %dma_start3A_333] : memref<16384x232xf32, #tpu.memory_space<hbm>> -> memref<128x232xf32, #tpu.memory_space<hbm>>
      %dma_start3A_335 = arith.constant 0 : i32
      %dma_start3A_336 = tpu.memref_slice %arg17[%add3A_279, %dma_start3A_335] : memref<16384x232xf32, #tpu.memory_space<hbm>> -> memref<128x232xf32, #tpu.memory_space<hbm>>
      tpu.enqueue_dma source(%arg30 : memref<128x232xf32, #tpu.memory_space<vmem>>) target(%dma_start3A_336 : memref<128x232xf32, #tpu.memory_space<hbm>>) target_semaphore(%run_scoped3A : memref<!tpu.dma_semaphore, #tpu.memory_space<semaphore_mem>>)
      %dma_wait3A_337 = arith.constant 0 : i32
      %dma_wait3A_338 = tpu.memref_slice %arg17[%add3A_279, %dma_wait3A_337] : memref<16384x232xf32, #tpu.memory_space<hbm>> -> memref<128x232xf32, #tpu.memory_space<hbm>>
      %dma_wait3A_339 = arith.constant 0 : i32
      %dma_wait3A_340 = tpu.memref_slice %arg17[%add3A_279, %dma_wait3A_339] : memref<16384x232xf32, #tpu.memory_space<hbm>> -> memref<128x232xf32, #tpu.memory_space<hbm>>
      tpu.wait_dma2 semaphore(%run_scoped3A : memref<!tpu.dma_semaphore, #tpu.memory_space<semaphore_mem>>) src(%arg30 : memref<128x232xf32, #tpu.memory_space<vmem>>) dst(%dma_wait3A_340 : memref<128x232xf32, #tpu.memory_space<hbm>>)
      tpu.yield
    }) : () -> ()
    "tpu.trace_stop"() : () -> ()
    %dma_start3A_280 = arith.constant 384 : i32
    %dma_start3A_281 = tpu.memref_slice %arg26[%dma_start3A_280] : memref<512xi32, #tpu.memory_space<vmem>> -> memref<128xi32, #tpu.memory_space<vmem>>
    %dma_start3A_282 = arith.constant 0 : i32
    %dma_start3A_283 = arith.constant 0 : i32
    %dma_start3A_284 = tpu.memref_slice %arg40[%dma_start3A_282, %dma_start3A_283] : memref<1001x32xf32, #tpu.memory_space<vmem_shared>> -> memref<1001x32xf32, #tpu.memory_space<vmem_shared>>
    tpu.enqueue_indirect_dma source(%dma_start3A_284 : memref<1001x32xf32, #tpu.memory_space<vmem_shared>>) target(%arg34 : memref<128x32xf32, #tpu.memory_space<vmem>>) offsets(%dma_start3A_281 : memref<128xi32, #tpu.memory_space<vmem>>) semaphore(%arg44 : memref<!tpu.dma_semaphore, #tpu.memory_space<semaphore_mem>>)
    %dma_start3A_285 = arith.constant 384 : i32
    %dma_start3A_286 = tpu.memref_slice %arg27[%dma_start3A_285] : memref<512xi32, #tpu.memory_space<vmem>> -> memref<128xi32, #tpu.memory_space<vmem>>
    %dma_start3A_287 = arith.constant 0 : i32
    %dma_start3A_288 = arith.constant 0 : i32
    %dma_start3A_289 = tpu.memref_slice %arg41[%dma_start3A_287, %dma_start3A_288] : memref<1001x32xf32, #tpu.memory_space<vmem_shared>> -> memref<1001x32xf32, #tpu.memory_space<vmem_shared>>
    tpu.enqueue_indirect_dma source(%dma_start3A_289 : memref<1001x32xf32, #tpu.memory_space<vmem_shared>>) target(%arg35 : memref<128x32xf32, #tpu.memory_space<vmem>>) offsets(%dma_start3A_286 : memref<128xi32, #tpu.memory_space<vmem>>) semaphore(%arg44 : memref<!tpu.dma_semaphore, #tpu.memory_space<semaphore_mem>>)
    %dma_start3A_290 = arith.constant 384 : i32
    %dma_start3A_291 = tpu.memref_slice %arg28[%dma_start3A_290] : memref<512xi32, #tpu.memory_space<vmem>> -> memref<128xi32, #tpu.memory_space<vmem>>
    %dma_start3A_292 = arith.constant 0 : i32
    %dma_start3A_293 = arith.constant 0 : i32
    %dma_start3A_294 = tpu.memref_slice %arg42[%dma_start3A_292, %dma_start3A_293] : memref<1001x32xf32, #tpu.memory_space<vmem_shared>> -> memref<1001x32xf32, #tpu.memory_space<vmem_shared>>
    tpu.enqueue_indirect_dma source(%dma_start3A_294 : memref<1001x32xf32, #tpu.memory_space<vmem_shared>>) target(%arg36 : memref<128x32xf32, #tpu.memory_space<vmem>>) offsets(%dma_start3A_291 : memref<128xi32, #tpu.memory_space<vmem>>) semaphore(%arg44 : memref<!tpu.dma_semaphore, #tpu.memory_space<semaphore_mem>>)
    %dma_start3A_295 = arith.constant 384 : i32
    %dma_start3A_296 = tpu.memref_slice %arg29[%dma_start3A_295] : memref<512xi32, #tpu.memory_space<vmem>> -> memref<128xi32, #tpu.memory_space<vmem>>
    %dma_start3A_297 = arith.constant 0 : i32
    %dma_start3A_298 = arith.constant 0 : i32
    %dma_start3A_299 = tpu.memref_slice %arg43[%dma_start3A_297, %dma_start3A_298] : memref<1001x32xf32, #tpu.memory_space<vmem_shared>> -> memref<1001x32xf32, #tpu.memory_space<vmem_shared>>
    tpu.enqueue_indirect_dma source(%dma_start3A_299 : memref<1001x32xf32, #tpu.memory_space<vmem_shared>>) target(%arg37 : memref<128x32xf32, #tpu.memory_space<vmem>>) offsets(%dma_start3A_296 : memref<128xi32, #tpu.memory_space<vmem>>) semaphore(%arg44 : memref<!tpu.dma_semaphore, #tpu.memory_space<semaphore_mem>>)
    %parallel_loop3A_300 = arith.constant 0 : i32
    %parallel_loop3A_301 = arith.constant 8 : i32
    %parallel_loop3A_302 = arith.constant 1 : i32
    "tpu.trace_start"() <{level = 10 : i32, message = "norm"}> : () -> ()
    scf.for %parallel_loop3A_333 = %parallel_loop3A_300 to %parallel_loop3A_301 step %parallel_loop3A_302  : i32 {
      %parallel_loop3A_334 = arith.constant 16 : i32
      %parallel_loop3A_335 = arith.muli %parallel_loop3A_333, %parallel_loop3A_334 : i32
      %parallel_loop3A_336 = vector.broadcast %parallel_loop3A_335 : i32 to vector<16xi32>
      %parallel_loop3A_337 = arith.addi %iota3A, %parallel_loop3A_336 : vector<16xi32>
      %parallel_loop3A_338 = arith.constant 16 : i32
      %parallel_loop3A_339 = arith.muli %parallel_loop3A_333, %parallel_loop3A_338 : i32
      %parallel_loop3A_340 = arith.constant 384 : i32
      %parallel_loop3A_341 = arith.addi %parallel_loop3A_340, %parallel_loop3A_339 : i32
      %parallel_loop3A_342 = arith.index_cast %parallel_loop3A_341 : i32 to index
      %parallel_loop3A_343 = tpu.vector_load %arg21[%parallel_loop3A_342] {strides = array<i32>} : memref<512xf32, #tpu.memory_space<vmem>>, vector<16xf32>,
      %parallel_loop3A_344 = arith.constant 5.000000e-01 : f32
      %parallel_loop3A_345 = vector.broadcast %parallel_loop3A_344 : f32 to vector<16xf32>
      %parallel_loop3A_346 = arith.subf %parallel_loop3A_343, %parallel_loop3A_345 : vector<16xf32>
      %parallel_loop3A_347 = arith.constant 0.288675308 : f32
      %parallel_loop3A_348 = vector.broadcast %parallel_loop3A_347 : f32 to vector<16xf32>
      %parallel_loop3A_349 = arith.divf %parallel_loop3A_346, %parallel_loop3A_348 : vector<16xf32>
      %parallel_loop3A_350 = arith.constant 128 : i32
      %parallel_loop3A_351 = vector.broadcast %parallel_loop3A_350 : i32 to vector<16xi32>
      tpu.vector_store_idx %arg30[%parallel_loop3A_337, %parallel_loop3A_351], %parallel_loop3A_349 : memref<128x232xf32, #tpu.memory_space<vmem>>[vector<16xi32>, vector<16xi32>], vector<16xf32>,
      %parallel_loop3A_352 = arith.constant 16 : i32
      %parallel_loop3A_353 = arith.muli %parallel_loop3A_333, %parallel_loop3A_352 : i32
      %parallel_loop3A_354 = arith.constant 384 : i32
      %parallel_loop3A_355 = arith.addi %parallel_loop3A_354, %parallel_loop3A_353 : i32
      %parallel_loop3A_356 = arith.index_cast %parallel_loop3A_355 : i32 to index
      %parallel_loop3A_357 = tpu.vector_load %arg22[%parallel_loop3A_356] {strides = array<i32>} : memref<512xf32, #tpu.memory_space<vmem>>, vector<16xf32>,
      %parallel_loop3A_358 = arith.constant 5.000000e-01 : f32
      %parallel_loop3A_359 = vector.broadcast %parallel_loop3A_358 : f32 to vector<16xf32>
      %parallel_loop3A_360 = arith.subf %parallel_loop3A_357, %parallel_loop3A_359 : vector<16xf32>
      %parallel_loop3A_361 = arith.constant 0.288675308 : f32
      %parallel_loop3A_362 = vector.broadcast %parallel_loop3A_361 : f32 to vector<16xf32>
      %parallel_loop3A_363 = arith.divf %parallel_loop3A_360, %parallel_loop3A_362 : vector<16xf32>
      %parallel_loop3A_364 = arith.constant 161 : i32
      %parallel_loop3A_365 = vector.broadcast %parallel_loop3A_364 : i32 to vector<16xi32>
      tpu.vector_store_idx %arg30[%parallel_loop3A_337, %parallel_loop3A_365], %parallel_loop3A_363 : memref<128x232xf32, #tpu.memory_space<vmem>>[vector<16xi32>, vector<16xi32>], vector<16xf32>,
      %parallel_loop3A_366 = arith.constant 16 : i32
      %parallel_loop3A_367 = arith.muli %parallel_loop3A_333, %parallel_loop3A_366 : i32
      %parallel_loop3A_368 = arith.constant 384 : i32
      %parallel_loop3A_369 = arith.addi %parallel_loop3A_368, %parallel_loop3A_367 : i32
      %parallel_loop3A_370 = arith.index_cast %parallel_loop3A_369 : i32 to index
      %parallel_loop3A_371 = tpu.vector_load %arg23[%parallel_loop3A_370] {strides = array<i32>} : memref<512xf32, #tpu.memory_space<vmem>>, vector<16xf32>,
      %parallel_loop3A_372 = arith.constant 5.000000e-01 : f32
      %parallel_loop3A_373 = vector.broadcast %parallel_loop3A_372 : f32 to vector<16xf32>
      %parallel_loop3A_374 = arith.subf %parallel_loop3A_371, %parallel_loop3A_373 : vector<16xf32>
      %parallel_loop3A_375 = arith.constant 0.288675308 : f32
      %parallel_loop3A_376 = vector.broadcast %parallel_loop3A_375 : f32 to vector<16xf32>
      %parallel_loop3A_377 = arith.divf %parallel_loop3A_374, %parallel_loop3A_376 : vector<16xf32>
      %parallel_loop3A_378 = arith.constant 194 : i32
      %parallel_loop3A_379 = vector.broadcast %parallel_loop3A_378 : i32 to vector<16xi32>
      tpu.vector_store_idx %arg30[%parallel_loop3A_337, %parallel_loop3A_379], %parallel_loop3A_377 : memref<128x232xf32, #tpu.memory_space<vmem>>[vector<16xi32>, vector<16xi32>], vector<16xf32>,
      %parallel_loop3A_380 = arith.constant 16 : i32
      %parallel_loop3A_381 = arith.muli %parallel_loop3A_333, %parallel_loop3A_380 : i32
      %parallel_loop3A_382 = arith.constant 384 : i32
      %parallel_loop3A_383 = arith.addi %parallel_loop3A_382, %parallel_loop3A_381 : i32
      %parallel_loop3A_384 = arith.index_cast %parallel_loop3A_383 : i32 to index
      %parallel_loop3A_385 = tpu.vector_load %arg24[%parallel_loop3A_384] {strides = array<i32>} : memref<512xf32, #tpu.memory_space<vmem>>, vector<16xf32>,
      %parallel_loop3A_386 = arith.constant 5.000000e-01 : f32
      %parallel_loop3A_387 = vector.broadcast %parallel_loop3A_386 : f32 to vector<16xf32>
      %parallel_loop3A_388 = arith.subf %parallel_loop3A_385, %parallel_loop3A_387 : vector<16xf32>
      %parallel_loop3A_389 = arith.constant 0.288675308 : f32
      %parallel_loop3A_390 = vector.broadcast %parallel_loop3A_389 : f32 to vector<16xf32>
      %parallel_loop3A_391 = arith.divf %parallel_loop3A_388, %parallel_loop3A_390 : vector<16xf32>
      %parallel_loop3A_392 = arith.constant 227 : i32
      %parallel_loop3A_393 = vector.broadcast %parallel_loop3A_392 : i32 to vector<16xi32>
      tpu.vector_store_idx %arg30[%parallel_loop3A_337, %parallel_loop3A_393], %parallel_loop3A_391 : memref<128x232xf32, #tpu.memory_space<vmem>>[vector<16xi32>, vector<16xi32>], vector<16xf32>,
    } {sc.loop_unroll_factor = 2 : i64, sc.parallel_access}
    "tpu.trace_stop"() : () -> ()
    "tpu.trace_start"() <{level = 10 : i32, message = "gather_wait"}> : () -> ()
    %dma_wait3A_303 = arith.constant 384 : i32
    %dma_wait3A_304 = tpu.memref_slice %arg26[%dma_wait3A_303] : memref<512xi32, #tpu.memory_space<vmem>> -> memref<128xi32, #tpu.memory_space<vmem>>
    %dma_wait3A_305 = arith.constant 0 : i32
    %dma_wait3A_306 = arith.constant 0 : i32
    %dma_wait3A_307 = tpu.memref_slice %arg40[%dma_wait3A_305, %dma_wait3A_306] : memref<1001x32xf32, #tpu.memory_space<vmem_shared>> -> memref<1001x32xf32, #tpu.memory_space<vmem_shared>>
    tpu.wait_indirect_dma semaphore(%arg44 : memref<!tpu.dma_semaphore, #tpu.memory_space<semaphore_mem>>) src(%dma_wait3A_307 : memref<1001x32xf32, #tpu.memory_space<vmem_shared>>) dst(%arg34 : memref<128x32xf32, #tpu.memory_space<vmem>>)
    %dma_wait3A_308 = arith.constant 384 : i32
    %dma_wait3A_309 = tpu.memref_slice %arg27[%dma_wait3A_308] : memref<512xi32, #tpu.memory_space<vmem>> -> memref<128xi32, #tpu.memory_space<vmem>>
    %dma_wait3A_310 = arith.constant 0 : i32
    %dma_wait3A_311 = arith.constant 0 : i32
    %dma_wait3A_312 = tpu.memref_slice %arg41[%dma_wait3A_310, %dma_wait3A_311] : memref<1001x32xf32, #tpu.memory_space<vmem_shared>> -> memref<1001x32xf32, #tpu.memory_space<vmem_shared>>
    tpu.wait_indirect_dma semaphore(%arg44 : memref<!tpu.dma_semaphore, #tpu.memory_space<semaphore_mem>>) src(%dma_wait3A_312 : memref<1001x32xf32, #tpu.memory_space<vmem_shared>>) dst(%arg35 : memref<128x32xf32, #tpu.memory_space<vmem>>)
    %dma_wait3A_313 = arith.constant 384 : i32
    %dma_wait3A_314 = tpu.memref_slice %arg28[%dma_wait3A_313] : memref<512xi32, #tpu.memory_space<vmem>> -> memref<128xi32, #tpu.memory_space<vmem>>
    %dma_wait3A_315 = arith.constant 0 : i32
    %dma_wait3A_316 = arith.constant 0 : i32
    %dma_wait3A_317 = tpu.memref_slice %arg42[%dma_wait3A_315, %dma_wait3A_316] : memref<1001x32xf32, #tpu.memory_space<vmem_shared>> -> memref<1001x32xf32, #tpu.memory_space<vmem_shared>>
    tpu.wait_indirect_dma semaphore(%arg44 : memref<!tpu.dma_semaphore, #tpu.memory_space<semaphore_mem>>) src(%dma_wait3A_317 : memref<1001x32xf32, #tpu.memory_space<vmem_shared>>) dst(%arg36 : memref<128x32xf32, #tpu.memory_space<vmem>>)
    %dma_wait3A_318 = arith.constant 384 : i32
    %dma_wait3A_319 = tpu.memref_slice %arg29[%dma_wait3A_318] : memref<512xi32, #tpu.memory_space<vmem>> -> memref<128xi32, #tpu.memory_space<vmem>>
    %dma_wait3A_320 = arith.constant 0 : i32
    %dma_wait3A_321 = arith.constant 0 : i32
    %dma_wait3A_322 = tpu.memref_slice %arg43[%dma_wait3A_320, %dma_wait3A_321] : memref<1001x32xf32, #tpu.memory_space<vmem_shared>> -> memref<1001x32xf32, #tpu.memory_space<vmem_shared>>
    tpu.wait_indirect_dma semaphore(%arg44 : memref<!tpu.dma_semaphore, #tpu.memory_space<semaphore_mem>>) src(%dma_wait3A_322 : memref<1001x32xf32, #tpu.memory_space<vmem_shared>>) dst(%arg37 : memref<128x32xf32, #tpu.memory_space<vmem>>)
    %dma_wait3A_323 = arith.constant 384 : i32
    %dma_wait3A_324 = tpu.memref_slice %arg18[%dma_wait3A_323] : memref<512xi32, #tpu.memory_space<vmem>> -> memref<128xi32, #tpu.memory_space<vmem>>
    %dma_wait3A_325 = arith.constant 0 : i32
    %dma_wait3A_326 = arith.constant 0 : i32
    %dma_wait3A_327 = tpu.memref_slice %arg9[%dma_wait3A_325, %dma_wait3A_326] : memref<1000000x128xf32, #tpu.memory_space<hbm>> -> memref<1000000x128xf32, #tpu.memory_space<hbm>>
    tpu.wait_indirect_dma semaphore(%arg45 : memref<!tpu.dma_semaphore, #tpu.memory_space<semaphore_mem>>) src(%dma_wait3A_327 : memref<1000000x128xf32, #tpu.memory_space<hbm>>) dst(%arg31 : memref<128x128xf32, #tpu.memory_space<vmem>>)
    %parallel_loop3A_328 = arith.constant 0 : i32
    %parallel_loop3A_329 = arith.constant 128 : i32
    %parallel_loop3A_330 = arith.constant 1 : i32
    "tpu.trace_stop"() : () -> ()
    "tpu.trace_start"() <{level = 10 : i32, message = "asm"}> : () -> ()
    scf.for %parallel_loop3A_333 = %parallel_loop3A_328 to %parallel_loop3A_329 step %parallel_loop3A_330  : i32 {
      %parallel_loop3A_334 = vector.broadcast %parallel_loop3A_333 : i32 to vector<16xi32>
      %parallel_loop3A_335 = arith.constant 384 : i32
      %parallel_loop3A_336 = vector.broadcast %parallel_loop3A_335 : i32 to vector<16xi32>
      %parallel_loop3A_337 = arith.addi %parallel_loop3A_334, %parallel_loop3A_336 : vector<16xi32>
      %parallel_loop3A_338 = tpu.vector_load_idx %arg31[%parallel_loop3A_334, %iota3A] : memref<128x128xf32, #tpu.memory_space<vmem>>[vector<16xi32>, vector<16xi32>], vector<16xf32>,
      tpu.vector_store_idx %arg30[%parallel_loop3A_334, %add3A_87], %parallel_loop3A_338 : memref<128x232xf32, #tpu.memory_space<vmem>>[vector<16xi32>, vector<16xi32>], vector<16xf32>,
      %parallel_loop3A_339 = tpu.vector_load_idx %arg31[%parallel_loop3A_334, %add3A_48] : memref<128x128xf32, #tpu.memory_space<vmem>>[vector<16xi32>, vector<16xi32>], vector<16xf32>,
      tpu.vector_store_idx %arg30[%parallel_loop3A_334, %add3A_93], %parallel_loop3A_339 : memref<128x232xf32, #tpu.memory_space<vmem>>[vector<16xi32>, vector<16xi32>], vector<16xf32>,
      %parallel_loop3A_340 = tpu.vector_load_idx %arg19[%parallel_loop3A_337] : memref<512xi32, #tpu.memory_space<vmem>>[vector<16xi32>], vector<16xi32>,
      %parallel_loop3A_341 = tpu.vector_load_idx %arg38[%parallel_loop3A_340, %iota3A] : memref<3x32xf32, #tpu.memory_space<vmem>>[vector<16xi32>, vector<16xi32>], vector<16xf32>,
      tpu.vector_store_idx %arg30[%parallel_loop3A_334, %add3A_96], %parallel_loop3A_341 : memref<128x232xf32, #tpu.memory_space<vmem>>[vector<16xi32>, vector<16xi32>], vector<16xf32>,
      %parallel_loop3A_342 = tpu.vector_load_idx %arg38[%parallel_loop3A_340, %add3A_48] : memref<3x32xf32, #tpu.memory_space<vmem>>[vector<16xi32>, vector<16xi32>], vector<16xf32>,
      tpu.vector_store_idx %arg30[%parallel_loop3A_334, %add3A_102], %parallel_loop3A_342 : memref<128x232xf32, #tpu.memory_space<vmem>>[vector<16xi32>, vector<16xi32>], vector<16xf32>,
      %parallel_loop3A_343 = tpu.vector_load_idx %arg20[%parallel_loop3A_337] : memref<512xi32, #tpu.memory_space<vmem>>[vector<16xi32>], vector<16xi32>,
      %parallel_loop3A_344 = tpu.vector_load_idx %arg39[%parallel_loop3A_343, %iota3A] : memref<8x32xf32, #tpu.memory_space<vmem>>[vector<16xi32>, vector<16xi32>], vector<16xf32>,
      tpu.vector_store_idx %arg30[%parallel_loop3A_334, %add3A_105], %parallel_loop3A_344 : memref<128x232xf32, #tpu.memory_space<vmem>>[vector<16xi32>, vector<16xi32>], vector<16xf32>,
      %parallel_loop3A_345 = tpu.vector_load_idx %arg39[%parallel_loop3A_343, %add3A_48] : memref<8x32xf32, #tpu.memory_space<vmem>>[vector<16xi32>, vector<16xi32>], vector<16xf32>,
      tpu.vector_store_idx %arg30[%parallel_loop3A_334, %add3A_111], %parallel_loop3A_345 : memref<128x232xf32, #tpu.memory_space<vmem>>[vector<16xi32>, vector<16xi32>], vector<16xf32>,
      %parallel_loop3A_346 = tpu.vector_load_idx %arg34[%parallel_loop3A_334, %iota3A] : memref<128x32xf32, #tpu.memory_space<vmem>>[vector<16xi32>, vector<16xi32>], vector<16xf32>,
      tpu.vector_store_idx %arg30[%parallel_loop3A_334, %add3A_51], %parallel_loop3A_346 : memref<128x232xf32, #tpu.memory_space<vmem>>[vector<16xi32>, vector<16xi32>], vector<16xf32>,
      %parallel_loop3A_347 = tpu.vector_load_idx %arg34[%parallel_loop3A_334, %add3A_48] : memref<128x32xf32, #tpu.memory_space<vmem>>[vector<16xi32>, vector<16xi32>], vector<16xf32>,
      tpu.vector_store_idx %arg30[%parallel_loop3A_334, %add3A_57], %parallel_loop3A_347 : memref<128x232xf32, #tpu.memory_space<vmem>>[vector<16xi32>, vector<16xi32>], vector<16xf32>,
      %parallel_loop3A_348 = tpu.vector_load_idx %arg35[%parallel_loop3A_334, %iota3A] : memref<128x32xf32, #tpu.memory_space<vmem>>[vector<16xi32>, vector<16xi32>], vector<16xf32>,
      tpu.vector_store_idx %arg30[%parallel_loop3A_334, %add3A_60], %parallel_loop3A_348 : memref<128x232xf32, #tpu.memory_space<vmem>>[vector<16xi32>, vector<16xi32>], vector<16xf32>,
      %parallel_loop3A_349 = tpu.vector_load_idx %arg35[%parallel_loop3A_334, %add3A_48] : memref<128x32xf32, #tpu.memory_space<vmem>>[vector<16xi32>, vector<16xi32>], vector<16xf32>,
      tpu.vector_store_idx %arg30[%parallel_loop3A_334, %add3A_66], %parallel_loop3A_349 : memref<128x232xf32, #tpu.memory_space<vmem>>[vector<16xi32>, vector<16xi32>], vector<16xf32>,
      %parallel_loop3A_350 = tpu.vector_load_idx %arg36[%parallel_loop3A_334, %iota3A] : memref<128x32xf32, #tpu.memory_space<vmem>>[vector<16xi32>, vector<16xi32>], vector<16xf32>,
      tpu.vector_store_idx %arg30[%parallel_loop3A_334, %add3A_69], %parallel_loop3A_350 : memref<128x232xf32, #tpu.memory_space<vmem>>[vector<16xi32>, vector<16xi32>], vector<16xf32>,
      %parallel_loop3A_351 = tpu.vector_load_idx %arg36[%parallel_loop3A_334, %add3A_48] : memref<128x32xf32, #tpu.memory_space<vmem>>[vector<16xi32>, vector<16xi32>], vector<16xf32>,
      tpu.vector_store_idx %arg30[%parallel_loop3A_334, %add3A_75], %parallel_loop3A_351 : memref<128x232xf32, #tpu.memory_space<vmem>>[vector<16xi32>, vector<16xi32>], vector<16xf32>,
      %parallel_loop3A_352 = tpu.vector_load_idx %arg37[%parallel_loop3A_334, %iota3A] : memref<128x32xf32, #tpu.memory_space<vmem>>[vector<16xi32>, vector<16xi32>], vector<16xf32>,
      tpu.vector_store_idx %arg30[%parallel_loop3A_334, %add3A_78], %parallel_loop3A_352 : memref<128x232xf32, #tpu.memory_space<vmem>>[vector<16xi32>, vector<16xi32>], vector<16xf32>,
      %parallel_loop3A_353 = tpu.vector_load_idx %arg37[%parallel_loop3A_334, %add3A_48] : memref<128x32xf32, #tpu.memory_space<vmem>>[vector<16xi32>, vector<16xi32>], vector<16xf32>,
      tpu.vector_store_idx %arg30[%parallel_loop3A_334, %add3A_84], %parallel_loop3A_353 : memref<128x232xf32, #tpu.memory_space<vmem>>[vector<16xi32>, vector<16xi32>], vector<16xf32>,
    } {sc.loop_unroll_factor = 8 : i64, sc.parallel_access}
    "tpu.trace_stop"() : () -> ()
    "tpu.trace_start"() <{level = 10 : i32, message = "out_write"}> : () -> ()
    %add3A_331 = arith.constant 384 : i32
    %add3A_332 = arith.addi %mul3A_2, %add3A_331 : i32
    "tpu.region"() ({
      %run_scoped3A = tpu.sem_alloc : memref<!tpu.dma_semaphore, #tpu.memory_space<semaphore_mem>>
      %dma_start3A_333 = arith.constant 0 : i32
      %dma_start3A_334 = tpu.memref_slice %arg17[%add3A_332, %dma_start3A_333] : memref<16384x232xf32, #tpu.memory_space<hbm>> -> memref<128x232xf32, #tpu.memory_space<hbm>>
      %dma_start3A_335 = arith.constant 0 : i32
      %dma_start3A_336 = tpu.memref_slice %arg17[%add3A_332, %dma_start3A_335] : memref<16384x232xf32, #tpu.memory_space<hbm>> -> memref<128x232xf32, #tpu.memory_space<hbm>>
      tpu.enqueue_dma source(%arg30 : memref<128x232xf32, #tpu.memory_space<vmem>>) target(%dma_start3A_336 : memref<128x232xf32, #tpu.memory_space<hbm>>) target_semaphore(%run_scoped3A : memref<!tpu.dma_semaphore, #tpu.memory_space<semaphore_mem>>)
      %dma_wait3A_337 = arith.constant 0 : i32
      %dma_wait3A_338 = tpu.memref_slice %arg17[%add3A_332, %dma_wait3A_337] : memref<16384x232xf32, #tpu.memory_space<hbm>> -> memref<128x232xf32, #tpu.memory_space<hbm>>
      %dma_wait3A_339 = arith.constant 0 : i32
      %dma_wait3A_340 = tpu.memref_slice %arg17[%add3A_332, %dma_wait3A_339] : memref<16384x232xf32, #tpu.memory_space<hbm>> -> memref<128x232xf32, #tpu.memory_space<hbm>>
      tpu.wait_dma2 semaphore(%run_scoped3A : memref<!tpu.dma_semaphore, #tpu.memory_space<semaphore_mem>>) src(%arg30 : memref<128x232xf32, #tpu.memory_space<vmem>>) dst(%dma_wait3A_340 : memref<128x232xf32, #tpu.memory_space<hbm>>)
      tpu.yield
    }) : () -> ()
    "tpu.trace_stop"() : () -> ()
    return
  }
}

</mosaic_0001>

<sc_bundles>
// kernel: kernel.3.cloned.1.call-start
scs
__scs_entry_jumppad:
0x0: {  	(pc) =	sbr.rel $0x88, $3  }
0x1: {  	(tag) =	ssettag $0x0;
	lr =	simm.s32 $0x1  }
0x2: {  	[smem:$0x3F93] =	sst lr;
	_ =	strace $0xD0000000  }
0x3: {  	_ = 	snop  }
0x4: {  	_ = 	snop  }
0x5: {  	_ = 	snop  }
0x6: {  	_ = 	snop  }
0x7: {  	_ = 	snop  }
__scs_overlays_trampoline_lowered:
0x8: {  	[smem:$0x3FA2] =	sst s0  }
0x9: {  	[smem:$0x3FA3] =	sst s1  }
0xa: {  	[smem:$0x3FA4] =	sst s2  }
0xb: {  	[smem:$0x3FA5] =	sst s3  }
0xc: {  	[smem:$0x3FA6] =	sst s4  }
0xd: {  	[smem:$0x3FA7] =	sst s5  }
0xe: {  	[smem:$0x3FA8] =	sst s6  }
0xf: {  	[smem:$0x3FA9] =	sst s7  }
0x10: {  	[smem:$0x3FAA] =	sst s8  }
0x11: {  	[smem:$0x3FAB] =	sst s9;
	s0 =	simm.s32 @!p0 $0x0  }
0x12: {  	s1 =	sld [smem:$0x3F91];
	s0 =	simm.s32 @p0 $0x1  }
0x13: {  	[smem:$0x3FAC] =	sst s0;
	s0 =	simm.s32 @!p1 $0x0  }
0x14: {  	s2 =	sld [smem:$0x3F90];
	s0 =	simm.s32 @p1 $0x1  }
0x15: {  	[smem:$0x3FAD] =	sst s0;
	s0 =	simm.s32 @!p2 $0x0  }
0x16: {  	s3 =	sld [smem:$0x3FDB];
	s0 =	simm.s32 @p2 $0x1  }
0x17: {  	s4 =	simm.s32 $0x1BF5;
	[smem:$0x3FAF] =	sst s0  }
0x18: {  	s0 =	sld [smem:$0x3F92];
	_ =	swait.ge [sflag:s4], $0x0  }
0x19: {  	s7 =	sld [smem:$0x3F93]  }
0x1a: {  	s8 =	sadd.s32 $0xFFFFE003, lr  }
0x1b: {  	s9 =	sadd.s32 $0xFFFFFEF7, lr;
	s5 =	simm.s32 $0xFFFFFFFF;
	p2 =	slt.u32 s8, $0xFFFFF086  }
0x1c: {  	p1 =	slt.u32 s9, $0xF7A;
	s5 =	simm.s32 @!p2 $0x0  }
0x1d: {  	s5 =	simm.s32 @p1 $0x1;
	p0 =	seq.s32 s7, s2  }
0x1e: {  	s7 =	smul.u32 @!p0 $0xF7A, s2;
	p2 =	seq.s32 @!p0 s5, $0x0  }
0x1f: {  	s9 =	smul.u32 $0xF7A, s1;
	s8 =	simm.s32 @!p0 $0x1BF5;
	p2 =	por !p2, p0  }
0x20: {  	[sflag:s8] =	ssyncset.s32 @!p0 $0xFFFFF086;
	s6 =	sadd.s32 @!p0 s3, s7;
	s7 =	simm.s32 @!p0 $0x108  }
0x21: {  	s3 =	sadd.s32 s3, s9;
	s6 =	sadd.s32 @!p0 $0x88, s6;
	s7 =	simm.s32 @p2 $0x1082  }
0x22: {  	[simem:s7], [sflag:s8] =	dma.local @!p0 [hbm:s6], $0xF7A  }
0x23: {  	s9 =	sor.u32 $0xD0000000, s2;
	s6 =	simm.s32 $0x108;
	_ =	swait.ge @!p0 [sflag:s8], $0x0  }
0x24: {  	s3 =	sadd.s32 $0x88, s3;
	s6 =	simm.s32 @!p1 $0x1082;
	[sflag:s4] =	ssyncset.s32 $0xFFFFF086  }
0x25: {  	[simem:s6], [sflag:s4] =	dma.local [hbm:s3], $0xF7A  }
0x26: {  	[smem:$0x3F93] =	sst s1;
	(tag) =	ssettag s2;
	_ =	strace s9  }
0x27: {  	s1 =	sld [smem:$0x3FA3]  }
0x28: {  	s2 =	sld [smem:$0x3FA4]  }
0x29: {  	s4 =	sld [smem:$0x3FA6]  }
0x2a: {  	p0 =	seq.s32 s5, $0x0;
	s5 =	sld [smem:$0x3FA7]  }
0x2b: {  	s6 =	sld [smem:$0x3FA8]  }
0x2c: {  	s7 =	sld [smem:$0x3FA9]  }
0x2d: {  	s3 =	simm.s32 $0x108;
	s8 =	sld [smem:$0x3FAA]  }
0x2e: {  	s3 =	simm.s32 @!p0 $0x1082;
	s9 =	sld [smem:$0x3FAB]  }
0x2f: {  	lr =	sadd.s32 s0, s3;
	s0 =	sld [smem:$0x3FA2]  }
0x30: {  	s3 =	sld [smem:$0x3FA5]  }
0x31: {  	[smem:$0x3FAE] =	sst s10  }
0x32: {  	s10 =	sld [smem:$0x3FAC];
	_ =	sdelay $0x3  }
0x33: {  	p0 =	seq.s32 s10, $0x1;
	s10 =	sld [smem:$0x3FAE];
	_ =	sdelay $0x3  }
0x34: {  	[smem:$0x3FAE] =	sst s10  }
0x35: {  	s10 =	sld [smem:$0x3FAD];
	_ =	sdelay $0x3  }
0x36: {  	p1 =	seq.s32 s10, $0x1;
	s10 =	sld [smem:$0x3FAE];
	_ =	sdelay $0x3  }
0x37: {  	[smem:$0x3FAE] =	sst s10  }
0x38: {  	s10 =	sld [smem:$0x3FAF]  }
0x39: {  	_ = 	snop;
	(pc) =	sbr.ind lr, $3  }
0x3a: {  	_ = 	snop  }
0x3b: {  	_ = 	snop  }
0x3c: {  	p2 =	seq.s32 s10, $0x1;
	s10 =	sld [smem:$0x3FAE]  }
0x3d: {  	_ =	shalt  }
0x3e: {  	_ =	shalt  }
0x3f: {  	_ =	shalt  }
0x40: {  	_ =	shalt  }
0x41: {  	_ =	shalt  }
0x42: {  	_ =	shalt  }
0x43: {  	_ =	shalt  }
0x44: {  	_ =	shalt  }
0x45: {  	_ =	shalt  }
0x46: {  	_ =	shalt  }
0x47: {  	_ =	shalt  }
0x48: {  	_ =	shalt  }
0x49: {  	_ =	shalt  }
0x4a: {  	_ =	shalt  }
0x4b: {  	_ =	shalt  }
0x4c: {  	_ =	shalt  }
0x4d: {  	_ =	shalt  }
0x4e: {  	_ =	shalt  }
0x4f: {  	_ =	shalt  }
0x50: {  	_ =	shalt  }
0x51: {  	_ =	shalt  }
0x52: {  	_ =	shalt  }
0x53: {  	_ =	shalt  }
0x54: {  	_ =	shalt  }
0x55: {  	_ =	shalt  }
0x56: {  	_ =	shalt  }
0x57: {  	_ =	shalt  }
0x58: {  	_ =	shalt  }
0x59: {  	_ =	shalt  }
0x5a: {  	_ =	shalt  }
0x5b: {  	_ =	shalt  }
0x5c: {  	_ =	shalt  }
0x5d: {  	_ =	shalt  }
0x5e: {  	_ =	shalt  }
0x5f: {  	_ =	shalt  }
0x60: {  	_ =	shalt  }
0x61: {  	_ =	shalt  }
0x62: {  	_ =	shalt  }
0x63: {  	_ =	shalt  }
0x64: {  	_ =	shalt  }
0x65: {  	_ =	shalt  }
0x66: {  	_ =	shalt  }
0x67: {  	_ =	shalt  }
0x68: {  	_ =	shalt  }
0x69: {  	_ =	shalt  }
0x6a: {  	_ =	shalt  }
0x6b: {  	_ =	shalt  }
0x6c: {  	_ =	shalt  }
0x6d: {  	_ =	shalt  }
0x6e: {  	_ =	shalt  }
0x6f: {  	_ =	shalt  }
0x70: {  	_ =	shalt  }
0x71: {  	_ =	shalt  }
0x72: {  	_ =	shalt  }
0x73: {  	_ =	shalt  }
0x74: {  	_ =	shalt  }
0x75: {  	_ =	shalt  }
0x76: {  	_ =	shalt  }
0x77: {  	_ =	shalt  }
0x78: {  	_ =	shalt  }
0x79: {  	_ =	shalt  }
0x7a: {  	_ =	shalt  }
0x7b: {  	_ =	shalt  }
0x7c: {  	_ =	shalt  }
0x7d: {  	_ =	shalt  }
0x7e: {  	_ =	shalt  }
0x7f: {  	_ =	shalt  }
0x80: {  	_ =	shalt  }
0x81: {  	_ =	shalt  }
0x82: {  	_ =	shalt  }
0x83: {  	_ =	shalt  }
0x84: {  	_ =	shalt  }
0x85: {  	_ =	shalt  }
0x86: {  	_ =	shalt  }
0x87: {  	_ =	shalt  }
.Lfunc_end0:
.L_simem_size_0:
called_computation_lowered:
.L_overlay_start_0:
0x88: {  	s2 =	sld [smem:$0x3FD9]  }
0x89: {  	s3 =	sld [smem:$0x3FFE];
	_ =	sdelay $0x1  }
0x8a: {  	s1 =	srdreg.scid  }
0x8b: {  	s0 =	sand.u32 $0x1, s1  }
0x8c: {  	s17 =	sshll.u32 s0, $0xA;
	s2 =	sadd.s32 s3, s2  }
0x8d: {  	s2 =	sadd.s32 s2, s17  }
0x8e: {  	[smem:$0x3FBA] =	sst s2  }
0x8f: {  	_ = 	snop  }
0x90: {  	s2 =	sld [smem:$0x3FC9]  }
0x91: {  	s18 =	sld [smem:$0x3FC8]  }
0x92: {  	s4 =	sld [smem:$0x3FC7]  }
0x93: {  	s5 =	sld [smem:$0x3FC6]  }
0x94: {  	s6 =	sld [smem:$0x3FC5]  }
0x95: {  	s7 =	sld [smem:$0x3FC4]  }
0x96: {  	s8 =	sld [smem:$0x3FC3]  }
0x97: {  	s9 =	sld [smem:$0x3FD0];
	(tm) =	ssettm $0x1  }
0x98: {  	s10 =	sld [smem:$0x3FFB];
	_ =	sdelay $0x3  }
0x99: {  	_ =	strace s10  }
0x9a: {  	s10 =	sld [smem:$0x3FFC];
	_ =	sdelay $0x3  }
0x9b: {  	_ =	strace s10  }
0x9c: {  	s10 =	sld [smem:$0x3FFD];
	_ =	sdelay $0x3  }
0x9d: {  	_ =	strace s10  }
0x9e: {  	_ =	strace $0x8FFFFFFF  }
0x9f: {  	s19 =	sld [smem:$0x3FDB];
	_ =	sdelay $0x1  }
0xa0: {  	s11 =	simm.s32 $_scs_section_size  }
0xa1: {  	s12 =	simm.s32 $_size__tile_overlayer_lowered;
	s13 =	simm.s32 $_tile_overlayer_lowered  }
0xa2: {  	s22 =	simm.s32 $0x1BFF;
	s21 =	sshll.u32 s13, $0x1;
	s10 =	sadd.s32 s11, s19  }
0xa3: {  	s14 =	simm.s32 $0x0;
	s20 =	sshll.u32 s12, $0x1;
	s12 =	sadd.s32 s21, s10  }
0xa4: {  	[timem:s14], [sflag:s22] =	dma.local [hbm:s12], s20  }
0xa5: {  	_ =	swait.ge [sflag:s22], s20  }
0xa6: {  	s11 =	ssub.s32 $0x0, s20;
	[sflag:s22] =	ssyncset.done $0x0  }
0xa7: {  	[sflag:s22] =	ssyncadd.s32 s11;
	_ =	sdelay $0x1  }
0xa8: {  	s23 =	simm.s32 $0x1B8B  }
0xa9: {  	_ =	swait.ge [sflag:s23], $0x1  }
0xaa: {  	[sflag:s23] =	ssyncset.done $0x0  }
0xab: {  	s25 =	simm.s32 $0x1B8E;
	s24 =	sld [smem:$0x3FFE];
	[sflag:s23] =	ssyncadd.s32 $0xFFFFFFFF  }
0xac: {  	s26 =	simm.s32 $execute0_lowered;
	[smem:$0x3FD2] =	sst s25  }
0xad: {  	s12 =	sshll.u32 s26, $0x1;
	_ =	strace $0x80000046;
	[dreg:$0x1] =	wrdreg $0xFFFFFFFF  }
0xae: {  	s28 =	simm.s32 $_size_execute0_lowered;
	s10 =	sadd.s32 s10, s12;
	[dreg:$0x0] =	wrdreg $0x0  }
0xaf: {  	s12 =	sshll.u32 s28, $0x1;
	[dreg:$0x2] =	wrdreg s10  }
0xb0: {  	[dreg:$0x3] =	wrdreg s12  }
0xb1: {  	[dreg:$0x4] =	wrdreg $0xC0  }
0xb2: {  	_ =	task [dreg:s14], $0x5FFFF  }
0xb3: {  	[dreg:$0x1] =	wrdreg $0xFFFFFFFF  }
0xb4: {  	[dreg:$0x0] =	wrdreg $0x60  }
0xb5: {  	[dreg:$0x2] =	wrdreg s2  }
0xb6: {  	[dreg:$0x3] =	wrdreg s18  }
0xb7: {  	[dreg:$0x4] =	wrdreg s4  }
0xb8: {  	[dreg:$0x5] =	wrdreg s5  }
0xb9: {  	[dreg:$0x6] =	wrdreg s6  }
0xba: {  	[dreg:$0x7] =	wrdreg s7  }
0xbb: {  	[dreg:$0x8] =	wrdreg s8  }
0xbc: {  	[dreg:$0x9] =	wrdreg s24  }
0xbd: {  	[dreg:$0xa] =	wrdreg s9  }
0xbe: {  	[dreg:$0xb] =	wrdreg $0x18F480  }
0xbf: {  	[dreg:$0xc] =	wrdreg $0x197200  }
0xc0: {  	[dreg:$0xd] =	wrdreg $0x19EF80  }
0xc1: {  	[dreg:$0xe] =	wrdreg $0x1A6D00  }
0xc2: {  	[dreg:$0xf] =	wrdreg $0x9  }
0xc3: {  	_ =	task.clear_ibuf [dreg:s14], $0x10FFFF;
	_ =	strace $0x90000046  }
0xc4: {  	s29 =	simm.s32 $0x9;
	_ =	strace $0x8000005A  }
0xc5: {  	_ =	swait.ge [sflag:s29], $0x1  }
0xc6: {  	[sflag:s29] =	ssyncadd.s32 $0xFFFFFFFF  }
0xc7: {  	_ =	strace $0x9000005A  }
0xc8: {  	_ =	sfence  }
0xc9: {  	s30 =	sld [smem:$0x0];
	_ =	sdelay $0x2  }
0xca: {  	s31 =	sshll.u32 s1, $0xD;
	s1 =	sshrl.u32 s1, $0x2  }
0xcb: {  	s3 =	sand.u32 $0x4000, s31;
	s1 =	sadd.s32 s1, s30  }
0xcc: {  	s0 =	sor.u32 s3, s0;
	s1 =	sshll.u32 s1, $0x11  }
0xcd: {  	s0 =	sor.u32 s1, s0  }
0xce: {  	s0 =	sadd.s32 $0x8F2B, s0  }
0xcf: {  	[sflag:s0] =	ssyncadd.remote.s32 $0x1  }
0xd0: {  	_ =	sfence.sel $0xFFFF  }
0xd1: {  	[dreg:$0x0] =	wrdreg $0xFFFFFFFF;
	(pc) =	sbr.abs _section_cstart, $3  }
0xd2: {  	[dreg:$0x1] =	wrdreg $0xFFFFFFFF  }
0xd3: {  	_ =	task.clear_ibuf [dreg:s14], $0x2FFFF;
	_ =	strace $0x9FFFFFFF  }
0xd4: {  	(tm) =	ssettm $0x7FFFFFFF  }
0xd5: {  	_ =	shalt  }
tec
execute0_lowered:
.L_overlay_start_1:
0x0: {  	(tag) =	ssettag $0x1  }
0x1: {  	s0 =	rddreg [dreg:$0x0]  }
0x2: {  	s7 =	rddreg [dreg:$0x1]  }
0x3: {  	s8 =	rddreg [dreg:$0x2]  }
0x4: {  	s9 =	rddreg [dreg:$0x3]  }
0x5: {  	s10 =	rddreg [dreg:$0x4]  }
0x6: {  	s11 =	rddreg [dreg:$0x5]  }
0x7: {  	s12 =	rddreg [dreg:$0x6]  }
0x8: {  	s13 =	rddreg [dreg:$0x7]  }
0x9: {  	s14 =	rddreg [dreg:$0x8]  }
0xa: {  	s1 =	rddreg [dreg:$0x9]  }
0xb: {  	s2 =	rddreg [dreg:$0xa]  }
0xc: {  	s3 =	rddreg [dreg:$0xb]  }
0xd: {  	s4 =	rddreg [dreg:$0xc]  }
0xe: {  	s5 =	simm.s32 $0x0;
	s28 =	simm.s32 $0x400;
	s29 =	simm.s32 $0xE00  }
0xf: {  	s30 =	simm.s32 $0x18DE8;
	s31 =	simm.s32 $0x18E48;
	[smem:$0x7FF] =	sst s5  }
0x10: {  	s15 =	srdreg.scid;
	s6 =	sadd.s32 $0xF47A00, s13;
	s16 =	sadd.s32 $0xF47800, s13  }
0x11: {  	s17 =	sadd.s32 $0xF47600, s13;
	_ =	strace $0x80000047;
	[dreg:$0xe] =	wrdreg s16  }
0x12: {  	s15 =	sand.u32 $0x1, s15;
	s19 =	sadd.s32 $0xF46600, s13;
	[dreg:$0xf] =	wrdreg s17  }
0x13: {  	s23 =	sadd.s32 $0xF45600, s13;
	s20 =	sadd.s32 $0xF44600, s13;
	[dreg:$0x10] =	wrdreg s19  }
0x14: {  	s16 =	stileid.u32;
	s18 =	sshll.u32 s15, $0x9;
	[dreg:$0x11] =	wrdreg s23  }
0x15: {  	s15 =	ssub.s32 $0x2, s15;
	[dreg:$0x12] =	wrdreg s20;
	s22 =	sshll.u32 s16, $0xA  }
0x16: {  	s23 =	sadd.s32 $0x1200, s13;
	s24 =	sshrl.u32 s15, $0x1;
	s17 =	sor.u32 s18, s22  }
0x17: {  	[dreg:$0x1b] =	wrdreg s23;
	s22 =	sadd.s32 $0xF43600, s13;
	s25 =	sshrl.u32 s17, $0x3  }
0x18: {  	p0 =	sne.s32 s16, $0x0;
	[dreg:$0x1a] =	wrdreg s22;
	s0 =	sadd.s32 s0, s25  }
0x19: {  	s16 =	simm.s32 $0x10DE8;
	s26 =	sadd.s32 s7, s25;
	[dreg:$0x13] =	wrdreg s0  }
0x1a: {  	s15 =	ssub.s32 s15, s24;
	s7 =	sadd.s32 s8, s25;
	[dreg:$0x14] =	wrdreg s26  }
0x1b: {  	s13 =	simm.s32 $0x17DE8;
	s9 =	sadd.s32 s9, s25;
	[dreg:$0x15] =	wrdreg s7  }
0x1c: {  	v0 =	vimm.f32 $2.886753080e-01;
	s21 =	smul.u32 $0x1D, s17;
	s10 =	sadd.s32 s10, s25;
	[dreg:$0x16] =	wrdreg s9  }
0x1d: {  	(erf) = vrcp.f32 v0;
	s8 =	smul.u32 $0xE8, s17;
	s18 =	sadd.s32 s11, s25;
	[dreg:$0x17] =	wrdreg s10  }
0x1e: {  	s20 =	sadd.s32 s12, s25;
	s11 =	simm.s32 $0x15DE8;
	[dreg:$0x18] =	wrdreg s18  }
0x1f: {  	s12 =	simm.s32 $0x16DE8;
	s17 =	simm.s32 $0x5;
	[dreg:$0x19] =	wrdreg s20  }
0x20: {  	v1 =	vimm.s32 $0x0;
	v0 =	vlaneseq.u32;
	s7 =	sadd.s32 s14, s21;
	s26 =	smax.u32 s15, $0x1;
	s9 =	simm.s32 $0xCDE8  }
0x21: {  	v5 =	vmul.u32 $0xE8, v0;
	v6 =	vor.u32 $0x10, v0;
	v7 =	vor.u32 $0x20, v0;
	s10 =	simm.s32 $0x14DE8;
	s15 =	simm.s32 $0x2;
	s0 =	sshrl.u32 s8, $0x3  }
0x22: {  	v8 =	vor.u32 $0x30, v0;
	v9 =	vor.u32 $0x40, v0;
	v10 =	vor.u32 $0x50, v0;
	s20 =	simm.s32 $0x0;
	[dreg:$0x1c] =	wrdreg s7;
	s0 =	sadd.s32 s14, s0  }
0x23: {  	v11 =	vor.u32 $0x60, v0;
	v12 =	vor.u32 $0x70, v0;
	v13 =	vadd.s32 $0x81, v0;
	[smem:$0x7FD] =	sst s26;
	s26 =	simm.s32 $0x200;
	s24 =	sadd.s32 $0xE80, s0  }
0x24: {  	v14 =	vadd.s32 $0x91, v0;
	v15 =	vadd.s32 $0xA2, v0;
	v17 =	vadd.s32 $0xB2, v0;
	s7 =	simm.s32 $0x80;
	s25 =	sadd.s32 $0x1D00, s0;
	[dreg:$0x1d] =	wrdreg s24  }
0x25: {  	v18 =	vadd.s32 $0xC3, v0;
	v19 =	vadd.s32 $0xD3, v0;
	v2 =	vadd.s32 $0x80, v5;
	s8 =	simm.s32 $0x8DE8;
	s0 =	sadd.s32 $0x2B80, s0;
	[dreg:$0x1e] =	wrdreg s25  }
0x26: {  	v3 =	vadd.s32 $0xA1, v5;
	v4 =	vadd.s32 $0xC2, v5;
	v5 =	vadd.s32 $0xE3, v5;
	s14 =	simm.s32 $0x19E8;
	[dreg:$0x1f] =	wrdreg s0;
	s0 =	simm.s32 $0x1;
	v16 =	vpop (erf)  }
.LBB2_1:
0x27: {  	s18 =	sshrl.u32 @!p0 s1, $0x3;
	s21 =	simm.s32 @!p0 $0x1C05;
	s19 =	rddreg [dreg:$0x10]  }
0x28: {  	[spmem:s18], [sflag:s21] =	dma.local @!p0 [hbm:s19], $0xFA4  }
0x29: {  	s18 =	simm.s32 @!p0 $0x5  }
0x2a: {  	_ =	swait.ge @!p0 [sflag:s18], $0xFA4  }
0x2b: {  	[sflag:s18] =	ssyncset.done @!p0 $0x0  }
0x2c: {  	s22 =	sshrl.u32 @!p0 s2, $0x3;
	s19 =	rddreg [dreg:$0x11];
	[sflag:s18] =	ssyncadd.s32 @!p0 $0xFFFFF05C  }
0x2d: {  	[spmem:s22], [sflag:s21] =	dma.local @!p0 [hbm:s19], $0xFA4  }
0x2e: {  	_ =	swait.ge @!p0 [sflag:s18], $0xFA4  }
0x2f: {  	[sflag:s18] =	ssyncset.done @!p0 $0x0  }
0x30: {  	s22 =	sshrl.u32 @!p0 s3, $0x3;
	s19 =	rddreg [dreg:$0x12];
	[sflag:s18] =	ssyncadd.s32 @!p0 $0xFFFFF05C  }
0x31: {  	[spmem:s22], [sflag:s21] =	dma.local @!p0 [hbm:s19], $0xFA4  }
0x32: {  	_ =	swait.ge @!p0 [sflag:s18], $0xFA4  }
0x33: {  	[sflag:s18] =	ssyncset.done @!p0 $0x0  }
0x34: {  	s22 =	sshrl.u32 @!p0 s4, $0x3;
	s19 =	rddreg [dreg:$0x1a];
	[sflag:s18] =	ssyncadd.s32 @!p0 $0xFFFFF05C  }
0x35: {  	[spmem:s22], [sflag:s21] =	dma.local @!p0 [hbm:s19], $0xFA4  }
0x36: {  	_ =	swait.ge @!p0 [sflag:s18], $0xFA4  }
0x37: {  	[sflag:s18] =	ssyncset.done @!p0 $0x0  }
0x38: {  	[sflag:s18] =	ssyncadd.s32 @!p0 $0xFFFFF05C  }
0x39: {  	_ =	strace $0x80000048  }
0x3a: {  	s23 =	rddreg [dreg:$0x13]  }
0x3b: {  	[tilespmem:s5], [sflag:$0x1] =	stream.linear.gather [hbm4b:s23+s5], $0x200, $0x200038;
	[tilespmem:$0x1AEA8] =	vst v63  }
0x3c: {  	s24 =	rddreg [dreg:$0x14]  }
0x3d: {  	[tilespmem:s26], [sflag:$0x1] =	stream.linear.gather [hbm4b:s24+s5], $0x200, $0x200038;
	[tilespmem:$0x1AEA8] =	vst v63  }
0x3e: {  	s25 =	rddreg [dreg:$0x15]  }
0x3f: {  	[tilespmem:s28], [sflag:$0x1] =	stream.linear.gather [hbm4b:s25+s5], $0x200, $0x200038;
	[tilespmem:$0x1AEA8] =	vst v63  }
0x40: {  	s21 =	simm.s32 $0x600;
	s19 =	rddreg [dreg:$0x16]  }
0x41: {  	[tilespmem:s21], [sflag:$0x1] =	stream.linear.gather [hbm4b:s19+s5], $0x200, $0x200038;
	[tilespmem:$0x1AEA8] =	vst v63  }
0x42: {  	s22 =	rddreg [dreg:$0x17];
	s23 =	simm.s32 $0x800  }
0x43: {  	[tilespmem:s23], [sflag:$0x1] =	stream.linear.gather [hbm4b:s22+s5], $0x200, $0x200038;
	[tilespmem:$0x1AEA8] =	vst v63  }
0x44: {  	s24 =	rddreg [dreg:$0x18];
	s25 =	simm.s32 $0xA00  }
0x45: {  	[tilespmem:s25], [sflag:$0x1] =	stream.linear.gather [hbm4b:s24+s5], $0x200, $0x200038;
	[tilespmem:$0x1AEA8] =	vst v63  }
0x46: {  	s21 =	rddreg [dreg:$0x19];
	s22 =	simm.s32 $0xC00  }
0x47: {  	[tilespmem:s22], [sflag:$0x1] =	stream.linear.gather [hbm4b:s21+s5], $0x200, $0x200038;
	[tilespmem:$0x1AEA8] =	vst v63  }
0x48: {  	s23 =	rddreg [dreg:$0x1b]  }
0x49: {  	[tilespmem:s29], [sflag:$0x1] =	stream.linear.gather [hbm4b:s23+s5], $0x3E8, $0x200038;
	[tilespmem:$0x1AEA8] =	vst v63  }
0x4a: {  	s24 =	rddreg [dreg:$0xe]  }
0x4b: {  	[tilespmem:s30], [sflag:$0x1] =	stream.linear.gather [hbm4b:s24+s5], $0x60, $0x200038;
	[tilespmem:$0x1AEA8] =	vst v63  }
0x4c: {  	s25 =	rddreg [dreg:$0xf]  }
0x4d: {  	[tilespmem:s31], [sflag:$0x1] =	stream.linear.gather [hbm4b:s25+s5], $0x100, $0x200038;
	[tilespmem:$0x1AEA8] =	vst v63  }
0x4e: {  	_ =	swait.ge [sflag:s0], $0x200  }
0x4f: {  	[sflag:s0] =	ssyncset.done $0x0  }
0x50: {  	[sflag:s0] =	ssyncadd.s32 $0xFFFFFE00  }
0x51: {  	_ =	swait.ge [sflag:s0], $0x200  }
0x52: {  	[sflag:s0] =	ssyncset.done $0x0  }
0x53: {  	[sflag:s0] =	ssyncadd.s32 $0xFFFFFE00  }
0x54: {  	_ =	swait.ge [sflag:s0], $0x200  }
0x55: {  	[sflag:s0] =	ssyncset.done $0x0  }
0x56: {  	[sflag:s0] =	ssyncadd.s32 $0xFFFFFE00  }
0x57: {  	_ =	swait.ge [sflag:s0], $0x200  }
0x58: {  	[sflag:s0] =	ssyncset.done $0x0  }
0x59: {  	[sflag:s0] =	ssyncadd.s32 $0xFFFFFE00  }
0x5a: {  	_ =	swait.ge [sflag:s0], $0x200  }
0x5b: {  	[sflag:s0] =	ssyncset.done $0x0  }
0x5c: {  	[sflag:s0] =	ssyncadd.s32 $0xFFFFFE00  }
0x5d: {  	_ =	swait.ge [sflag:s0], $0x200  }
0x5e: {  	[sflag:s0] =	ssyncset.done $0x0  }
0x5f: {  	[sflag:s0] =	ssyncadd.s32 $0xFFFFFE00  }
0x60: {  	_ =	swait.ge [sflag:s0], $0x200  }
0x61: {  	[sflag:s0] =	ssyncset.done $0x0  }
0x62: {  	[sflag:s0] =	ssyncadd.s32 $0xFFFFFE00  }
0x63: {  	_ =	swait.ge [sflag:s0], $0x3E8  }
0x64: {  	[sflag:s0] =	ssyncset.done $0x0  }
0x65: {  	[sflag:s0] =	ssyncadd.s32 $0xFFFFFC18  }
0x66: {  	_ =	swait.ge [sflag:s0], $0x60  }
0x67: {  	[sflag:s0] =	ssyncset.done $0x0  }
0x68: {  	[sflag:s0] =	ssyncadd.s32 $0xFFFFFFA0  }
0x69: {  	_ =	swait.ge [sflag:s0], $0x100  }
0x6a: {  	[sflag:s0] =	ssyncset.done $0x0  }
0x6b: {  	[sflag:s0] =	ssyncadd.s32 $0xFFFFFF00  }
0x6c: {  	_ =	strace $0x90000048  }
0x6d: {  	[tilespmem:s8], [sflag:$0x2] =	stream.indirect.gather [hbm4b:s6+s7], $0x80, s5, s7, $0xb8;
	[tilespmem:$0x1AEA8] =	vst v63  }
0x6e: {  	_ = 	snop  }
0x6f: {  	[tilespmem:s9], [sflag:$0x3] =	stream.indirect.gather [hbm4b:s6+s7], $0x80, s7, s7, $0xb8;
	[tilespmem:$0x1AEA8] =	vst v63  }
0x70: {  	s22 =	simm.s32 $0x0;
	_ =	strace $0x80000049  }
0x71: {  	v21 =	vld [tilespmem:s22+$0x600];
	_ =	sdelay $0x4  }
0x72: {  	v20 =	vmul.f32 $9.990000000e+02, v21;
	_ =	sdelay $0x1  }
0x73: {  	v20 =	vtrunc.f32 v20  }
0x74: {  	v20 =	vcvt.f32.s32 v20;
	_ =	sdelay $0x1  }
0x75: {  	vm0 =	vgt.s32 v20, $0x0  }
0x76: {  	v20 =	vnsel vm0, $0x0, v20  }
0x77: {  	v23 =	vld [tilespmem:s22+$0x800];
	v22 =	vmin.u32 v20, $0x3E7  }
0x78: {  	v24 =	vadd.s32 $0xFFFFFFFF, v22  }
0x79: {  	vm0 =	vgt.s32 v24, $0x0  }
0x7a: {  	v25 =	vnsel vm0, $0x0, v24  }
0x7b: {  	v20 =	vmin.u32 v20, $0x3E6  }
0x7c: {  	s21 =	simm.s32 $0x10;
	v27 =	vmul.f32 $9.990000000e+02, v23;
	v26 =	vadd.s32 $0x1, v20  }
0x7d: {  	v20 =	vld [tilespmem:s21+$0x600]  }
0x7e: {  	v27 =	vtrunc.f32 v27;
	v22 =	vld.idx.msk [tilespmem:v22+s29+$0x0], $0xffff  }
0x7f: {  	v27 =	vcvt.f32.s32 v27;
	v25 =	vld.idx.msk [tilespmem:v25+s29+$0x0], $0xffff;
	_ =	sdelay $0x1  }
0x80: {  	vm0 =	vgt.s32 v27, $0x0;
	v28 =	vld.idx.msk [tilespmem:v26+s29+$0x0], $0xffff  }
0x81: {  	v26 =	vnsel vm0, $0x0, v27  }
0x82: {  	v29 =	vmul.f32 $9.990000000e+02, v20;
	v27 =	vmin.u32 v26, $0x3E7;
	v30 =	vmin.u32 v26, $0x3E6  }
0x83: {  	v26 =	vadd.s32 $0xFFFFFFFF, v27;
	vm1 =	vlt.f32 v22, v21;
	vm0 =	vlt.f32 v25, v21  }
0x84: {  	v22 =	vtrunc.f32 v29;
	v29 =	vsel vm1, $0x1, v1;
	v25 =	vsel vm0, $0x1, v1  }
0x85: {  	v31 =	vcvt.f32.s32 v22;
	vm0 =	vlt.f32 v28, v21;
	v21 =	vadd.s32 v25, v29  }
0x86: {  	v22 =	vsel vm0, $0x1, v1;
	vm0 =	vgt.s32 v26, $0x0;
	v21 =	vadd.s32 v24, v21;
	v24 =	vld [tilespmem:s22+$0xA00]  }
0x87: {  	vm1 =	vgt.s32 v31, $0x0;
	v28 =	vnsel vm0, $0x0, v26;
	v22 =	vadd.s32 v22, v21  }
0x88: {  	s23 =	simm.s32 $0x80;
	v29 =	vadd.s32 $0x1, v30;
	v21 =	vnsel vm1, $0x0, v31;
	vm0 =	vgt.s32 v22, $0x0  }
.LBB2_2:
0x89: {  	p1 =	sne.s32 s23, $0x7C0;
	v25 =	vmin.u32 v21, $0x3E7;
	v30 =	vnsel vm0, $0x0, v22;
	s24 =	smov.u32 s23;
	s23 =	sadd.s32 $0x40, s23  }
0x8a: {  	v22 =	vadd.s32 $0xFFFFFFFF, v25;
	[tilespmem:s22+$0x11E8] =	vst v30  }
0x8b: {  	vm0 =	vgt.s32 v22, $0x0;
	v27 =	vld.idx.msk [tilespmem:v27+s29+$0x0], $0xffff;
	v30 =	vmul.f32 $9.990000000e+02, v24  }
0x8c: {  	v31 =	vnsel vm0, $0x0, v22;
	v28 =	vld.idx.msk [tilespmem:v28+s29+$0x0], $0xffff  }
0x8d: {  	v30 =	vtrunc.f32 v30  }
0x8e: {  	v29 =	vld.idx.msk [tilespmem:v29+s29+$0x0], $0xffff;
	v30 =	vcvt.f32.s32 v30;
	_ =	sdelay $0x1  }
0x8f: {  	vm0 =	vgt.s32 v30, $0x0  }
0x90: {  	vm1 =	vlt.f32 v27, v23;
	v27 =	vnsel vm0, $0x0, v30  }
0x91: {  	vm0 =	vlt.f32 v28, v23;
	v28 =	vmin.u32 v27, $0x3E7;
	v27 =	vmin.u32 v27, $0x3E6  }
0x92: {  	v32 =	vsel vm1, $0x1, v1;
	v30 =	vsel vm0, $0x1, v1;
	v33 =	vadd.s32 $0xFFFFFFFF, v28  }
0x93: {  	vm0 =	vlt.f32 v29, v23;
	v23 =	vadd.s32 v30, v32;
	vm1 =	vgt.s32 v33, $0x0  }
0x94: {  	v29 =	vsel vm0, $0x1, v1;
	v23 =	vadd.s32 v26, v23;
	v26 =	vnsel vm1, $0x0, v33;
	v30 =	vld [tilespmem:s22+$0xC00]  }
0x95: {  	v23 =	vadd.s32 v29, v23  }
0x96: {  	vm0 =	vgt.s32 v23, $0x0  }
0x97: {  	v27 =	vadd.s32 $0x1, v27;
	v23 =	vnsel vm0, $0x0, v23  }
0x98: {  	[tilespmem:s22+$0x13E8] =	vst v23  }
0x99: {  	v23 =	vld.idx.msk [tilespmem:v26+s29+$0x0], $0xffff;
	v26 =	vmul.f32 $9.990000000e+02, v30  }
0x9a: {  	v28 =	vld.idx.msk [tilespmem:v28+s29+$0x0], $0xffff  }
0x9b: {  	v26 =	vtrunc.f32 v26  }
0x9c: {  	v27 =	vld.idx.msk [tilespmem:v27+s29+$0x0], $0xffff;
	v26 =	vcvt.f32.s32 v26;
	_ =	sdelay $0x1  }
0x9d: {  	vm0 =	vgt.s32 v26, $0x0  }
0x9e: {  	vm1 =	vlt.f32 v23, v24;
	v23 =	vnsel vm0, $0x0, v26  }
0x9f: {  	vm0 =	vlt.f32 v28, v24;
	v26 =	vmin.u32 v23, $0x3E7;
	v23 =	vmin.u32 v23, $0x3E6  }
0xa0: {  	v28 =	vsel vm1, $0x1, v1;
	v29 =	vsel vm0, $0x1, v1;
	v32 =	vadd.s32 $0xFFFFFFFF, v26  }
0xa1: {  	vm0 =	vlt.f32 v27, v24;
	v24 =	vadd.s32 v28, v29;
	vm1 =	vgt.s32 v32, $0x0  }
0xa2: {  	v27 =	vsel vm0, $0x1, v1;
	v24 =	vadd.s32 v33, v24;
	v28 =	vnsel vm1, $0x0, v32  }
0xa3: {  	v24 =	vadd.s32 v27, v24  }
0xa4: {  	v23 =	vadd.s32 $0x1, v23;
	vm0 =	vgt.s32 v24, $0x0  }
0xa5: {  	v24 =	vnsel vm0, $0x0, v24  }
0xa6: {  	[tilespmem:s22+$0x15E8] =	vst v24  }
0xa7: {  	v24 =	vld.idx.msk [tilespmem:v28+s29+$0x0], $0xffff  }
0xa8: {  	v26 =	vld.idx.msk [tilespmem:v26+s29+$0x0], $0xffff  }
0xa9: {  	v23 =	vld.idx.msk [tilespmem:v23+s29+$0x0], $0xffff;
	_ =	sdelay $0x3  }
0xaa: {  	vm0 =	vlt.f32 v24, v30  }
0xab: {  	vm1 =	vlt.f32 v26, v30  }
0xac: {  	v24 =	vsel vm0, $0x1, v1;
	v26 =	vsel vm1, $0x1, v1;
	vm0 =	vlt.f32 v23, v30  }
0xad: {  	v24 =	vadd.s32 v24, v26;
	v23 =	vld [tilespmem:s21+$0x800]  }
0xae: {  	v26 =	vsel vm0, $0x1, v1;
	v24 =	vadd.s32 v32, v24  }
0xaf: {  	v21 =	vmin.u32 v21, $0x3E6;
	v24 =	vadd.s32 v26, v24  }
0xb0: {  	s18 =	sshra.s32 s24, $0x2;
	v21 =	vadd.s32 $0x1, v21;
	vm0 =	vgt.s32 v24, $0x0  }
0xb1: {  	v24 =	vnsel vm0, $0x0, v24  }
0xb2: {  	v28 =	vld [tilespmem:s18+$0x600];
	v26 =	vmul.f32 $9.990000000e+02, v23;
	[tilespmem:s22+$0x17E8] =	vst v24;
	s22 =	smov.u32 s21;
	s21 =	smov.u32 s18  }
0xb3: {  	v24 =	vld.idx.msk [tilespmem:v31+s29+$0x0], $0xffff  }
0xb4: {  	v25 =	vld.idx.msk [tilespmem:v25+s29+$0x0], $0xffff;
	v26 =	vtrunc.f32 v26  }
0xb5: {  	v21 =	vld.idx.msk [tilespmem:v21+s29+$0x0], $0xffff;
	v26 =	vcvt.f32.s32 v26;
	_ =	sdelay $0x1  }
0xb6: {  	vm0 =	vgt.s32 v26, $0x0  }
0xb7: {  	v26 =	vnsel vm0, $0x0, v26  }
0xb8: {  	v29 =	vmul.f32 $9.990000000e+02, v28;
	v27 =	vmin.u32 v26, $0x3E7;
	v30 =	vmin.u32 v26, $0x3E6  }
0xb9: {  	vm0 =	vlt.f32 v24, v20;
	vm1 =	vlt.f32 v25, v20;
	v26 =	vadd.s32 $0xFFFFFFFF, v27  }
.Ltmp0:
0xba: {  	v24 =	vtrunc.f32 v29;
	v25 =	vsel vm0, $0x1, v1;
	v29 =	vsel vm1, $0x1, v1;
	(pc) =	sbr.rel @p1 .LBB2_2-.Ltmp0, $4  }
0xbb: {  	v31 =	vcvt.f32.s32 v24;
	vm0 =	vlt.f32 v21, v20;
	v20 =	vmovc v28;
	v21 =	vadd.s32 v25, v29  }
0xbc: {  	v25 =	vsel vm0, $0x1, v1;
	vm0 =	vgt.s32 v26, $0x0;
	v21 =	vadd.s32 v22, v21;
	v24 =	vld [tilespmem:s22+$0xA00]  }
0xbd: {  	vm1 =	vgt.s32 v31, $0x0;
	v28 =	vnsel vm0, $0x0, v26;
	v22 =	vadd.s32 v25, v21  }
0xbe: {  	v29 =	vadd.s32 $0x1, v30;
	v21 =	vnsel vm1, $0x0, v31;
	vm0 =	vgt.s32 v22, $0x0  }
0xbf: {  	_ =	sdelay $0x1  }
0xc0: {  	v22 =	vnsel vm0, $0x0, v22  }
0xc1: {  	[tilespmem:s22+$0x11E8] =	vst v22  }
0xc2: {  	v22 =	vmul.f32 $9.990000000e+02, v24;
	v25 =	vld.idx.msk [tilespmem:v27+s29+$0x0], $0xffff  }
0xc3: {  	v27 =	vld.idx.msk [tilespmem:v28+s29+$0x0], $0xffff  }
0xc4: {  	v22 =	vtrunc.f32 v22  }
0xc5: {  	v28 =	vld.idx.msk [tilespmem:v29+s29+$0x0], $0xffff;
	v22 =	vcvt.f32.s32 v22;
	_ =	sdelay $0x1  }
0xc6: {  	vm14 =	vgt.s32 v22, $0x0  }
0xc7: {  	vm15 =	vlt.f32 v25, v23;
	vm1 =	vlt.f32 v27, v23;
	v22 =	vnsel vm14, $0x0, v22  }
0xc8: {  	v27 =	vsel vm1, $0x1, v1;
	v29 =	vsel vm15, $0x1, v1;
	v25 =	vmin.u32 v22, $0x3E7  }
0xc9: {  	vm4 =	vlt.f32 v28, v23;
	v23 =	vadd.s32 v27, v29;
	v27 =	vld [tilespmem:s22+$0xC00];
	v30 =	vadd.s32 $0xFFFFFFFF, v25  }
0xca: {  	v28 =	vsel vm4, $0x1, v1;
	v23 =	vadd.s32 v26, v23;
	vm5 =	vgt.s32 v30, $0x0  }
0xcb: {  	v23 =	vadd.s32 v28, v23;
	v26 =	vnsel vm5, $0x0, v30  }
0xcc: {  	v22 =	vmin.u32 v22, $0x3E6;
	vm6 =	vgt.s32 v23, $0x0  }
0xcd: {  	v22 =	vadd.s32 $0x1, v22;
	v23 =	vnsel vm6, $0x0, v23  }
0xce: {  	[tilespmem:s22+$0x13E8] =	vst v23;
	v23 =	vmul.f32 $9.990000000e+02, v27  }
0xcf: {  	v25 =	vld.idx.msk [tilespmem:v25+s29+$0x0], $0xffff  }
0xd0: {  	v23 =	vtrunc.f32 v23;
	v26 =	vld.idx.msk [tilespmem:v26+s29+$0x0], $0xffff  }
0xd1: {  	v23 =	vcvt.f32.s32 v23  }
0xd2: {  	v22 =	vld.idx.msk [tilespmem:v22+s29+$0x0], $0xffff  }
0xd3: {  	vm7 =	vgt.s32 v23, $0x0  }
0xd4: {  	v23 =	vnsel vm7, $0x0, v23  }
0xd5: {  	vm9 =	vlt.f32 v25, v24;
	v25 =	vmin.u32 v23, $0x3E7;
	vm8 =	vlt.f32 v26, v24  }
0xd6: {  	v28 =	vsel vm9, $0x1, v1;
	v29 =	vadd.s32 $0xFFFFFFFF, v25;
	v26 =	vsel vm8, $0x1, v1  }
0xd7: {  	vm10 =	vlt.f32 v22, v24;
	vm11 =	vgt.s32 v29, $0x0;
	v22 =	vadd.s32 v26, v28  }
0xd8: {  	v24 =	vsel vm10, $0x1, v1;
	v26 =	vnsel vm11, $0x0, v29;
	v22 =	vadd.s32 v30, v22  }
0xd9: {  	v22 =	vadd.s32 v24, v22  }
0xda: {  	v23 =	vmin.u32 v23, $0x3E6;
	vm12 =	vgt.s32 v22, $0x0  }
0xdb: {  	v23 =	vadd.s32 $0x1, v23;
	v22 =	vnsel vm12, $0x0, v22  }
0xdc: {  	[tilespmem:s22+$0x15E8] =	vst v22  }
0xdd: {  	v22 =	vld.idx.msk [tilespmem:v26+s29+$0x0], $0xffff  }
0xde: {  	v24 =	vld.idx.msk [tilespmem:v25+s29+$0x0], $0xffff;
	_ =	sdelay $0x1  }
0xdf: {  	v23 =	vld.idx.msk [tilespmem:v23+s29+$0x0], $0xffff;
	_ =	sdelay $0x2  }
0xe0: {  	v25 =	vmin.u32 v21, $0x3E7;
	vm13 =	vlt.f32 v22, v27;
	vm14 =	vlt.f32 v24, v27  }
0xe1: {  	v22 =	vadd.s32 $0xFFFFFFFF, v25;
	v24 =	vsel vm13, $0x1, v1;
	v26 =	vsel vm14, $0x1, v1  }
0xe2: {  	vm4 =	vlt.f32 v23, v27;
	vm15 =	vgt.s32 v22, $0x0;
	v23 =	vadd.s32 v24, v26  }
0xe3: {  	v27 =	vsel vm4, $0x1, v1;
	v24 =	vnsel vm15, $0x0, v22;
	v26 =	vld [tilespmem:s21+$0x800];
	v23 =	vadd.s32 v29, v23  }
0xe4: {  	v23 =	vadd.s32 v27, v23  }
0xe5: {  	v21 =	vmin.u32 v21, $0x3E6;
	vm5 =	vgt.s32 v23, $0x0  }
0xe6: {  	v21 =	vadd.s32 $0x1, v21;
	v23 =	vnsel vm5, $0x0, v23  }
0xe7: {  	[tilespmem:s22+$0x17E8] =	vst v23  }
0xe8: {  	v23 =	vmul.f32 $9.990000000e+02, v26;
	v24 =	vld.idx.msk [tilespmem:v24+s29+$0x0], $0xffff  }
0xe9: {  	v25 =	vld.idx.msk [tilespmem:v25+s29+$0x0], $0xffff  }
0xea: {  	v23 =	vtrunc.f32 v23  }
0xeb: {  	v21 =	vld.idx.msk [tilespmem:v21+s29+$0x0], $0xffff;
	v23 =	vcvt.f32.s32 v23;
	_ =	sdelay $0x1  }
0xec: {  	vm6 =	vgt.s32 v23, $0x0  }
0xed: {  	v23 =	vnsel vm6, $0x0, v23;
	vm7 =	vlt.f32 v24, v20;
	vm8 =	vlt.f32 v25, v20  }
0xee: {  	v24 =	vmin.u32 v23, $0x3E7;
	v25 =	vsel vm7, $0x1, v1;
	v27 =	vsel vm8, $0x1, v1  }
0xef: {  	vm9 =	vlt.f32 v21, v20;
	v21 =	vld [tilespmem:s21+$0xA00];
	v28 =	vadd.s32 $0xFFFFFFFF, v24;
	v20 =	vadd.s32 v25, v27  }
0xf0: {  	v25 =	vsel vm9, $0x1, v1;
	v20 =	vadd.s32 v22, v20;
	vm10 =	vgt.s32 v28, $0x0  }
0xf1: {  	v20 =	vadd.s32 v25, v20;
	v22 =	vnsel vm10, $0x0, v28  }
0xf2: {  	v23 =	vmin.u32 v23, $0x3E6;
	vm11 =	vgt.s32 v20, $0x0  }
0xf3: {  	v23 =	vadd.s32 $0x1, v23;
	v20 =	vnsel vm11, $0x0, v20  }
0xf4: {  	[tilespmem:s21+$0x11E8] =	vst v20;
	v20 =	vmul.f32 $9.990000000e+02, v21  }
0xf5: {  	v24 =	vld.idx.msk [tilespmem:v24+s29+$0x0], $0xffff  }
0xf6: {  	v22 =	vld.idx.msk [tilespmem:v22+s29+$0x0], $0xffff;
	v20 =	vtrunc.f32 v20  }
0xf7: {  	v20 =	vcvt.f32.s32 v20  }
0xf8: {  	v23 =	vld.idx.msk [tilespmem:v23+s29+$0x0], $0xffff  }
0xf9: {  	vm12 =	vgt.s32 v20, $0x0  }
0xfa: {  	v20 =	vnsel vm12, $0x0, v20  }
0xfb: {  	vm13 =	vlt.f32 v24, v26;
	vm14 =	vlt.f32 v22, v26;
	v22 =	vmin.u32 v20, $0x3E7  }
0xfc: {  	v25 =	vsel vm13, $0x1, v1;
	v24 =	vsel vm14, $0x1, v1;
	v27 =	vadd.s32 $0xFFFFFFFF, v22  }
0xfd: {  	vm15 =	vlt.f32 v23, v26;
	v23 =	vadd.s32 v24, v25;
	vm4 =	vgt.s32 v27, $0x0  }
0xfe: {  	v24 =	vld [tilespmem:s21+$0xC00];
	v25 =	vsel vm15, $0x1, v1;
	v23 =	vadd.s32 v28, v23;
	v26 =	vnsel vm4, $0x0, v27  }
0xff: {  	v23 =	vadd.s32 v25, v23  }
0x100: {  	v20 =	vmin.u32 v20, $0x3E6;
	vm5 =	vgt.s32 v23, $0x0  }
0x101: {  	v20 =	vadd.s32 $0x1, v20;
	v23 =	vnsel vm5, $0x0, v23  }
0x102: {  	[tilespmem:s21+$0x13E8] =	vst v23  }
0x103: {  	v23 =	vmul.f32 $9.990000000e+02, v24;
	v25 =	vld.idx.msk [tilespmem:v26+s29+$0x0], $0xffff  }
0x104: {  	v22 =	vld.idx.msk [tilespmem:v22+s29+$0x0], $0xffff  }
0x105: {  	v23 =	vtrunc.f32 v23  }
0x106: {  	v20 =	vld.idx.msk [tilespmem:v20+s29+$0x0], $0xffff;
	v23 =	vcvt.f32.s32 v23;
	_ =	sdelay $0x1  }
0x107: {  	vm6 =	vgt.s32 v23, $0x0  }
0x108: {  	v23 =	vnsel vm6, $0x0, v23;
	vm7 =	vlt.f32 v25, v21;
	vm8 =	vlt.f32 v22, v21  }
0x109: {  	v22 =	vmin.u32 v23, $0x3E7;
	v25 =	vsel vm7, $0x1, v1;
	v26 =	vsel vm8, $0x1, v1  }
0x10a: {  	vm9 =	vlt.f32 v20, v21;
	v28 =	vadd.s32 $0xFFFFFFFF, v22;
	v20 =	vadd.s32 v25, v26  }
0x10b: {  	v21 =	vsel vm9, $0x1, v1;
	vm10 =	vgt.s32 v28, $0x0;
	v20 =	vadd.s32 v27, v20  }
0x10c: {  	v25 =	vnsel vm10, $0x0, v28;
	v20 =	vadd.s32 v21, v20  }
0x10d: {  	v21 =	vmin.u32 v23, $0x3E6;
	vm11 =	vgt.s32 v20, $0x0  }
0x10e: {  	v21 =	vadd.s32 $0x1, v21;
	v20 =	vnsel vm11, $0x0, v20  }
0x10f: {  	[tilespmem:s21+$0x15E8] =	vst v20  }
0x110: {  	v22 =	vld.idx.msk [tilespmem:v22+s29+$0x0], $0xffff  }
0x111: {  	v20 =	vld.idx.msk [tilespmem:v25+s29+$0x0], $0xffff;
	_ =	sdelay $0x1  }
0x112: {  	v21 =	vld.idx.msk [tilespmem:v21+s29+$0x0], $0xffff;
	_ =	sdelay $0x2  }
0x113: {  	vm13 =	vlt.f32 v22, v24;
	vm12 =	vlt.f32 v20, v24  }
0x114: {  	v22 =	vsel vm13, $0x1, v1;
	v20 =	vsel vm12, $0x1, v1  }
0x115: {  	vm14 =	vlt.f32 v21, v24;
	v20 =	vadd.s32 v20, v22  }
0x116: {  	v21 =	vsel vm14, $0x1, v1;
	v20 =	vadd.s32 v28, v20  }
0x117: {  	v20 =	vadd.s32 v21, v20  }
0x118: {  	vm15 =	vgt.s32 v20, $0x0  }
0x119: {  	v20 =	vnsel vm15, $0x0, v20  }
0x11a: {  	[tilespmem:s21+$0x17E8] =	vst v20  }
0x11b: {  	_ =	strace $0x90000049  }
0x11c: {  	s18 =	simm.s32 $0x11E8;
	[bflag:$0x0] =	sbarrier.arrive $0xFFFF  }
0x11d: {  	[tilespmem:s10], [sflag:$0x1] =	stream.indirect.gather [spmem:s1], $0x20, s18, s7, $0xb8;
	[tilespmem:$0x1AEA8] =	vst v63  }
0x11e: {  	s24 =	simm.s32 $0x13E8  }
0x11f: {  	[tilespmem:s11], [sflag:$0x1] =	stream.indirect.gather [spmem:s2], $0x20, s24, s7, $0xb8;
	[tilespmem:$0x1AEA8] =	vst v63  }
0x120: {  	s25 =	simm.s32 $0x15E8  }
0x121: {  	[tilespmem:s12], [sflag:$0x1] =	stream.indirect.gather [spmem:s3], $0x20, s25, s7, $0xb8;
	[tilespmem:$0x1AEA8] =	vst v63  }
0x122: {  	s19 =	simm.s32 $0x17E8;
	s21 =	simm.s32 $0x10  }
0x123: {  	[tilespmem:s13], [sflag:$0x1] =	stream.indirect.gather [spmem:s4], $0x20, s19, s7, $0xb8;
	[tilespmem:$0x1AEA8] =	vst v63  }
0x124: {  	s23 =	simm.s32 $0x610;
	s22 =	simm.s32 $0x0;
	v20 =	vmov s21;
	_ =	strace $0x8000004A  }
0x125: {  	v21 =	vmov s22;
	v20 =	vmul.u32 $0xE8, v20;
	v22 =	vld [tilespmem:s23+$0x0]  }
0x126: {  	v21 =	vmul.u32 $0xE8, v21;
	v23 =	vld [tilespmem:s23+$0xFFFFFFF0]  }
0x127: {  	v29 =	vbroadcast v20, $0x0  }
0x128: {  	v24 =	vbroadcast v21, $0x0  }
0x129: {  	v20 =	vadd.s32 v2, v29  }
0x12a: {  	v21 =	vadd.s32 v2, v24;
	v22 =	vadd.f32 $-5.000000000e-01, v22  }
0x12b: {  	v23 =	vadd.f32 $-5.000000000e-01, v23  }
0x12c: {  	v22 =	vmul.f32 v22, v16  }
0x12d: {  	v23 =	vmul.f32 v23, v16  }
0x12e: {  	s24 =	simm.s32 $0x810;
	[tilespmem:v20+s14+$0x0] =	vst.idx.msk $0xffff, v22  }
0x12f: {  	[tilespmem:v21+s14+$0x0] =	vst.idx.msk $0xffff, v23;
	v21 =	vld [tilespmem:s24+$0x0]  }
0x130: {  	s25 =	simm.s32 $0x30;
	v22 =	vld [tilespmem:s24+$0xFFFFFFF0]  }
0x131: {  	s22 =	simm.s32 $0x630;
	s19 =	simm.s32 $0x20;
	v20 =	vmov s25  }
0x132: {  	v25 =	vld [tilespmem:s22+$0x0];
	v23 =	vmov s19;
	v20 =	vmul.u32 $0xE8, v20  }
0x133: {  	v27 =	vadd.s32 v3, v29;
	v26 =	vld [tilespmem:s22+$0xFFFFFFF0];
	v23 =	vmul.u32 $0xE8, v23  }
0x134: {  	v28 =	vadd.s32 v3, v24;
	v20 =	vbroadcast v20, $0x0;
	v21 =	vadd.f32 $-5.000000000e-01, v21  }
0x135: {  	v30 =	vbroadcast v23, $0x0;
	v22 =	vadd.f32 $-5.000000000e-01, v22  }
0x136: {  	v23 =	vadd.s32 v2, v20;
	v21 =	vmul.f32 v21, v16  }
0x137: {  	v25 =	vadd.f32 $-5.000000000e-01, v25;
	v31 =	vadd.s32 v2, v30;
	v22 =	vmul.f32 v22, v16  }
0x138: {  	s23 =	simm.s32 $0xA10;
	v26 =	vadd.f32 $-5.000000000e-01, v26;
	[tilespmem:v27+s14+$0x0] =	vst.idx.msk $0xffff, v21  }
0x139: {  	v21 =	vmul.f32 v25, v16;
	[tilespmem:v28+s14+$0x0] =	vst.idx.msk $0xffff, v22;
	v22 =	vld [tilespmem:s23+$0x0]  }
0x13a: {  	v25 =	vmul.f32 v26, v16  }
0x13b: {  	s24 =	simm.s32 $0x830;
	v26 =	vld [tilespmem:s23+$0xFFFFFFF0];
	[tilespmem:v23+s14+$0x0] =	vst.idx.msk $0xffff, v21  }
0x13c: {  	s25 =	simm.s32 $0x50;
	[tilespmem:v31+s14+$0x0] =	vst.idx.msk $0xffff, v25;
	v23 =	vld [tilespmem:s24+$0x0]  }
0x13d: {  	s22 =	simm.s32 $0x650;
	v27 =	vadd.s32 v4, v29;
	s23 =	simm.s32 $0x40;
	v21 =	vmov s25;
	v25 =	vld [tilespmem:s24+$0xFFFFFFF0]  }
0x13e: {  	v28 =	vmov s23;
	v31 =	vld [tilespmem:s22+$0x0];
	v21 =	vmul.u32 $0xE8, v21;
	v22 =	vadd.f32 $-5.000000000e-01, v22  }
0x13f: {  	v32 =	vadd.s32 v4, v24;
	v34 =	vadd.s32 v3, v20;
	v28 =	vmul.u32 $0xE8, v28  }
0x140: {  	v33 =	vld [tilespmem:s22+$0xFFFFFFF0];
	v21 =	vbroadcast v21, $0x0;
	v26 =	vadd.f32 $-5.000000000e-01, v26;
	v22 =	vmul.f32 v22, v16  }
0x141: {  	v35 =	vadd.s32 v3, v30;
	v36 =	vbroadcast v28, $0x0;
	v23 =	vadd.f32 $-5.000000000e-01, v23  }
0x142: {  	s21 =	simm.s32 $0xC10;
	v37 =	vadd.s32 v2, v21;
	v26 =	vmul.f32 v26, v16;
	v25 =	vadd.f32 $-5.000000000e-01, v25;
	[tilespmem:v27+s14+$0x0] =	vst.idx.msk $0xffff, v22  }
0x143: {  	v38 =	vadd.s32 v2, v36;
	v28 =	vadd.f32 $-5.000000000e-01, v31;
	v22 =	vmul.f32 v23, v16;
	v39 =	vld [tilespmem:s21+$0x0]  }
0x144: {  	v23 =	vadd.s32 v5, v24;
	v24 =	vmul.f32 v25, v16;
	[tilespmem:v32+s14+$0x0] =	vst.idx.msk $0xffff, v26  }
0x145: {  	s23 =	simm.s32 $0xA30;
	v63 =	vmul.f32 v28, v16;
	v25 =	vadd.f32 $-5.000000000e-01, v33;
	v27 =	vld [tilespmem:s21+$0xFFFFFFF0];
	[tilespmem:v34+s14+$0x0] =	vst.idx.msk $0xffff, v22  }
0x146: {  	v26 =	vadd.s32 v4, v30;
	v22 =	vadd.s32 v5, v30;
	[tilespmem:v35+s14+$0x0] =	vst.idx.msk $0xffff, v24;
	v30 =	vld [tilespmem:s23+$0x0]  }
0x147: {  	v29 =	vadd.s32 v5, v29;
	v33 =	vmul.f32 v25, v16;
	v31 =	vld [tilespmem:s23+$0xFFFFFFF0]  }
0x148: {  	s24 =	simm.s32 $0x850;
	v28 =	vadd.s32 v3, v36;
	[tilespmem:v37+s14+$0x0] =	vst.idx.msk $0xffff, v63;
	v32 =	vadd.f32 $-5.000000000e-01, v39  }
0x149: {  	s18 =	simm.s32 $0x60;
	s25 =	simm.s32 $0x4;
	v25 =	vadd.s32 v4, v36;
	v24 =	vadd.s32 v5, v36;
	[tilespmem:v38+s14+$0x0] =	vst.idx.msk $0xffff, v33;
	v33 =	vld [tilespmem:s24+$0x0]  }
.LBB2_4:
0x14a: {  	v34 =	vmov s18;
	s19 =	sadd.s32 $0x10, s18;
	s25 =	sadd.s32 $0x2, s25;
	v35 =	vld [tilespmem:s24+$0xFFFFFFF0];
	v36 =	vadd.s32 v4, v20;
	v32 =	vmul.f32 v32, v16  }
0x14b: {  	s22 =	sadd.s32 $0x20, s22;
	v34 =	vmul.u32 $0xE8, v34;
	v37 =	vmov s19;
	p1 =	slt.u32 s25, $0x6;
	v30 =	vadd.f32 $-5.000000000e-01, v30  }
0x14c: {  	v27 =	vadd.f32 $-5.000000000e-01, v27;
	v38 =	vld [tilespmem:s22+$0x0];
	v37 =	vmul.u32 $0xE8, v37;
	v31 =	vadd.f32 $-5.000000000e-01, v31;
	[tilespmem:v29+s14+$0x0] =	vst.idx.msk $0xffff, v32  }
0x14d: {  	v29 =	vld [tilespmem:s22+$0xFFFFFFF0];
	v32 =	vbroadcast v34, $0x0;
	v34 =	vadd.s32 v3, v21;
	v30 =	vmul.f32 v30, v16  }
0x14e: {  	v37 =	vbroadcast v37, $0x0;
	v33 =	vadd.f32 $-5.000000000e-01, v33;
	v31 =	vmul.f32 v31, v16  }
0x14f: {  	s21 =	sadd.s32 $0x20, s21;
	v39 =	vadd.s32 v2, v32;
	v40 =	vadd.s32 v3, v32;
	v35 =	vadd.f32 $-5.000000000e-01, v35;
	[tilespmem:v36+s14+$0x0] =	vst.idx.msk $0xffff, v30  }
0x150: {  	v30 =	vadd.s32 v4, v32;
	v36 =	vadd.s32 v2, v37;
	v33 =	vmul.f32 v33, v16;
	v41 =	vld [tilespmem:s21+$0x0]  }
0x151: {  	v42 =	vmul.f32 v27, v16;
	v38 =	vadd.f32 $-5.000000000e-01, v38;
	v35 =	vmul.f32 v35, v16;
	[tilespmem:v26+s14+$0x0] =	vst.idx.msk $0xffff, v31  }
.Ltmp1:
0x152: {  	s23 =	sadd.s32 $0x20, s23;
	v43 =	vadd.s32 v5, v32;
	v26 =	vmovc v25;
	v25 =	vmov v30;
	v29 =	vadd.f32 $-5.000000000e-01, v29;
	[tilespmem:v34+s14+$0x0] =	vst.idx.msk $0xffff, v33;
	v27 =	vld [tilespmem:s21+$0xFFFFFFF0];
	(pc) =	sbr.rel @p1 .LBB2_4-.Ltmp1, $4  }
0x153: {  	v32 =	vmul.f32 v38, v16;
	[tilespmem:v28+s14+$0x0] =	vst.idx.msk $0xffff, v35;
	v30 =	vld [tilespmem:s23+$0x0];
	v28 =	vmov v40  }
0x154: {  	v33 =	vmul.f32 v29, v16;
	v31 =	vld [tilespmem:s23+$0xFFFFFFF0];
	v29 =	vadd.s32 v5, v20;
	[tilespmem:v23+s14+$0x0] =	vst.idx.msk $0xffff, v42;
	v20 =	vmov v21  }
0x155: {  	s24 =	sadd.s32 $0x20, s24;
	v21 =	vmovc v37;
	v23 =	vmovc v22;
	v22 =	vmov v24;
	v24 =	vmov v43;
	[tilespmem:v36+s14+$0x0] =	vst.idx.msk $0xffff, v32;
	v32 =	vadd.f32 $-5.000000000e-01, v41  }
0x156: {  	s18 =	sadd.s32 $0x20, s18;
	[tilespmem:v39+s14+$0x0] =	vst.idx.msk $0xffff, v33;
	v33 =	vld [tilespmem:s24+$0x0]  }
0x157: {  	v34 =	vld [tilespmem:s24+$0xFFFFFFF0];
	_ =	sdelay $0x2  }
0x158: {  	v35 =	vadd.s32 v3, v21  }
0x159: {  	v33 =	vadd.f32 $-5.000000000e-01, v33  }
0x15a: {  	v34 =	vadd.f32 $-5.000000000e-01, v34  }
0x15b: {  	v33 =	vmul.f32 v33, v16  }
0x15c: {  	v34 =	vmul.f32 v34, v16  }
0x15d: {  	s18 =	sadd.s32 $0x20, s23;
	[tilespmem:v35+s14+$0x0] =	vst.idx.msk $0xffff, v33  }
0x15e: {  	[tilespmem:v28+s14+$0x0] =	vst.idx.msk $0xffff, v34;
	v53 =	vld [tilespmem:s18+$0x0]  }
0x15f: {  	v54 =	vld [tilespmem:s18+$0xFFFFFFF0]  }
0x160: {  	v55 =	vadd.s32 v4, v20  }
0x161: {  	v30 =	vadd.f32 $-5.000000000e-01, v30  }
0x162: {  	v56 =	vadd.s32 v4, v21;
	v31 =	vadd.f32 $-5.000000000e-01, v31  }
0x163: {  	v30 =	vmul.f32 v30, v16;
	v28 =	vadd.f32 $-5.000000000e-01, v53  }
0x164: {  	v31 =	vmul.f32 v31, v16;
	v33 =	vadd.f32 $-5.000000000e-01, v54  }
0x165: {  	s24 =	sadd.s32 $0x20, s21;
	[tilespmem:v55+s14+$0x0] =	vst.idx.msk $0xffff, v30;
	v28 =	vmul.f32 v28, v16  }
0x166: {  	v30 =	vld [tilespmem:s24+$0x0];
	[tilespmem:v26+s14+$0x0] =	vst.idx.msk $0xffff, v31;
	v57 =	vmul.f32 v33, v16  }
0x167: {  	v31 =	vld [tilespmem:s24+$0xFFFFFFF0];
	s18 =	sadd.s32 $0x20, s24;
	[tilespmem:v56+s14+$0x0] =	vst.idx.msk $0xffff, v28  }
0x168: {  	v28 =	vld [tilespmem:s18+$0x0];
	[tilespmem:v25+s14+$0x0] =	vst.idx.msk $0xffff, v57  }
0x169: {  	v25 =	vld [tilespmem:s18+$0xFFFFFFF0]  }
0x16a: {  	v58 =	vadd.f32 $-5.000000000e-01, v27;
	v20 =	vadd.s32 v5, v20  }
0x16b: {  	v59 =	vmul.f32 v32, v16;
	v30 =	vadd.f32 $-5.000000000e-01, v30  }
0x16c: {  	v60 =	vadd.s32 v5, v21;
	v26 =	vmul.f32 v58, v16;
	v31 =	vadd.f32 $-5.000000000e-01, v31  }
0x16d: {  	[tilespmem:v29+s14+$0x0] =	vst.idx.msk $0xffff, v59;
	v61 =	vmul.f32 v30, v16;
	v28 =	vadd.f32 $-5.000000000e-01, v28  }
0x16e: {  	[tilespmem:v23+s14+$0x0] =	vst.idx.msk $0xffff, v26;
	v62 =	vmul.f32 v31, v16;
	v25 =	vadd.f32 $-5.000000000e-01, v25  }
0x16f: {  	[tilespmem:v20+s14+$0x0] =	vst.idx.msk $0xffff, v61;
	v20 =	vmul.f32 v28, v16  }
0x170: {  	[tilespmem:v22+s14+$0x0] =	vst.idx.msk $0xffff, v62;
	v63 =	vmul.f32 v25, v16  }
0x171: {  	[tilespmem:v60+s14+$0x0] =	vst.idx.msk $0xffff, v20  }
0x172: {  	[tilespmem:v24+s14+$0x0] =	vst.idx.msk $0xffff, v63  }
0x173: {  	_ =	strace $0x9000004A  }
0x174: {  	_ =	strace $0x8000004B  }
0x175: {  	_ =	swait.ge [sflag:s0], $0x1000  }
0x176: {  	[sflag:s0] =	ssyncset.done $0x0  }
0x177: {  	[sflag:s0] =	ssyncadd.s32 $0xFFFFF000  }
0x178: {  	_ =	swait.ge [sflag:s0], $0x1000  }
0x179: {  	[sflag:s0] =	ssyncset.done $0x0  }
0x17a: {  	[sflag:s0] =	ssyncadd.s32 $0xFFFFF000  }
0x17b: {  	_ =	swait.ge [sflag:s0], $0x1000  }
0x17c: {  	[sflag:s0] =	ssyncset.done $0x0  }
0x17d: {  	[sflag:s0] =	ssyncadd.s32 $0xFFFFF000  }
0x17e: {  	_ =	swait.ge [sflag:s0], $0x1000  }
0x17f: {  	[sflag:s0] =	ssyncset.done $0x0  }
0x180: {  	[sflag:s0] =	ssyncadd.s32 $0xFFFFF000  }
0x181: {  	_ =	swait.ge [sflag:s15], $0x4000  }
0x182: {  	[sflag:s15] =	ssyncset.done $0x0  }
0x183: {  	[sflag:s15] =	ssyncadd.s32 $0xFFFFC000  }
0x184: {  	s25 =	simm.s32 $0x100;
	_ =	strace $0x9000004B  }
0x185: {  	[tilespmem:s16], [sflag:$0x4] =	stream.indirect.gather [hbm4b:s6+s7], $0x80, s25, s7, $0xb8;
	[tilespmem:$0x1AEA8] =	vst v63  }
0x186: {  	s21 =	simm.s32 $0x0;
	_ =	strace $0x8000004C  }
.LBB2_6:
0x187: {  	v20 =	vmov s21  }
0x188: {  	v21 =	vshll.u32 v20, $0x7  }
0x189: {  	v22 =	vor.u32 v0, v21;
	_ =	sdelay $0x2  }
0x18a: {  	v26 =	vmul.u32 $0xE8, v20;
	_ =	sdelay $0x1  }
0x18b: {  	s18 =	sadd.s32 $0x1, s21;
	v23 =	vor.u32 v0, v26;
	v22 =	vld.idx.msk [tilespmem:v22+s8+$0x0], $0xffff  }
0x18c: {  	v62 =	vmov s18;
	v21 =	vor.u32 v6, v21  }
0x18d: {  	v24 =	vshll.u32 v62, $0x7  }
0x18e: {  	v25 =	vor.u32 v0, v24;
	_ =	sdelay $0x1  }
0x18f: {  	[tilespmem:v23+s14+$0x0] =	vst.idx.msk $0xffff, v22  }
0x190: {  	v27 =	vmul.u32 $0xE8, v62;
	v61 =	vor.u32 v6, v26;
	v21 =	vld.idx.msk [tilespmem:v21+s8+$0x0], $0xffff;
	_ =	sdelay $0x1  }
0x191: {  	v32 =	vadd.s32 v0, v27;
	v63 =	vld.idx.msk [tilespmem:v25+s8+$0x0], $0xffff  }
0x192: {  	v24 =	vor.u32 v6, v24;
	_ =	sdelay $0x1  }
0x193: {  	[tilespmem:v61+s14+$0x0] =	vst.idx.msk $0xffff, v21  }
0x194: {  	v21 =	vld.idx.msk [tilespmem:v20+s26+$0x0], $0xffff  }
0x195: {  	[tilespmem:v32+s14+$0x0] =	vst.idx.msk $0xffff, v63  }
0x196: {  	v33 =	vadd.s32 v6, v27;
	v22 =	vld.idx.msk [tilespmem:v24+s8+$0x0], $0xffff;
	_ =	sdelay $0x2  }
0x197: {  	v21 =	vshll.u32 v21, $0x5  }
0x198: {  	v28 =	vor.u32 v0, v21  }
0x199: {  	[tilespmem:v33+s14+$0x0] =	vst.idx.msk $0xffff, v22  }
0x19a: {  	v22 =	vld.idx.msk [tilespmem:v62+s26+$0x0], $0xffff;
	_ =	sdelay $0x2  }
0x19b: {  	v35 =	vor.u32 v7, v26;
	v34 =	vld.idx.msk [tilespmem:v28+s30+$0x0], $0xffff  }
0x19c: {  	v21 =	vor.u32 v6, v21  }
0x19d: {  	v22 =	vshll.u32 v22, $0x5  }
0x19e: {  	v37 =	vor.u32 v0, v22;
	_ =	sdelay $0x1  }
0x19f: {  	[tilespmem:v35+s14+$0x0] =	vst.idx.msk $0xffff, v34  }
0x1a0: {  	v36 =	vor.u32 v8, v26;
	v21 =	vld.idx.msk [tilespmem:v21+s30+$0x0], $0xffff;
	_ =	sdelay $0x1  }
0x1a1: {  	v39 =	vadd.s32 v7, v27;
	v38 =	vld.idx.msk [tilespmem:v37+s30+$0x0], $0xffff  }
0x1a2: {  	v22 =	vor.u32 v6, v22;
	_ =	sdelay $0x1  }
0x1a3: {  	[tilespmem:v36+s14+$0x0] =	vst.idx.msk $0xffff, v21  }
0x1a4: {  	v21 =	vld.idx.msk [tilespmem:v20+s28+$0x0], $0xffff  }
0x1a5: {  	[tilespmem:v39+s14+$0x0] =	vst.idx.msk $0xffff, v38  }
0x1a6: {  	v41 =	vadd.s32 v8, v27;
	v22 =	vld.idx.msk [tilespmem:v22+s30+$0x0], $0xffff;
	_ =	sdelay $0x2  }
0x1a7: {  	v21 =	vshll.u32 v21, $0x5  }
0x1a8: {  	v40 =	vor.u32 v0, v21  }
0x1a9: {  	[tilespmem:v41+s14+$0x0] =	vst.idx.msk $0xffff, v22  }
0x1aa: {  	v22 =	vld.idx.msk [tilespmem:v62+s28+$0x0], $0xffff;
	_ =	sdelay $0x2  }
0x1ab: {  	v43 =	vadd.s32 v9, v26;
	v42 =	vld.idx.msk [tilespmem:v40+s31+$0x0], $0xffff  }
0x1ac: {  	v21 =	vor.u32 v6, v21  }
0x1ad: {  	v22 =	vshll.u32 v22, $0x5  }
0x1ae: {  	v45 =	vor.u32 v0, v22;
	_ =	sdelay $0x1  }
0x1af: {  	[tilespmem:v43+s14+$0x0] =	vst.idx.msk $0xffff, v42  }
0x1b0: {  	v44 =	vadd.s32 v10, v26;
	v20 =	vshll.u32 v20, $0x5;
	v21 =	vld.idx.msk [tilespmem:v21+s31+$0x0], $0xffff  }
0x1b1: {  	v37 =	vor.u32 v0, v20  }
0x1b2: {  	v47 =	vadd.s32 v9, v27;
	v29 =	vor.u32 v6, v20;
	v20 =	vld.idx.msk [tilespmem:v45+s31+$0x0], $0xffff  }
0x1b3: {  	v22 =	vor.u32 v6, v22;
	_ =	sdelay $0x1  }
0x1b4: {  	[tilespmem:v44+s14+$0x0] =	vst.idx.msk $0xffff, v21  }
0x1b5: {  	v46 =	vadd.s32 v11, v26;
	v21 =	vld.idx.msk [tilespmem:v37+s10+$0x0], $0xffff  }
0x1b6: {  	[tilespmem:v47+s14+$0x0] =	vst.idx.msk $0xffff, v20  }
0x1b7: {  	v49 =	vadd.s32 v10, v27;
	v23 =	vshll.u32 v62, $0x5;
	v20 =	vld.idx.msk [tilespmem:v22+s31+$0x0], $0xffff  }
0x1b8: {  	s25 =	sadd.s32 $0x2, s21;
	v36 =	vor.u32 v0, v23  }
0x1b9: {  	v28 =	vmov s25  }
0x1ba: {  	v50 =	vshll.u32 v28, $0x7;
	[tilespmem:v46+s14+$0x0] =	vst.idx.msk $0xffff, v21  }
0x1bb: {  	v48 =	vadd.s32 v12, v26;
	v51 =	vor.u32 v0, v50;
	v21 =	vld.idx.msk [tilespmem:v29+s10+$0x0], $0xffff  }
0x1bc: {  	[tilespmem:v49+s14+$0x0] =	vst.idx.msk $0xffff, v20  }
0x1bd: {  	v31 =	vadd.s32 v11, v27;
	v22 =	vld.idx.msk [tilespmem:v36+s10+$0x0], $0xffff  }
0x1be: {  	v35 =	vor.u32 v6, v23;
	v20 =	vmul.u32 $0xE8, v28;
	_ =	sdelay $0x1  }
0x1bf: {  	v52 =	vor.u32 v0, v20;
	[tilespmem:v48+s14+$0x0] =	vst.idx.msk $0xffff, v21;
	v21 =	vld.idx.msk [tilespmem:v51+s8+$0x0], $0xffff  }
0x1c0: {  	v30 =	vadd.s32 v13, v26;
	v53 =	vor.u32 v6, v50;
	v24 =	vld.idx.msk [tilespmem:v37+s11+$0x0], $0xffff  }
0x1c1: {  	[tilespmem:v31+s14+$0x0] =	vst.idx.msk $0xffff, v22  }
0x1c2: {  	s23 =	sadd.s32 $0x5, s21;
	v32 =	vadd.s32 v12, v27;
	v22 =	vld.idx.msk [tilespmem:v35+s10+$0x0], $0xffff  }
0x1c3: {  	v34 =	vmov s23  }
0x1c4: {  	v44 =	vshll.u32 v34, $0x7;
	[tilespmem:v52+s14+$0x0] =	vst.idx.msk $0xffff, v21  }
0x1c5: {  	s19 =	sadd.s32 $0x3, s21;
	v60 =	vor.u32 v0, v44;
	v56 =	vadd.s32 v6, v20;
	[tilespmem:v30+s14+$0x0] =	vst.idx.msk $0xffff, v24;
	v21 =	vld.idx.msk [tilespmem:v53+s8+$0x0], $0xffff  }
0x1c6: {  	s24 =	sadd.s32 $0x6, s21;
	v55 =	vadd.s32 v14, v26;
	v31 =	vmov s19;
	v54 =	vld.idx.msk [tilespmem:v29+s11+$0x0], $0xffff  }
0x1c7: {  	s22 =	sadd.s32 $0x4, s21;
	v38 =	vshll.u32 v31, $0x7;
	[tilespmem:v32+s14+$0x0] =	vst.idx.msk $0xffff, v22;
	v32 =	vmov s24  }
0x1c8: {  	v41 =	vor.u32 v0, v38;
	v45 =	vshll.u32 v32, $0x7;
	v30 =	vmov s22  }
0x1c9: {  	s25 =	sadd.s32 $0x7, s21;
	v23 =	vmul.u32 $0xE8, v34;
	v39 =	vld.idx.msk [tilespmem:v36+s11+$0x0], $0xffff;
	v47 =	vor.u32 v0, v45;
	v42 =	vshll.u32 v30, $0x7  }
0x1ca: {  	v33 =	vmov s25;
	v40 =	vadd.s32 v13, v27;
	v53 =	vld.idx.msk [tilespmem:v60+s8+$0x0], $0xffff;
	v59 =	vor.u32 v0, v42;
	[tilespmem:v56+s14+$0x0] =	vst.idx.msk $0xffff, v21  }
0x1cb: {  	v48 =	vshll.u32 v33, $0x7;
	v21 =	vmul.u32 $0xE8, v31;
	[tilespmem:v55+s14+$0x0] =	vst.idx.msk $0xffff, v54;
	v43 =	vld.idx.msk [tilespmem:v28+s26+$0x0], $0xffff;
	v54 =	vadd.s32 v0, v23  }
0x1cc: {  	v58 =	vadd.s32 v15, v26;
	v63 =	vor.u32 v0, v48;
	v24 =	vmul.u32 $0xE8, v32;
	v57 =	vld.idx.msk [tilespmem:v37+s12+$0x0], $0xffff  }
0x1cd: {  	v44 =	vor.u32 v6, v44;
	v61 =	vld.idx.msk [tilespmem:v41+s8+$0x0], $0xffff;
	v22 =	vmul.u32 $0xE8, v30;
	v62 =	vadd.s32 v0, v21  }
0x1ce: {  	v25 =	vmul.u32 $0xE8, v33;
	v38 =	vor.u32 v6, v38;
	v47 =	vld.idx.msk [tilespmem:v47+s8+$0x0], $0xffff;
	v55 =	vor.u32 v0, v24  }
0x1cf: {  	[tilespmem:v40+s14+$0x0] =	vst.idx.msk $0xffff, v39;
	v50 =	vor.u32 v0, v22;
	v56 =	vor.u32 v6, v45;
	v49 =	vld.idx.msk [tilespmem:v59+s8+$0x0], $0xffff  }
0x1d0: {  	v51 =	vld.idx.msk [tilespmem:v35+s11+$0x0], $0xffff;
	v42 =	vor.u32 v6, v42;
	[tilespmem:v54+s14+$0x0] =	vst.idx.msk $0xffff, v53  }
0x1d1: {  	v43 =	vshll.u32 v43, $0x5;
	[tilespmem:v58+s14+$0x0] =	vst.idx.msk $0xffff, v57;
	v57 =	vld.idx.msk [tilespmem:v63+s8+$0x0], $0xffff;
	v58 =	vadd.s32 v0, v25  }
0x1d2: {  	v52 =	vor.u32 v0, v43;
	[tilespmem:v62+s14+$0x0] =	vst.idx.msk $0xffff, v61;
	v61 =	vadd.s32 v14, v27;
	v44 =	vld.idx.msk [tilespmem:v44+s8+$0x0], $0xffff  }
0x1d3: {  	v48 =	vor.u32 v6, v48;
	v59 =	vadd.s32 v6, v21;
	[tilespmem:v55+s14+$0x0] =	vst.idx.msk $0xffff, v47;
	v38 =	vld.idx.msk [tilespmem:v38+s8+$0x0], $0xffff  }
0x1d4: {  	[tilespmem:v50+s14+$0x0] =	vst.idx.msk $0xffff, v49;
	v62 =	vadd.s32 v6, v23;
	v39 =	vld.idx.msk [tilespmem:v56+s8+$0x0], $0xffff  }
0x1d5: {  	v60 =	vor.u32 v6, v22;
	v42 =	vld.idx.msk [tilespmem:v42+s8+$0x0], $0xffff  }
0x1d6: {  	v63 =	vadd.s32 v6, v24;
	v46 =	vld.idx.msk [tilespmem:v29+s12+$0x0], $0xffff;
	[tilespmem:v58+s14+$0x0] =	vst.idx.msk $0xffff, v57  }
0x1d7: {  	v52 =	vld.idx.msk [tilespmem:v52+s30+$0x0], $0xffff;
	[tilespmem:v61+s14+$0x0] =	vst.idx.msk $0xffff, v51  }
0x1d8: {  	v55 =	vadd.s32 v6, v25;
	[tilespmem:v59+s14+$0x0] =	vst.idx.msk $0xffff, v38;
	v54 =	vld.idx.msk [tilespmem:v48+s8+$0x0], $0xffff  }
0x1d9: {  	v57 =	vor.u32 v7, v20;
	[tilespmem:v62+s14+$0x0] =	vst.idx.msk $0xffff, v44;
	v56 =	vld.idx.msk [tilespmem:v31+s26+$0x0], $0xffff  }
0x1da: {  	v43 =	vor.u32 v6, v43;
	[tilespmem:v60+s14+$0x0] =	vst.idx.msk $0xffff, v42;
	v61 =	vld.idx.msk [tilespmem:v34+s26+$0x0], $0xffff  }
0x1db: {  	[tilespmem:v63+s14+$0x0] =	vst.idx.msk $0xffff, v39;
	v58 =	vld.idx.msk [tilespmem:v30+s26+$0x0], $0xffff  }
0x1dc: {  	v60 =	vadd.s32 v17, v26;
	v47 =	vld.idx.msk [tilespmem:v32+s26+$0x0], $0xffff  }
0x1dd: {  	v62 =	vadd.s32 v15, v27;
	v59 =	vld.idx.msk [tilespmem:v36+s12+$0x0], $0xffff;
	[tilespmem:v55+s14+$0x0] =	vst.idx.msk $0xffff, v54  }
0x1de: {  	[tilespmem:v57+s14+$0x0] =	vst.idx.msk $0xffff, v52;
	v63 =	vshll.u32 v56, $0x5;
	v40 =	vld.idx.msk [tilespmem:v33+s26+$0x0], $0xffff  }
0x1df: {  	v43 =	vld.idx.msk [tilespmem:v43+s30+$0x0], $0xffff;
	v54 =	vadd.s32 v8, v20;
	v41 =	vor.u32 v0, v63  }
0x1e0: {  	v57 =	vshll.u32 v58, $0x5  }
0x1e1: {  	[tilespmem:v60+s14+$0x0] =	vst.idx.msk $0xffff, v46;
	v46 =	vshll.u32 v47, $0x5;
	v56 =	vshll.u32 v61, $0x5;
	v55 =	vor.u32 v0, v57  }
0x1e2: {  	[tilespmem:v62+s14+$0x0] =	vst.idx.msk $0xffff, v59;
	v37 =	vld.idx.msk [tilespmem:v37+s13+$0x0], $0xffff;
	v59 =	vor.u32 v0, v46;
	v58 =	vor.u32 v0, v56  }
0x1e3: {  	v47 =	vld.idx.msk [tilespmem:v35+s12+$0x0], $0xffff;
	v38 =	vor.u32 v6, v63;
	v63 =	vadd.s32 v17, v27;
	v40 =	vshll.u32 v40, $0x5  }
0x1e4: {  	v60 =	vadd.s32 v7, v21;
	[tilespmem:v54+s14+$0x0] =	vst.idx.msk $0xffff, v43;
	v41 =	vld.idx.msk [tilespmem:v41+s30+$0x0], $0xffff;
	v61 =	vor.u32 v0, v40  }
0x1e5: {  	v52 =	vld.idx.msk [tilespmem:v28+s28+$0x0], $0xffff  }
0x1e6: {  	v62 =	vadd.s32 v7, v22;
	v43 =	vld.idx.msk [tilespmem:v55+s30+$0x0], $0xffff  }
0x1e7: {  	v42 =	vor.u32 v6, v57;
	v57 =	vadd.s32 v7, v23;
	v39 =	vld.idx.msk [tilespmem:v58+s30+$0x0], $0xffff  }
0x1e8: {  	v44 =	vor.u32 v6, v56;
	v48 =	vld.idx.msk [tilespmem:v59+s30+$0x0], $0xffff;
	v58 =	vadd.s32 v7, v24;
	[tilespmem:v63+s14+$0x0] =	vst.idx.msk $0xffff, v47  }
0x1e9: {  	v59 =	vor.u32 v6, v46;
	[tilespmem:v60+s14+$0x0] =	vst.idx.msk $0xffff, v41;
	v60 =	vld.idx.msk [tilespmem:v61+s30+$0x0], $0xffff;
	v61 =	vadd.s32 v7, v25  }
0x1ea: {  	v40 =	vor.u32 v6, v40;
	v36 =	vld.idx.msk [tilespmem:v36+s13+$0x0], $0xffff;
	v55 =	vshll.u32 v52, $0x5  }
0x1eb: {  	[tilespmem:v62+s14+$0x0] =	vst.idx.msk $0xffff, v43;
	v62 =	vadd.s32 v8, v21;
	v56 =	vor.u32 v0, v55;
	v38 =	vld.idx.msk [tilespmem:v38+s30+$0x0], $0xffff  }
0x1ec: {  	v63 =	vadd.s32 v8, v22;
	[tilespmem:v57+s14+$0x0] =	vst.idx.msk $0xffff, v39;
	v42 =	vld.idx.msk [tilespmem:v42+s30+$0x0], $0xffff  }
0x1ed: {  	[tilespmem:v58+s14+$0x0] =	vst.idx.msk $0xffff, v48;
	v57 =	vadd.s32 v8, v23;
	v44 =	vld.idx.msk [tilespmem:v44+s30+$0x0], $0xffff  }
0x1ee: {  	v58 =	vadd.s32 v8, v24;
	v41 =	vld.idx.msk [tilespmem:v59+s30+$0x0], $0xffff;
	[tilespmem:v61+s14+$0x0] =	vst.idx.msk $0xffff, v60  }
0x1ef: {  	v60 =	vadd.s32 v8, v25;
	v59 =	vld.idx.msk [tilespmem:v40+s30+$0x0], $0xffff  }
0x1f0: {  	v47 =	vld.idx.msk [tilespmem:v56+s31+$0x0], $0xffff;
	[tilespmem:v62+s14+$0x0] =	vst.idx.msk $0xffff, v38  }
0x1f1: {  	[tilespmem:v63+s14+$0x0] =	vst.idx.msk $0xffff, v42;
	v43 =	vld.idx.msk [tilespmem:v31+s28+$0x0], $0xffff  }
0x1f2: {  	[tilespmem:v57+s14+$0x0] =	vst.idx.msk $0xffff, v44;
	v45 =	vld.idx.msk [tilespmem:v30+s28+$0x0], $0xffff  }
0x1f3: {  	v61 =	vadd.s32 v18, v26;
	[tilespmem:v58+s14+$0x0] =	vst.idx.msk $0xffff, v41;
	v52 =	vld.idx.msk [tilespmem:v34+s28+$0x0], $0xffff  }
0x1f4: {  	v62 =	vadd.s32 v18, v27;
	v46 =	vld.idx.msk [tilespmem:v32+s28+$0x0], $0xffff;
	[tilespmem:v60+s14+$0x0] =	vst.idx.msk $0xffff, v59  }
0x1f5: {  	v63 =	vadd.s32 v9, v20;
	v40 =	vld.idx.msk [tilespmem:v33+s28+$0x0], $0xffff  }
0x1f6: {  	v39 =	vor.u32 v6, v55;
	v53 =	vshll.u32 v43, $0x5  }
0x1f7: {  	v26 =	vadd.s32 v19, v26;
	v55 =	vshll.u32 v45, $0x5;
	v54 =	vor.u32 v0, v53  }
0x1f8: {  	v27 =	vadd.s32 v19, v27;
	[tilespmem:v61+s14+$0x0] =	vst.idx.msk $0xffff, v37;
	v41 =	vshll.u32 v52, $0x5;
	v56 =	vor.u32 v0, v55  }
0x1f9: {  	v29 =	vld.idx.msk [tilespmem:v29+s13+$0x0], $0xffff;
	[tilespmem:v62+s14+$0x0] =	vst.idx.msk $0xffff, v36;
	v59 =	vshll.u32 v46, $0x5;
	v58 =	vor.u32 v0, v41  }
0x1fa: {  	[tilespmem:v63+s14+$0x0] =	vst.idx.msk $0xffff, v47;
	v35 =	vld.idx.msk [tilespmem:v35+s13+$0x0], $0xffff;
	v46 =	vor.u32 v0, v59;
	v40 =	vshll.u32 v40, $0x5  }
0x1fb: {  	v57 =	vadd.s32 v10, v20;
	v39 =	vld.idx.msk [tilespmem:v39+s31+$0x0], $0xffff;
	v61 =	vor.u32 v0, v40  }
0x1fc: {  	v49 =	vshll.u32 v31, $0x5;
	v34 =	vshll.u32 v34, $0x5;
	v60 =	vadd.s32 v9, v21;
	v37 =	vld.idx.msk [tilespmem:v54+s31+$0x0], $0xffff  }
0x1fd: {  	v63 =	vadd.s32 v9, v22;
	v62 =	vor.u32 v6, v53;
	v52 =	vor.u32 v6, v55;
	v36 =	vld.idx.msk [tilespmem:v56+s31+$0x0], $0xffff  }
0x1fe: {  	v41 =	vor.u32 v6, v41;
	[tilespmem:v26+s14+$0x0] =	vst.idx.msk $0xffff, v29;
	v53 =	vld.idx.msk [tilespmem:v58+s31+$0x0], $0xffff;
	v54 =	vadd.s32 v9, v23  }
0x1ff: {  	v29 =	vor.u32 v0, v34;
	[tilespmem:v27+s14+$0x0] =	vst.idx.msk $0xffff, v35;
	v55 =	vld.idx.msk [tilespmem:v46+s31+$0x0], $0xffff;
	v56 =	vadd.s32 v9, v24  }
0x200: {  	[tilespmem:v57+s14+$0x0] =	vst.idx.msk $0xffff, v39;
	v57 =	vor.u32 v6, v59;
	v59 =	vadd.s32 v9, v25;
	v58 =	vld.idx.msk [tilespmem:v61+s31+$0x0], $0xffff  }
0x201: {  	v39 =	vshll.u32 v28, $0x5;
	v27 =	vor.u32 v0, v49;
	[tilespmem:v60+s14+$0x0] =	vst.idx.msk $0xffff, v37;
	v61 =	vor.u32 v6, v40  }
0x202: {  	v26 =	vor.u32 v0, v39;
	[tilespmem:v63+s14+$0x0] =	vst.idx.msk $0xffff, v36;
	v60 =	vld.idx.msk [tilespmem:v62+s31+$0x0], $0xffff;
	v62 =	vadd.s32 v10, v21  }
0x203: {  	v63 =	vshll.u32 v30, $0x5;
	[tilespmem:v54+s14+$0x0] =	vst.idx.msk $0xffff, v53;
	v35 =	vld.idx.msk [tilespmem:v52+s31+$0x0], $0xffff;
	v52 =	vadd.s32 v10, v22  }
0x204: {  	v53 =	vadd.s32 v10, v23;
	[tilespmem:v56+s14+$0x0] =	vst.idx.msk $0xffff, v55;
	v28 =	vor.u32 v0, v63;
	v41 =	vld.idx.msk [tilespmem:v41+s31+$0x0], $0xffff  }
0x205: {  	v54 =	vadd.s32 v10, v24;
	v55 =	vshll.u32 v32, $0x5;
	v37 =	vld.idx.msk [tilespmem:v57+s31+$0x0], $0xffff;
	[tilespmem:v59+s14+$0x0] =	vst.idx.msk $0xffff, v58  }
0x206: {  	v33 =	vshll.u32 v33, $0x5;
	v56 =	vadd.s32 v10, v25;
	v30 =	vor.u32 v0, v55;
	v45 =	vld.idx.msk [tilespmem:v61+s31+$0x0], $0xffff  }
0x207: {  	v48 =	vor.u32 v0, v33;
	v57 =	vld.idx.msk [tilespmem:v26+s10+$0x0], $0xffff;
	v58 =	vadd.s32 v11, v20;
	[tilespmem:v62+s14+$0x0] =	vst.idx.msk $0xffff, v60  }
0x208: {  	v31 =	vor.u32 v6, v39;
	[tilespmem:v52+s14+$0x0] =	vst.idx.msk $0xffff, v35;
	v60 =	vadd.s32 v11, v21;
	v59 =	vld.idx.msk [tilespmem:v27+s10+$0x0], $0xffff  }
0x209: {  	v32 =	vor.u32 v6, v49;
	[tilespmem:v53+s14+$0x0] =	vst.idx.msk $0xffff, v41;
	v61 =	vadd.s32 v11, v22;
	v40 =	vld.idx.msk [tilespmem:v28+s10+$0x0], $0xffff  }
0x20a: {  	v38 =	vor.u32 v6, v63;
	v63 =	vadd.s32 v11, v23;
	[tilespmem:v54+s14+$0x0] =	vst.idx.msk $0xffff, v37;
	v62 =	vld.idx.msk [tilespmem:v29+s10+$0x0], $0xffff  }
0x20b: {  	v34 =	vor.u32 v6, v34;
	v49 =	vadd.s32 v11, v24;
	v43 =	vld.idx.msk [tilespmem:v30+s10+$0x0], $0xffff;
	[tilespmem:v56+s14+$0x0] =	vst.idx.msk $0xffff, v45  }
0x20c: {  	v51 =	vadd.s32 v11, v25;
	v36 =	vor.u32 v6, v55;
	[tilespmem:v58+s14+$0x0] =	vst.idx.msk $0xffff, v57;
	v50 =	vld.idx.msk [tilespmem:v48+s10+$0x0], $0xffff  }
0x20d: {  	v33 =	vor.u32 v6, v33;
	v53 =	vadd.s32 v12, v20;
	v52 =	vld.idx.msk [tilespmem:v31+s10+$0x0], $0xffff;
	[tilespmem:v60+s14+$0x0] =	vst.idx.msk $0xffff, v59  }
0x20e: {  	v55 =	vadd.s32 v12, v21;
	[tilespmem:v61+s14+$0x0] =	vst.idx.msk $0xffff, v40;
	v54 =	vld.idx.msk [tilespmem:v32+s10+$0x0], $0xffff  }
0x20f: {  	v57 =	vadd.s32 v12, v22;
	[tilespmem:v63+s14+$0x0] =	vst.idx.msk $0xffff, v62;
	v56 =	vld.idx.msk [tilespmem:v38+s10+$0x0], $0xffff  }
0x210: {  	[tilespmem:v49+s14+$0x0] =	vst.idx.msk $0xffff, v43;
	v59 =	vadd.s32 v12, v23;
	v58 =	vld.idx.msk [tilespmem:v34+s10+$0x0], $0xffff  }
0x211: {  	v61 =	vadd.s32 v12, v24;
	v60 =	vld.idx.msk [tilespmem:v36+s10+$0x0], $0xffff;
	[tilespmem:v51+s14+$0x0] =	vst.idx.msk $0xffff, v50  }
0x212: {  	v63 =	vadd.s32 v12, v25;
	[tilespmem:v53+s14+$0x0] =	vst.idx.msk $0xffff, v52;
	v62 =	vld.idx.msk [tilespmem:v33+s10+$0x0], $0xffff  }
0x213: {  	v49 =	vld.idx.msk [tilespmem:v26+s11+$0x0], $0xffff;
	v50 =	vadd.s32 v13, v20;
	[tilespmem:v55+s14+$0x0] =	vst.idx.msk $0xffff, v54  }
0x214: {  	v52 =	vadd.s32 v13, v21;
	[tilespmem:v57+s14+$0x0] =	vst.idx.msk $0xffff, v56;
	v51 =	vld.idx.msk [tilespmem:v27+s11+$0x0], $0xffff  }
0x215: {  	[tilespmem:v59+s14+$0x0] =	vst.idx.msk $0xffff, v58;
	v54 =	vadd.s32 v13, v22;
	v53 =	vld.idx.msk [tilespmem:v28+s11+$0x0], $0xffff  }
0x216: {  	[tilespmem:v61+s14+$0x0] =	vst.idx.msk $0xffff, v60;
	v56 =	vadd.s32 v13, v23;
	v55 =	vld.idx.msk [tilespmem:v29+s11+$0x0], $0xffff  }
0x217: {  	v58 =	vadd.s32 v13, v24;
	v57 =	vld.idx.msk [tilespmem:v30+s11+$0x0], $0xffff;
	[tilespmem:v63+s14+$0x0] =	vst.idx.msk $0xffff, v62  }
0x218: {  	v60 =	vadd.s32 v13, v25;
	[tilespmem:v50+s14+$0x0] =	vst.idx.msk $0xffff, v49;
	v59 =	vld.idx.msk [tilespmem:v48+s11+$0x0], $0xffff  }
0x219: {  	v61 =	vld.idx.msk [tilespmem:v31+s11+$0x0], $0xffff;
	v62 =	vadd.s32 v14, v20;
	[tilespmem:v52+s14+$0x0] =	vst.idx.msk $0xffff, v51  }
0x21a: {  	v49 =	vadd.s32 v14, v21;
	[tilespmem:v54+s14+$0x0] =	vst.idx.msk $0xffff, v53;
	v63 =	vld.idx.msk [tilespmem:v32+s11+$0x0], $0xffff  }
0x21b: {  	[tilespmem:v56+s14+$0x0] =	vst.idx.msk $0xffff, v55;
	v51 =	vadd.s32 v14, v22;
	v50 =	vld.idx.msk [tilespmem:v38+s11+$0x0], $0xffff  }
0x21c: {  	[tilespmem:v58+s14+$0x0] =	vst.idx.msk $0xffff, v57;
	v53 =	vadd.s32 v14, v23;
	v52 =	vld.idx.msk [tilespmem:v34+s11+$0x0], $0xffff  }
0x21d: {  	v55 =	vadd.s32 v14, v24;
	v54 =	vld.idx.msk [tilespmem:v36+s11+$0x0], $0xffff;
	[tilespmem:v60+s14+$0x0] =	vst.idx.msk $0xffff, v59  }
0x21e: {  	v57 =	vadd.s32 v14, v25;
	[tilespmem:v62+s14+$0x0] =	vst.idx.msk $0xffff, v61;
	v56 =	vld.idx.msk [tilespmem:v33+s11+$0x0], $0xffff  }
0x21f: {  	v58 =	vld.idx.msk [tilespmem:v26+s12+$0x0], $0xffff;
	v59 =	vadd.s32 v15, v20;
	[tilespmem:v49+s14+$0x0] =	vst.idx.msk $0xffff, v63  }
0x220: {  	v61 =	vadd.s32 v15, v21;
	[tilespmem:v51+s14+$0x0] =	vst.idx.msk $0xffff, v50;
	v60 =	vld.idx.msk [tilespmem:v27+s12+$0x0], $0xffff  }
0x221: {  	[tilespmem:v53+s14+$0x0] =	vst.idx.msk $0xffff, v52;
	v63 =	vadd.s32 v15, v22;
	v62 =	vld.idx.msk [tilespmem:v28+s12+$0x0], $0xffff  }
0x222: {  	[tilespmem:v55+s14+$0x0] =	vst.idx.msk $0xffff, v54;
	v50 =	vadd.s32 v15, v23;
	v49 =	vld.idx.msk [tilespmem:v29+s12+$0x0], $0xffff  }
0x223: {  	v52 =	vadd.s32 v15, v24;
	v51 =	vld.idx.msk [tilespmem:v30+s12+$0x0], $0xffff;
	[tilespmem:v57+s14+$0x0] =	vst.idx.msk $0xffff, v56  }
0x224: {  	v54 =	vadd.s32 v15, v25;
	[tilespmem:v59+s14+$0x0] =	vst.idx.msk $0xffff, v58;
	v53 =	vld.idx.msk [tilespmem:v48+s12+$0x0], $0xffff  }
0x225: {  	v55 =	vld.idx.msk [tilespmem:v31+s12+$0x0], $0xffff;
	v56 =	vadd.s32 v17, v20;
	[tilespmem:v61+s14+$0x0] =	vst.idx.msk $0xffff, v60  }
0x226: {  	v58 =	vadd.s32 v17, v21;
	[tilespmem:v63+s14+$0x0] =	vst.idx.msk $0xffff, v62;
	v57 =	vld.idx.msk [tilespmem:v32+s12+$0x0], $0xffff  }
0x227: {  	[tilespmem:v50+s14+$0x0] =	vst.idx.msk $0xffff, v49;
	v60 =	vadd.s32 v17, v22;
	v59 =	vld.idx.msk [tilespmem:v38+s12+$0x0], $0xffff  }
0x228: {  	[tilespmem:v52+s14+$0x0] =	vst.idx.msk $0xffff, v51;
	v62 =	vadd.s32 v17, v23;
	v61 =	vld.idx.msk [tilespmem:v34+s12+$0x0], $0xffff  }
0x229: {  	v49 =	vadd.s32 v17, v24;
	v63 =	vld.idx.msk [tilespmem:v36+s12+$0x0], $0xffff;
	[tilespmem:v54+s14+$0x0] =	vst.idx.msk $0xffff, v53  }
0x22a: {  	v51 =	vadd.s32 v17, v25;
	[tilespmem:v56+s14+$0x0] =	vst.idx.msk $0xffff, v55;
	v50 =	vld.idx.msk [tilespmem:v33+s12+$0x0], $0xffff  }
0x22b: {  	v52 =	vadd.s32 v18, v20;
	v26 =	vld.idx.msk [tilespmem:v26+s13+$0x0], $0xffff;
	[tilespmem:v58+s14+$0x0] =	vst.idx.msk $0xffff, v57  }
0x22c: {  	v53 =	vadd.s32 v18, v21;
	[tilespmem:v60+s14+$0x0] =	vst.idx.msk $0xffff, v59;
	v27 =	vld.idx.msk [tilespmem:v27+s13+$0x0], $0xffff  }
0x22d: {  	v54 =	vadd.s32 v18, v22;
	[tilespmem:v62+s14+$0x0] =	vst.idx.msk $0xffff, v61;
	v28 =	vld.idx.msk [tilespmem:v28+s13+$0x0], $0xffff  }
0x22e: {  	v55 =	vadd.s32 v18, v23;
	[tilespmem:v49+s14+$0x0] =	vst.idx.msk $0xffff, v63;
	v29 =	vld.idx.msk [tilespmem:v29+s13+$0x0], $0xffff  }
0x22f: {  	v56 =	vadd.s32 v18, v24;
	v30 =	vld.idx.msk [tilespmem:v30+s13+$0x0], $0xffff;
	[tilespmem:v51+s14+$0x0] =	vst.idx.msk $0xffff, v50  }
0x230: {  	v58 =	vadd.s32 v18, v25;
	[tilespmem:v52+s14+$0x0] =	vst.idx.msk $0xffff, v26;
	v57 =	vld.idx.msk [tilespmem:v48+s13+$0x0], $0xffff  }
0x231: {  	v20 =	vadd.s32 v19, v20;
	v59 =	vld.idx.msk [tilespmem:v31+s13+$0x0], $0xffff;
	[tilespmem:v53+s14+$0x0] =	vst.idx.msk $0xffff, v27  }
0x232: {  	v21 =	vadd.s32 v19, v21;
	[tilespmem:v54+s14+$0x0] =	vst.idx.msk $0xffff, v28;
	v60 =	vld.idx.msk [tilespmem:v32+s13+$0x0], $0xffff  }
0x233: {  	v22 =	vadd.s32 v19, v22;
	[tilespmem:v55+s14+$0x0] =	vst.idx.msk $0xffff, v29;
	v61 =	vld.idx.msk [tilespmem:v38+s13+$0x0], $0xffff  }
0x234: {  	v23 =	vadd.s32 v19, v23;
	[tilespmem:v56+s14+$0x0] =	vst.idx.msk $0xffff, v30;
	v62 =	vld.idx.msk [tilespmem:v34+s13+$0x0], $0xffff  }
0x235: {  	v24 =	vadd.s32 v19, v24;
	v63 =	vld.idx.msk [tilespmem:v36+s13+$0x0], $0xffff;
	[tilespmem:v58+s14+$0x0] =	vst.idx.msk $0xffff, v57  }
0x236: {  	p1 =	slt.u32 s21, $0x78;
	v25 =	vadd.s32 v19, v25;
	[tilespmem:v20+s14+$0x0] =	vst.idx.msk $0xffff, v59;
	v20 =	vld.idx.msk [tilespmem:v33+s13+$0x0], $0xffff  }
.Ltmp2:
0x237: {  	[tilespmem:v21+s14+$0x0] =	vst.idx.msk $0xffff, v60;
	(pc) =	sbr.rel @p1 .LBB2_6-.Ltmp2, $4  }
0x238: {  	[tilespmem:v22+s14+$0x0] =	vst.idx.msk $0xffff, v61  }
0x239: {  	[tilespmem:v23+s14+$0x0] =	vst.idx.msk $0xffff, v62  }
0x23a: {  	[tilespmem:v24+s14+$0x0] =	vst.idx.msk $0xffff, v63  }
0x23b: {  	s21 =	sadd.s32 $0x8, s21;
	[tilespmem:v25+s14+$0x0] =	vst.idx.msk $0xffff, v20  }
0x23c: {  	_ =	strace $0x9000004C  }
0x23d: {  	_ =	strace $0x8000004D  }
0x23e: {  	s18 =	rddreg [dreg:$0x1c]  }
0x23f: {  	[hbm4b:s18+s5] =	stream.linear.scatter [tilespmem:s14], [sflag:$0x5], $0x7400, $0x200038;
	[tilespmem:$0x1AEA8] =	vst v63  }
0x240: {  	_ =	swait.ge [sflag:s17], $0x7400  }
0x241: {  	[sflag:s17] =	ssyncset.done $0x0  }
0x242: {  	[sflag:s17] =	ssyncadd.s32 $0xFFFF8C00  }
0x243: {  	s24 =	simm.s32 $0x1268;
	_ =	strace $0x9000004D  }
0x244: {  	[tilespmem:s10], [sflag:$0x1] =	stream.indirect.gather [spmem:s1], $0x20, s24, s7, $0xb8;
	[tilespmem:$0x1AEA8] =	vst v63  }
0x245: {  	s25 =	simm.s32 $0x1468  }
0x246: {  	[tilespmem:s11], [sflag:$0x1] =	stream.indirect.gather [spmem:s2], $0x20, s25, s7, $0xb8;
	[tilespmem:$0x1AEA8] =	vst v63  }
0x247: {  	s19 =	simm.s32 $0x1668  }
0x248: {  	[tilespmem:s12], [sflag:$0x1] =	stream.indirect.gather [spmem:s3], $0x20, s19, s7, $0xb8;
	[tilespmem:$0x1AEA8] =	vst v63  }
0x249: {  	s21 =	simm.s32 $0x1868;
	s22 =	simm.s32 $0x0  }
0x24a: {  	[tilespmem:s13], [sflag:$0x1] =	stream.indirect.gather [spmem:s4], $0x20, s21, s7, $0xb8;
	[tilespmem:$0x1AEA8] =	vst v63  }
0x24b: {  	v20 =	vmov s22;
	s21 =	simm.s32 $0x690;
	_ =	strace $0x8000004E  }
0x24c: {  	v20 =	vmul.u32 $0xE8, v20;
	s19 =	simm.s32 $0x10;
	v22 =	vld [tilespmem:s21+$0xFFFFFFF0]  }
0x24d: {  	v21 =	vmov s19  }
0x24e: {  	v29 =	vbroadcast v20, $0x0;
	v21 =	vmul.u32 $0xE8, v21;
	v23 =	vld [tilespmem:s21+$0x0];
	_ =	sdelay $0x1  }
0x24f: {  	v20 =	vadd.s32 v2, v29;
	v24 =	vbroadcast v21, $0x0  }
0x250: {  	v22 =	vadd.f32 $-5.000000000e-01, v22  }
0x251: {  	v21 =	vadd.s32 v2, v24  }
0x252: {  	v23 =	vadd.f32 $-5.000000000e-01, v23;
	v22 =	vmul.f32 v22, v16;
	_ =	sdelay $0x1  }
0x253: {  	s23 =	simm.s32 $0x890;
	v23 =	vmul.f32 v23, v16;
	[tilespmem:v20+s14+$0x0] =	vst.idx.msk $0xffff, v22  }
0x254: {  	v22 =	vld [tilespmem:s23+$0xFFFFFFF0]  }
0x255: {  	s24 =	simm.s32 $0x20;
	[tilespmem:v21+s14+$0x0] =	vst.idx.msk $0xffff, v23  }
0x256: {  	s25 =	simm.s32 $0x30;
	s21 =	simm.s32 $0x6B0;
	v20 =	vmov s24;
	v21 =	vld [tilespmem:s23+$0x0]  }
0x257: {  	v25 =	vld [tilespmem:s21+$0xFFFFFFF0];
	v23 =	vmov s25;
	v20 =	vmul.u32 $0xE8, v20  }
0x258: {  	v27 =	vadd.s32 v3, v29;
	v26 =	vld [tilespmem:s21+$0x0];
	v23 =	vmul.u32 $0xE8, v23  }
0x259: {  	v20 =	vbroadcast v20, $0x0;
	v22 =	vadd.f32 $-5.000000000e-01, v22  }
0x25a: {  	v28 =	vadd.s32 v3, v24;
	v30 =	vbroadcast v23, $0x0  }
0x25b: {  	v23 =	vadd.s32 v2, v20;
	v21 =	vadd.f32 $-5.000000000e-01, v21;
	v22 =	vmul.f32 v22, v16  }
0x25c: {  	v25 =	vadd.f32 $-5.000000000e-01, v25;
	v31 =	vadd.s32 v2, v30  }
0x25d: {  	s22 =	simm.s32 $0xA90;
	v26 =	vadd.f32 $-5.000000000e-01, v26;
	v21 =	vmul.f32 v21, v16;
	[tilespmem:v27+s14+$0x0] =	vst.idx.msk $0xffff, v22  }
0x25e: {  	v22 =	vmul.f32 v25, v16;
	v25 =	vld [tilespmem:s22+$0xFFFFFFF0]  }
0x25f: {  	[tilespmem:v28+s14+$0x0] =	vst.idx.msk $0xffff, v21;
	v21 =	vmul.f32 v26, v16  }
0x260: {  	s23 =	simm.s32 $0x8B0;
	v26 =	vld [tilespmem:s22+$0x0];
	[tilespmem:v23+s14+$0x0] =	vst.idx.msk $0xffff, v22  }
0x261: {  	[tilespmem:v31+s14+$0x0] =	vst.idx.msk $0xffff, v21;
	v22 =	vld [tilespmem:s23+$0xFFFFFFF0]  }
0x262: {  	v32 =	vadd.s32 v4, v24;
	s24 =	simm.s32 $0x40;
	s25 =	simm.s32 $0x50;
	v27 =	vadd.s32 v4, v29;
	v23 =	vld [tilespmem:s23+$0x0]  }
0x263: {  	v28 =	vmov s25;
	s22 =	simm.s32 $0x6D0;
	v21 =	vmov s24;
	v25 =	vadd.f32 $-5.000000000e-01, v25  }
0x264: {  	v34 =	vadd.s32 v3, v20;
	v28 =	vmul.u32 $0xE8, v28;
	v31 =	vld [tilespmem:s22+$0xFFFFFFF0];
	v21 =	vmul.u32 $0xE8, v21  }
0x265: {  	v35 =	vadd.s32 v3, v30;
	v33 =	vld [tilespmem:s22+$0x0];
	v26 =	vadd.f32 $-5.000000000e-01, v26;
	v25 =	vmul.f32 v25, v16  }
0x266: {  	v36 =	vbroadcast v28, $0x0;
	v21 =	vbroadcast v21, $0x0;
	v22 =	vadd.f32 $-5.000000000e-01, v22  }
0x267: {  	s21 =	simm.s32 $0xC90;
	v26 =	vmul.f32 v26, v16;
	v28 =	vadd.f32 $-5.000000000e-01, v23;
	[tilespmem:v27+s14+$0x0] =	vst.idx.msk $0xffff, v25  }
0x268: {  	v38 =	vadd.s32 v2, v36;
	v37 =	vadd.s32 v2, v21;
	v22 =	vmul.f32 v22, v16;
	v39 =	vld [tilespmem:s21+$0xFFFFFFF0]  }
0x269: {  	v23 =	vadd.s32 v5, v24;
	v25 =	vadd.f32 $-5.000000000e-01, v31;
	v24 =	vmul.f32 v28, v16;
	[tilespmem:v32+s14+$0x0] =	vst.idx.msk $0xffff, v26  }
0x26a: {  	s23 =	simm.s32 $0xAB0;
	v27 =	vadd.f32 $-5.000000000e-01, v33;
	v26 =	vadd.s32 v4, v30;
	v28 =	vld [tilespmem:s21+$0x0];
	[tilespmem:v34+s14+$0x0] =	vst.idx.msk $0xffff, v22  }
0x26b: {  	v62 =	vmul.f32 v25, v16;
	v22 =	vadd.s32 v5, v30;
	[tilespmem:v35+s14+$0x0] =	vst.idx.msk $0xffff, v24;
	v30 =	vld [tilespmem:s23+$0xFFFFFFF0]  }
0x26c: {  	v29 =	vadd.s32 v5, v29;
	v63 =	vmul.f32 v27, v16;
	v31 =	vld [tilespmem:s23+$0x0]  }
0x26d: {  	s24 =	simm.s32 $0x8D0;
	v27 =	vadd.s32 v3, v36;
	[tilespmem:v37+s14+$0x0] =	vst.idx.msk $0xffff, v62;
	v32 =	vadd.f32 $-5.000000000e-01, v39  }
0x26e: {  	s18 =	simm.s32 $0x70;
	s25 =	simm.s32 $0x4;
	v25 =	vadd.s32 v4, v36;
	v24 =	vadd.s32 v5, v36;
	[tilespmem:v38+s14+$0x0] =	vst.idx.msk $0xffff, v63;
	v33 =	vld [tilespmem:s24+$0xFFFFFFF0]  }
.LBB2_8:
0x26f: {  	s19 =	sadd.s32 $0xFFFFFFF0, s18;
	v34 =	vmov s18;
	s25 =	sadd.s32 $0x2, s25;
	v35 =	vld [tilespmem:s24+$0x0];
	v36 =	vadd.s32 v4, v20;
	v32 =	vmul.f32 v32, v16  }
0x270: {  	s22 =	sadd.s32 $0x20, s22;
	v37 =	vmov s19;
	v34 =	vmul.u32 $0xE8, v34;
	p1 =	slt.u32 s25, $0x6;
	v30 =	vadd.f32 $-5.000000000e-01, v30  }
0x271: {  	v28 =	vadd.f32 $-5.000000000e-01, v28;
	v38 =	vld [tilespmem:s22+$0xFFFFFFF0];
	v37 =	vmul.u32 $0xE8, v37;
	v31 =	vadd.f32 $-5.000000000e-01, v31;
	[tilespmem:v29+s14+$0x0] =	vst.idx.msk $0xffff, v32  }
0x272: {  	v29 =	vld [tilespmem:s22+$0x0];
	v32 =	vbroadcast v34, $0x0;
	v34 =	vadd.s32 v3, v21;
	v30 =	vmul.f32 v30, v16  }
0x273: {  	v37 =	vbroadcast v37, $0x0;
	v33 =	vadd.f32 $-5.000000000e-01, v33;
	v31 =	vmul.f32 v31, v16  }
0x274: {  	s21 =	sadd.s32 $0x20, s21;
	v39 =	vadd.s32 v2, v32;
	v40 =	vadd.s32 v3, v32;
	v35 =	vadd.f32 $-5.000000000e-01, v35;
	[tilespmem:v36+s14+$0x0] =	vst.idx.msk $0xffff, v30  }
0x275: {  	v30 =	vadd.s32 v4, v32;
	v36 =	vadd.s32 v2, v37;
	v33 =	vmul.f32 v33, v16;
	v41 =	vld [tilespmem:s21+$0xFFFFFFF0]  }
0x276: {  	v42 =	vmul.f32 v28, v16;
	v38 =	vadd.f32 $-5.000000000e-01, v38;
	v35 =	vmul.f32 v35, v16;
	[tilespmem:v26+s14+$0x0] =	vst.idx.msk $0xffff, v31  }
.Ltmp3:
0x277: {  	s23 =	sadd.s32 $0x20, s23;
	v43 =	vadd.s32 v5, v32;
	v26 =	vmovc v25;
	v25 =	vmov v30;
	v29 =	vadd.f32 $-5.000000000e-01, v29;
	[tilespmem:v34+s14+$0x0] =	vst.idx.msk $0xffff, v33;
	v28 =	vld [tilespmem:s21+$0x0];
	(pc) =	sbr.rel @p1 .LBB2_8-.Ltmp3, $4  }
0x278: {  	v32 =	vmul.f32 v38, v16;
	v30 =	vld [tilespmem:s23+$0xFFFFFFF0];
	[tilespmem:v27+s14+$0x0] =	vst.idx.msk $0xffff, v35;
	v27 =	vmov v40  }
0x279: {  	v34 =	vmul.f32 v29, v16;
	v31 =	vld [tilespmem:s23+$0x0];
	v29 =	vadd.s32 v5, v20;
	[tilespmem:v23+s14+$0x0] =	vst.idx.msk $0xffff, v42;
	v20 =	vmov v21  }
0x27a: {  	s24 =	sadd.s32 $0x20, s24;
	v21 =	vmovc v37;
	v23 =	vmovc v22;
	v22 =	vmov v24;
	v24 =	vmov v43;
	[tilespmem:v36+s14+$0x0] =	vst.idx.msk $0xffff, v32;
	v32 =	vadd.f32 $-5.000000000e-01, v41  }
0x27b: {  	s18 =	sadd.s32 $0x20, s18;
	v33 =	vld [tilespmem:s24+$0xFFFFFFF0];
	[tilespmem:v39+s14+$0x0] =	vst.idx.msk $0xffff, v34  }
0x27c: {  	v34 =	vld [tilespmem:s24+$0x0];
	_ =	sdelay $0x2  }
0x27d: {  	v35 =	vadd.s32 v3, v21  }
0x27e: {  	v33 =	vadd.f32 $-5.000000000e-01, v33  }
0x27f: {  	v34 =	vadd.f32 $-5.000000000e-01, v34  }
0x280: {  	v33 =	vmul.f32 v33, v16  }
0x281: {  	v34 =	vmul.f32 v34, v16  }
0x282: {  	s18 =	sadd.s32 $0x20, s23;
	[tilespmem:v35+s14+$0x0] =	vst.idx.msk $0xffff, v33  }
0x283: {  	v33 =	vld [tilespmem:s18+$0xFFFFFFF0];
	[tilespmem:v27+s14+$0x0] =	vst.idx.msk $0xffff, v34  }
0x284: {  	v27 =	vld [tilespmem:s18+$0x0]  }
0x285: {  	v50 =	vadd.s32 v4, v20  }
0x286: {  	v30 =	vadd.f32 $-5.000000000e-01, v30  }
0x287: {  	v51 =	vadd.s32 v4, v21;
	v31 =	vadd.f32 $-5.000000000e-01, v31  }
0x288: {  	v30 =	vmul.f32 v30, v16;
	v33 =	vadd.f32 $-5.000000000e-01, v33  }
0x289: {  	v31 =	vmul.f32 v31, v16;
	v27 =	vadd.f32 $-5.000000000e-01, v27  }
0x28a: {  	s23 =	sadd.s32 $0x20, s21;
	[tilespmem:v50+s14+$0x0] =	vst.idx.msk $0xffff, v30;
	v52 =	vmul.f32 v33, v16  }
0x28b: {  	v53 =	vld [tilespmem:s23+$0xFFFFFFF0];
	[tilespmem:v26+s14+$0x0] =	vst.idx.msk $0xffff, v31;
	v54 =	vmul.f32 v27, v16  }
0x28c: {  	v55 =	vld [tilespmem:s23+$0x0];
	s18 =	sadd.s32 $0x20, s23;
	[tilespmem:v51+s14+$0x0] =	vst.idx.msk $0xffff, v52  }
0x28d: {  	v30 =	vld [tilespmem:s18+$0xFFFFFFF0];
	[tilespmem:v25+s14+$0x0] =	vst.idx.msk $0xffff, v54  }
0x28e: {  	v25 =	vld [tilespmem:s18+$0x0]  }
0x28f: {  	v56 =	vadd.f32 $-5.000000000e-01, v28;
	v20 =	vadd.s32 v5, v20  }
0x290: {  	v57 =	vmul.f32 v32, v16;
	v58 =	vadd.f32 $-5.000000000e-01, v53  }
0x291: {  	v59 =	vadd.s32 v5, v21;
	v26 =	vmul.f32 v56, v16;
	v27 =	vadd.f32 $-5.000000000e-01, v55  }
0x292: {  	[tilespmem:v29+s14+$0x0] =	vst.idx.msk $0xffff, v57;
	v60 =	vmul.f32 v58, v16;
	v61 =	vadd.f32 $-5.000000000e-01, v30  }
0x293: {  	[tilespmem:v23+s14+$0x0] =	vst.idx.msk $0xffff, v26;
	v62 =	vmul.f32 v27, v16;
	v25 =	vadd.f32 $-5.000000000e-01, v25  }
0x294: {  	[tilespmem:v20+s14+$0x0] =	vst.idx.msk $0xffff, v60;
	v20 =	vmul.f32 v61, v16  }
0x295: {  	[tilespmem:v22+s14+$0x0] =	vst.idx.msk $0xffff, v62;
	v63 =	vmul.f32 v25, v16  }
0x296: {  	[tilespmem:v59+s14+$0x0] =	vst.idx.msk $0xffff, v20  }
0x297: {  	[tilespmem:v24+s14+$0x0] =	vst.idx.msk $0xffff, v63  }
0x298: {  	_ =	strace $0x9000004E  }
0x299: {  	_ =	strace $0x8000004F  }
0x29a: {  	_ =	swait.ge [sflag:s0], $0x1000  }
0x29b: {  	[sflag:s0] =	ssyncset.done $0x0  }
0x29c: {  	[sflag:s0] =	ssyncadd.s32 $0xFFFFF000  }
0x29d: {  	_ =	swait.ge [sflag:s0], $0x1000  }
0x29e: {  	[sflag:s0] =	ssyncset.done $0x0  }
0x29f: {  	[sflag:s0] =	ssyncadd.s32 $0xFFFFF000  }
0x2a0: {  	_ =	swait.ge [sflag:s0], $0x1000  }
0x2a1: {  	[sflag:s0] =	ssyncset.done $0x0  }
0x2a2: {  	[sflag:s0] =	ssyncadd.s32 $0xFFFFF000  }
0x2a3: {  	_ =	swait.ge [sflag:s0], $0x1000  }
0x2a4: {  	[sflag:s0] =	ssyncset.done $0x0  }
0x2a5: {  	s24 =	simm.s32 $0x3;
	[sflag:s0] =	ssyncadd.s32 $0xFFFFF000  }
0x2a6: {  	_ =	swait.ge [sflag:s24], $0x4000  }
0x2a7: {  	[sflag:s24] =	ssyncset.done $0x0  }
0x2a8: {  	[sflag:s24] =	ssyncadd.s32 $0xFFFFC000  }
0x2a9: {  	s25 =	simm.s32 $0x180;
	_ =	strace $0x9000004F  }
0x2aa: {  	[tilespmem:s8], [sflag:$0x2] =	stream.indirect.gather [hbm4b:s6+s7], $0x80, s25, s7, $0xb8;
	[tilespmem:$0x1AEA8] =	vst v63  }
0x2ab: {  	s21 =	simm.s32 $0x0;
	_ =	strace $0x80000050  }
.LBB2_10:
0x2ac: {  	v20 =	vmov s21  }
0x2ad: {  	v21 =	vshll.u32 v20, $0x7  }
0x2ae: {  	v22 =	vor.u32 v0, v21;
	_ =	sdelay $0x2  }
0x2af: {  	v26 =	vmul.u32 $0xE8, v20;
	_ =	sdelay $0x1  }
0x2b0: {  	s18 =	sadd.s32 $0x1, s21;
	v23 =	vor.u32 v0, v26;
	v22 =	vld.idx.msk [tilespmem:v22+s9+$0x0], $0xffff  }
0x2b1: {  	v24 =	vmov s18;
	v21 =	vor.u32 v6, v21  }
0x2b2: {  	v25 =	vshll.u32 v24, $0x7  }
0x2b3: {  	v28 =	vor.u32 v0, v25;
	_ =	sdelay $0x1  }
0x2b4: {  	[tilespmem:v23+s14+$0x0] =	vst.idx.msk $0xffff, v22  }
0x2b5: {  	v27 =	vmul.u32 $0xE8, v24;
	v61 =	vor.u32 v6, v26;
	v21 =	vld.idx.msk [tilespmem:v21+s9+$0x0], $0xffff  }
0x2b6: {  	v62 =	vor.u32 $0x80, v20  }
0x2b7: {  	v32 =	vadd.s32 v0, v27;
	v63 =	vld.idx.msk [tilespmem:v28+s9+$0x0], $0xffff  }
0x2b8: {  	v25 =	vor.u32 v6, v25;
	_ =	sdelay $0x1  }
0x2b9: {  	[tilespmem:v61+s14+$0x0] =	vst.idx.msk $0xffff, v21  }
0x2ba: {  	v21 =	vld.idx.msk [tilespmem:v62+s26+$0x0], $0xffff  }
0x2bb: {  	[tilespmem:v32+s14+$0x0] =	vst.idx.msk $0xffff, v63  }
0x2bc: {  	v33 =	vadd.s32 v6, v27;
	v22 =	vld.idx.msk [tilespmem:v25+s9+$0x0], $0xffff  }
0x2bd: {  	v34 =	vor.u32 $0x81, v24;
	_ =	sdelay $0x1  }
0x2be: {  	v21 =	vshll.u32 v21, $0x5  }
0x2bf: {  	v29 =	vor.u32 v0, v21  }
0x2c0: {  	[tilespmem:v33+s14+$0x0] =	vst.idx.msk $0xffff, v22  }
0x2c1: {  	v22 =	vld.idx.msk [tilespmem:v34+s26+$0x0], $0xffff;
	_ =	sdelay $0x2  }
0x2c2: {  	v30 =	vor.u32 v7, v26;
	v29 =	vld.idx.msk [tilespmem:v29+s30+$0x0], $0xffff  }
0x2c3: {  	v21 =	vor.u32 v6, v21  }
0x2c4: {  	v22 =	vshll.u32 v22, $0x5  }
0x2c5: {  	v36 =	vor.u32 v0, v22;
	_ =	sdelay $0x1  }
0x2c6: {  	[tilespmem:v30+s14+$0x0] =	vst.idx.msk $0xffff, v29  }
0x2c7: {  	v35 =	vor.u32 v8, v26;
	v21 =	vld.idx.msk [tilespmem:v21+s30+$0x0], $0xffff;
	_ =	sdelay $0x1  }
0x2c8: {  	v38 =	vadd.s32 v7, v27;
	v37 =	vld.idx.msk [tilespmem:v36+s30+$0x0], $0xffff  }
0x2c9: {  	v22 =	vor.u32 v6, v22;
	_ =	sdelay $0x1  }
0x2ca: {  	[tilespmem:v35+s14+$0x0] =	vst.idx.msk $0xffff, v21  }
0x2cb: {  	v21 =	vld.idx.msk [tilespmem:v62+s28+$0x0], $0xffff  }
0x2cc: {  	[tilespmem:v38+s14+$0x0] =	vst.idx.msk $0xffff, v37  }
0x2cd: {  	v40 =	vadd.s32 v8, v27;
	v22 =	vld.idx.msk [tilespmem:v22+s30+$0x0], $0xffff;
	_ =	sdelay $0x2  }
0x2ce: {  	v21 =	vshll.u32 v21, $0x5  }
0x2cf: {  	v39 =	vor.u32 v0, v21  }
0x2d0: {  	[tilespmem:v40+s14+$0x0] =	vst.idx.msk $0xffff, v22  }
0x2d1: {  	v22 =	vld.idx.msk [tilespmem:v34+s28+$0x0], $0xffff;
	_ =	sdelay $0x2  }
0x2d2: {  	v42 =	vadd.s32 v9, v26;
	v41 =	vld.idx.msk [tilespmem:v39+s31+$0x0], $0xffff  }
0x2d3: {  	v21 =	vor.u32 v6, v21  }
0x2d4: {  	v22 =	vshll.u32 v22, $0x5  }
0x2d5: {  	v44 =	vor.u32 v0, v22;
	_ =	sdelay $0x1  }
0x2d6: {  	[tilespmem:v42+s14+$0x0] =	vst.idx.msk $0xffff, v41  }
0x2d7: {  	v20 =	vshll.u32 v20, $0x5;
	v43 =	vadd.s32 v10, v26;
	v21 =	vld.idx.msk [tilespmem:v21+s31+$0x0], $0xffff  }
0x2d8: {  	v37 =	vor.u32 v0, v20  }
0x2d9: {  	v46 =	vadd.s32 v9, v27;
	v29 =	vor.u32 v6, v20;
	v20 =	vld.idx.msk [tilespmem:v44+s31+$0x0], $0xffff  }
0x2da: {  	v22 =	vor.u32 v6, v22;
	_ =	sdelay $0x1  }
0x2db: {  	[tilespmem:v43+s14+$0x0] =	vst.idx.msk $0xffff, v21  }
0x2dc: {  	v45 =	vadd.s32 v11, v26;
	v21 =	vld.idx.msk [tilespmem:v37+s10+$0x0], $0xffff  }
0x2dd: {  	[tilespmem:v46+s14+$0x0] =	vst.idx.msk $0xffff, v20  }
0x2de: {  	v24 =	vshll.u32 v24, $0x5;
	v48 =	vadd.s32 v10, v27;
	v20 =	vld.idx.msk [tilespmem:v22+s31+$0x0], $0xffff  }
0x2df: {  	s25 =	sadd.s32 $0x2, s21;
	v36 =	vor.u32 v0, v24  }
0x2e0: {  	v28 =	vmov s25  }
0x2e1: {  	v49 =	vshll.u32 v28, $0x7;
	[tilespmem:v45+s14+$0x0] =	vst.idx.msk $0xffff, v21  }
0x2e2: {  	v47 =	vadd.s32 v12, v26;
	v50 =	vor.u32 v0, v49;
	v21 =	vld.idx.msk [tilespmem:v29+s10+$0x0], $0xffff  }
0x2e3: {  	[tilespmem:v48+s14+$0x0] =	vst.idx.msk $0xffff, v20  }
0x2e4: {  	v31 =	vadd.s32 v11, v27;
	v22 =	vld.idx.msk [tilespmem:v36+s10+$0x0], $0xffff  }
0x2e5: {  	v35 =	vor.u32 v6, v24;
	v20 =	vmul.u32 $0xE8, v28;
	_ =	sdelay $0x1  }
0x2e6: {  	v52 =	vor.u32 v0, v20;
	[tilespmem:v47+s14+$0x0] =	vst.idx.msk $0xffff, v21;
	v21 =	vld.idx.msk [tilespmem:v50+s9+$0x0], $0xffff  }
0x2e7: {  	v53 =	vor.u32 v6, v49  }
0x2e8: {  	s22 =	sadd.s32 $0x4, s21;
	v51 =	vadd.s32 v13, v26;
	[tilespmem:v31+s14+$0x0] =	vst.idx.msk $0xffff, v22;
	v23 =	vld.idx.msk [tilespmem:v37+s11+$0x0], $0xffff  }
0x2e9: {  	v32 =	vadd.s32 v12, v27;
	v30 =	vmov s22;
	v22 =	vld.idx.msk [tilespmem:v35+s10+$0x0], $0xffff  }
0x2ea: {  	v43 =	vshll.u32 v30, $0x7  }
0x2eb: {  	s19 =	sadd.s32 $0x3, s21;
	v59 =	vor.u32 v0, v43;
	[tilespmem:v52+s14+$0x0] =	vst.idx.msk $0xffff, v21  }
0x2ec: {  	v56 =	vadd.s32 v6, v20;
	v31 =	vmov s19;
	v21 =	vld.idx.msk [tilespmem:v53+s9+$0x0], $0xffff  }
0x2ed: {  	s24 =	sadd.s32 $0x6, s21;
	v55 =	vadd.s32 v14, v26;
	s25 =	sadd.s32 $0x7, s21;
	v38 =	vor.u32 $0x82, v28;
	v39 =	vshll.u32 v31, $0x7;
	[tilespmem:v51+s14+$0x0] =	vst.idx.msk $0xffff, v23  }
0x2ee: {  	s23 =	sadd.s32 $0x5, s21;
	v33 =	vmov s25;
	v42 =	vor.u32 v0, v39;
	[tilespmem:v32+s14+$0x0] =	vst.idx.msk $0xffff, v22;
	v32 =	vmov s24;
	v54 =	vld.idx.msk [tilespmem:v29+s11+$0x0], $0xffff  }
0x2ef: {  	v34 =	vmov s23;
	v41 =	vadd.s32 v13, v27;
	v46 =	vshll.u32 v32, $0x7  }
0x2f0: {  	v45 =	vshll.u32 v34, $0x7;
	v50 =	vld.idx.msk [tilespmem:v59+s9+$0x0], $0xffff;
	v22 =	vmul.u32 $0xE8, v30;
	v48 =	vor.u32 v0, v46  }
0x2f1: {  	v49 =	vshll.u32 v33, $0x7;
	v61 =	vor.u32 v0, v45;
	v40 =	vld.idx.msk [tilespmem:v36+s11+$0x0], $0xffff;
	[tilespmem:v56+s14+$0x0] =	vst.idx.msk $0xffff, v21;
	v21 =	vmul.u32 $0xE8, v31  }
0x2f2: {  	v60 =	vor.u32 v0, v49;
	v43 =	vor.u32 v6, v43;
	v51 =	vor.u32 v0, v22;
	v44 =	vld.idx.msk [tilespmem:v38+s26+$0x0], $0xffff  }
0x2f3: {  	v62 =	vld.idx.msk [tilespmem:v42+s9+$0x0], $0xffff;
	v24 =	vmul.u32 $0xE8, v32;
	[tilespmem:v55+s14+$0x0] =	vst.idx.msk $0xffff, v54;
	v63 =	vadd.s32 v0, v21  }
0x2f4: {  	v58 =	vadd.s32 v15, v26;
	v39 =	vor.u32 v6, v39;
	v23 =	vmul.u32 $0xE8, v34;
	v57 =	vld.idx.msk [tilespmem:v37+s12+$0x0], $0xffff  }
0x2f5: {  	v25 =	vmul.u32 $0xE8, v33;
	v45 =	vor.u32 v6, v45;
	v48 =	vld.idx.msk [tilespmem:v48+s9+$0x0], $0xffff;
	v56 =	vor.u32 v0, v24  }
0x2f6: {  	[tilespmem:v41+s14+$0x0] =	vst.idx.msk $0xffff, v40;
	v54 =	vld.idx.msk [tilespmem:v61+s9+$0x0], $0xffff;
	v55 =	vadd.s32 v0, v23;
	v61 =	vor.u32 v6, v46  }
0x2f7: {  	v42 =	vadd.s32 v0, v25;
	v41 =	vld.idx.msk [tilespmem:v60+s9+$0x0], $0xffff;
	[tilespmem:v51+s14+$0x0] =	vst.idx.msk $0xffff, v50;
	v44 =	vshll.u32 v44, $0x5  }
0x2f8: {  	v43 =	vld.idx.msk [tilespmem:v43+s9+$0x0], $0xffff;
	v53 =	vor.u32 v0, v44;
	[tilespmem:v63+s14+$0x0] =	vst.idx.msk $0xffff, v62;
	v63 =	vor.u32 v6, v22  }
0x2f9: {  	[tilespmem:v58+s14+$0x0] =	vst.idx.msk $0xffff, v57;
	v62 =	vadd.s32 v6, v21;
	v58 =	vor.u32 $0x84, v30;
	v39 =	vld.idx.msk [tilespmem:v39+s9+$0x0], $0xffff  }
0x2fa: {  	v49 =	vor.u32 v6, v49;
	v52 =	vld.idx.msk [tilespmem:v35+s11+$0x0], $0xffff;
	[tilespmem:v56+s14+$0x0] =	vst.idx.msk $0xffff, v48  }
0x2fb: {  	v50 =	vor.u32 $0x83, v31;
	[tilespmem:v55+s14+$0x0] =	vst.idx.msk $0xffff, v54;
	v40 =	vld.idx.msk [tilespmem:v61+s9+$0x0], $0xffff;
	v61 =	vadd.s32 v6, v24  }
0x2fc: {  	v60 =	vadd.s32 v6, v23;
	[tilespmem:v42+s14+$0x0] =	vst.idx.msk $0xffff, v41;
	v45 =	vld.idx.msk [tilespmem:v45+s9+$0x0], $0xffff  }
0x2fd: {  	v48 =	vor.u32 $0x85, v34;
	v57 =	vadd.s32 v14, v27;
	v53 =	vld.idx.msk [tilespmem:v53+s30+$0x0], $0xffff;
	[tilespmem:v63+s14+$0x0] =	vst.idx.msk $0xffff, v43  }
0x2fe: {  	v63 =	vor.u32 v7, v20;
	[tilespmem:v62+s14+$0x0] =	vst.idx.msk $0xffff, v39;
	v39 =	vor.u32 $0x86, v32;
	v51 =	vld.idx.msk [tilespmem:v58+s26+$0x0], $0xffff  }
0x2ff: {  	v41 =	vld.idx.msk [tilespmem:v49+s9+$0x0], $0xffff;
	v44 =	vor.u32 v6, v44;
	v62 =	vadd.s32 v6, v25  }
0x300: {  	[tilespmem:v61+s14+$0x0] =	vst.idx.msk $0xffff, v40;
	v46 =	vld.idx.msk [tilespmem:v50+s26+$0x0], $0xffff  }
0x301: {  	v47 =	vld.idx.msk [tilespmem:v29+s12+$0x0], $0xffff;
	v43 =	vor.u32 $0x87, v33;
	[tilespmem:v60+s14+$0x0] =	vst.idx.msk $0xffff, v45  }
0x302: {  	[tilespmem:v57+s14+$0x0] =	vst.idx.msk $0xffff, v52;
	v54 =	vld.idx.msk [tilespmem:v48+s26+$0x0], $0xffff  }
0x303: {  	v57 =	vadd.s32 v17, v26;
	[tilespmem:v63+s14+$0x0] =	vst.idx.msk $0xffff, v53;
	v55 =	vld.idx.msk [tilespmem:v39+s26+$0x0], $0xffff;
	v49 =	vshll.u32 v51, $0x5  }
0x304: {  	v61 =	vadd.s32 v8, v20;
	[tilespmem:v62+s14+$0x0] =	vst.idx.msk $0xffff, v41;
	v44 =	vld.idx.msk [tilespmem:v44+s30+$0x0], $0xffff;
	v62 =	vor.u32 v0, v49  }
0x305: {  	v52 =	vld.idx.msk [tilespmem:v36+s12+$0x0], $0xffff;
	v60 =	vshll.u32 v46, $0x5  }
0x306: {  	v59 =	vadd.s32 v15, v27;
	v42 =	vld.idx.msk [tilespmem:v43+s26+$0x0], $0xffff;
	v46 =	vor.u32 v0, v60  }
0x307: {  	v45 =	vshll.u32 v54, $0x5  }
0x308: {  	[tilespmem:v57+s14+$0x0] =	vst.idx.msk $0xffff, v47;
	v63 =	vor.u32 v0, v45  }
0x309: {  	v41 =	vor.u32 v6, v60;
	v47 =	vshll.u32 v55, $0x5;
	[tilespmem:v61+s14+$0x0] =	vst.idx.msk $0xffff, v44;
	v60 =	vld.idx.msk [tilespmem:v62+s30+$0x0], $0xffff  }
0x30a: {  	v61 =	vadd.s32 v7, v22;
	v54 =	vor.u32 v0, v47;
	v38 =	vld.idx.msk [tilespmem:v38+s28+$0x0], $0xffff  }
0x30b: {  	[tilespmem:v59+s14+$0x0] =	vst.idx.msk $0xffff, v52;
	v55 =	vadd.s32 v7, v21;
	v42 =	vshll.u32 v42, $0x5;
	v46 =	vld.idx.msk [tilespmem:v46+s30+$0x0], $0xffff  }
0x30c: {  	v52 =	vld.idx.msk [tilespmem:v35+s12+$0x0], $0xffff;
	v62 =	vadd.s32 v17, v27;
	v56 =	vor.u32 v0, v42  }
0x30d: {  	v49 =	vor.u32 v6, v49;
	v40 =	vld.idx.msk [tilespmem:v63+s30+$0x0], $0xffff;
	v63 =	vadd.s32 v7, v23  }
0x30e: {  	v45 =	vor.u32 v6, v45  }
0x30f: {  	v59 =	vadd.s32 v7, v24;
	v54 =	vld.idx.msk [tilespmem:v54+s30+$0x0], $0xffff;
	[tilespmem:v61+s14+$0x0] =	vst.idx.msk $0xffff, v60  }
0x310: {  	v37 =	vld.idx.msk [tilespmem:v37+s13+$0x0], $0xffff;
	v38 =	vshll.u32 v38, $0x5;
	[tilespmem:v55+s14+$0x0] =	vst.idx.msk $0xffff, v46;
	v46 =	vor.u32 v6, v47  }
0x311: {  	[tilespmem:v62+s14+$0x0] =	vst.idx.msk $0xffff, v52;
	v47 =	vld.idx.msk [tilespmem:v56+s30+$0x0], $0xffff;
	v55 =	vadd.s32 v7, v25;
	v62 =	vor.u32 v0, v38  }
0x312: {  	v42 =	vor.u32 v6, v42;
	v61 =	vadd.s32 v8, v22;
	[tilespmem:v63+s14+$0x0] =	vst.idx.msk $0xffff, v40;
	v49 =	vld.idx.msk [tilespmem:v49+s30+$0x0], $0xffff  }
0x313: {  	v63 =	vadd.s32 v8, v23;
	v45 =	vld.idx.msk [tilespmem:v45+s30+$0x0], $0xffff  }
0x314: {  	v60 =	vadd.s32 v8, v21;
	v41 =	vld.idx.msk [tilespmem:v41+s30+$0x0], $0xffff;
	[tilespmem:v59+s14+$0x0] =	vst.idx.msk $0xffff, v54  }
0x315: {  	v46 =	vld.idx.msk [tilespmem:v46+s30+$0x0], $0xffff  }
0x316: {  	v54 =	vadd.s32 v8, v24;
	[tilespmem:v55+s14+$0x0] =	vst.idx.msk $0xffff, v47;
	v40 =	vld.idx.msk [tilespmem:v62+s31+$0x0], $0xffff  }
0x317: {  	v56 =	vadd.s32 v8, v25;
	[tilespmem:v61+s14+$0x0] =	vst.idx.msk $0xffff, v49;
	v55 =	vld.idx.msk [tilespmem:v42+s30+$0x0], $0xffff  }
0x318: {  	[tilespmem:v63+s14+$0x0] =	vst.idx.msk $0xffff, v45;
	v59 =	vld.idx.msk [tilespmem:v58+s28+$0x0], $0xffff  }
0x319: {  	[tilespmem:v60+s14+$0x0] =	vst.idx.msk $0xffff, v41;
	v62 =	vld.idx.msk [tilespmem:v48+s28+$0x0], $0xffff  }
0x31a: {  	v57 =	vadd.s32 v18, v26;
	v44 =	vld.idx.msk [tilespmem:v50+s28+$0x0], $0xffff  }
0x31b: {  	v36 =	vld.idx.msk [tilespmem:v36+s13+$0x0], $0xffff;
	v61 =	vadd.s32 v9, v20;
	[tilespmem:v54+s14+$0x0] =	vst.idx.msk $0xffff, v46  }
0x31c: {  	v38 =	vor.u32 v6, v38;
	v60 =	vadd.s32 v18, v27;
	[tilespmem:v56+s14+$0x0] =	vst.idx.msk $0xffff, v55;
	v39 =	vld.idx.msk [tilespmem:v39+s28+$0x0], $0xffff  }
0x31d: {  	v52 =	vshll.u32 v59, $0x5;
	v42 =	vld.idx.msk [tilespmem:v43+s28+$0x0], $0xffff  }
0x31e: {  	v54 =	vshll.u32 v62, $0x5;
	v53 =	vor.u32 v0, v52  }
0x31f: {  	[tilespmem:v57+s14+$0x0] =	vst.idx.msk $0xffff, v37;
	v63 =	vshll.u32 v44, $0x5;
	v56 =	vor.u32 v0, v54  }
0x320: {  	v26 =	vadd.s32 v19, v26;
	v29 =	vld.idx.msk [tilespmem:v29+s13+$0x0], $0xffff;
	[tilespmem:v61+s14+$0x0] =	vst.idx.msk $0xffff, v40;
	v51 =	vor.u32 v0, v63  }
0x321: {  	[tilespmem:v60+s14+$0x0] =	vst.idx.msk $0xffff, v36;
	v38 =	vld.idx.msk [tilespmem:v38+s31+$0x0], $0xffff;
	v55 =	vadd.s32 v10, v20;
	v39 =	vshll.u32 v39, $0x5  }
0x322: {  	v27 =	vadd.s32 v19, v27;
	v35 =	vld.idx.msk [tilespmem:v35+s13+$0x0], $0xffff;
	v57 =	vor.u32 v0, v39;
	v42 =	vshll.u32 v42, $0x5  }
0x323: {  	v61 =	vadd.s32 v9, v22;
	v36 =	vld.idx.msk [tilespmem:v53+s31+$0x0], $0xffff;
	v59 =	vor.u32 v0, v42  }
0x324: {  	v62 =	vor.u32 v6, v52;
	v52 =	vadd.s32 v9, v23;
	v60 =	vor.u32 v6, v63;
	v63 =	vld.idx.msk [tilespmem:v56+s31+$0x0], $0xffff  }
0x325: {  	[tilespmem:v26+s14+$0x0] =	vst.idx.msk $0xffff, v29;
	v58 =	vadd.s32 v9, v21;
	v40 =	vor.u32 v6, v54;
	v37 =	vld.idx.msk [tilespmem:v51+s31+$0x0], $0xffff  }
0x326: {  	[tilespmem:v55+s14+$0x0] =	vst.idx.msk $0xffff, v38;
	v38 =	vshll.u32 v28, $0x5  }
0x327: {  	v54 =	vadd.s32 v9, v24;
	[tilespmem:v27+s14+$0x0] =	vst.idx.msk $0xffff, v35;
	v26 =	vor.u32 v0, v38;
	v53 =	vld.idx.msk [tilespmem:v57+s31+$0x0], $0xffff  }
0x328: {  	v55 =	vor.u32 v6, v39;
	v57 =	vadd.s32 v9, v25;
	[tilespmem:v61+s14+$0x0] =	vst.idx.msk $0xffff, v36;
	v56 =	vld.idx.msk [tilespmem:v59+s31+$0x0], $0xffff  }
0x329: {  	v61 =	vshll.u32 v30, $0x5;
	[tilespmem:v52+s14+$0x0] =	vst.idx.msk $0xffff, v63;
	v35 =	vld.idx.msk [tilespmem:v62+s31+$0x0], $0xffff;
	v62 =	vadd.s32 v10, v22  }
0x32a: {  	v63 =	vadd.s32 v10, v23;
	[tilespmem:v58+s14+$0x0] =	vst.idx.msk $0xffff, v37;
	v59 =	vor.u32 v6, v42;
	v40 =	vld.idx.msk [tilespmem:v40+s31+$0x0], $0xffff  }
0x32b: {  	v34 =	vshll.u32 v34, $0x5;
	v28 =	vor.u32 v0, v61;
	v58 =	vld.idx.msk [tilespmem:v60+s31+$0x0], $0xffff;
	v60 =	vadd.s32 v10, v21  }
0x32c: {  	v29 =	vor.u32 v0, v34;
	v49 =	vshll.u32 v31, $0x5;
	[tilespmem:v54+s14+$0x0] =	vst.idx.msk $0xffff, v53  }
0x32d: {  	v27 =	vor.u32 v0, v49;
	v52 =	vadd.s32 v10, v24;
	v37 =	vld.idx.msk [tilespmem:v55+s31+$0x0], $0xffff;
	[tilespmem:v57+s14+$0x0] =	vst.idx.msk $0xffff, v56  }
0x32e: {  	v33 =	vshll.u32 v33, $0x5;
	v53 =	vshll.u32 v32, $0x5;
	v55 =	vld.idx.msk [tilespmem:v26+s10+$0x0], $0xffff;
	v56 =	vadd.s32 v11, v20;
	[tilespmem:v62+s14+$0x0] =	vst.idx.msk $0xffff, v35  }
0x32f: {  	v54 =	vadd.s32 v10, v25;
	v30 =	vor.u32 v0, v53;
	[tilespmem:v63+s14+$0x0] =	vst.idx.msk $0xffff, v40;
	v39 =	vld.idx.msk [tilespmem:v59+s31+$0x0], $0xffff  }
0x330: {  	v31 =	vor.u32 v6, v38;
	[tilespmem:v60+s14+$0x0] =	vst.idx.msk $0xffff, v58;
	v59 =	vld.idx.msk [tilespmem:v28+s10+$0x0], $0xffff;
	v60 =	vadd.s32 v11, v22  }
0x331: {  	v48 =	vor.u32 v0, v33;
	v41 =	vor.u32 v6, v61;
	v62 =	vadd.s32 v11, v23;
	v61 =	vld.idx.msk [tilespmem:v29+s10+$0x0], $0xffff  }
0x332: {  	v58 =	vadd.s32 v11, v21;
	v57 =	vld.idx.msk [tilespmem:v27+s10+$0x0], $0xffff;
	[tilespmem:v52+s14+$0x0] =	vst.idx.msk $0xffff, v37  }
0x333: {  	v34 =	vor.u32 v6, v34;
	[tilespmem:v56+s14+$0x0] =	vst.idx.msk $0xffff, v55  }
0x334: {  	v32 =	vor.u32 v6, v49;
	v49 =	vadd.s32 v11, v24;
	[tilespmem:v54+s14+$0x0] =	vst.idx.msk $0xffff, v39;
	v63 =	vld.idx.msk [tilespmem:v30+s10+$0x0], $0xffff  }
0x335: {  	v36 =	vor.u32 v6, v53;
	v53 =	vadd.s32 v12, v20;
	v52 =	vld.idx.msk [tilespmem:v31+s10+$0x0], $0xffff;
	[tilespmem:v60+s14+$0x0] =	vst.idx.msk $0xffff, v59  }
0x336: {  	v51 =	vadd.s32 v11, v25;
	[tilespmem:v62+s14+$0x0] =	vst.idx.msk $0xffff, v61;
	v50 =	vld.idx.msk [tilespmem:v48+s10+$0x0], $0xffff  }
0x337: {  	[tilespmem:v58+s14+$0x0] =	vst.idx.msk $0xffff, v57;
	v56 =	vld.idx.msk [tilespmem:v41+s10+$0x0], $0xffff;
	v57 =	vadd.s32 v12, v22  }
0x338: {  	v33 =	vor.u32 v6, v33;
	v59 =	vadd.s32 v12, v23;
	v58 =	vld.idx.msk [tilespmem:v34+s10+$0x0], $0xffff  }
0x339: {  	v55 =	vadd.s32 v12, v21;
	v54 =	vld.idx.msk [tilespmem:v32+s10+$0x0], $0xffff;
	[tilespmem:v49+s14+$0x0] =	vst.idx.msk $0xffff, v63  }
0x33a: {  	[tilespmem:v53+s14+$0x0] =	vst.idx.msk $0xffff, v52  }
0x33b: {  	v61 =	vadd.s32 v12, v24;
	[tilespmem:v51+s14+$0x0] =	vst.idx.msk $0xffff, v50;
	v60 =	vld.idx.msk [tilespmem:v36+s10+$0x0], $0xffff  }
0x33c: {  	v49 =	vld.idx.msk [tilespmem:v26+s11+$0x0], $0xffff;
	v50 =	vadd.s32 v13, v20;
	[tilespmem:v57+s14+$0x0] =	vst.idx.msk $0xffff, v56  }
0x33d: {  	v63 =	vadd.s32 v12, v25;
	[tilespmem:v59+s14+$0x0] =	vst.idx.msk $0xffff, v58;
	v62 =	vld.idx.msk [tilespmem:v33+s10+$0x0], $0xffff  }
0x33e: {  	[tilespmem:v55+s14+$0x0] =	vst.idx.msk $0xffff, v54;
	v53 =	vld.idx.msk [tilespmem:v28+s11+$0x0], $0xffff;
	v54 =	vadd.s32 v13, v22  }
0x33f: {  	v56 =	vadd.s32 v13, v23;
	v55 =	vld.idx.msk [tilespmem:v29+s11+$0x0], $0xffff  }
0x340: {  	v52 =	vadd.s32 v13, v21;
	v51 =	vld.idx.msk [tilespmem:v27+s11+$0x0], $0xffff;
	[tilespmem:v61+s14+$0x0] =	vst.idx.msk $0xffff, v60  }
0x341: {  	[tilespmem:v50+s14+$0x0] =	vst.idx.msk $0xffff, v49  }
0x342: {  	v58 =	vadd.s32 v13, v24;
	[tilespmem:v63+s14+$0x0] =	vst.idx.msk $0xffff, v62;
	v57 =	vld.idx.msk [tilespmem:v30+s11+$0x0], $0xffff  }
0x343: {  	v61 =	vld.idx.msk [tilespmem:v31+s11+$0x0], $0xffff;
	v62 =	vadd.s32 v14, v20;
	[tilespmem:v54+s14+$0x0] =	vst.idx.msk $0xffff, v53  }
0x344: {  	v60 =	vadd.s32 v13, v25;
	[tilespmem:v56+s14+$0x0] =	vst.idx.msk $0xffff, v55;
	v59 =	vld.idx.msk [tilespmem:v48+s11+$0x0], $0xffff  }
0x345: {  	[tilespmem:v52+s14+$0x0] =	vst.idx.msk $0xffff, v51;
	v50 =	vld.idx.msk [tilespmem:v41+s11+$0x0], $0xffff;
	v51 =	vadd.s32 v14, v22  }
0x346: {  	v53 =	vadd.s32 v14, v23;
	v52 =	vld.idx.msk [tilespmem:v34+s11+$0x0], $0xffff  }
0x347: {  	v49 =	vadd.s32 v14, v21;
	v63 =	vld.idx.msk [tilespmem:v32+s11+$0x0], $0xffff;
	[tilespmem:v58+s14+$0x0] =	vst.idx.msk $0xffff, v57  }
0x348: {  	[tilespmem:v62+s14+$0x0] =	vst.idx.msk $0xffff, v61  }
0x349: {  	v55 =	vadd.s32 v14, v24;
	[tilespmem:v60+s14+$0x0] =	vst.idx.msk $0xffff, v59;
	v54 =	vld.idx.msk [tilespmem:v36+s11+$0x0], $0xffff  }
0x34a: {  	v58 =	vld.idx.msk [tilespmem:v26+s12+$0x0], $0xffff;
	v59 =	vadd.s32 v15, v20;
	[tilespmem:v51+s14+$0x0] =	vst.idx.msk $0xffff, v50  }
0x34b: {  	v57 =	vadd.s32 v14, v25;
	[tilespmem:v53+s14+$0x0] =	vst.idx.msk $0xffff, v52;
	v56 =	vld.idx.msk [tilespmem:v33+s11+$0x0], $0xffff  }
0x34c: {  	[tilespmem:v49+s14+$0x0] =	vst.idx.msk $0xffff, v63;
	v62 =	vld.idx.msk [tilespmem:v28+s12+$0x0], $0xffff;
	v63 =	vadd.s32 v15, v22  }
0x34d: {  	v50 =	vadd.s32 v15, v23;
	v49 =	vld.idx.msk [tilespmem:v29+s12+$0x0], $0xffff  }
0x34e: {  	v61 =	vadd.s32 v15, v21;
	v60 =	vld.idx.msk [tilespmem:v27+s12+$0x0], $0xffff;
	[tilespmem:v55+s14+$0x0] =	vst.idx.msk $0xffff, v54  }
0x34f: {  	[tilespmem:v59+s14+$0x0] =	vst.idx.msk $0xffff, v58  }
0x350: {  	v52 =	vadd.s32 v15, v24;
	[tilespmem:v57+s14+$0x0] =	vst.idx.msk $0xffff, v56;
	v51 =	vld.idx.msk [tilespmem:v30+s12+$0x0], $0xffff  }
0x351: {  	v54 =	vadd.s32 v15, v25;
	[tilespmem:v63+s14+$0x0] =	vst.idx.msk $0xffff, v62;
	v53 =	vld.idx.msk [tilespmem:v48+s12+$0x0], $0xffff  }
0x352: {  	v55 =	vld.idx.msk [tilespmem:v31+s12+$0x0], $0xffff;
	v56 =	vadd.s32 v17, v20;
	[tilespmem:v50+s14+$0x0] =	vst.idx.msk $0xffff, v49  }
0x353: {  	[tilespmem:v61+s14+$0x0] =	vst.idx.msk $0xffff, v60;
	v59 =	vld.idx.msk [tilespmem:v41+s12+$0x0], $0xffff;
	v60 =	vadd.s32 v17, v22  }
0x354: {  	v62 =	vadd.s32 v17, v23;
	v61 =	vld.idx.msk [tilespmem:v34+s12+$0x0], $0xffff  }
0x355: {  	v58 =	vadd.s32 v17, v21;
	v57 =	vld.idx.msk [tilespmem:v32+s12+$0x0], $0xffff;
	[tilespmem:v52+s14+$0x0] =	vst.idx.msk $0xffff, v51  }
0x356: {  	v49 =	vadd.s32 v17, v24;
	[tilespmem:v54+s14+$0x0] =	vst.idx.msk $0xffff, v53;
	v63 =	vld.idx.msk [tilespmem:v36+s12+$0x0], $0xffff  }
0x357: {  	[tilespmem:v56+s14+$0x0] =	vst.idx.msk $0xffff, v55;
	v51 =	vadd.s32 v17, v25;
	v50 =	vld.idx.msk [tilespmem:v33+s12+$0x0], $0xffff  }
0x358: {  	v52 =	vadd.s32 v18, v20;
	v26 =	vld.idx.msk [tilespmem:v26+s13+$0x0], $0xffff;
	[tilespmem:v60+s14+$0x0] =	vst.idx.msk $0xffff, v59  }
0x359: {  	[tilespmem:v62+s14+$0x0] =	vst.idx.msk $0xffff, v61;
	v54 =	vadd.s32 v18, v22;
	v28 =	vld.idx.msk [tilespmem:v28+s13+$0x0], $0xffff  }
0x35a: {  	v55 =	vadd.s32 v18, v23;
	[tilespmem:v58+s14+$0x0] =	vst.idx.msk $0xffff, v57;
	v29 =	vld.idx.msk [tilespmem:v29+s13+$0x0], $0xffff  }
0x35b: {  	v53 =	vadd.s32 v18, v21;
	v27 =	vld.idx.msk [tilespmem:v27+s13+$0x0], $0xffff;
	[tilespmem:v49+s14+$0x0] =	vst.idx.msk $0xffff, v63  }
0x35c: {  	v56 =	vadd.s32 v18, v24;
	[tilespmem:v51+s14+$0x0] =	vst.idx.msk $0xffff, v50;
	v30 =	vld.idx.msk [tilespmem:v30+s13+$0x0], $0xffff  }
0x35d: {  	v58 =	vadd.s32 v18, v25;
	[tilespmem:v52+s14+$0x0] =	vst.idx.msk $0xffff, v26;
	v57 =	vld.idx.msk [tilespmem:v48+s13+$0x0], $0xffff  }
0x35e: {  	v20 =	vadd.s32 v19, v20;
	v59 =	vld.idx.msk [tilespmem:v31+s13+$0x0], $0xffff;
	[tilespmem:v54+s14+$0x0] =	vst.idx.msk $0xffff, v28  }
0x35f: {  	v22 =	vadd.s32 v19, v22;
	[tilespmem:v55+s14+$0x0] =	vst.idx.msk $0xffff, v29;
	v61 =	vld.idx.msk [tilespmem:v41+s13+$0x0], $0xffff  }
0x360: {  	v23 =	vadd.s32 v19, v23;
	[tilespmem:v53+s14+$0x0] =	vst.idx.msk $0xffff, v27;
	v62 =	vld.idx.msk [tilespmem:v34+s13+$0x0], $0xffff  }
0x361: {  	v21 =	vadd.s32 v19, v21;
	v60 =	vld.idx.msk [tilespmem:v32+s13+$0x0], $0xffff;
	[tilespmem:v56+s14+$0x0] =	vst.idx.msk $0xffff, v30  }
0x362: {  	v24 =	vadd.s32 v19, v24;
	[tilespmem:v58+s14+$0x0] =	vst.idx.msk $0xffff, v57;
	v63 =	vld.idx.msk [tilespmem:v36+s13+$0x0], $0xffff  }
0x363: {  	p1 =	slt.u32 s21, $0x78;
	v25 =	vadd.s32 v19, v25;
	[tilespmem:v20+s14+$0x0] =	vst.idx.msk $0xffff, v59;
	v20 =	vld.idx.msk [tilespmem:v33+s13+$0x0], $0xffff  }
.Ltmp4:
0x364: {  	[tilespmem:v22+s14+$0x0] =	vst.idx.msk $0xffff, v61;
	(pc) =	sbr.rel @p1 .LBB2_10-.Ltmp4, $4  }
0x365: {  	[tilespmem:v23+s14+$0x0] =	vst.idx.msk $0xffff, v62  }
0x366: {  	[tilespmem:v21+s14+$0x0] =	vst.idx.msk $0xffff, v60  }
0x367: {  	[tilespmem:v24+s14+$0x0] =	vst.idx.msk $0xffff, v63  }
0x368: {  	s21 =	sadd.s32 $0x8, s21;
	[tilespmem:v25+s14+$0x0] =	vst.idx.msk $0xffff, v20  }
0x369: {  	_ =	strace $0x90000050  }
0x36a: {  	_ =	strace $0x80000051  }
0x36b: {  	s18 =	rddreg [dreg:$0x1d]  }
0x36c: {  	[hbm4b:s18+s5] =	stream.linear.scatter [tilespmem:s14], [sflag:$0x5], $0x7400, $0x200038;
	[tilespmem:$0x1AEA8] =	vst v63  }
0x36d: {  	_ =	swait.ge [sflag:s17], $0x7400  }
0x36e: {  	[sflag:s17] =	ssyncset.done $0x0  }
0x36f: {  	[sflag:s17] =	ssyncadd.s32 $0xFFFF8C00  }
0x370: {  	s24 =	simm.s32 $0x12E8;
	_ =	strace $0x90000051  }
0x371: {  	[tilespmem:s10], [sflag:$0x1] =	stream.indirect.gather [spmem:s1], $0x20, s24, s7, $0xb8;
	[tilespmem:$0x1AEA8] =	vst v63  }
0x372: {  	s25 =	simm.s32 $0x14E8  }
0x373: {  	[tilespmem:s11], [sflag:$0x1] =	stream.indirect.gather [spmem:s2], $0x20, s25, s7, $0xb8;
	[tilespmem:$0x1AEA8] =	vst v63  }
0x374: {  	s19 =	simm.s32 $0x16E8  }
0x375: {  	[tilespmem:s12], [sflag:$0x1] =	stream.indirect.gather [spmem:s3], $0x20, s19, s7, $0xb8;
	[tilespmem:$0x1AEA8] =	vst v63  }
0x376: {  	s21 =	simm.s32 $0x18E8;
	s22 =	simm.s32 $0x0  }
0x377: {  	[tilespmem:s13], [sflag:$0x1] =	stream.indirect.gather [spmem:s4], $0x20, s21, s7, $0xb8;
	[tilespmem:$0x1AEA8] =	vst v63  }
0x378: {  	v20 =	vmov s22;
	s21 =	simm.s32 $0x710;
	_ =	strace $0x80000052  }
0x379: {  	v20 =	vmul.u32 $0xE8, v20;
	s19 =	simm.s32 $0x10;
	v22 =	vld [tilespmem:s21+$0xFFFFFFF0]  }
0x37a: {  	v21 =	vmov s19  }
0x37b: {  	v29 =	vbroadcast v20, $0x0;
	v21 =	vmul.u32 $0xE8, v21;
	v23 =	vld [tilespmem:s21+$0x0];
	_ =	sdelay $0x1  }
0x37c: {  	v20 =	vadd.s32 v2, v29;
	v24 =	vbroadcast v21, $0x0  }
0x37d: {  	v22 =	vadd.f32 $-5.000000000e-01, v22  }
0x37e: {  	v21 =	vadd.s32 v2, v24  }
0x37f: {  	v23 =	vadd.f32 $-5.000000000e-01, v23;
	v22 =	vmul.f32 v22, v16;
	_ =	sdelay $0x1  }
0x380: {  	s23 =	simm.s32 $0x910;
	v23 =	vmul.f32 v23, v16;
	[tilespmem:v20+s14+$0x0] =	vst.idx.msk $0xffff, v22  }
0x381: {  	v22 =	vld [tilespmem:s23+$0xFFFFFFF0]  }
0x382: {  	s24 =	simm.s32 $0x20;
	[tilespmem:v21+s14+$0x0] =	vst.idx.msk $0xffff, v23  }
0x383: {  	s25 =	simm.s32 $0x30;
	s21 =	simm.s32 $0x730;
	v20 =	vmov s24;
	v21 =	vld [tilespmem:s23+$0x0]  }
0x384: {  	v25 =	vld [tilespmem:s21+$0xFFFFFFF0];
	v23 =	vmov s25;
	v20 =	vmul.u32 $0xE8, v20  }
0x385: {  	v27 =	vadd.s32 v3, v29;
	v26 =	vld [tilespmem:s21+$0x0];
	v23 =	vmul.u32 $0xE8, v23  }
0x386: {  	v20 =	vbroadcast v20, $0x0;
	v22 =	vadd.f32 $-5.000000000e-01, v22  }
0x387: {  	v28 =	vadd.s32 v3, v24;
	v30 =	vbroadcast v23, $0x0  }
0x388: {  	v23 =	vadd.s32 v2, v20;
	v21 =	vadd.f32 $-5.000000000e-01, v21;
	v22 =	vmul.f32 v22, v16  }
0x389: {  	v25 =	vadd.f32 $-5.000000000e-01, v25;
	v31 =	vadd.s32 v2, v30  }
0x38a: {  	s22 =	simm.s32 $0xB10;
	v26 =	vadd.f32 $-5.000000000e-01, v26;
	v21 =	vmul.f32 v21, v16;
	[tilespmem:v27+s14+$0x0] =	vst.idx.msk $0xffff, v22  }
0x38b: {  	v22 =	vmul.f32 v25, v16;
	v25 =	vld [tilespmem:s22+$0xFFFFFFF0]  }
0x38c: {  	[tilespmem:v28+s14+$0x0] =	vst.idx.msk $0xffff, v21;
	v21 =	vmul.f32 v26, v16  }
0x38d: {  	s23 =	simm.s32 $0x930;
	v26 =	vld [tilespmem:s22+$0x0];
	[tilespmem:v23+s14+$0x0] =	vst.idx.msk $0xffff, v22  }
0x38e: {  	[tilespmem:v31+s14+$0x0] =	vst.idx.msk $0xffff, v21;
	v22 =	vld [tilespmem:s23+$0xFFFFFFF0]  }
0x38f: {  	v32 =	vadd.s32 v4, v24;
	s24 =	simm.s32 $0x40;
	s25 =	simm.s32 $0x50;
	v27 =	vadd.s32 v4, v29;
	v23 =	vld [tilespmem:s23+$0x0]  }
0x390: {  	v28 =	vmov s25;
	s22 =	simm.s32 $0x750;
	v21 =	vmov s24;
	v25 =	vadd.f32 $-5.000000000e-01, v25  }
0x391: {  	v34 =	vadd.s32 v3, v20;
	v28 =	vmul.u32 $0xE8, v28;
	v31 =	vld [tilespmem:s22+$0xFFFFFFF0];
	v21 =	vmul.u32 $0xE8, v21  }
0x392: {  	v35 =	vadd.s32 v3, v30;
	v33 =	vld [tilespmem:s22+$0x0];
	v26 =	vadd.f32 $-5.000000000e-01, v26;
	v25 =	vmul.f32 v25, v16  }
0x393: {  	v36 =	vbroadcast v28, $0x0;
	v21 =	vbroadcast v21, $0x0;
	v22 =	vadd.f32 $-5.000000000e-01, v22  }
0x394: {  	s21 =	simm.s32 $0xD10;
	v26 =	vmul.f32 v26, v16;
	v28 =	vadd.f32 $-5.000000000e-01, v23;
	[tilespmem:v27+s14+$0x0] =	vst.idx.msk $0xffff, v25  }
0x395: {  	v38 =	vadd.s32 v2, v36;
	v37 =	vadd.s32 v2, v21;
	v22 =	vmul.f32 v22, v16;
	v39 =	vld [tilespmem:s21+$0xFFFFFFF0]  }
0x396: {  	v23 =	vadd.s32 v5, v24;
	v25 =	vadd.f32 $-5.000000000e-01, v31;
	v24 =	vmul.f32 v28, v16;
	[tilespmem:v32+s14+$0x0] =	vst.idx.msk $0xffff, v26  }
0x397: {  	s23 =	simm.s32 $0xB30;
	v27 =	vadd.f32 $-5.000000000e-01, v33;
	v26 =	vadd.s32 v4, v30;
	v28 =	vld [tilespmem:s21+$0x0];
	[tilespmem:v34+s14+$0x0] =	vst.idx.msk $0xffff, v22  }
0x398: {  	v62 =	vmul.f32 v25, v16;
	v22 =	vadd.s32 v5, v30;
	[tilespmem:v35+s14+$0x0] =	vst.idx.msk $0xffff, v24;
	v30 =	vld [tilespmem:s23+$0xFFFFFFF0]  }
0x399: {  	v29 =	vadd.s32 v5, v29;
	v63 =	vmul.f32 v27, v16;
	v31 =	vld [tilespmem:s23+$0x0]  }
0x39a: {  	s24 =	simm.s32 $0x950;
	v27 =	vadd.s32 v3, v36;
	[tilespmem:v37+s14+$0x0] =	vst.idx.msk $0xffff, v62;
	v32 =	vadd.f32 $-5.000000000e-01, v39  }
0x39b: {  	s18 =	simm.s32 $0x70;
	s25 =	simm.s32 $0x4;
	v25 =	vadd.s32 v4, v36;
	v24 =	vadd.s32 v5, v36;
	[tilespmem:v38+s14+$0x0] =	vst.idx.msk $0xffff, v63;
	v33 =	vld [tilespmem:s24+$0xFFFFFFF0]  }
.LBB2_12:
0x39c: {  	s19 =	sadd.s32 $0xFFFFFFF0, s18;
	v34 =	vmov s18;
	s25 =	sadd.s32 $0x2, s25;
	v35 =	vld [tilespmem:s24+$0x0];
	v36 =	vadd.s32 v4, v20;
	v32 =	vmul.f32 v32, v16  }
0x39d: {  	s22 =	sadd.s32 $0x20, s22;
	v37 =	vmov s19;
	v34 =	vmul.u32 $0xE8, v34;
	p1 =	slt.u32 s25, $0x6;
	v30 =	vadd.f32 $-5.000000000e-01, v30  }
0x39e: {  	v28 =	vadd.f32 $-5.000000000e-01, v28;
	v38 =	vld [tilespmem:s22+$0xFFFFFFF0];
	v37 =	vmul.u32 $0xE8, v37;
	v31 =	vadd.f32 $-5.000000000e-01, v31;
	[tilespmem:v29+s14+$0x0] =	vst.idx.msk $0xffff, v32  }
0x39f: {  	v29 =	vld [tilespmem:s22+$0x0];
	v32 =	vbroadcast v34, $0x0;
	v34 =	vadd.s32 v3, v21;
	v30 =	vmul.f32 v30, v16  }
0x3a0: {  	v37 =	vbroadcast v37, $0x0;
	v33 =	vadd.f32 $-5.000000000e-01, v33;
	v31 =	vmul.f32 v31, v16  }
0x3a1: {  	s21 =	sadd.s32 $0x20, s21;
	v39 =	vadd.s32 v2, v32;
	v40 =	vadd.s32 v3, v32;
	v35 =	vadd.f32 $-5.000000000e-01, v35;
	[tilespmem:v36+s14+$0x0] =	vst.idx.msk $0xffff, v30  }
0x3a2: {  	v30 =	vadd.s32 v4, v32;
	v36 =	vadd.s32 v2, v37;
	v33 =	vmul.f32 v33, v16;
	v41 =	vld [tilespmem:s21+$0xFFFFFFF0]  }
0x3a3: {  	v42 =	vmul.f32 v28, v16;
	v38 =	vadd.f32 $-5.000000000e-01, v38;
	v35 =	vmul.f32 v35, v16;
	[tilespmem:v26+s14+$0x0] =	vst.idx.msk $0xffff, v31  }
.Ltmp5:
0x3a4: {  	s23 =	sadd.s32 $0x20, s23;
	v43 =	vadd.s32 v5, v32;
	v26 =	vmovc v25;
	v25 =	vmov v30;
	v29 =	vadd.f32 $-5.000000000e-01, v29;
	[tilespmem:v34+s14+$0x0] =	vst.idx.msk $0xffff, v33;
	v28 =	vld [tilespmem:s21+$0x0];
	(pc) =	sbr.rel @p1 .LBB2_12-.Ltmp5, $4  }
0x3a5: {  	v32 =	vmul.f32 v38, v16;
	v30 =	vld [tilespmem:s23+$0xFFFFFFF0];
	[tilespmem:v27+s14+$0x0] =	vst.idx.msk $0xffff, v35;
	v27 =	vmov v40  }
0x3a6: {  	v34 =	vmul.f32 v29, v16;
	v31 =	vld [tilespmem:s23+$0x0];
	v29 =	vadd.s32 v5, v20;
	[tilespmem:v23+s14+$0x0] =	vst.idx.msk $0xffff, v42;
	v20 =	vmov v21  }
0x3a7: {  	s24 =	sadd.s32 $0x20, s24;
	v21 =	vmovc v37;
	v23 =	vmovc v22;
	v22 =	vmov v24;
	v24 =	vmov v43;
	[tilespmem:v36+s14+$0x0] =	vst.idx.msk $0xffff, v32;
	v32 =	vadd.f32 $-5.000000000e-01, v41  }
0x3a8: {  	s18 =	sadd.s32 $0x20, s18;
	v33 =	vld [tilespmem:s24+$0xFFFFFFF0];
	[tilespmem:v39+s14+$0x0] =	vst.idx.msk $0xffff, v34  }
0x3a9: {  	v34 =	vld [tilespmem:s24+$0x0];
	_ =	sdelay $0x2  }
0x3aa: {  	v35 =	vadd.s32 v3, v21  }
0x3ab: {  	v33 =	vadd.f32 $-5.000000000e-01, v33  }
0x3ac: {  	v34 =	vadd.f32 $-5.000000000e-01, v34  }
0x3ad: {  	v33 =	vmul.f32 v33, v16  }
0x3ae: {  	v34 =	vmul.f32 v34, v16  }
0x3af: {  	s18 =	sadd.s32 $0x20, s23;
	[tilespmem:v35+s14+$0x0] =	vst.idx.msk $0xffff, v33  }
0x3b0: {  	v33 =	vld [tilespmem:s18+$0xFFFFFFF0];
	[tilespmem:v27+s14+$0x0] =	vst.idx.msk $0xffff, v34  }
0x3b1: {  	v27 =	vld [tilespmem:s18+$0x0]  }
0x3b2: {  	v50 =	vadd.s32 v4, v20  }
0x3b3: {  	v30 =	vadd.f32 $-5.000000000e-01, v30  }
0x3b4: {  	v51 =	vadd.s32 v4, v21;
	v31 =	vadd.f32 $-5.000000000e-01, v31  }
0x3b5: {  	v30 =	vmul.f32 v30, v16;
	v33 =	vadd.f32 $-5.000000000e-01, v33  }
0x3b6: {  	v31 =	vmul.f32 v31, v16;
	v27 =	vadd.f32 $-5.000000000e-01, v27  }
0x3b7: {  	s24 =	sadd.s32 $0x20, s21;
	[tilespmem:v50+s14+$0x0] =	vst.idx.msk $0xffff, v30;
	v52 =	vmul.f32 v33, v16  }
0x3b8: {  	v53 =	vld [tilespmem:s24+$0xFFFFFFF0];
	[tilespmem:v26+s14+$0x0] =	vst.idx.msk $0xffff, v31;
	v54 =	vmul.f32 v27, v16  }
0x3b9: {  	v55 =	vld [tilespmem:s24+$0x0];
	s18 =	sadd.s32 $0x20, s24;
	[tilespmem:v51+s14+$0x0] =	vst.idx.msk $0xffff, v52  }
0x3ba: {  	v30 =	vld [tilespmem:s18+$0xFFFFFFF0];
	[tilespmem:v25+s14+$0x0] =	vst.idx.msk $0xffff, v54  }
0x3bb: {  	v25 =	vld [tilespmem:s18+$0x0]  }
0x3bc: {  	v56 =	vadd.f32 $-5.000000000e-01, v28;
	v20 =	vadd.s32 v5, v20  }
0x3bd: {  	v57 =	vmul.f32 v32, v16;
	v58 =	vadd.f32 $-5.000000000e-01, v53  }
0x3be: {  	v59 =	vadd.s32 v5, v21;
	v26 =	vmul.f32 v56, v16;
	v27 =	vadd.f32 $-5.000000000e-01, v55  }
0x3bf: {  	[tilespmem:v29+s14+$0x0] =	vst.idx.msk $0xffff, v57;
	v60 =	vmul.f32 v58, v16;
	v61 =	vadd.f32 $-5.000000000e-01, v30  }
0x3c0: {  	[tilespmem:v23+s14+$0x0] =	vst.idx.msk $0xffff, v26;
	v62 =	vmul.f32 v27, v16;
	v25 =	vadd.f32 $-5.000000000e-01, v25  }
0x3c1: {  	[tilespmem:v20+s14+$0x0] =	vst.idx.msk $0xffff, v60;
	v20 =	vmul.f32 v61, v16  }
0x3c2: {  	[tilespmem:v22+s14+$0x0] =	vst.idx.msk $0xffff, v62;
	v63 =	vmul.f32 v25, v16  }
0x3c3: {  	[tilespmem:v59+s14+$0x0] =	vst.idx.msk $0xffff, v20  }
0x3c4: {  	[tilespmem:v24+s14+$0x0] =	vst.idx.msk $0xffff, v63  }
0x3c5: {  	_ =	strace $0x90000052  }
0x3c6: {  	_ =	strace $0x80000053  }
0x3c7: {  	_ =	swait.ge [sflag:s0], $0x1000  }
0x3c8: {  	[sflag:s0] =	ssyncset.done $0x0  }
0x3c9: {  	[sflag:s0] =	ssyncadd.s32 $0xFFFFF000  }
0x3ca: {  	_ =	swait.ge [sflag:s0], $0x1000  }
0x3cb: {  	[sflag:s0] =	ssyncset.done $0x0  }
0x3cc: {  	[sflag:s0] =	ssyncadd.s32 $0xFFFFF000  }
0x3cd: {  	_ =	swait.ge [sflag:s0], $0x1000  }
0x3ce: {  	[sflag:s0] =	ssyncset.done $0x0  }
0x3cf: {  	[sflag:s0] =	ssyncadd.s32 $0xFFFFF000  }
0x3d0: {  	_ =	swait.ge [sflag:s0], $0x1000  }
0x3d1: {  	[sflag:s0] =	ssyncset.done $0x0  }
0x3d2: {  	s25 =	simm.s32 $0x4;
	[sflag:s0] =	ssyncadd.s32 $0xFFFFF000  }
0x3d3: {  	_ =	swait.ge [sflag:s25], $0x4000  }
0x3d4: {  	[sflag:s25] =	ssyncset.done $0x0  }
0x3d5: {  	[sflag:s25] =	ssyncadd.s32 $0xFFFFC000  }
0x3d6: {  	_ =	strace $0x90000053  }
0x3d7: {  	s21 =	simm.s32 $0x0;
	_ =	strace $0x80000054  }
.LBB2_14:
0x3d8: {  	v20 =	vmov s21  }
0x3d9: {  	v21 =	vshll.u32 v20, $0x7  }
0x3da: {  	v22 =	vor.u32 v0, v21;
	_ =	sdelay $0x2  }
0x3db: {  	v26 =	vmul.u32 $0xE8, v20;
	_ =	sdelay $0x1  }
0x3dc: {  	s18 =	sadd.s32 $0x1, s21;
	v23 =	vor.u32 v0, v26;
	v22 =	vld.idx.msk [tilespmem:v22+s16+$0x0], $0xffff  }
0x3dd: {  	v24 =	vmov s18;
	v21 =	vor.u32 v6, v21  }
0x3de: {  	v25 =	vshll.u32 v24, $0x7  }
0x3df: {  	v28 =	vor.u32 v0, v25;
	_ =	sdelay $0x1  }
0x3e0: {  	[tilespmem:v23+s14+$0x0] =	vst.idx.msk $0xffff, v22  }
0x3e1: {  	v27 =	vmul.u32 $0xE8, v24;
	v61 =	vor.u32 v6, v26;
	v21 =	vld.idx.msk [tilespmem:v21+s16+$0x0], $0xffff  }
0x3e2: {  	v62 =	vor.u32 $0x100, v20  }
0x3e3: {  	v32 =	vadd.s32 v0, v27;
	v63 =	vld.idx.msk [tilespmem:v28+s16+$0x0], $0xffff  }
0x3e4: {  	v25 =	vor.u32 v6, v25;
	_ =	sdelay $0x1  }
0x3e5: {  	[tilespmem:v61+s14+$0x0] =	vst.idx.msk $0xffff, v21  }
0x3e6: {  	v21 =	vld.idx.msk [tilespmem:v62+s26+$0x0], $0xffff  }
0x3e7: {  	[tilespmem:v32+s14+$0x0] =	vst.idx.msk $0xffff, v63  }
0x3e8: {  	v33 =	vadd.s32 v6, v27;
	v22 =	vld.idx.msk [tilespmem:v25+s16+$0x0], $0xffff  }
0x3e9: {  	v34 =	vor.u32 $0x101, v24;
	_ =	sdelay $0x1  }
0x3ea: {  	v21 =	vshll.u32 v21, $0x5  }
0x3eb: {  	v29 =	vor.u32 v0, v21  }
0x3ec: {  	[tilespmem:v33+s14+$0x0] =	vst.idx.msk $0xffff, v22  }
0x3ed: {  	v22 =	vld.idx.msk [tilespmem:v34+s26+$0x0], $0xffff;
	_ =	sdelay $0x2  }
0x3ee: {  	v30 =	vor.u32 v7, v26;
	v29 =	vld.idx.msk [tilespmem:v29+s30+$0x0], $0xffff  }
0x3ef: {  	v21 =	vor.u32 v6, v21  }
0x3f0: {  	v22 =	vshll.u32 v22, $0x5  }
0x3f1: {  	v36 =	vor.u32 v0, v22;
	_ =	sdelay $0x1  }
0x3f2: {  	[tilespmem:v30+s14+$0x0] =	vst.idx.msk $0xffff, v29  }
0x3f3: {  	v35 =	vor.u32 v8, v26;
	v21 =	vld.idx.msk [tilespmem:v21+s30+$0x0], $0xffff;
	_ =	sdelay $0x1  }
0x3f4: {  	v38 =	vadd.s32 v7, v27;
	v37 =	vld.idx.msk [tilespmem:v36+s30+$0x0], $0xffff  }
0x3f5: {  	v22 =	vor.u32 v6, v22;
	_ =	sdelay $0x1  }
0x3f6: {  	[tilespmem:v35+s14+$0x0] =	vst.idx.msk $0xffff, v21  }
0x3f7: {  	v21 =	vld.idx.msk [tilespmem:v62+s28+$0x0], $0xffff  }
0x3f8: {  	[tilespmem:v38+s14+$0x0] =	vst.idx.msk $0xffff, v37  }
0x3f9: {  	v40 =	vadd.s32 v8, v27;
	v22 =	vld.idx.msk [tilespmem:v22+s30+$0x0], $0xffff;
	_ =	sdelay $0x2  }
0x3fa: {  	v21 =	vshll.u32 v21, $0x5  }
0x3fb: {  	v39 =	vor.u32 v0, v21  }
0x3fc: {  	[tilespmem:v40+s14+$0x0] =	vst.idx.msk $0xffff, v22  }
0x3fd: {  	v22 =	vld.idx.msk [tilespmem:v34+s28+$0x0], $0xffff;
	_ =	sdelay $0x2  }
0x3fe: {  	v42 =	vadd.s32 v9, v26;
	v41 =	vld.idx.msk [tilespmem:v39+s31+$0x0], $0xffff  }
0x3ff: {  	v21 =	vor.u32 v6, v21  }
0x400: {  	v22 =	vshll.u32 v22, $0x5  }
0x401: {  	v44 =	vor.u32 v0, v22;
	_ =	sdelay $0x1  }
0x402: {  	[tilespmem:v42+s14+$0x0] =	vst.idx.msk $0xffff, v41  }
0x403: {  	v20 =	vshll.u32 v20, $0x5;
	v43 =	vadd.s32 v10, v26;
	v21 =	vld.idx.msk [tilespmem:v21+s31+$0x0], $0xffff  }
0x404: {  	v37 =	vor.u32 v0, v20  }
0x405: {  	v46 =	vadd.s32 v9, v27;
	v29 =	vor.u32 v6, v20;
	v20 =	vld.idx.msk [tilespmem:v44+s31+$0x0], $0xffff  }
0x406: {  	v22 =	vor.u32 v6, v22;
	_ =	sdelay $0x1  }
0x407: {  	[tilespmem:v43+s14+$0x0] =	vst.idx.msk $0xffff, v21  }
0x408: {  	v45 =	vadd.s32 v11, v26;
	v21 =	vld.idx.msk [tilespmem:v37+s10+$0x0], $0xffff  }
0x409: {  	[tilespmem:v46+s14+$0x0] =	vst.idx.msk $0xffff, v20  }
0x40a: {  	v24 =	vshll.u32 v24, $0x5;
	v48 =	vadd.s32 v10, v27;
	v20 =	vld.idx.msk [tilespmem:v22+s31+$0x0], $0xffff  }
0x40b: {  	s25 =	sadd.s32 $0x2, s21;
	v36 =	vor.u32 v0, v24  }
0x40c: {  	v28 =	vmov s25  }
0x40d: {  	v49 =	vshll.u32 v28, $0x7;
	[tilespmem:v45+s14+$0x0] =	vst.idx.msk $0xffff, v21  }
0x40e: {  	v47 =	vadd.s32 v12, v26;
	v50 =	vor.u32 v0, v49;
	v21 =	vld.idx.msk [tilespmem:v29+s10+$0x0], $0xffff  }
0x40f: {  	[tilespmem:v48+s14+$0x0] =	vst.idx.msk $0xffff, v20  }
0x410: {  	v31 =	vadd.s32 v11, v27;
	v22 =	vld.idx.msk [tilespmem:v36+s10+$0x0], $0xffff  }
0x411: {  	v35 =	vor.u32 v6, v24;
	v20 =	vmul.u32 $0xE8, v28;
	_ =	sdelay $0x1  }
0x412: {  	v52 =	vor.u32 v0, v20;
	[tilespmem:v47+s14+$0x0] =	vst.idx.msk $0xffff, v21;
	v21 =	vld.idx.msk [tilespmem:v50+s16+$0x0], $0xffff  }
0x413: {  	v53 =	vor.u32 v6, v49  }
0x414: {  	s22 =	sadd.s32 $0x4, s21;
	v51 =	vadd.s32 v13, v26;
	[tilespmem:v31+s14+$0x0] =	vst.idx.msk $0xffff, v22;
	v23 =	vld.idx.msk [tilespmem:v37+s11+$0x0], $0xffff  }
0x415: {  	v32 =	vadd.s32 v12, v27;
	v30 =	vmov s22;
	v22 =	vld.idx.msk [tilespmem:v35+s10+$0x0], $0xffff  }
0x416: {  	v43 =	vshll.u32 v30, $0x7  }
0x417: {  	s19 =	sadd.s32 $0x3, s21;
	v59 =	vor.u32 v0, v43;
	[tilespmem:v52+s14+$0x0] =	vst.idx.msk $0xffff, v21  }
0x418: {  	v56 =	vadd.s32 v6, v20;
	v31 =	vmov s19;
	v21 =	vld.idx.msk [tilespmem:v53+s16+$0x0], $0xffff  }
0x419: {  	s24 =	sadd.s32 $0x6, s21;
	v55 =	vadd.s32 v14, v26;
	s25 =	sadd.s32 $0x7, s21;
	v38 =	vor.u32 $0x102, v28;
	v39 =	vshll.u32 v31, $0x7;
	[tilespmem:v51+s14+$0x0] =	vst.idx.msk $0xffff, v23  }
0x41a: {  	s23 =	sadd.s32 $0x5, s21;
	v33 =	vmov s25;
	v42 =	vor.u32 v0, v39;
	[tilespmem:v32+s14+$0x0] =	vst.idx.msk $0xffff, v22;
	v32 =	vmov s24;
	v54 =	vld.idx.msk [tilespmem:v29+s11+$0x0], $0xffff  }
0x41b: {  	v34 =	vmov s23;
	v41 =	vadd.s32 v13, v27;
	v46 =	vshll.u32 v32, $0x7  }
0x41c: {  	v45 =	vshll.u32 v34, $0x7;
	v50 =	vld.idx.msk [tilespmem:v59+s16+$0x0], $0xffff;
	v22 =	vmul.u32 $0xE8, v30;
	v48 =	vor.u32 v0, v46  }
0x41d: {  	v49 =	vshll.u32 v33, $0x7;
	v61 =	vor.u32 v0, v45;
	v40 =	vld.idx.msk [tilespmem:v36+s11+$0x0], $0xffff;
	[tilespmem:v56+s14+$0x0] =	vst.idx.msk $0xffff, v21;
	v21 =	vmul.u32 $0xE8, v31  }
0x41e: {  	v60 =	vor.u32 v0, v49;
	v43 =	vor.u32 v6, v43;
	v51 =	vor.u32 v0, v22;
	v44 =	vld.idx.msk [tilespmem:v38+s26+$0x0], $0xffff  }
0x41f: {  	v62 =	vld.idx.msk [tilespmem:v42+s16+$0x0], $0xffff;
	v24 =	vmul.u32 $0xE8, v32;
	[tilespmem:v55+s14+$0x0] =	vst.idx.msk $0xffff, v54;
	v63 =	vadd.s32 v0, v21  }
0x420: {  	v58 =	vadd.s32 v15, v26;
	v39 =	vor.u32 v6, v39;
	v23 =	vmul.u32 $0xE8, v34;
	v57 =	vld.idx.msk [tilespmem:v37+s12+$0x0], $0xffff  }
0x421: {  	v25 =	vmul.u32 $0xE8, v33;
	v45 =	vor.u32 v6, v45;
	v48 =	vld.idx.msk [tilespmem:v48+s16+$0x0], $0xffff;
	v56 =	vor.u32 v0, v24  }
0x422: {  	[tilespmem:v41+s14+$0x0] =	vst.idx.msk $0xffff, v40;
	v54 =	vld.idx.msk [tilespmem:v61+s16+$0x0], $0xffff;
	v55 =	vadd.s32 v0, v23;
	v61 =	vor.u32 v6, v46  }
0x423: {  	v42 =	vadd.s32 v0, v25;
	v41 =	vld.idx.msk [tilespmem:v60+s16+$0x0], $0xffff;
	[tilespmem:v51+s14+$0x0] =	vst.idx.msk $0xffff, v50;
	v44 =	vshll.u32 v44, $0x5  }
0x424: {  	v43 =	vld.idx.msk [tilespmem:v43+s16+$0x0], $0xffff;
	v53 =	vor.u32 v0, v44;
	[tilespmem:v63+s14+$0x0] =	vst.idx.msk $0xffff, v62;
	v63 =	vor.u32 v6, v22  }
0x425: {  	[tilespmem:v58+s14+$0x0] =	vst.idx.msk $0xffff, v57;
	v62 =	vadd.s32 v6, v21;
	v58 =	vor.u32 $0x104, v30;
	v39 =	vld.idx.msk [tilespmem:v39+s16+$0x0], $0xffff  }
0x426: {  	v49 =	vor.u32 v6, v49;
	v52 =	vld.idx.msk [tilespmem:v35+s11+$0x0], $0xffff;
	[tilespmem:v56+s14+$0x0] =	vst.idx.msk $0xffff, v48  }
0x427: {  	v50 =	vor.u32 $0x103, v31;
	[tilespmem:v55+s14+$0x0] =	vst.idx.msk $0xffff, v54;
	v40 =	vld.idx.msk [tilespmem:v61+s16+$0x0], $0xffff;
	v61 =	vadd.s32 v6, v24  }
0x428: {  	v60 =	vadd.s32 v6, v23;
	[tilespmem:v42+s14+$0x0] =	vst.idx.msk $0xffff, v41;
	v45 =	vld.idx.msk [tilespmem:v45+s16+$0x0], $0xffff  }
0x429: {  	v48 =	vor.u32 $0x105, v34;
	v57 =	vadd.s32 v14, v27;
	v53 =	vld.idx.msk [tilespmem:v53+s30+$0x0], $0xffff;
	[tilespmem:v63+s14+$0x0] =	vst.idx.msk $0xffff, v43  }
0x42a: {  	v63 =	vor.u32 v7, v20;
	[tilespmem:v62+s14+$0x0] =	vst.idx.msk $0xffff, v39;
	v39 =	vor.u32 $0x106, v32;
	v51 =	vld.idx.msk [tilespmem:v58+s26+$0x0], $0xffff  }
0x42b: {  	v41 =	vld.idx.msk [tilespmem:v49+s16+$0x0], $0xffff;
	v44 =	vor.u32 v6, v44;
	v62 =	vadd.s32 v6, v25  }
0x42c: {  	[tilespmem:v61+s14+$0x0] =	vst.idx.msk $0xffff, v40;
	v46 =	vld.idx.msk [tilespmem:v50+s26+$0x0], $0xffff  }
0x42d: {  	v47 =	vld.idx.msk [tilespmem:v29+s12+$0x0], $0xffff;
	v43 =	vor.u32 $0x107, v33;
	[tilespmem:v60+s14+$0x0] =	vst.idx.msk $0xffff, v45  }
0x42e: {  	[tilespmem:v57+s14+$0x0] =	vst.idx.msk $0xffff, v52;
	v54 =	vld.idx.msk [tilespmem:v48+s26+$0x0], $0xffff  }
0x42f: {  	v57 =	vadd.s32 v17, v26;
	[tilespmem:v63+s14+$0x0] =	vst.idx.msk $0xffff, v53;
	v55 =	vld.idx.msk [tilespmem:v39+s26+$0x0], $0xffff;
	v49 =	vshll.u32 v51, $0x5  }
0x430: {  	v61 =	vadd.s32 v8, v20;
	[tilespmem:v62+s14+$0x0] =	vst.idx.msk $0xffff, v41;
	v44 =	vld.idx.msk [tilespmem:v44+s30+$0x0], $0xffff;
	v62 =	vor.u32 v0, v49  }
0x431: {  	v52 =	vld.idx.msk [tilespmem:v36+s12+$0x0], $0xffff;
	v60 =	vshll.u32 v46, $0x5  }
0x432: {  	v59 =	vadd.s32 v15, v27;
	v42 =	vld.idx.msk [tilespmem:v43+s26+$0x0], $0xffff;
	v46 =	vor.u32 v0, v60  }
0x433: {  	v45 =	vshll.u32 v54, $0x5  }
0x434: {  	[tilespmem:v57+s14+$0x0] =	vst.idx.msk $0xffff, v47;
	v63 =	vor.u32 v0, v45  }
0x435: {  	v41 =	vor.u32 v6, v60;
	v47 =	vshll.u32 v55, $0x5;
	[tilespmem:v61+s14+$0x0] =	vst.idx.msk $0xffff, v44;
	v60 =	vld.idx.msk [tilespmem:v62+s30+$0x0], $0xffff  }
0x436: {  	v61 =	vadd.s32 v7, v22;
	v54 =	vor.u32 v0, v47;
	v38 =	vld.idx.msk [tilespmem:v38+s28+$0x0], $0xffff  }
0x437: {  	[tilespmem:v59+s14+$0x0] =	vst.idx.msk $0xffff, v52;
	v55 =	vadd.s32 v7, v21;
	v42 =	vshll.u32 v42, $0x5;
	v46 =	vld.idx.msk [tilespmem:v46+s30+$0x0], $0xffff  }
0x438: {  	v52 =	vld.idx.msk [tilespmem:v35+s12+$0x0], $0xffff;
	v62 =	vadd.s32 v17, v27;
	v56 =	vor.u32 v0, v42  }
0x439: {  	v49 =	vor.u32 v6, v49;
	v40 =	vld.idx.msk [tilespmem:v63+s30+$0x0], $0xffff;
	v63 =	vadd.s32 v7, v23  }
0x43a: {  	v45 =	vor.u32 v6, v45  }
0x43b: {  	v59 =	vadd.s32 v7, v24;
	v54 =	vld.idx.msk [tilespmem:v54+s30+$0x0], $0xffff;
	[tilespmem:v61+s14+$0x0] =	vst.idx.msk $0xffff, v60  }
0x43c: {  	v37 =	vld.idx.msk [tilespmem:v37+s13+$0x0], $0xffff;
	v38 =	vshll.u32 v38, $0x5;
	[tilespmem:v55+s14+$0x0] =	vst.idx.msk $0xffff, v46;
	v46 =	vor.u32 v6, v47  }
0x43d: {  	[tilespmem:v62+s14+$0x0] =	vst.idx.msk $0xffff, v52;
	v47 =	vld.idx.msk [tilespmem:v56+s30+$0x0], $0xffff;
	v55 =	vadd.s32 v7, v25;
	v62 =	vor.u32 v0, v38  }
0x43e: {  	v42 =	vor.u32 v6, v42;
	v61 =	vadd.s32 v8, v22;
	[tilespmem:v63+s14+$0x0] =	vst.idx.msk $0xffff, v40;
	v49 =	vld.idx.msk [tilespmem:v49+s30+$0x0], $0xffff  }
0x43f: {  	v63 =	vadd.s32 v8, v23;
	v45 =	vld.idx.msk [tilespmem:v45+s30+$0x0], $0xffff  }
0x440: {  	v60 =	vadd.s32 v8, v21;
	v41 =	vld.idx.msk [tilespmem:v41+s30+$0x0], $0xffff;
	[tilespmem:v59+s14+$0x0] =	vst.idx.msk $0xffff, v54  }
0x441: {  	v46 =	vld.idx.msk [tilespmem:v46+s30+$0x0], $0xffff  }
0x442: {  	v54 =	vadd.s32 v8, v24;
	[tilespmem:v55+s14+$0x0] =	vst.idx.msk $0xffff, v47;
	v40 =	vld.idx.msk [tilespmem:v62+s31+$0x0], $0xffff  }
0x443: {  	v56 =	vadd.s32 v8, v25;
	[tilespmem:v61+s14+$0x0] =	vst.idx.msk $0xffff, v49;
	v55 =	vld.idx.msk [tilespmem:v42+s30+$0x0], $0xffff  }
0x444: {  	[tilespmem:v63+s14+$0x0] =	vst.idx.msk $0xffff, v45;
	v59 =	vld.idx.msk [tilespmem:v58+s28+$0x0], $0xffff  }
0x445: {  	[tilespmem:v60+s14+$0x0] =	vst.idx.msk $0xffff, v41;
	v62 =	vld.idx.msk [tilespmem:v48+s28+$0x0], $0xffff  }
0x446: {  	v57 =	vadd.s32 v18, v26;
	v44 =	vld.idx.msk [tilespmem:v50+s28+$0x0], $0xffff  }
0x447: {  	v36 =	vld.idx.msk [tilespmem:v36+s13+$0x0], $0xffff;
	v61 =	vadd.s32 v9, v20;
	[tilespmem:v54+s14+$0x0] =	vst.idx.msk $0xffff, v46  }
0x448: {  	v38 =	vor.u32 v6, v38;
	v60 =	vadd.s32 v18, v27;
	[tilespmem:v56+s14+$0x0] =	vst.idx.msk $0xffff, v55;
	v39 =	vld.idx.msk [tilespmem:v39+s28+$0x0], $0xffff  }
0x449: {  	v52 =	vshll.u32 v59, $0x5;
	v42 =	vld.idx.msk [tilespmem:v43+s28+$0x0], $0xffff  }
0x44a: {  	v54 =	vshll.u32 v62, $0x5;
	v53 =	vor.u32 v0, v52  }
0x44b: {  	[tilespmem:v57+s14+$0x0] =	vst.idx.msk $0xffff, v37;
	v63 =	vshll.u32 v44, $0x5;
	v56 =	vor.u32 v0, v54  }
0x44c: {  	v26 =	vadd.s32 v19, v26;
	v29 =	vld.idx.msk [tilespmem:v29+s13+$0x0], $0xffff;
	[tilespmem:v61+s14+$0x0] =	vst.idx.msk $0xffff, v40;
	v51 =	vor.u32 v0, v63  }
0x44d: {  	[tilespmem:v60+s14+$0x0] =	vst.idx.msk $0xffff, v36;
	v38 =	vld.idx.msk [tilespmem:v38+s31+$0x0], $0xffff;
	v55 =	vadd.s32 v10, v20;
	v39 =	vshll.u32 v39, $0x5  }
0x44e: {  	v27 =	vadd.s32 v19, v27;
	v35 =	vld.idx.msk [tilespmem:v35+s13+$0x0], $0xffff;
	v57 =	vor.u32 v0, v39;
	v42 =	vshll.u32 v42, $0x5  }
0x44f: {  	v61 =	vadd.s32 v9, v22;
	v36 =	vld.idx.msk [tilespmem:v53+s31+$0x0], $0xffff;
	v59 =	vor.u32 v0, v42  }
0x450: {  	v62 =	vor.u32 v6, v52;
	v52 =	vadd.s32 v9, v23;
	v60 =	vor.u32 v6, v63;
	v63 =	vld.idx.msk [tilespmem:v56+s31+$0x0], $0xffff  }
0x451: {  	[tilespmem:v26+s14+$0x0] =	vst.idx.msk $0xffff, v29;
	v58 =	vadd.s32 v9, v21;
	v40 =	vor.u32 v6, v54;
	v37 =	vld.idx.msk [tilespmem:v51+s31+$0x0], $0xffff  }
0x452: {  	[tilespmem:v55+s14+$0x0] =	vst.idx.msk $0xffff, v38;
	v38 =	vshll.u32 v28, $0x5  }
0x453: {  	v54 =	vadd.s32 v9, v24;
	[tilespmem:v27+s14+$0x0] =	vst.idx.msk $0xffff, v35;
	v26 =	vor.u32 v0, v38;
	v53 =	vld.idx.msk [tilespmem:v57+s31+$0x0], $0xffff  }
0x454: {  	v55 =	vor.u32 v6, v39;
	v57 =	vadd.s32 v9, v25;
	[tilespmem:v61+s14+$0x0] =	vst.idx.msk $0xffff, v36;
	v56 =	vld.idx.msk [tilespmem:v59+s31+$0x0], $0xffff  }
0x455: {  	v61 =	vshll.u32 v30, $0x5;
	[tilespmem:v52+s14+$0x0] =	vst.idx.msk $0xffff, v63;
	v35 =	vld.idx.msk [tilespmem:v62+s31+$0x0], $0xffff;
	v62 =	vadd.s32 v10, v22  }
0x456: {  	v63 =	vadd.s32 v10, v23;
	[tilespmem:v58+s14+$0x0] =	vst.idx.msk $0xffff, v37;
	v59 =	vor.u32 v6, v42;
	v40 =	vld.idx.msk [tilespmem:v40+s31+$0x0], $0xffff  }
0x457: {  	v34 =	vshll.u32 v34, $0x5;
	v28 =	vor.u32 v0, v61;
	v58 =	vld.idx.msk [tilespmem:v60+s31+$0x0], $0xffff;
	v60 =	vadd.s32 v10, v21  }
0x458: {  	v29 =	vor.u32 v0, v34;
	v49 =	vshll.u32 v31, $0x5;
	[tilespmem:v54+s14+$0x0] =	vst.idx.msk $0xffff, v53  }
0x459: {  	v27 =	vor.u32 v0, v49;
	v52 =	vadd.s32 v10, v24;
	v37 =	vld.idx.msk [tilespmem:v55+s31+$0x0], $0xffff;
	[tilespmem:v57+s14+$0x0] =	vst.idx.msk $0xffff, v56  }
0x45a: {  	v33 =	vshll.u32 v33, $0x5;
	v53 =	vshll.u32 v32, $0x5;
	v55 =	vld.idx.msk [tilespmem:v26+s10+$0x0], $0xffff;
	v56 =	vadd.s32 v11, v20;
	[tilespmem:v62+s14+$0x0] =	vst.idx.msk $0xffff, v35  }
0x45b: {  	v54 =	vadd.s32 v10, v25;
	v30 =	vor.u32 v0, v53;
	[tilespmem:v63+s14+$0x0] =	vst.idx.msk $0xffff, v40;
	v39 =	vld.idx.msk [tilespmem:v59+s31+$0x0], $0xffff  }
0x45c: {  	v31 =	vor.u32 v6, v38;
	[tilespmem:v60+s14+$0x0] =	vst.idx.msk $0xffff, v58;
	v59 =	vld.idx.msk [tilespmem:v28+s10+$0x0], $0xffff;
	v60 =	vadd.s32 v11, v22  }
0x45d: {  	v48 =	vor.u32 v0, v33;
	v41 =	vor.u32 v6, v61;
	v62 =	vadd.s32 v11, v23;
	v61 =	vld.idx.msk [tilespmem:v29+s10+$0x0], $0xffff  }
0x45e: {  	v58 =	vadd.s32 v11, v21;
	v57 =	vld.idx.msk [tilespmem:v27+s10+$0x0], $0xffff;
	[tilespmem:v52+s14+$0x0] =	vst.idx.msk $0xffff, v37  }
0x45f: {  	v34 =	vor.u32 v6, v34;
	[tilespmem:v56+s14+$0x0] =	vst.idx.msk $0xffff, v55  }
0x460: {  	v32 =	vor.u32 v6, v49;
	v49 =	vadd.s32 v11, v24;
	[tilespmem:v54+s14+$0x0] =	vst.idx.msk $0xffff, v39;
	v63 =	vld.idx.msk [tilespmem:v30+s10+$0x0], $0xffff  }
0x461: {  	v36 =	vor.u32 v6, v53;
	v53 =	vadd.s32 v12, v20;
	v52 =	vld.idx.msk [tilespmem:v31+s10+$0x0], $0xffff;
	[tilespmem:v60+s14+$0x0] =	vst.idx.msk $0xffff, v59  }
0x462: {  	v51 =	vadd.s32 v11, v25;
	[tilespmem:v62+s14+$0x0] =	vst.idx.msk $0xffff, v61;
	v50 =	vld.idx.msk [tilespmem:v48+s10+$0x0], $0xffff  }
0x463: {  	[tilespmem:v58+s14+$0x0] =	vst.idx.msk $0xffff, v57;
	v56 =	vld.idx.msk [tilespmem:v41+s10+$0x0], $0xffff;
	v57 =	vadd.s32 v12, v22  }
0x464: {  	v33 =	vor.u32 v6, v33;
	v59 =	vadd.s32 v12, v23;
	v58 =	vld.idx.msk [tilespmem:v34+s10+$0x0], $0xffff  }
0x465: {  	v55 =	vadd.s32 v12, v21;
	v54 =	vld.idx.msk [tilespmem:v32+s10+$0x0], $0xffff;
	[tilespmem:v49+s14+$0x0] =	vst.idx.msk $0xffff, v63  }
0x466: {  	[tilespmem:v53+s14+$0x0] =	vst.idx.msk $0xffff, v52  }
0x467: {  	v61 =	vadd.s32 v12, v24;
	[tilespmem:v51+s14+$0x0] =	vst.idx.msk $0xffff, v50;
	v60 =	vld.idx.msk [tilespmem:v36+s10+$0x0], $0xffff  }
0x468: {  	v49 =	vld.idx.msk [tilespmem:v26+s11+$0x0], $0xffff;
	v50 =	vadd.s32 v13, v20;
	[tilespmem:v57+s14+$0x0] =	vst.idx.msk $0xffff, v56  }
0x469: {  	v63 =	vadd.s32 v12, v25;
	[tilespmem:v59+s14+$0x0] =	vst.idx.msk $0xffff, v58;
	v62 =	vld.idx.msk [tilespmem:v33+s10+$0x0], $0xffff  }
0x46a: {  	[tilespmem:v55+s14+$0x0] =	vst.idx.msk $0xffff, v54;
	v53 =	vld.idx.msk [tilespmem:v28+s11+$0x0], $0xffff;
	v54 =	vadd.s32 v13, v22  }
0x46b: {  	v56 =	vadd.s32 v13, v23;
	v55 =	vld.idx.msk [tilespmem:v29+s11+$0x0], $0xffff  }
0x46c: {  	v52 =	vadd.s32 v13, v21;
	v51 =	vld.idx.msk [tilespmem:v27+s11+$0x0], $0xffff;
	[tilespmem:v61+s14+$0x0] =	vst.idx.msk $0xffff, v60  }
0x46d: {  	[tilespmem:v50+s14+$0x0] =	vst.idx.msk $0xffff, v49  }
0x46e: {  	v58 =	vadd.s32 v13, v24;
	[tilespmem:v63+s14+$0x0] =	vst.idx.msk $0xffff, v62;
	v57 =	vld.idx.msk [tilespmem:v30+s11+$0x0], $0xffff  }
0x46f: {  	v61 =	vld.idx.msk [tilespmem:v31+s11+$0x0], $0xffff;
	v62 =	vadd.s32 v14, v20;
	[tilespmem:v54+s14+$0x0] =	vst.idx.msk $0xffff, v53  }
0x470: {  	v60 =	vadd.s32 v13, v25;
	[tilespmem:v56+s14+$0x0] =	vst.idx.msk $0xffff, v55;
	v59 =	vld.idx.msk [tilespmem:v48+s11+$0x0], $0xffff  }
0x471: {  	[tilespmem:v52+s14+$0x0] =	vst.idx.msk $0xffff, v51;
	v50 =	vld.idx.msk [tilespmem:v41+s11+$0x0], $0xffff;
	v51 =	vadd.s32 v14, v22  }
0x472: {  	v53 =	vadd.s32 v14, v23;
	v52 =	vld.idx.msk [tilespmem:v34+s11+$0x0], $0xffff  }
0x473: {  	v49 =	vadd.s32 v14, v21;
	v63 =	vld.idx.msk [tilespmem:v32+s11+$0x0], $0xffff;
	[tilespmem:v58+s14+$0x0] =	vst.idx.msk $0xffff, v57  }
0x474: {  	[tilespmem:v62+s14+$0x0] =	vst.idx.msk $0xffff, v61  }
0x475: {  	v55 =	vadd.s32 v14, v24;
	[tilespmem:v60+s14+$0x0] =	vst.idx.msk $0xffff, v59;
	v54 =	vld.idx.msk [tilespmem:v36+s11+$0x0], $0xffff  }
0x476: {  	v58 =	vld.idx.msk [tilespmem:v26+s12+$0x0], $0xffff;
	v59 =	vadd.s32 v15, v20;
	[tilespmem:v51+s14+$0x0] =	vst.idx.msk $0xffff, v50  }
0x477: {  	v57 =	vadd.s32 v14, v25;
	[tilespmem:v53+s14+$0x0] =	vst.idx.msk $0xffff, v52;
	v56 =	vld.idx.msk [tilespmem:v33+s11+$0x0], $0xffff  }
0x478: {  	[tilespmem:v49+s14+$0x0] =	vst.idx.msk $0xffff, v63;
	v62 =	vld.idx.msk [tilespmem:v28+s12+$0x0], $0xffff;
	v63 =	vadd.s32 v15, v22  }
0x479: {  	v50 =	vadd.s32 v15, v23;
	v49 =	vld.idx.msk [tilespmem:v29+s12+$0x0], $0xffff  }
0x47a: {  	v61 =	vadd.s32 v15, v21;
	v60 =	vld.idx.msk [tilespmem:v27+s12+$0x0], $0xffff;
	[tilespmem:v55+s14+$0x0] =	vst.idx.msk $0xffff, v54  }
0x47b: {  	[tilespmem:v59+s14+$0x0] =	vst.idx.msk $0xffff, v58  }
0x47c: {  	v52 =	vadd.s32 v15, v24;
	[tilespmem:v57+s14+$0x0] =	vst.idx.msk $0xffff, v56;
	v51 =	vld.idx.msk [tilespmem:v30+s12+$0x0], $0xffff  }
0x47d: {  	v54 =	vadd.s32 v15, v25;
	[tilespmem:v63+s14+$0x0] =	vst.idx.msk $0xffff, v62;
	v53 =	vld.idx.msk [tilespmem:v48+s12+$0x0], $0xffff  }
0x47e: {  	v55 =	vld.idx.msk [tilespmem:v31+s12+$0x0], $0xffff;
	v56 =	vadd.s32 v17, v20;
	[tilespmem:v50+s14+$0x0] =	vst.idx.msk $0xffff, v49  }
0x47f: {  	[tilespmem:v61+s14+$0x0] =	vst.idx.msk $0xffff, v60;
	v59 =	vld.idx.msk [tilespmem:v41+s12+$0x0], $0xffff;
	v60 =	vadd.s32 v17, v22  }
0x480: {  	v62 =	vadd.s32 v17, v23;
	v61 =	vld.idx.msk [tilespmem:v34+s12+$0x0], $0xffff  }
0x481: {  	v58 =	vadd.s32 v17, v21;
	v57 =	vld.idx.msk [tilespmem:v32+s12+$0x0], $0xffff;
	[tilespmem:v52+s14+$0x0] =	vst.idx.msk $0xffff, v51  }
0x482: {  	v49 =	vadd.s32 v17, v24;
	[tilespmem:v54+s14+$0x0] =	vst.idx.msk $0xffff, v53;
	v63 =	vld.idx.msk [tilespmem:v36+s12+$0x0], $0xffff  }
0x483: {  	[tilespmem:v56+s14+$0x0] =	vst.idx.msk $0xffff, v55;
	v51 =	vadd.s32 v17, v25;
	v50 =	vld.idx.msk [tilespmem:v33+s12+$0x0], $0xffff  }
0x484: {  	v52 =	vadd.s32 v18, v20;
	v26 =	vld.idx.msk [tilespmem:v26+s13+$0x0], $0xffff;
	[tilespmem:v60+s14+$0x0] =	vst.idx.msk $0xffff, v59  }
0x485: {  	[tilespmem:v62+s14+$0x0] =	vst.idx.msk $0xffff, v61;
	v54 =	vadd.s32 v18, v22;
	v28 =	vld.idx.msk [tilespmem:v28+s13+$0x0], $0xffff  }
0x486: {  	v55 =	vadd.s32 v18, v23;
	[tilespmem:v58+s14+$0x0] =	vst.idx.msk $0xffff, v57;
	v29 =	vld.idx.msk [tilespmem:v29+s13+$0x0], $0xffff  }
0x487: {  	v53 =	vadd.s32 v18, v21;
	v27 =	vld.idx.msk [tilespmem:v27+s13+$0x0], $0xffff;
	[tilespmem:v49+s14+$0x0] =	vst.idx.msk $0xffff, v63  }
0x488: {  	v56 =	vadd.s32 v18, v24;
	[tilespmem:v51+s14+$0x0] =	vst.idx.msk $0xffff, v50;
	v30 =	vld.idx.msk [tilespmem:v30+s13+$0x0], $0xffff  }
0x489: {  	v58 =	vadd.s32 v18, v25;
	[tilespmem:v52+s14+$0x0] =	vst.idx.msk $0xffff, v26;
	v57 =	vld.idx.msk [tilespmem:v48+s13+$0x0], $0xffff  }
0x48a: {  	v20 =	vadd.s32 v19, v20;
	v59 =	vld.idx.msk [tilespmem:v31+s13+$0x0], $0xffff;
	[tilespmem:v54+s14+$0x0] =	vst.idx.msk $0xffff, v28  }
0x48b: {  	v22 =	vadd.s32 v19, v22;
	[tilespmem:v55+s14+$0x0] =	vst.idx.msk $0xffff, v29;
	v61 =	vld.idx.msk [tilespmem:v41+s13+$0x0], $0xffff  }
0x48c: {  	v23 =	vadd.s32 v19, v23;
	[tilespmem:v53+s14+$0x0] =	vst.idx.msk $0xffff, v27;
	v62 =	vld.idx.msk [tilespmem:v34+s13+$0x0], $0xffff  }
0x48d: {  	v21 =	vadd.s32 v19, v21;
	v60 =	vld.idx.msk [tilespmem:v32+s13+$0x0], $0xffff;
	[tilespmem:v56+s14+$0x0] =	vst.idx.msk $0xffff, v30  }
0x48e: {  	v24 =	vadd.s32 v19, v24;
	[tilespmem:v58+s14+$0x0] =	vst.idx.msk $0xffff, v57;
	v63 =	vld.idx.msk [tilespmem:v36+s13+$0x0], $0xffff  }
0x48f: {  	p1 =	slt.u32 s21, $0x78;
	v25 =	vadd.s32 v19, v25;
	[tilespmem:v20+s14+$0x0] =	vst.idx.msk $0xffff, v59;
	v20 =	vld.idx.msk [tilespmem:v33+s13+$0x0], $0xffff  }
.Ltmp6:
0x490: {  	[tilespmem:v22+s14+$0x0] =	vst.idx.msk $0xffff, v61;
	(pc) =	sbr.rel @p1 .LBB2_14-.Ltmp6, $4  }
0x491: {  	[tilespmem:v23+s14+$0x0] =	vst.idx.msk $0xffff, v62  }
0x492: {  	[tilespmem:v21+s14+$0x0] =	vst.idx.msk $0xffff, v60  }
0x493: {  	[tilespmem:v24+s14+$0x0] =	vst.idx.msk $0xffff, v63  }
0x494: {  	s21 =	sadd.s32 $0x8, s21;
	[tilespmem:v25+s14+$0x0] =	vst.idx.msk $0xffff, v20  }
0x495: {  	_ =	strace $0x90000054  }
0x496: {  	_ =	strace $0x80000055  }
0x497: {  	s18 =	rddreg [dreg:$0x1e]  }
0x498: {  	[hbm4b:s18+s5] =	stream.linear.scatter [tilespmem:s14], [sflag:$0x5], $0x7400, $0x200038;
	[tilespmem:$0x1AEA8] =	vst v63  }
0x499: {  	_ =	swait.ge [sflag:s17], $0x7400  }
0x49a: {  	[sflag:s17] =	ssyncset.done $0x0  }
0x49b: {  	[sflag:s17] =	ssyncadd.s32 $0xFFFF8C00  }
0x49c: {  	s24 =	simm.s32 $0x1368;
	_ =	strace $0x90000055  }
0x49d: {  	[tilespmem:s10], [sflag:$0x1] =	stream.indirect.gather [spmem:s1], $0x20, s24, s7, $0xb8;
	[tilespmem:$0x1AEA8] =	vst v63  }
0x49e: {  	s25 =	simm.s32 $0x1568  }
0x49f: {  	[tilespmem:s11], [sflag:$0x1] =	stream.indirect.gather [spmem:s2], $0x20, s25, s7, $0xb8;
	[tilespmem:$0x1AEA8] =	vst v63  }
0x4a0: {  	s19 =	simm.s32 $0x1768  }
0x4a1: {  	[tilespmem:s12], [sflag:$0x1] =	stream.indirect.gather [spmem:s3], $0x20, s19, s7, $0xb8;
	[tilespmem:$0x1AEA8] =	vst v63  }
0x4a2: {  	s21 =	simm.s32 $0x1968;
	s22 =	simm.s32 $0x0  }
0x4a3: {  	[tilespmem:s13], [sflag:$0x1] =	stream.indirect.gather [spmem:s4], $0x20, s21, s7, $0xb8;
	[tilespmem:$0x1AEA8] =	vst v63  }
0x4a4: {  	v20 =	vmov s22;
	s21 =	simm.s32 $0x790;
	_ =	strace $0x80000056  }
0x4a5: {  	v20 =	vmul.u32 $0xE8, v20;
	s19 =	simm.s32 $0x10;
	v22 =	vld [tilespmem:s21+$0xFFFFFFF0]  }
0x4a6: {  	v21 =	vmov s19  }
0x4a7: {  	v29 =	vbroadcast v20, $0x0;
	v21 =	vmul.u32 $0xE8, v21;
	v23 =	vld [tilespmem:s21+$0x0];
	_ =	sdelay $0x1  }
0x4a8: {  	v20 =	vadd.s32 v2, v29;
	v24 =	vbroadcast v21, $0x0  }
0x4a9: {  	v22 =	vadd.f32 $-5.000000000e-01, v22  }
0x4aa: {  	v21 =	vadd.s32 v2, v24  }
0x4ab: {  	v23 =	vadd.f32 $-5.000000000e-01, v23;
	v22 =	vmul.f32 v22, v16;
	_ =	sdelay $0x1  }
0x4ac: {  	s23 =	simm.s32 $0x990;
	v23 =	vmul.f32 v23, v16;
	[tilespmem:v20+s14+$0x0] =	vst.idx.msk $0xffff, v22  }
0x4ad: {  	v22 =	vld [tilespmem:s23+$0xFFFFFFF0]  }
0x4ae: {  	s24 =	simm.s32 $0x20;
	[tilespmem:v21+s14+$0x0] =	vst.idx.msk $0xffff, v23  }
0x4af: {  	s25 =	simm.s32 $0x30;
	s21 =	simm.s32 $0x7B0;
	v20 =	vmov s24;
	v21 =	vld [tilespmem:s23+$0x0]  }
0x4b0: {  	v25 =	vld [tilespmem:s21+$0xFFFFFFF0];
	v23 =	vmov s25;
	v20 =	vmul.u32 $0xE8, v20  }
0x4b1: {  	v27 =	vadd.s32 v3, v29;
	v26 =	vld [tilespmem:s21+$0x0];
	v23 =	vmul.u32 $0xE8, v23  }
0x4b2: {  	v20 =	vbroadcast v20, $0x0;
	v22 =	vadd.f32 $-5.000000000e-01, v22  }
0x4b3: {  	v28 =	vadd.s32 v3, v24;
	v30 =	vbroadcast v23, $0x0  }
0x4b4: {  	v23 =	vadd.s32 v2, v20;
	v21 =	vadd.f32 $-5.000000000e-01, v21;
	v22 =	vmul.f32 v22, v16  }
0x4b5: {  	v25 =	vadd.f32 $-5.000000000e-01, v25;
	v31 =	vadd.s32 v2, v30  }
0x4b6: {  	s22 =	simm.s32 $0xB90;
	v26 =	vadd.f32 $-5.000000000e-01, v26;
	v21 =	vmul.f32 v21, v16;
	[tilespmem:v27+s14+$0x0] =	vst.idx.msk $0xffff, v22  }
0x4b7: {  	v22 =	vmul.f32 v25, v16;
	v25 =	vld [tilespmem:s22+$0xFFFFFFF0]  }
0x4b8: {  	[tilespmem:v28+s14+$0x0] =	vst.idx.msk $0xffff, v21;
	v21 =	vmul.f32 v26, v16  }
0x4b9: {  	s23 =	simm.s32 $0x9B0;
	v26 =	vld [tilespmem:s22+$0x0];
	[tilespmem:v23+s14+$0x0] =	vst.idx.msk $0xffff, v22  }
0x4ba: {  	[tilespmem:v31+s14+$0x0] =	vst.idx.msk $0xffff, v21;
	v22 =	vld [tilespmem:s23+$0xFFFFFFF0]  }
0x4bb: {  	v32 =	vadd.s32 v4, v24;
	s24 =	simm.s32 $0x40;
	s25 =	simm.s32 $0x50;
	v27 =	vadd.s32 v4, v29;
	v23 =	vld [tilespmem:s23+$0x0]  }
0x4bc: {  	v28 =	vmov s25;
	s22 =	simm.s32 $0x7D0;
	v21 =	vmov s24;
	v25 =	vadd.f32 $-5.000000000e-01, v25  }
0x4bd: {  	v34 =	vadd.s32 v3, v20;
	v28 =	vmul.u32 $0xE8, v28;
	v31 =	vld [tilespmem:s22+$0xFFFFFFF0];
	v21 =	vmul.u32 $0xE8, v21  }
0x4be: {  	v35 =	vadd.s32 v3, v30;
	v33 =	vld [tilespmem:s22+$0x0];
	v26 =	vadd.f32 $-5.000000000e-01, v26;
	v25 =	vmul.f32 v25, v16  }
0x4bf: {  	v36 =	vbroadcast v28, $0x0;
	v21 =	vbroadcast v21, $0x0;
	v22 =	vadd.f32 $-5.000000000e-01, v22  }
0x4c0: {  	s21 =	simm.s32 $0xD90;
	v26 =	vmul.f32 v26, v16;
	v28 =	vadd.f32 $-5.000000000e-01, v23;
	[tilespmem:v27+s14+$0x0] =	vst.idx.msk $0xffff, v25  }
0x4c1: {  	v38 =	vadd.s32 v2, v36;
	v37 =	vadd.s32 v2, v21;
	v22 =	vmul.f32 v22, v16;
	v39 =	vld [tilespmem:s21+$0xFFFFFFF0]  }
0x4c2: {  	v23 =	vadd.s32 v5, v24;
	v25 =	vadd.f32 $-5.000000000e-01, v31;
	v24 =	vmul.f32 v28, v16;
	[tilespmem:v32+s14+$0x0] =	vst.idx.msk $0xffff, v26  }
0x4c3: {  	s23 =	simm.s32 $0xBB0;
	v27 =	vadd.f32 $-5.000000000e-01, v33;
	v26 =	vadd.s32 v4, v30;
	v28 =	vld [tilespmem:s21+$0x0];
	[tilespmem:v34+s14+$0x0] =	vst.idx.msk $0xffff, v22  }
0x4c4: {  	v62 =	vmul.f32 v25, v16;
	v22 =	vadd.s32 v5, v30;
	[tilespmem:v35+s14+$0x0] =	vst.idx.msk $0xffff, v24;
	v30 =	vld [tilespmem:s23+$0xFFFFFFF0]  }
0x4c5: {  	v29 =	vadd.s32 v5, v29;
	v63 =	vmul.f32 v27, v16;
	v31 =	vld [tilespmem:s23+$0x0]  }
0x4c6: {  	s24 =	simm.s32 $0x9D0;
	v27 =	vadd.s32 v3, v36;
	[tilespmem:v37+s14+$0x0] =	vst.idx.msk $0xffff, v62;
	v32 =	vadd.f32 $-5.000000000e-01, v39  }
0x4c7: {  	s18 =	simm.s32 $0x70;
	s25 =	simm.s32 $0x4;
	v25 =	vadd.s32 v4, v36;
	v24 =	vadd.s32 v5, v36;
	[tilespmem:v38+s14+$0x0] =	vst.idx.msk $0xffff, v63;
	v33 =	vld [tilespmem:s24+$0xFFFFFFF0]  }
.LBB2_16:
0x4c8: {  	s19 =	sadd.s32 $0xFFFFFFF0, s18;
	v34 =	vmov s18;
	s25 =	sadd.s32 $0x2, s25;
	v35 =	vld [tilespmem:s24+$0x0];
	v36 =	vadd.s32 v4, v20;
	v32 =	vmul.f32 v32, v16  }
0x4c9: {  	s22 =	sadd.s32 $0x20, s22;
	v37 =	vmov s19;
	v34 =	vmul.u32 $0xE8, v34;
	p1 =	slt.u32 s25, $0x6;
	v30 =	vadd.f32 $-5.000000000e-01, v30  }
0x4ca: {  	v28 =	vadd.f32 $-5.000000000e-01, v28;
	v38 =	vld [tilespmem:s22+$0xFFFFFFF0];
	v37 =	vmul.u32 $0xE8, v37;
	v31 =	vadd.f32 $-5.000000000e-01, v31;
	[tilespmem:v29+s14+$0x0] =	vst.idx.msk $0xffff, v32  }
0x4cb: {  	v29 =	vld [tilespmem:s22+$0x0];
	v32 =	vbroadcast v34, $0x0;
	v34 =	vadd.s32 v3, v21;
	v30 =	vmul.f32 v30, v16  }
0x4cc: {  	v37 =	vbroadcast v37, $0x0;
	v33 =	vadd.f32 $-5.000000000e-01, v33;
	v31 =	vmul.f32 v31, v16  }
0x4cd: {  	s21 =	sadd.s32 $0x20, s21;
	v39 =	vadd.s32 v2, v32;
	v40 =	vadd.s32 v3, v32;
	v35 =	vadd.f32 $-5.000000000e-01, v35;
	[tilespmem:v36+s14+$0x0] =	vst.idx.msk $0xffff, v30  }
0x4ce: {  	v30 =	vadd.s32 v4, v32;
	v36 =	vadd.s32 v2, v37;
	v33 =	vmul.f32 v33, v16;
	v41 =	vld [tilespmem:s21+$0xFFFFFFF0]  }
0x4cf: {  	v42 =	vmul.f32 v28, v16;
	v38 =	vadd.f32 $-5.000000000e-01, v38;
	v35 =	vmul.f32 v35, v16;
	[tilespmem:v26+s14+$0x0] =	vst.idx.msk $0xffff, v31  }
.Ltmp7:
0x4d0: {  	s23 =	sadd.s32 $0x20, s23;
	v43 =	vadd.s32 v5, v32;
	v26 =	vmovc v25;
	v25 =	vmov v30;
	v29 =	vadd.f32 $-5.000000000e-01, v29;
	[tilespmem:v34+s14+$0x0] =	vst.idx.msk $0xffff, v33;
	v28 =	vld [tilespmem:s21+$0x0];
	(pc) =	sbr.rel @p1 .LBB2_16-.Ltmp7, $4  }
0x4d1: {  	v32 =	vmul.f32 v38, v16;
	v30 =	vld [tilespmem:s23+$0xFFFFFFF0];
	[tilespmem:v27+s14+$0x0] =	vst.idx.msk $0xffff, v35;
	v27 =	vmov v40  }
0x4d2: {  	v34 =	vmul.f32 v29, v16;
	v31 =	vld [tilespmem:s23+$0x0];
	v29 =	vadd.s32 v5, v20;
	[tilespmem:v23+s14+$0x0] =	vst.idx.msk $0xffff, v42;
	v20 =	vmov v21  }
0x4d3: {  	s24 =	sadd.s32 $0x20, s24;
	v21 =	vmovc v37;
	v23 =	vmovc v22;
	v22 =	vmov v24;
	v24 =	vmov v43;
	[tilespmem:v36+s14+$0x0] =	vst.idx.msk $0xffff, v32;
	v32 =	vadd.f32 $-5.000000000e-01, v41  }
0x4d4: {  	s18 =	sadd.s32 $0x20, s18;
	v33 =	vld [tilespmem:s24+$0xFFFFFFF0];
	[tilespmem:v39+s14+$0x0] =	vst.idx.msk $0xffff, v34  }
0x4d5: {  	v34 =	vld [tilespmem:s24+$0x0];
	_ =	sdelay $0x2  }
0x4d6: {  	v35 =	vadd.s32 v3, v21  }
0x4d7: {  	v33 =	vadd.f32 $-5.000000000e-01, v33  }
0x4d8: {  	v34 =	vadd.f32 $-5.000000000e-01, v34  }
0x4d9: {  	v33 =	vmul.f32 v33, v16  }
0x4da: {  	v34 =	vmul.f32 v34, v16  }
0x4db: {  	s18 =	sadd.s32 $0x20, s23;
	[tilespmem:v35+s14+$0x0] =	vst.idx.msk $0xffff, v33  }
0x4dc: {  	v33 =	vld [tilespmem:s18+$0xFFFFFFF0];
	[tilespmem:v27+s14+$0x0] =	vst.idx.msk $0xffff, v34  }
0x4dd: {  	v27 =	vld [tilespmem:s18+$0x0]  }
0x4de: {  	v50 =	vadd.s32 v4, v20  }
0x4df: {  	v30 =	vadd.f32 $-5.000000000e-01, v30  }
0x4e0: {  	v51 =	vadd.s32 v4, v21;
	v31 =	vadd.f32 $-5.000000000e-01, v31  }
0x4e1: {  	v30 =	vmul.f32 v30, v16;
	v33 =	vadd.f32 $-5.000000000e-01, v33  }
0x4e2: {  	v31 =	vmul.f32 v31, v16;
	v27 =	vadd.f32 $-5.000000000e-01, v27  }
0x4e3: {  	s25 =	sadd.s32 $0x20, s21;
	[tilespmem:v50+s14+$0x0] =	vst.idx.msk $0xffff, v30;
	v52 =	vmul.f32 v33, v16  }
0x4e4: {  	v53 =	vld [tilespmem:s25+$0xFFFFFFF0];
	[tilespmem:v26+s14+$0x0] =	vst.idx.msk $0xffff, v31;
	v54 =	vmul.f32 v27, v16  }
0x4e5: {  	v55 =	vld [tilespmem:s25+$0x0];
	s18 =	sadd.s32 $0x20, s25;
	[tilespmem:v51+s14+$0x0] =	vst.idx.msk $0xffff, v52  }
0x4e6: {  	v30 =	vld [tilespmem:s18+$0xFFFFFFF0];
	[tilespmem:v25+s14+$0x0] =	vst.idx.msk $0xffff, v54  }
0x4e7: {  	v25 =	vld [tilespmem:s18+$0x0]  }
0x4e8: {  	v56 =	vadd.f32 $-5.000000000e-01, v28;
	v20 =	vadd.s32 v5, v20  }
0x4e9: {  	v57 =	vmul.f32 v32, v16;
	v58 =	vadd.f32 $-5.000000000e-01, v53  }
0x4ea: {  	v59 =	vadd.s32 v5, v21;
	v26 =	vmul.f32 v56, v16;
	v27 =	vadd.f32 $-5.000000000e-01, v55  }
0x4eb: {  	[tilespmem:v29+s14+$0x0] =	vst.idx.msk $0xffff, v57;
	v60 =	vmul.f32 v58, v16;
	v61 =	vadd.f32 $-5.000000000e-01, v30  }
0x4ec: {  	[tilespmem:v23+s14+$0x0] =	vst.idx.msk $0xffff, v26;
	v62 =	vmul.f32 v27, v16;
	v25 =	vadd.f32 $-5.000000000e-01, v25  }
0x4ed: {  	[tilespmem:v20+s14+$0x0] =	vst.idx.msk $0xffff, v60;
	v20 =	vmul.f32 v61, v16  }
0x4ee: {  	[tilespmem:v22+s14+$0x0] =	vst.idx.msk $0xffff, v62;
	v63 =	vmul.f32 v25, v16  }
0x4ef: {  	[tilespmem:v59+s14+$0x0] =	vst.idx.msk $0xffff, v20  }
0x4f0: {  	[tilespmem:v24+s14+$0x0] =	vst.idx.msk $0xffff, v63  }
0x4f1: {  	_ =	strace $0x90000056  }
0x4f2: {  	_ =	strace $0x80000057  }
0x4f3: {  	_ =	swait.ge [sflag:s0], $0x1000  }
0x4f4: {  	[sflag:s0] =	ssyncset.done $0x0  }
0x4f5: {  	[sflag:s0] =	ssyncadd.s32 $0xFFFFF000  }
0x4f6: {  	_ =	swait.ge [sflag:s0], $0x1000  }
0x4f7: {  	[sflag:s0] =	ssyncset.done $0x0  }
0x4f8: {  	[sflag:s0] =	ssyncadd.s32 $0xFFFFF000  }
0x4f9: {  	_ =	swait.ge [sflag:s0], $0x1000  }
0x4fa: {  	[sflag:s0] =	ssyncset.done $0x0  }
0x4fb: {  	[sflag:s0] =	ssyncadd.s32 $0xFFFFF000  }
0x4fc: {  	_ =	swait.ge [sflag:s0], $0x1000  }
0x4fd: {  	[sflag:s0] =	ssyncset.done $0x0  }
0x4fe: {  	[sflag:s0] =	ssyncadd.s32 $0xFFFFF000  }
0x4ff: {  	_ =	swait.ge [sflag:s15], $0x4000  }
0x500: {  	[sflag:s15] =	ssyncset.done $0x0  }
0x501: {  	[sflag:s15] =	ssyncadd.s32 $0xFFFFC000  }
0x502: {  	_ =	strace $0x90000057  }
0x503: {  	s21 =	simm.s32 $0x0;
	_ =	strace $0x80000058  }
.LBB2_18:
0x504: {  	v20 =	vmov s21  }
0x505: {  	v21 =	vshll.u32 v20, $0x7  }
0x506: {  	v22 =	vor.u32 v0, v21;
	_ =	sdelay $0x2  }
0x507: {  	v26 =	vmul.u32 $0xE8, v20;
	_ =	sdelay $0x1  }
0x508: {  	s18 =	sadd.s32 $0x1, s21;
	v23 =	vor.u32 v0, v26;
	v22 =	vld.idx.msk [tilespmem:v22+s8+$0x0], $0xffff  }
0x509: {  	v24 =	vmov s18;
	v21 =	vor.u32 v6, v21  }
0x50a: {  	v25 =	vshll.u32 v24, $0x7  }
0x50b: {  	v28 =	vor.u32 v0, v25;
	_ =	sdelay $0x1  }
0x50c: {  	[tilespmem:v23+s14+$0x0] =	vst.idx.msk $0xffff, v22  }
0x50d: {  	v27 =	vmul.u32 $0xE8, v24;
	v61 =	vor.u32 v6, v26;
	v21 =	vld.idx.msk [tilespmem:v21+s8+$0x0], $0xffff  }
0x50e: {  	v62 =	vor.u32 $0x180, v20  }
0x50f: {  	v32 =	vadd.s32 v0, v27;
	v63 =	vld.idx.msk [tilespmem:v28+s8+$0x0], $0xffff  }
0x510: {  	v25 =	vor.u32 v6, v25;
	_ =	sdelay $0x1  }
0x511: {  	[tilespmem:v61+s14+$0x0] =	vst.idx.msk $0xffff, v21  }
0x512: {  	v21 =	vld.idx.msk [tilespmem:v62+s26+$0x0], $0xffff  }
0x513: {  	[tilespmem:v32+s14+$0x0] =	vst.idx.msk $0xffff, v63  }
0x514: {  	v33 =	vadd.s32 v6, v27;
	v22 =	vld.idx.msk [tilespmem:v25+s8+$0x0], $0xffff  }
0x515: {  	v34 =	vor.u32 $0x181, v24;
	_ =	sdelay $0x1  }
0x516: {  	v21 =	vshll.u32 v21, $0x5  }
0x517: {  	v29 =	vor.u32 v0, v21  }
0x518: {  	[tilespmem:v33+s14+$0x0] =	vst.idx.msk $0xffff, v22  }
0x519: {  	v22 =	vld.idx.msk [tilespmem:v34+s26+$0x0], $0xffff;
	_ =	sdelay $0x2  }
0x51a: {  	v30 =	vor.u32 v7, v26;
	v29 =	vld.idx.msk [tilespmem:v29+s30+$0x0], $0xffff  }
0x51b: {  	v21 =	vor.u32 v6, v21  }
0x51c: {  	v22 =	vshll.u32 v22, $0x5  }
0x51d: {  	v36 =	vor.u32 v0, v22;
	_ =	sdelay $0x1  }
0x51e: {  	[tilespmem:v30+s14+$0x0] =	vst.idx.msk $0xffff, v29  }
0x51f: {  	v35 =	vor.u32 v8, v26;
	v21 =	vld.idx.msk [tilespmem:v21+s30+$0x0], $0xffff;
	_ =	sdelay $0x1  }
0x520: {  	v38 =	vadd.s32 v7, v27;
	v37 =	vld.idx.msk [tilespmem:v36+s30+$0x0], $0xffff  }
0x521: {  	v22 =	vor.u32 v6, v22;
	_ =	sdelay $0x1  }
0x522: {  	[tilespmem:v35+s14+$0x0] =	vst.idx.msk $0xffff, v21  }
0x523: {  	v21 =	vld.idx.msk [tilespmem:v62+s28+$0x0], $0xffff  }
0x524: {  	[tilespmem:v38+s14+$0x0] =	vst.idx.msk $0xffff, v37  }
0x525: {  	v40 =	vadd.s32 v8, v27;
	v22 =	vld.idx.msk [tilespmem:v22+s30+$0x0], $0xffff;
	_ =	sdelay $0x2  }
0x526: {  	v21 =	vshll.u32 v21, $0x5  }
0x527: {  	v39 =	vor.u32 v0, v21  }
0x528: {  	[tilespmem:v40+s14+$0x0] =	vst.idx.msk $0xffff, v22  }
0x529: {  	v22 =	vld.idx.msk [tilespmem:v34+s28+$0x0], $0xffff;
	_ =	sdelay $0x2  }
0x52a: {  	v42 =	vadd.s32 v9, v26;
	v41 =	vld.idx.msk [tilespmem:v39+s31+$0x0], $0xffff  }
0x52b: {  	v21 =	vor.u32 v6, v21  }
0x52c: {  	v22 =	vshll.u32 v22, $0x5  }
0x52d: {  	v44 =	vor.u32 v0, v22;
	_ =	sdelay $0x1  }
0x52e: {  	[tilespmem:v42+s14+$0x0] =	vst.idx.msk $0xffff, v41  }
0x52f: {  	v20 =	vshll.u32 v20, $0x5;
	v43 =	vadd.s32 v10, v26;
	v21 =	vld.idx.msk [tilespmem:v21+s31+$0x0], $0xffff  }
0x530: {  	v37 =	vor.u32 v0, v20  }
0x531: {  	v46 =	vadd.s32 v9, v27;
	v29 =	vor.u32 v6, v20;
	v20 =	vld.idx.msk [tilespmem:v44+s31+$0x0], $0xffff  }
0x532: {  	v22 =	vor.u32 v6, v22;
	_ =	sdelay $0x1  }
0x533: {  	[tilespmem:v43+s14+$0x0] =	vst.idx.msk $0xffff, v21  }
0x534: {  	v45 =	vadd.s32 v11, v26;
	v21 =	vld.idx.msk [tilespmem:v37+s10+$0x0], $0xffff  }
0x535: {  	[tilespmem:v46+s14+$0x0] =	vst.idx.msk $0xffff, v20  }
0x536: {  	v24 =	vshll.u32 v24, $0x5;
	v48 =	vadd.s32 v10, v27;
	v20 =	vld.idx.msk [tilespmem:v22+s31+$0x0], $0xffff  }
0x537: {  	s25 =	sadd.s32 $0x2, s21;
	v36 =	vor.u32 v0, v24  }
0x538: {  	v28 =	vmov s25  }
0x539: {  	v49 =	vshll.u32 v28, $0x7;
	[tilespmem:v45+s14+$0x0] =	vst.idx.msk $0xffff, v21  }
0x53a: {  	v47 =	vadd.s32 v12, v26;
	v50 =	vor.u32 v0, v49;
	v21 =	vld.idx.msk [tilespmem:v29+s10+$0x0], $0xffff  }
0x53b: {  	[tilespmem:v48+s14+$0x0] =	vst.idx.msk $0xffff, v20  }
0x53c: {  	v31 =	vadd.s32 v11, v27;
	v22 =	vld.idx.msk [tilespmem:v36+s10+$0x0], $0xffff  }
0x53d: {  	v35 =	vor.u32 v6, v24;
	v20 =	vmul.u32 $0xE8, v28;
	_ =	sdelay $0x1  }
0x53e: {  	v52 =	vor.u32 v0, v20;
	[tilespmem:v47+s14+$0x0] =	vst.idx.msk $0xffff, v21;
	v21 =	vld.idx.msk [tilespmem:v50+s8+$0x0], $0xffff  }
0x53f: {  	v53 =	vor.u32 v6, v49  }
0x540: {  	s22 =	sadd.s32 $0x4, s21;
	v51 =	vadd.s32 v13, v26;
	[tilespmem:v31+s14+$0x0] =	vst.idx.msk $0xffff, v22;
	v23 =	vld.idx.msk [tilespmem:v37+s11+$0x0], $0xffff  }
0x541: {  	v32 =	vadd.s32 v12, v27;
	v30 =	vmov s22;
	v22 =	vld.idx.msk [tilespmem:v35+s10+$0x0], $0xffff  }
0x542: {  	v43 =	vshll.u32 v30, $0x7  }
0x543: {  	s19 =	sadd.s32 $0x3, s21;
	v59 =	vor.u32 v0, v43;
	[tilespmem:v52+s14+$0x0] =	vst.idx.msk $0xffff, v21  }
0x544: {  	v56 =	vadd.s32 v6, v20;
	v31 =	vmov s19;
	v21 =	vld.idx.msk [tilespmem:v53+s8+$0x0], $0xffff  }
0x545: {  	s24 =	sadd.s32 $0x6, s21;
	v55 =	vadd.s32 v14, v26;
	s25 =	sadd.s32 $0x7, s21;
	v38 =	vor.u32 $0x182, v28;
	v39 =	vshll.u32 v31, $0x7;
	[tilespmem:v51+s14+$0x0] =	vst.idx.msk $0xffff, v23  }
0x546: {  	s23 =	sadd.s32 $0x5, s21;
	v33 =	vmov s25;
	v42 =	vor.u32 v0, v39;
	[tilespmem:v32+s14+$0x0] =	vst.idx.msk $0xffff, v22;
	v32 =	vmov s24;
	v54 =	vld.idx.msk [tilespmem:v29+s11+$0x0], $0xffff  }
0x547: {  	v34 =	vmov s23;
	v41 =	vadd.s32 v13, v27;
	v46 =	vshll.u32 v32, $0x7  }
0x548: {  	v45 =	vshll.u32 v34, $0x7;
	v50 =	vld.idx.msk [tilespmem:v59+s8+$0x0], $0xffff;
	v22 =	vmul.u32 $0xE8, v30;
	v48 =	vor.u32 v0, v46  }
0x549: {  	v49 =	vshll.u32 v33, $0x7;
	v61 =	vor.u32 v0, v45;
	v40 =	vld.idx.msk [tilespmem:v36+s11+$0x0], $0xffff;
	[tilespmem:v56+s14+$0x0] =	vst.idx.msk $0xffff, v21;
	v21 =	vmul.u32 $0xE8, v31  }
0x54a: {  	v60 =	vor.u32 v0, v49;
	v43 =	vor.u32 v6, v43;
	v51 =	vor.u32 v0, v22;
	v44 =	vld.idx.msk [tilespmem:v38+s26+$0x0], $0xffff  }
0x54b: {  	v62 =	vld.idx.msk [tilespmem:v42+s8+$0x0], $0xffff;
	v24 =	vmul.u32 $0xE8, v32;
	[tilespmem:v55+s14+$0x0] =	vst.idx.msk $0xffff, v54;
	v63 =	vadd.s32 v0, v21  }
0x54c: {  	v58 =	vadd.s32 v15, v26;
	v39 =	vor.u32 v6, v39;
	v23 =	vmul.u32 $0xE8, v34;
	v57 =	vld.idx.msk [tilespmem:v37+s12+$0x0], $0xffff  }
0x54d: {  	v25 =	vmul.u32 $0xE8, v33;
	v45 =	vor.u32 v6, v45;
	v48 =	vld.idx.msk [tilespmem:v48+s8+$0x0], $0xffff;
	v56 =	vor.u32 v0, v24  }
0x54e: {  	[tilespmem:v41+s14+$0x0] =	vst.idx.msk $0xffff, v40;
	v54 =	vld.idx.msk [tilespmem:v61+s8+$0x0], $0xffff;
	v55 =	vadd.s32 v0, v23;
	v61 =	vor.u32 v6, v46  }
0x54f: {  	v42 =	vadd.s32 v0, v25;
	v41 =	vld.idx.msk [tilespmem:v60+s8+$0x0], $0xffff;
	[tilespmem:v51+s14+$0x0] =	vst.idx.msk $0xffff, v50;
	v44 =	vshll.u32 v44, $0x5  }
0x550: {  	v43 =	vld.idx.msk [tilespmem:v43+s8+$0x0], $0xffff;
	v53 =	vor.u32 v0, v44;
	[tilespmem:v63+s14+$0x0] =	vst.idx.msk $0xffff, v62;
	v63 =	vor.u32 v6, v22  }
0x551: {  	[tilespmem:v58+s14+$0x0] =	vst.idx.msk $0xffff, v57;
	v62 =	vadd.s32 v6, v21;
	v58 =	vor.u32 $0x184, v30;
	v39 =	vld.idx.msk [tilespmem:v39+s8+$0x0], $0xffff  }
0x552: {  	v49 =	vor.u32 v6, v49;
	v52 =	vld.idx.msk [tilespmem:v35+s11+$0x0], $0xffff;
	[tilespmem:v56+s14+$0x0] =	vst.idx.msk $0xffff, v48  }
0x553: {  	v50 =	vor.u32 $0x183, v31;
	[tilespmem:v55+s14+$0x0] =	vst.idx.msk $0xffff, v54;
	v40 =	vld.idx.msk [tilespmem:v61+s8+$0x0], $0xffff;
	v61 =	vadd.s32 v6, v24  }
0x554: {  	v60 =	vadd.s32 v6, v23;
	[tilespmem:v42+s14+$0x0] =	vst.idx.msk $0xffff, v41;
	v45 =	vld.idx.msk [tilespmem:v45+s8+$0x0], $0xffff  }
0x555: {  	v48 =	vor.u32 $0x185, v34;
	v57 =	vadd.s32 v14, v27;
	v53 =	vld.idx.msk [tilespmem:v53+s30+$0x0], $0xffff;
	[tilespmem:v63+s14+$0x0] =	vst.idx.msk $0xffff, v43  }
0x556: {  	v63 =	vor.u32 v7, v20;
	[tilespmem:v62+s14+$0x0] =	vst.idx.msk $0xffff, v39;
	v39 =	vor.u32 $0x186, v32;
	v51 =	vld.idx.msk [tilespmem:v58+s26+$0x0], $0xffff  }
0x557: {  	v41 =	vld.idx.msk [tilespmem:v49+s8+$0x0], $0xffff;
	v44 =	vor.u32 v6, v44;
	v62 =	vadd.s32 v6, v25  }
0x558: {  	[tilespmem:v61+s14+$0x0] =	vst.idx.msk $0xffff, v40;
	v46 =	vld.idx.msk [tilespmem:v50+s26+$0x0], $0xffff  }
0x559: {  	v47 =	vld.idx.msk [tilespmem:v29+s12+$0x0], $0xffff;
	v43 =	vor.u32 $0x187, v33;
	[tilespmem:v60+s14+$0x0] =	vst.idx.msk $0xffff, v45  }
0x55a: {  	[tilespmem:v57+s14+$0x0] =	vst.idx.msk $0xffff, v52;
	v54 =	vld.idx.msk [tilespmem:v48+s26+$0x0], $0xffff  }
0x55b: {  	v57 =	vadd.s32 v17, v26;
	[tilespmem:v63+s14+$0x0] =	vst.idx.msk $0xffff, v53;
	v55 =	vld.idx.msk [tilespmem:v39+s26+$0x0], $0xffff;
	v49 =	vshll.u32 v51, $0x5  }
0x55c: {  	v61 =	vadd.s32 v8, v20;
	[tilespmem:v62+s14+$0x0] =	vst.idx.msk $0xffff, v41;
	v44 =	vld.idx.msk [tilespmem:v44+s30+$0x0], $0xffff;
	v62 =	vor.u32 v0, v49  }
0x55d: {  	v52 =	vld.idx.msk [tilespmem:v36+s12+$0x0], $0xffff;
	v60 =	vshll.u32 v46, $0x5  }
0x55e: {  	v59 =	vadd.s32 v15, v27;
	v42 =	vld.idx.msk [tilespmem:v43+s26+$0x0], $0xffff;
	v46 =	vor.u32 v0, v60  }
0x55f: {  	v45 =	vshll.u32 v54, $0x5  }
0x560: {  	[tilespmem:v57+s14+$0x0] =	vst.idx.msk $0xffff, v47;
	v63 =	vor.u32 v0, v45  }
0x561: {  	v41 =	vor.u32 v6, v60;
	v47 =	vshll.u32 v55, $0x5;
	[tilespmem:v61+s14+$0x0] =	vst.idx.msk $0xffff, v44;
	v60 =	vld.idx.msk [tilespmem:v62+s30+$0x0], $0xffff  }
0x562: {  	v61 =	vadd.s32 v7, v22;
	v54 =	vor.u32 v0, v47;
	v38 =	vld.idx.msk [tilespmem:v38+s28+$0x0], $0xffff  }
0x563: {  	[tilespmem:v59+s14+$0x0] =	vst.idx.msk $0xffff, v52;
	v55 =	vadd.s32 v7, v21;
	v42 =	vshll.u32 v42, $0x5;
	v46 =	vld.idx.msk [tilespmem:v46+s30+$0x0], $0xffff  }
0x564: {  	v52 =	vld.idx.msk [tilespmem:v35+s12+$0x0], $0xffff;
	v62 =	vadd.s32 v17, v27;
	v56 =	vor.u32 v0, v42  }
0x565: {  	v49 =	vor.u32 v6, v49;
	v40 =	vld.idx.msk [tilespmem:v63+s30+$0x0], $0xffff;
	v63 =	vadd.s32 v7, v23  }
0x566: {  	v45 =	vor.u32 v6, v45  }
0x567: {  	v59 =	vadd.s32 v7, v24;
	v54 =	vld.idx.msk [tilespmem:v54+s30+$0x0], $0xffff;
	[tilespmem:v61+s14+$0x0] =	vst.idx.msk $0xffff, v60  }
0x568: {  	v37 =	vld.idx.msk [tilespmem:v37+s13+$0x0], $0xffff;
	v38 =	vshll.u32 v38, $0x5;
	[tilespmem:v55+s14+$0x0] =	vst.idx.msk $0xffff, v46;
	v46 =	vor.u32 v6, v47  }
0x569: {  	[tilespmem:v62+s14+$0x0] =	vst.idx.msk $0xffff, v52;
	v47 =	vld.idx.msk [tilespmem:v56+s30+$0x0], $0xffff;
	v55 =	vadd.s32 v7, v25;
	v62 =	vor.u32 v0, v38  }
0x56a: {  	v42 =	vor.u32 v6, v42;
	v61 =	vadd.s32 v8, v22;
	[tilespmem:v63+s14+$0x0] =	vst.idx.msk $0xffff, v40;
	v49 =	vld.idx.msk [tilespmem:v49+s30+$0x0], $0xffff  }
0x56b: {  	v63 =	vadd.s32 v8, v23;
	v45 =	vld.idx.msk [tilespmem:v45+s30+$0x0], $0xffff  }
0x56c: {  	v60 =	vadd.s32 v8, v21;
	v41 =	vld.idx.msk [tilespmem:v41+s30+$0x0], $0xffff;
	[tilespmem:v59+s14+$0x0] =	vst.idx.msk $0xffff, v54  }
0x56d: {  	v46 =	vld.idx.msk [tilespmem:v46+s30+$0x0], $0xffff  }
0x56e: {  	v54 =	vadd.s32 v8, v24;
	[tilespmem:v55+s14+$0x0] =	vst.idx.msk $0xffff, v47;
	v40 =	vld.idx.msk [tilespmem:v62+s31+$0x0], $0xffff  }
0x56f: {  	v56 =	vadd.s32 v8, v25;
	[tilespmem:v61+s14+$0x0] =	vst.idx.msk $0xffff, v49;
	v55 =	vld.idx.msk [tilespmem:v42+s30+$0x0], $0xffff  }
0x570: {  	[tilespmem:v63+s14+$0x0] =	vst.idx.msk $0xffff, v45;
	v59 =	vld.idx.msk [tilespmem:v58+s28+$0x0], $0xffff  }
0x571: {  	[tilespmem:v60+s14+$0x0] =	vst.idx.msk $0xffff, v41;
	v62 =	vld.idx.msk [tilespmem:v48+s28+$0x0], $0xffff  }
0x572: {  	v57 =	vadd.s32 v18, v26;
	v44 =	vld.idx.msk [tilespmem:v50+s28+$0x0], $0xffff  }
0x573: {  	v36 =	vld.idx.msk [tilespmem:v36+s13+$0x0], $0xffff;
	v61 =	vadd.s32 v9, v20;
	[tilespmem:v54+s14+$0x0] =	vst.idx.msk $0xffff, v46  }
0x574: {  	v38 =	vor.u32 v6, v38;
	v60 =	vadd.s32 v18, v27;
	[tilespmem:v56+s14+$0x0] =	vst.idx.msk $0xffff, v55;
	v39 =	vld.idx.msk [tilespmem:v39+s28+$0x0], $0xffff  }
0x575: {  	v52 =	vshll.u32 v59, $0x5;
	v42 =	vld.idx.msk [tilespmem:v43+s28+$0x0], $0xffff  }
0x576: {  	v54 =	vshll.u32 v62, $0x5;
	v53 =	vor.u32 v0, v52  }
0x577: {  	[tilespmem:v57+s14+$0x0] =	vst.idx.msk $0xffff, v37;
	v63 =	vshll.u32 v44, $0x5;
	v56 =	vor.u32 v0, v54  }
0x578: {  	v26 =	vadd.s32 v19, v26;
	v29 =	vld.idx.msk [tilespmem:v29+s13+$0x0], $0xffff;
	[tilespmem:v61+s14+$0x0] =	vst.idx.msk $0xffff, v40;
	v51 =	vor.u32 v0, v63  }
0x579: {  	[tilespmem:v60+s14+$0x0] =	vst.idx.msk $0xffff, v36;
	v38 =	vld.idx.msk [tilespmem:v38+s31+$0x0], $0xffff;
	v55 =	vadd.s32 v10, v20;
	v39 =	vshll.u32 v39, $0x5  }
0x57a: {  	v27 =	vadd.s32 v19, v27;
	v35 =	vld.idx.msk [tilespmem:v35+s13+$0x0], $0xffff;
	v57 =	vor.u32 v0, v39;
	v42 =	vshll.u32 v42, $0x5  }
0x57b: {  	v61 =	vadd.s32 v9, v22;
	v36 =	vld.idx.msk [tilespmem:v53+s31+$0x0], $0xffff;
	v59 =	vor.u32 v0, v42  }
0x57c: {  	v62 =	vor.u32 v6, v52;
	v52 =	vadd.s32 v9, v23;
	v60 =	vor.u32 v6, v63;
	v63 =	vld.idx.msk [tilespmem:v56+s31+$0x0], $0xffff  }
0x57d: {  	[tilespmem:v26+s14+$0x0] =	vst.idx.msk $0xffff, v29;
	v58 =	vadd.s32 v9, v21;
	v40 =	vor.u32 v6, v54;
	v37 =	vld.idx.msk [tilespmem:v51+s31+$0x0], $0xffff  }
0x57e: {  	[tilespmem:v55+s14+$0x0] =	vst.idx.msk $0xffff, v38;
	v38 =	vshll.u32 v28, $0x5  }
0x57f: {  	v54 =	vadd.s32 v9, v24;
	[tilespmem:v27+s14+$0x0] =	vst.idx.msk $0xffff, v35;
	v26 =	vor.u32 v0, v38;
	v53 =	vld.idx.msk [tilespmem:v57+s31+$0x0], $0xffff  }
0x580: {  	v55 =	vor.u32 v6, v39;
	v57 =	vadd.s32 v9, v25;
	[tilespmem:v61+s14+$0x0] =	vst.idx.msk $0xffff, v36;
	v56 =	vld.idx.msk [tilespmem:v59+s31+$0x0], $0xffff  }
0x581: {  	v61 =	vshll.u32 v30, $0x5;
	[tilespmem:v52+s14+$0x0] =	vst.idx.msk $0xffff, v63;
	v35 =	vld.idx.msk [tilespmem:v62+s31+$0x0], $0xffff;
	v62 =	vadd.s32 v10, v22  }
0x582: {  	v63 =	vadd.s32 v10, v23;
	[tilespmem:v58+s14+$0x0] =	vst.idx.msk $0xffff, v37;
	v59 =	vor.u32 v6, v42;
	v40 =	vld.idx.msk [tilespmem:v40+s31+$0x0], $0xffff  }
0x583: {  	v34 =	vshll.u32 v34, $0x5;
	v28 =	vor.u32 v0, v61;
	v58 =	vld.idx.msk [tilespmem:v60+s31+$0x0], $0xffff;
	v60 =	vadd.s32 v10, v21  }
0x584: {  	v29 =	vor.u32 v0, v34;
	v49 =	vshll.u32 v31, $0x5;
	[tilespmem:v54+s14+$0x0] =	vst.idx.msk $0xffff, v53  }
0x585: {  	v27 =	vor.u32 v0, v49;
	v52 =	vadd.s32 v10, v24;
	v37 =	vld.idx.msk [tilespmem:v55+s31+$0x0], $0xffff;
	[tilespmem:v57+s14+$0x0] =	vst.idx.msk $0xffff, v56  }
0x586: {  	v33 =	vshll.u32 v33, $0x5;
	v53 =	vshll.u32 v32, $0x5;
	v55 =	vld.idx.msk [tilespmem:v26+s10+$0x0], $0xffff;
	v56 =	vadd.s32 v11, v20;
	[tilespmem:v62+s14+$0x0] =	vst.idx.msk $0xffff, v35  }
0x587: {  	v54 =	vadd.s32 v10, v25;
	v30 =	vor.u32 v0, v53;
	[tilespmem:v63+s14+$0x0] =	vst.idx.msk $0xffff, v40;
	v39 =	vld.idx.msk [tilespmem:v59+s31+$0x0], $0xffff  }
0x588: {  	v31 =	vor.u32 v6, v38;
	[tilespmem:v60+s14+$0x0] =	vst.idx.msk $0xffff, v58;
	v59 =	vld.idx.msk [tilespmem:v28+s10+$0x0], $0xffff;
	v60 =	vadd.s32 v11, v22  }
0x589: {  	v48 =	vor.u32 v0, v33;
	v41 =	vor.u32 v6, v61;
	v62 =	vadd.s32 v11, v23;
	v61 =	vld.idx.msk [tilespmem:v29+s10+$0x0], $0xffff  }
0x58a: {  	v58 =	vadd.s32 v11, v21;
	v57 =	vld.idx.msk [tilespmem:v27+s10+$0x0], $0xffff;
	[tilespmem:v52+s14+$0x0] =	vst.idx.msk $0xffff, v37  }
0x58b: {  	v34 =	vor.u32 v6, v34;
	[tilespmem:v56+s14+$0x0] =	vst.idx.msk $0xffff, v55  }
0x58c: {  	v32 =	vor.u32 v6, v49;
	v49 =	vadd.s32 v11, v24;
	[tilespmem:v54+s14+$0x0] =	vst.idx.msk $0xffff, v39;
	v63 =	vld.idx.msk [tilespmem:v30+s10+$0x0], $0xffff  }
0x58d: {  	v36 =	vor.u32 v6, v53;
	v53 =	vadd.s32 v12, v20;
	v52 =	vld.idx.msk [tilespmem:v31+s10+$0x0], $0xffff;
	[tilespmem:v60+s14+$0x0] =	vst.idx.msk $0xffff, v59  }
0x58e: {  	v51 =	vadd.s32 v11, v25;
	[tilespmem:v62+s14+$0x0] =	vst.idx.msk $0xffff, v61;
	v50 =	vld.idx.msk [tilespmem:v48+s10+$0x0], $0xffff  }
0x58f: {  	[tilespmem:v58+s14+$0x0] =	vst.idx.msk $0xffff, v57;
	v56 =	vld.idx.msk [tilespmem:v41+s10+$0x0], $0xffff;
	v57 =	vadd.s32 v12, v22  }
0x590: {  	v33 =	vor.u32 v6, v33;
	v59 =	vadd.s32 v12, v23;
	v58 =	vld.idx.msk [tilespmem:v34+s10+$0x0], $0xffff  }
0x591: {  	v55 =	vadd.s32 v12, v21;
	v54 =	vld.idx.msk [tilespmem:v32+s10+$0x0], $0xffff;
	[tilespmem:v49+s14+$0x0] =	vst.idx.msk $0xffff, v63  }
0x592: {  	[tilespmem:v53+s14+$0x0] =	vst.idx.msk $0xffff, v52  }
0x593: {  	v61 =	vadd.s32 v12, v24;
	[tilespmem:v51+s14+$0x0] =	vst.idx.msk $0xffff, v50;
	v60 =	vld.idx.msk [tilespmem:v36+s10+$0x0], $0xffff  }
0x594: {  	v49 =	vld.idx.msk [tilespmem:v26+s11+$0x0], $0xffff;
	v50 =	vadd.s32 v13, v20;
	[tilespmem:v57+s14+$0x0] =	vst.idx.msk $0xffff, v56  }
0x595: {  	v63 =	vadd.s32 v12, v25;
	[tilespmem:v59+s14+$0x0] =	vst.idx.msk $0xffff, v58;
	v62 =	vld.idx.msk [tilespmem:v33+s10+$0x0], $0xffff  }
0x596: {  	[tilespmem:v55+s14+$0x0] =	vst.idx.msk $0xffff, v54;
	v53 =	vld.idx.msk [tilespmem:v28+s11+$0x0], $0xffff;
	v54 =	vadd.s32 v13, v22  }
0x597: {  	v56 =	vadd.s32 v13, v23;
	v55 =	vld.idx.msk [tilespmem:v29+s11+$0x0], $0xffff  }
0x598: {  	v52 =	vadd.s32 v13, v21;
	v51 =	vld.idx.msk [tilespmem:v27+s11+$0x0], $0xffff;
	[tilespmem:v61+s14+$0x0] =	vst.idx.msk $0xffff, v60  }
0x599: {  	[tilespmem:v50+s14+$0x0] =	vst.idx.msk $0xffff, v49  }
0x59a: {  	v58 =	vadd.s32 v13, v24;
	[tilespmem:v63+s14+$0x0] =	vst.idx.msk $0xffff, v62;
	v57 =	vld.idx.msk [tilespmem:v30+s11+$0x0], $0xffff  }
0x59b: {  	v61 =	vld.idx.msk [tilespmem:v31+s11+$0x0], $0xffff;
	v62 =	vadd.s32 v14, v20;
	[tilespmem:v54+s14+$0x0] =	vst.idx.msk $0xffff, v53  }
0x59c: {  	v60 =	vadd.s32 v13, v25;
	[tilespmem:v56+s14+$0x0] =	vst.idx.msk $0xffff, v55;
	v59 =	vld.idx.msk [tilespmem:v48+s11+$0x0], $0xffff  }
0x59d: {  	[tilespmem:v52+s14+$0x0] =	vst.idx.msk $0xffff, v51;
	v50 =	vld.idx.msk [tilespmem:v41+s11+$0x0], $0xffff;
	v51 =	vadd.s32 v14, v22  }
0x59e: {  	v53 =	vadd.s32 v14, v23;
	v52 =	vld.idx.msk [tilespmem:v34+s11+$0x0], $0xffff  }
0x59f: {  	v49 =	vadd.s32 v14, v21;
	v63 =	vld.idx.msk [tilespmem:v32+s11+$0x0], $0xffff;
	[tilespmem:v58+s14+$0x0] =	vst.idx.msk $0xffff, v57  }
0x5a0: {  	[tilespmem:v62+s14+$0x0] =	vst.idx.msk $0xffff, v61  }
0x5a1: {  	v55 =	vadd.s32 v14, v24;
	[tilespmem:v60+s14+$0x0] =	vst.idx.msk $0xffff, v59;
	v54 =	vld.idx.msk [tilespmem:v36+s11+$0x0], $0xffff  }
0x5a2: {  	v58 =	vld.idx.msk [tilespmem:v26+s12+$0x0], $0xffff;
	v59 =	vadd.s32 v15, v20;
	[tilespmem:v51+s14+$0x0] =	vst.idx.msk $0xffff, v50  }
0x5a3: {  	v57 =	vadd.s32 v14, v25;
	[tilespmem:v53+s14+$0x0] =	vst.idx.msk $0xffff, v52;
	v56 =	vld.idx.msk [tilespmem:v33+s11+$0x0], $0xffff  }
0x5a4: {  	[tilespmem:v49+s14+$0x0] =	vst.idx.msk $0xffff, v63;
	v62 =	vld.idx.msk [tilespmem:v28+s12+$0x0], $0xffff;
	v63 =	vadd.s32 v15, v22  }
0x5a5: {  	v50 =	vadd.s32 v15, v23;
	v49 =	vld.idx.msk [tilespmem:v29+s12+$0x0], $0xffff  }
0x5a6: {  	v61 =	vadd.s32 v15, v21;
	v60 =	vld.idx.msk [tilespmem:v27+s12+$0x0], $0xffff;
	[tilespmem:v55+s14+$0x0] =	vst.idx.msk $0xffff, v54  }
0x5a7: {  	[tilespmem:v59+s14+$0x0] =	vst.idx.msk $0xffff, v58  }
0x5a8: {  	v52 =	vadd.s32 v15, v24;
	[tilespmem:v57+s14+$0x0] =	vst.idx.msk $0xffff, v56;
	v51 =	vld.idx.msk [tilespmem:v30+s12+$0x0], $0xffff  }
0x5a9: {  	v54 =	vadd.s32 v15, v25;
	[tilespmem:v63+s14+$0x0] =	vst.idx.msk $0xffff, v62;
	v53 =	vld.idx.msk [tilespmem:v48+s12+$0x0], $0xffff  }
0x5aa: {  	v55 =	vld.idx.msk [tilespmem:v31+s12+$0x0], $0xffff;
	v56 =	vadd.s32 v17, v20;
	[tilespmem:v50+s14+$0x0] =	vst.idx.msk $0xffff, v49  }
0x5ab: {  	[tilespmem:v61+s14+$0x0] =	vst.idx.msk $0xffff, v60;
	v59 =	vld.idx.msk [tilespmem:v41+s12+$0x0], $0xffff;
	v60 =	vadd.s32 v17, v22  }
0x5ac: {  	v62 =	vadd.s32 v17, v23;
	v61 =	vld.idx.msk [tilespmem:v34+s12+$0x0], $0xffff  }
0x5ad: {  	v58 =	vadd.s32 v17, v21;
	v57 =	vld.idx.msk [tilespmem:v32+s12+$0x0], $0xffff;
	[tilespmem:v52+s14+$0x0] =	vst.idx.msk $0xffff, v51  }
0x5ae: {  	v49 =	vadd.s32 v17, v24;
	[tilespmem:v54+s14+$0x0] =	vst.idx.msk $0xffff, v53;
	v63 =	vld.idx.msk [tilespmem:v36+s12+$0x0], $0xffff  }
0x5af: {  	[tilespmem:v56+s14+$0x0] =	vst.idx.msk $0xffff, v55;
	v51 =	vadd.s32 v17, v25;
	v50 =	vld.idx.msk [tilespmem:v33+s12+$0x0], $0xffff  }
0x5b0: {  	v52 =	vadd.s32 v18, v20;
	v26 =	vld.idx.msk [tilespmem:v26+s13+$0x0], $0xffff;
	[tilespmem:v60+s14+$0x0] =	vst.idx.msk $0xffff, v59  }
0x5b1: {  	[tilespmem:v62+s14+$0x0] =	vst.idx.msk $0xffff, v61;
	v54 =	vadd.s32 v18, v22;
	v28 =	vld.idx.msk [tilespmem:v28+s13+$0x0], $0xffff  }
0x5b2: {  	v55 =	vadd.s32 v18, v23;
	[tilespmem:v58+s14+$0x0] =	vst.idx.msk $0xffff, v57;
	v29 =	vld.idx.msk [tilespmem:v29+s13+$0x0], $0xffff  }
0x5b3: {  	v53 =	vadd.s32 v18, v21;
	v27 =	vld.idx.msk [tilespmem:v27+s13+$0x0], $0xffff;
	[tilespmem:v49+s14+$0x0] =	vst.idx.msk $0xffff, v63  }
0x5b4: {  	v56 =	vadd.s32 v18, v24;
	[tilespmem:v51+s14+$0x0] =	vst.idx.msk $0xffff, v50;
	v30 =	vld.idx.msk [tilespmem:v30+s13+$0x0], $0xffff  }
0x5b5: {  	v58 =	vadd.s32 v18, v25;
	[tilespmem:v52+s14+$0x0] =	vst.idx.msk $0xffff, v26;
	v57 =	vld.idx.msk [tilespmem:v48+s13+$0x0], $0xffff  }
0x5b6: {  	v20 =	vadd.s32 v19, v20;
	v59 =	vld.idx.msk [tilespmem:v31+s13+$0x0], $0xffff;
	[tilespmem:v54+s14+$0x0] =	vst.idx.msk $0xffff, v28  }
0x5b7: {  	v22 =	vadd.s32 v19, v22;
	[tilespmem:v55+s14+$0x0] =	vst.idx.msk $0xffff, v29;
	v61 =	vld.idx.msk [tilespmem:v41+s13+$0x0], $0xffff  }
0x5b8: {  	v23 =	vadd.s32 v19, v23;
	[tilespmem:v53+s14+$0x0] =	vst.idx.msk $0xffff, v27;
	v62 =	vld.idx.msk [tilespmem:v34+s13+$0x0], $0xffff  }
0x5b9: {  	v21 =	vadd.s32 v19, v21;
	v60 =	vld.idx.msk [tilespmem:v32+s13+$0x0], $0xffff;
	[tilespmem:v56+s14+$0x0] =	vst.idx.msk $0xffff, v30  }
0x5ba: {  	v24 =	vadd.s32 v19, v24;
	[tilespmem:v58+s14+$0x0] =	vst.idx.msk $0xffff, v57;
	v63 =	vld.idx.msk [tilespmem:v36+s13+$0x0], $0xffff  }
0x5bb: {  	p1 =	slt.u32 s21, $0x78;
	v25 =	vadd.s32 v19, v25;
	[tilespmem:v20+s14+$0x0] =	vst.idx.msk $0xffff, v59;
	v20 =	vld.idx.msk [tilespmem:v33+s13+$0x0], $0xffff  }
.Ltmp8:
0x5bc: {  	[tilespmem:v22+s14+$0x0] =	vst.idx.msk $0xffff, v61;
	(pc) =	sbr.rel @p1 .LBB2_18-.Ltmp8, $4  }
0x5bd: {  	[tilespmem:v23+s14+$0x0] =	vst.idx.msk $0xffff, v62  }
0x5be: {  	[tilespmem:v21+s14+$0x0] =	vst.idx.msk $0xffff, v60  }
0x5bf: {  	[tilespmem:v24+s14+$0x0] =	vst.idx.msk $0xffff, v63  }
0x5c0: {  	s21 =	sadd.s32 $0x8, s21;
	[tilespmem:v25+s14+$0x0] =	vst.idx.msk $0xffff, v20  }
0x5c1: {  	_ =	strace $0x90000058  }
0x5c2: {  	_ =	strace $0x80000059  }
0x5c3: {  	s18 =	rddreg [dreg:$0x1f]  }
0x5c4: {  	[hbm4b:s18+s5] =	stream.linear.scatter [tilespmem:s14], [sflag:$0x5], $0x7400, $0x200038;
	[tilespmem:$0x1AEA8] =	vst v63  }
0x5c5: {  	_ =	swait.ge [sflag:s17], $0x7400  }
0x5c6: {  	s25 =	sld [smem:$0x7FD];
	_ =	sdelay $0x1  }
0x5c7: {  	s20 =	sadd.s32 $0x1, s20  }
0x5c8: {  	p1 =	sne.s32 s20, s25  }
.Ltmp9:
0x5c9: {  	_ = 	snop;
	(pc) =	sbr.rel @p1 .LBB2_1-.Ltmp9, $4  }
0x5ca: {  	_ = 	snop  }
0x5cb: {  	[sflag:s17] =	ssyncset.done $0x0  }
0x5cc: {  	[sflag:s17] =	ssyncadd.s32 $0xFFFF8C00  }
0x5cd: {  	_ =	strace $0x90000059  }
0x5ce: {  	_ =	sfence.sel $0x180000  }
0x5cf: {  	[bflag:$0x0] =	sbarrier.arrive $0xFFFF  }
0x5d0: {  	_ =	strace $0x90000047  }
0x5d1: {  	[bflag:$0x2] =	sbarrier.arrive $0xFFFF  }
0x5d2: {  	s0 =	rddreg [dreg:$0xd]  }
0x5d3: {  	s0 =	sadd.s32 @!p0 $0x100000, s0  }
0x5d4: {  	[sflag:s0] =	ssyncadd.tile.s32 @!p0 $0x1;
	_ =	shalt  }
.Lfunc_end2:
_tile_overlayer_lowered:
.L_overlay_start_2:
0x5d5: {  	(tag) =	ssettag $0x2  }
0x5d6: {  	s0 =	rddreg [dreg:$0x0];
	s2 =	stileid.u32  }
0x5d7: {  	s1 =	rddreg [dreg:$0x1];
	p0 =	sne.s32 s2, $0x0  }
0x5d8: {  	s3 =	rddreg [dreg:$0x2];
	[bflag:$0x3] =	sbarrier.arrive $0xFFFF;
	s2 =	simm.s32 @!p0 $0x1C05  }
0x5d9: {  	[timem:s3], [sflag:s2] =	dma.local @!p0 [hbm:s0], s1  }
0x5da: {  	s0 =	simm.s32 @!p0 $0x5  }
0x5db: {  	_ =	swait.ge @!p0 [sflag:s0], s1  }
0x5dc: {  	s1 =	ssub.s32 @!p0 $0x0, s1;
	[sflag:s0] =	ssyncset.done @!p0 $0x0  }
0x5dd: {  	[sflag:s0] =	ssyncadd.s32 @!p0 s1  }
0x5de: {  	[bflag:$0x3] =	sbarrier.arrive $0xFFFF  }
0x5df: {  	_ =	shalt  }

</sc_bundles>
